<compile_context>
chip_gen: v7x
topology: tpu7x:2x2x1
jax: 0.10.2.dev20260603
libtpu: 0.0.44.dev20260713+nightly
codegen_flags: <defaults>
</compile_context>

<pallas_src>
import functools

import jax
import jax.numpy as jnp
from jax import lax
from jax.experimental import pallas as pl
from jax.experimental.pallas import tpu as pltpu
from jax.experimental.pallas import tpu_sc as plsc

_LANES = 16
_GROUP = 32


@functools.cache
def _build_gather(B, V, D):
    info = plsc.get_sparse_core_info()
    nw = info.num_cores * info.num_subcores
    assert B % (nw * _GROUP) == 0, (B, nw)
    assert 128 % D == 0 and V % 8 == 0
    b_per_w = B // nw
    n_groups = b_per_w // _GROUP

    mesh = plsc.VectorSubcoreMesh(core_axis_name="c", subcore_axis_name="s")

    @functools.partial(
        pl.kernel,
        mesh=mesh,
        out_type=jax.ShapeDtypeStruct((D, B), jnp.float32),
        scratch_types=[
            pltpu.VMEM((b_per_w,), jnp.int32),
            pltpu.VMEM((2, _GROUP, 8, D), jnp.float32),
            pltpu.VMEM((D, b_per_w), jnp.float32),
            pltpu.SemaphoreType.DMA,
            pltpu.SemaphoreType.DMA,
        ],
        compiler_params=pltpu.CompilerParams(needs_layout_passes=False),
    )
    def gather_kernel(
        table_hbm,
        idx_hbm,
        out_hbm,
        idx_v,
        slab_v,
        out_v,
        sem0,
        sem1,
    ):
        wid = lax.axis_index("s") * info.num_cores + lax.axis_index("c")
        base = pl.multiple_of(wid * b_per_w, b_per_w)
        table3 = table_hbm
        pltpu.sync_copy(idx_hbm.at[pl.ds(base, b_per_w)], idx_v)

        lane_iota = lax.iota(jnp.int32, _LANES)

        def fire(g, buf, sem):
            for h in range(_GROUP // _LANES):
                p16 = (
                    idx_v[
                        pl.ds(
                            pl.multiple_of(g * _GROUP + h * _LANES, _LANES),
                            _LANES,
                        )
                    ]
                    >> 3
                )
                for k in range(_LANES):
                    pltpu.async_copy(
                        table3.at[p16[k]], slab_v.at[buf, h * _LANES + k], sem
                    )

        def drain(buf, sem):
            pltpu.make_async_copy(
                table3.at[pl.ds(0, _GROUP)], slab_v.at[buf], sem
            ).wait()

        def extract(g, buf):
            zero16 = jnp.zeros((_LANES,), jnp.int32)
            for h in range(_GROUP // _LANES):
                gbase = pl.multiple_of(g * _GROUP + h * _LANES, _LANES)
                raw16 = idx_v[pl.ds(gbase, _LANES)]
                j16 = lax.rem(raw16, 8)
                t16 = gbase + lane_iota
                s16 = h * _LANES + lane_iota

                @pl.loop(0, D, unroll=8)
                def per_feature(f):
                    f16 = zero16 + f
                    vals = plsc.load_gather(slab_v.at[buf], [s16, j16, f16])
                    plsc.store_scatter(out_v, [f16, t16], vals)

        assert n_groups % 2 == 0

        @pl.loop(0, n_groups, step=2)
        def per_pair(g):
            fire(g, 0, sem0)

            @pl.when(g >= 2)
            def _():
                drain(1, sem1)
                extract(g - 1, 1)

            fire(g + 1, 1, sem1)
            drain(0, sem0)
            extract(g, 0)

        drain(1, sem1)
        extract(n_groups - 1, 1)

        pltpu.sync_copy(out_v, out_hbm.at[:, pl.ds(base, b_per_w)])

    return gather_kernel


def kernel(weight, input_idx, dim):
    V, D = weight.shape
    B = input_idx.shape[0]
    idx = (input_idx + dim).astype(jnp.int32)
    table3 = weight.reshape(V // 8, 8, D)
    outT = _build_gather(B, V, D)(table3, idx)
    return outT.T

# --- scband reference (transcript-rebuilt; emitter-appended) ---
"""Pipeline reference for scband-indexable-linear-61761629716735 (READ-ONLY COPY).

The authoritative reference and input builder live on the scoring server;
editing this copy changes nothing except your own understanding.
"""

import jax, jax.numpy as jnp
import numpy as np

IN_FEATURES = 1000000
OUT_FEATURES = 64
BATCH = 16384

def setup_inputs(seed: int = 0) -> dict:
    key = jax.random.key(seed)
    k_w, k_idx = jax.random.split(key)
    weight = jax.random.normal(k_w, (IN_FEATURES, OUT_FEATURES), dtype=jnp.float32) * 0.01
    input_idx = jax.random.randint(k_idx, (BATCH,), 0, IN_FEATURES, dtype=jnp.int64 if jax.config.jax_enable_x64 else jnp.int32)
    return {"weight": weight, "input_idx": input_idx, "dim": 0}

def reference(weight, input_idx, dim):
    output = jnp.take(weight, input_idx + dim, axis=0)
    return output

if __name__ == "__main__":
    import jax
    _d = setup_inputs()
    print(jax.jit(kernel)(*tuple(_d.values())))

</pallas_src>

<mosaic_0001>
#map = affine_map<(d0, d1) -> (0, 0, 0)>
#map1 = affine_map<(d0, d1) -> (0)>
#map2 = affine_map<(d0, d1) -> (0, 0)>
module attributes {stable_mosaic.version = 14 : i64} {
  func.func @gather_kernel(%arg0: i32, %arg1: i32, %arg2: memref<125000x8x64xf32, #tpu.memory_space<hbm>>, %arg3: memref<16384xi32, #tpu.memory_space<hbm>>, %arg4: memref<64x16384xf32, #tpu.memory_space<hbm>>, %arg5: memref<512xi32, #tpu.memory_space<vmem>>, %arg6: memref<2x32x8x64xf32, #tpu.memory_space<vmem>>, %arg7: memref<64x512xf32, #tpu.memory_space<vmem>>, %arg8: memref<!tpu.dma_semaphore, #tpu.memory_space<semaphore_mem>>, %arg9: memref<!tpu.dma_semaphore, #tpu.memory_space<semaphore_mem>>) attributes {dimension_semantics = [#tpu.dimension_semantics<core_parallel>, #tpu.dimension_semantics<subcore_parallel>], iteration_bounds = array<i64: 2, 16>, scalar_prefetch = 0 : i64, scratch_operands = 5 : i64, tpu.core_type = #tpu.core_type<sc_vector_subcore>, window_params = [{transform_indices = #map}, {transform_indices = #map1}, {transform_indices = #map2}]} {
    %mul3A = arith.constant 2 : i32
    %mul3A_0 = arith.muli %arg1, %mul3A : i32
    %add3A = arith.addi %mul3A_0, %arg0 : i32
    %mul3A_1 = arith.constant 512 : i32
    %mul3A_2 = arith.muli %add3A, %mul3A_1 : i32
    %multiple_of3A = tpu.assume_multiple %mul3A_2, 512 : i32
    "tpu.region"() ({
      %run_scoped3A = tpu.sem_alloc : memref<!tpu.dma_semaphore, #tpu.memory_space<semaphore_mem>>
      %dma_start3A = tpu.memref_slice %arg3[%multiple_of3A] : memref<16384xi32, #tpu.memory_space<hbm>> -> memref<512xi32, #tpu.memory_space<hbm>>
      %dma_start3A_58 = tpu.memref_slice %arg3[%multiple_of3A] : memref<16384xi32, #tpu.memory_space<hbm>> -> memref<512xi32, #tpu.memory_space<hbm>>
      tpu.enqueue_dma source(%dma_start3A_58 : memref<512xi32, #tpu.memory_space<hbm>>) target(%arg5 : memref<512xi32, #tpu.memory_space<vmem>>) target_semaphore(%run_scoped3A : memref<!tpu.dma_semaphore, #tpu.memory_space<semaphore_mem>>)
      %dma_wait3A_59 = tpu.memref_slice %arg3[%multiple_of3A] : memref<16384xi32, #tpu.memory_space<hbm>> -> memref<512xi32, #tpu.memory_space<hbm>>
      %dma_wait3A_60 = tpu.memref_slice %arg3[%multiple_of3A] : memref<16384xi32, #tpu.memory_space<hbm>> -> memref<512xi32, #tpu.memory_space<hbm>>
      tpu.wait_dma2 semaphore(%run_scoped3A : memref<!tpu.dma_semaphore, #tpu.memory_space<semaphore_mem>>) src(%dma_wait3A_60 : memref<512xi32, #tpu.memory_space<hbm>>) dst(%arg5 : memref<512xi32, #tpu.memory_space<vmem>>)
      tpu.yield
    }) : () -> ()
    %iota3A = tpu.iota {dimensions = array<i32: 0>} : vector<16xi32>
    %scan3A = arith.constant 0 : i32
    %scan3A_3 = arith.constant 8 : i32
    %scan3A_4 = arith.addi %scan3A, %scan3A_3 : i32
    %scan3A_5 = arith.constant 1 : i32
    scf.for %scan3A_58 = %scan3A to %scan3A_4 step %scan3A_5  : i32 {
      %mul3A_59 = arith.constant 2 : i32
      %mul3A_60 = arith.muli %scan3A_58, %mul3A_59 : i32
      %add3A_61 = arith.constant 0 : i32
      %add3A_62 = arith.addi %add3A_61, %mul3A_60 : i32
      %mul3A_63 = arith.constant 32 : i32
      %mul3A_64 = arith.muli %add3A_62, %mul3A_63 : i32
      %add3A_65 = arith.constant 0 : i32
      %add3A_66 = arith.addi %mul3A_64, %add3A_65 : i32
      %multiple_of3A_67 = tpu.assume_multiple %add3A_66, 16 : i32
      %get3A_68 = arith.index_cast %multiple_of3A_67 : i32 to index
      %get3A_69 = tpu.vector_load %arg5[%get3A_68] {strides = array<i32>} : memref<512xi32, #tpu.memory_space<vmem>>, vector<16xi32>,
      %shift_right_arithmetic3A = arith.constant 3 : i32
      %shift_right_arithmetic3A_70 = vector.broadcast %shift_right_arithmetic3A : i32 to vector<16xi32>
      %shift_right_arithmetic3A_71 = arith.shrsi %get3A_69, %shift_right_arithmetic3A_70 : vector<16xi32>
      %slice3A = vector.extract_strided_slice %shift_right_arithmetic3A_71 {offsets = [0], sizes = [1], strides = [1]} : vector<16xi32> to vector<1xi32>
      %squeeze3A = vector.extract %slice3A[0] : i32 from vector<1xi32>
      %dma_start3A = arith.constant 0 : i32
      %dma_start3A_72 = arith.constant 0 : i32
      %dma_start3A_73 = arith.constant 0 : i32
      %dma_start3A_74 = arith.constant 0 : i32
      %dma_start3A_75 = tpu.memref_slice %arg6[%dma_start3A, %dma_start3A_72, %dma_start3A_73, %dma_start3A_74] : memref<2x32x8x64xf32, #tpu.memory_space<vmem>> -> memref<1x1x8x64xf32, #tpu.memory_space<vmem>>
      %dma_start3A_76 = tpu.memref_squeeze %dma_start3A_75 : memref<1x1x8x64xf32, #tpu.memory_space<vmem>> -> memref<8x64xf32, #tpu.memory_space<vmem>>
      %dma_start3A_77 = arith.constant 0 : i32
      %dma_start3A_78 = arith.constant 0 : i32
      %dma_start3A_79 = tpu.memref_slice %arg2[%squeeze3A, %dma_start3A_77, %dma_start3A_78] : memref<125000x8x64xf32, #tpu.memory_space<hbm>> -> memref<1x8x64xf32, #tpu.memory_space<hbm>>
      %dma_start3A_80 = tpu.memref_squeeze %dma_start3A_79 : memref<1x8x64xf32, #tpu.memory_space<hbm>> -> memref<8x64xf32, #tpu.memory_space<hbm>>
      %dma_start3A_81 = arith.constant 0 : i32
      %dma_start3A_82 = arith.constant 0 : i32
      %dma_start3A_83 = tpu.memref_slice %arg6[%dma_start3A, %dma_start3A_72, %dma_start3A_81, %dma_start3A_82] : memref<2x32x8x64xf32, #tpu.memory_space<vmem>> -> memref<1x1x8x64xf32, #tpu.memory_space<vmem>>
      %dma_start3A_84 = tpu.memref_squeeze %dma_start3A_83 : memref<1x1x8x64xf32, #tpu.memory_space<vmem>> -> memref<8x64xf32, #tpu.memory_space<vmem>>
      %dma_start3A_85 = arith.constant 0 : i32
      %dma_start3A_86 = arith.constant 0 : i32
      %dma_start3A_87 = tpu.memref_slice %arg2[%squeeze3A, %dma_start3A_85, %dma_start3A_86] : memref<125000x8x64xf32, #tpu.memory_space<hbm>> -> memref<1x8x64xf32, #tpu.memory_space<hbm>>
      %dma_start3A_88 = tpu.memref_squeeze %dma_start3A_87 : memref<1x8x64xf32, #tpu.memory_space<hbm>> -> memref<8x64xf32, #tpu.memory_space<hbm>>
      tpu.enqueue_dma source(%dma_start3A_88 : memref<8x64xf32, #tpu.memory_space<hbm>>) target(%dma_start3A_84 : memref<8x64xf32, #tpu.memory_space<vmem>>) target_semaphore(%arg8 : memref<!tpu.dma_semaphore, #tpu.memory_space<semaphore_mem>>)
      %slice3A_89 = vector.extract_strided_slice %shift_right_arithmetic3A_71 {offsets = [1], sizes = [1], strides = [1]} : vector<16xi32> to vector<1xi32>
      %squeeze3A_90 = vector.extract %slice3A_89[0] : i32 from vector<1xi32>
      %dma_start3A_91 = arith.constant 0 : i32
      %dma_start3A_92 = arith.constant 1 : i32
      %dma_start3A_93 = arith.constant 0 : i32
      %dma_start3A_94 = arith.constant 0 : i32
      %dma_start3A_95 = tpu.memref_slice %arg6[%dma_start3A_91, %dma_start3A_92, %dma_start3A_93, %dma_start3A_94] : memref<2x32x8x64xf32, #tpu.memory_space<vmem>> -> memref<1x1x8x64xf32, #tpu.memory_space<vmem>>
      %dma_start3A_96 = tpu.memref_squeeze %dma_start3A_95 : memref<1x1x8x64xf32, #tpu.memory_space<vmem>> -> memref<8x64xf32, #tpu.memory_space<vmem>>
      %dma_start3A_97 = arith.constant 0 : i32
      %dma_start3A_98 = arith.constant 0 : i32
      %dma_start3A_99 = tpu.memref_slice %arg2[%squeeze3A_90, %dma_start3A_97, %dma_start3A_98] : memref<125000x8x64xf32, #tpu.memory_space<hbm>> -> memref<1x8x64xf32, #tpu.memory_space<hbm>>
      %dma_start3A_100 = tpu.memref_squeeze %dma_start3A_99 : memref<1x8x64xf32, #tpu.memory_space<hbm>> -> memref<8x64xf32, #tpu.memory_space<hbm>>
      %dma_start3A_101 = arith.constant 0 : i32
      %dma_start3A_102 = arith.constant 0 : i32
      %dma_start3A_103 = tpu.memref_slice %arg6[%dma_start3A_91, %dma_start3A_92, %dma_start3A_101, %dma_start3A_102] : memref<2x32x8x64xf32, #tpu.memory_space<vmem>> -> memref<1x1x8x64xf32, #tpu.memory_space<vmem>>
      %dma_start3A_104 = tpu.memref_squeeze %dma_start3A_103 : memref<1x1x8x64xf32, #tpu.memory_space<vmem>> -> memref<8x64xf32, #tpu.memory_space<vmem>>
      %dma_start3A_105 = arith.constant 0 : i32
      %dma_start3A_106 = arith.constant 0 : i32
      %dma_start3A_107 = tpu.memref_slice %arg2[%squeeze3A_90, %dma_start3A_105, %dma_start3A_106] : memref<125000x8x64xf32, #tpu.memory_space<hbm>> -> memref<1x8x64xf32, #tpu.memory_space<hbm>>
      %dma_start3A_108 = tpu.memref_squeeze %dma_start3A_107 : memref<1x8x64xf32, #tpu.memory_space<hbm>> -> memref<8x64xf32, #tpu.memory_space<hbm>>
      tpu.enqueue_dma source(%dma_start3A_108 : memref<8x64xf32, #tpu.memory_space<hbm>>) target(%dma_start3A_104 : memref<8x64xf32, #tpu.memory_space<vmem>>) target_semaphore(%arg8 : memref<!tpu.dma_semaphore, #tpu.memory_space<semaphore_mem>>)
      %slice3A_109 = vector.extract_strided_slice %shift_right_arithmetic3A_71 {offsets = [2], sizes = [1], strides = [1]} : vector<16xi32> to vector<1xi32>
      %squeeze3A_110 = vector.extract %slice3A_109[0] : i32 from vector<1xi32>
      %dma_start3A_111 = arith.constant 0 : i32
      %dma_start3A_112 = arith.constant 2 : i32
      %dma_start3A_113 = arith.constant 0 : i32
      %dma_start3A_114 = arith.constant 0 : i32
      %dma_start3A_115 = tpu.memref_slice %arg6[%dma_start3A_111, %dma_start3A_112, %dma_start3A_113, %dma_start3A_114] : memref<2x32x8x64xf32, #tpu.memory_space<vmem>> -> memref<1x1x8x64xf32, #tpu.memory_space<vmem>>
      %dma_start3A_116 = tpu.memref_squeeze %dma_start3A_115 : memref<1x1x8x64xf32, #tpu.memory_space<vmem>> -> memref<8x64xf32, #tpu.memory_space<vmem>>
      %dma_start3A_117 = arith.constant 0 : i32
      %dma_start3A_118 = arith.constant 0 : i32
      %dma_start3A_119 = tpu.memref_slice %arg2[%squeeze3A_110, %dma_start3A_117, %dma_start3A_118] : memref<125000x8x64xf32, #tpu.memory_space<hbm>> -> memref<1x8x64xf32, #tpu.memory_space<hbm>>
      %dma_start3A_120 = tpu.memref_squeeze %dma_start3A_119 : memref<1x8x64xf32, #tpu.memory_space<hbm>> -> memref<8x64xf32, #tpu.memory_space<hbm>>
      %dma_start3A_121 = arith.constant 0 : i32
      %dma_start3A_122 = arith.constant 0 : i32
      %dma_start3A_123 = tpu.memref_slice %arg6[%dma_start3A_111, %dma_start3A_112, %dma_start3A_121, %dma_start3A_122] : memref<2x32x8x64xf32, #tpu.memory_space<vmem>> -> memref<1x1x8x64xf32, #tpu.memory_space<vmem>>
      %dma_start3A_124 = tpu.memref_squeeze %dma_start3A_123 : memref<1x1x8x64xf32, #tpu.memory_space<vmem>> -> memref<8x64xf32, #tpu.memory_space<vmem>>
      %dma_start3A_125 = arith.constant 0 : i32
      %dma_start3A_126 = arith.constant 0 : i32
      %dma_start3A_127 = tpu.memref_slice %arg2[%squeeze3A_110, %dma_start3A_125, %dma_start3A_126] : memref<125000x8x64xf32, #tpu.memory_space<hbm>> -> memref<1x8x64xf32, #tpu.memory_space<hbm>>
      %dma_start3A_128 = tpu.memref_squeeze %dma_start3A_127 : memref<1x8x64xf32, #tpu.memory_space<hbm>> -> memref<8x64xf32, #tpu.memory_space<hbm>>
      tpu.enqueue_dma source(%dma_start3A_128 : memref<8x64xf32, #tpu.memory_space<hbm>>) target(%dma_start3A_124 : memref<8x64xf32, #tpu.memory_space<vmem>>) target_semaphore(%arg8 : memref<!tpu.dma_semaphore, #tpu.memory_space<semaphore_mem>>)
      %slice3A_129 = vector.extract_strided_slice %shift_right_arithmetic3A_71 {offsets = [3], sizes = [1], strides = [1]} : vector<16xi32> to vector<1xi32>
      %squeeze3A_130 = vector.extract %slice3A_129[0] : i32 from vector<1xi32>
      %dma_start3A_131 = arith.constant 0 : i32
      %dma_start3A_132 = arith.constant 3 : i32
      %dma_start3A_133 = arith.constant 0 : i32
      %dma_start3A_134 = arith.constant 0 : i32
      %dma_start3A_135 = tpu.memref_slice %arg6[%dma_start3A_131, %dma_start3A_132, %dma_start3A_133, %dma_start3A_134] : memref<2x32x8x64xf32, #tpu.memory_space<vmem>> -> memref<1x1x8x64xf32, #tpu.memory_space<vmem>>
      %dma_start3A_136 = tpu.memref_squeeze %dma_start3A_135 : memref<1x1x8x64xf32, #tpu.memory_space<vmem>> -> memref<8x64xf32, #tpu.memory_space<vmem>>
      %dma_start3A_137 = arith.constant 0 : i32
      %dma_start3A_138 = arith.constant 0 : i32
      %dma_start3A_139 = tpu.memref_slice %arg2[%squeeze3A_130, %dma_start3A_137, %dma_start3A_138] : memref<125000x8x64xf32, #tpu.memory_space<hbm>> -> memref<1x8x64xf32, #tpu.memory_space<hbm>>
      %dma_start3A_140 = tpu.memref_squeeze %dma_start3A_139 : memref<1x8x64xf32, #tpu.memory_space<hbm>> -> memref<8x64xf32, #tpu.memory_space<hbm>>
      %dma_start3A_141 = arith.constant 0 : i32
      %dma_start3A_142 = arith.constant 0 : i32
      %dma_start3A_143 = tpu.memref_slice %arg6[%dma_start3A_131, %dma_start3A_132, %dma_start3A_141, %dma_start3A_142] : memref<2x32x8x64xf32, #tpu.memory_space<vmem>> -> memref<1x1x8x64xf32, #tpu.memory_space<vmem>>
      %dma_start3A_144 = tpu.memref_squeeze %dma_start3A_143 : memref<1x1x8x64xf32, #tpu.memory_space<vmem>> -> memref<8x64xf32, #tpu.memory_space<vmem>>
      %dma_start3A_145 = arith.constant 0 : i32
      %dma_start3A_146 = arith.constant 0 : i32
      %dma_start3A_147 = tpu.memref_slice %arg2[%squeeze3A_130, %dma_start3A_145, %dma_start3A_146] : memref<125000x8x64xf32, #tpu.memory_space<hbm>> -> memref<1x8x64xf32, #tpu.memory_space<hbm>>
      %dma_start3A_148 = tpu.memref_squeeze %dma_start3A_147 : memref<1x8x64xf32, #tpu.memory_space<hbm>> -> memref<8x64xf32, #tpu.memory_space<hbm>>
      tpu.enqueue_dma source(%dma_start3A_148 : memref<8x64xf32, #tpu.memory_space<hbm>>) target(%dma_start3A_144 : memref<8x64xf32, #tpu.memory_space<vmem>>) target_semaphore(%arg8 : memref<!tpu.dma_semaphore, #tpu.memory_space<semaphore_mem>>)
      %slice3A_149 = vector.extract_strided_slice %shift_right_arithmetic3A_71 {offsets = [4], sizes = [1], strides = [1]} : vector<16xi32> to vector<1xi32>
      %squeeze3A_150 = vector.extract %slice3A_149[0] : i32 from vector<1xi32>
      %dma_start3A_151 = arith.constant 0 : i32
      %dma_start3A_152 = arith.constant 4 : i32
      %dma_start3A_153 = arith.constant 0 : i32
      %dma_start3A_154 = arith.constant 0 : i32
      %dma_start3A_155 = tpu.memref_slice %arg6[%dma_start3A_151, %dma_start3A_152, %dma_start3A_153, %dma_start3A_154] : memref<2x32x8x64xf32, #tpu.memory_space<vmem>> -> memref<1x1x8x64xf32, #tpu.memory_space<vmem>>
      %dma_start3A_156 = tpu.memref_squeeze %dma_start3A_155 : memref<1x1x8x64xf32, #tpu.memory_space<vmem>> -> memref<8x64xf32, #tpu.memory_space<vmem>>
      %dma_start3A_157 = arith.constant 0 : i32
      %dma_start3A_158 = arith.constant 0 : i32
      %dma_start3A_159 = tpu.memref_slice %arg2[%squeeze3A_150, %dma_start3A_157, %dma_start3A_158] : memref<125000x8x64xf32, #tpu.memory_space<hbm>> -> memref<1x8x64xf32, #tpu.memory_space<hbm>>
      %dma_start3A_160 = tpu.memref_squeeze %dma_start3A_159 : memref<1x8x64xf32, #tpu.memory_space<hbm>> -> memref<8x64xf32, #tpu.memory_space<hbm>>
      %dma_start3A_161 = arith.constant 0 : i32
      %dma_start3A_162 = arith.constant 0 : i32
      %dma_start3A_163 = tpu.memref_slice %arg6[%dma_start3A_151, %dma_start3A_152, %dma_start3A_161, %dma_start3A_162] : memref<2x32x8x64xf32, #tpu.memory_space<vmem>> -> memref<1x1x8x64xf32, #tpu.memory_space<vmem>>
      %dma_start3A_164 = tpu.memref_squeeze %dma_start3A_163 : memref<1x1x8x64xf32, #tpu.memory_space<vmem>> -> memref<8x64xf32, #tpu.memory_space<vmem>>
      %dma_start3A_165 = arith.constant 0 : i32
      %dma_start3A_166 = arith.constant 0 : i32
      %dma_start3A_167 = tpu.memref_slice %arg2[%squeeze3A_150, %dma_start3A_165, %dma_start3A_166] : memref<125000x8x64xf32, #tpu.memory_space<hbm>> -> memref<1x8x64xf32, #tpu.memory_space<hbm>>
      %dma_start3A_168 = tpu.memref_squeeze %dma_start3A_167 : memref<1x8x64xf32, #tpu.memory_space<hbm>> -> memref<8x64xf32, #tpu.memory_space<hbm>>
      tpu.enqueue_dma source(%dma_start3A_168 : memref<8x64xf32, #tpu.memory_space<hbm>>) target(%dma_start3A_164 : memref<8x64xf32, #tpu.memory_space<vmem>>) target_semaphore(%arg8 : memref<!tpu.dma_semaphore, #tpu.memory_space<semaphore_mem>>)
      %slice3A_169 = vector.extract_strided_slice %shift_right_arithmetic3A_71 {offsets = [5], sizes = [1], strides = [1]} : vector<16xi32> to vector<1xi32>
      %squeeze3A_170 = vector.extract %slice3A_169[0] : i32 from vector<1xi32>
      %dma_start3A_171 = arith.constant 0 : i32
      %dma_start3A_172 = arith.constant 5 : i32
      %dma_start3A_173 = arith.constant 0 : i32
      %dma_start3A_174 = arith.constant 0 : i32
      %dma_start3A_175 = tpu.memref_slice %arg6[%dma_start3A_171, %dma_start3A_172, %dma_start3A_173, %dma_start3A_174] : memref<2x32x8x64xf32, #tpu.memory_space<vmem>> -> memref<1x1x8x64xf32, #tpu.memory_space<vmem>>
      %dma_start3A_176 = tpu.memref_squeeze %dma_start3A_175 : memref<1x1x8x64xf32, #tpu.memory_space<vmem>> -> memref<8x64xf32, #tpu.memory_space<vmem>>
      %dma_start3A_177 = arith.constant 0 : i32
      %dma_start3A_178 = arith.constant 0 : i32
      %dma_start3A_179 = tpu.memref_slice %arg2[%squeeze3A_170, %dma_start3A_177, %dma_start3A_178] : memref<125000x8x64xf32, #tpu.memory_space<hbm>> -> memref<1x8x64xf32, #tpu.memory_space<hbm>>
      %dma_start3A_180 = tpu.memref_squeeze %dma_start3A_179 : memref<1x8x64xf32, #tpu.memory_space<hbm>> -> memref<8x64xf32, #tpu.memory_space<hbm>>
      %dma_start3A_181 = arith.constant 0 : i32
      %dma_start3A_182 = arith.constant 0 : i32
      %dma_start3A_183 = tpu.memref_slice %arg6[%dma_start3A_171, %dma_start3A_172, %dma_start3A_181, %dma_start3A_182] : memref<2x32x8x64xf32, #tpu.memory_space<vmem>> -> memref<1x1x8x64xf32, #tpu.memory_space<vmem>>
      %dma_start3A_184 = tpu.memref_squeeze %dma_start3A_183 : memref<1x1x8x64xf32, #tpu.memory_space<vmem>> -> memref<8x64xf32, #tpu.memory_space<vmem>>
      %dma_start3A_185 = arith.constant 0 : i32
      %dma_start3A_186 = arith.constant 0 : i32
      %dma_start3A_187 = tpu.memref_slice %arg2[%squeeze3A_170, %dma_start3A_185, %dma_start3A_186] : memref<125000x8x64xf32, #tpu.memory_space<hbm>> -> memref<1x8x64xf32, #tpu.memory_space<hbm>>
      %dma_start3A_188 = tpu.memref_squeeze %dma_start3A_187 : memref<1x8x64xf32, #tpu.memory_space<hbm>> -> memref<8x64xf32, #tpu.memory_space<hbm>>
      tpu.enqueue_dma source(%dma_start3A_188 : memref<8x64xf32, #tpu.memory_space<hbm>>) target(%dma_start3A_184 : memref<8x64xf32, #tpu.memory_space<vmem>>) target_semaphore(%arg8 : memref<!tpu.dma_semaphore, #tpu.memory_space<semaphore_mem>>)
      %slice3A_189 = vector.extract_strided_slice %shift_right_arithmetic3A_71 {offsets = [6], sizes = [1], strides = [1]} : vector<16xi32> to vector<1xi32>
      %squeeze3A_190 = vector.extract %slice3A_189[0] : i32 from vector<1xi32>
      %dma_start3A_191 = arith.constant 0 : i32
      %dma_start3A_192 = arith.constant 6 : i32
      %dma_start3A_193 = arith.constant 0 : i32
      %dma_start3A_194 = arith.constant 0 : i32
      %dma_start3A_195 = tpu.memref_slice %arg6[%dma_start3A_191, %dma_start3A_192, %dma_start3A_193, %dma_start3A_194] : memref<2x32x8x64xf32, #tpu.memory_space<vmem>> -> memref<1x1x8x64xf32, #tpu.memory_space<vmem>>
      %dma_start3A_196 = tpu.memref_squeeze %dma_start3A_195 : memref<1x1x8x64xf32, #tpu.memory_space<vmem>> -> memref<8x64xf32, #tpu.memory_space<vmem>>
      %dma_start3A_197 = arith.constant 0 : i32
      %dma_start3A_198 = arith.constant 0 : i32
      %dma_start3A_199 = tpu.memref_slice %arg2[%squeeze3A_190, %dma_start3A_197, %dma_start3A_198] : memref<125000x8x64xf32, #tpu.memory_space<hbm>> -> memref<1x8x64xf32, #tpu.memory_space<hbm>>
      %dma_start3A_200 = tpu.memref_squeeze %dma_start3A_199 : memref<1x8x64xf32, #tpu.memory_space<hbm>> -> memref<8x64xf32, #tpu.memory_space<hbm>>
      %dma_start3A_201 = arith.constant 0 : i32
      %dma_start3A_202 = arith.constant 0 : i32
      %dma_start3A_203 = tpu.memref_slice %arg6[%dma_start3A_191, %dma_start3A_192, %dma_start3A_201, %dma_start3A_202] : memref<2x32x8x64xf32, #tpu.memory_space<vmem>> -> memref<1x1x8x64xf32, #tpu.memory_space<vmem>>
      %dma_start3A_204 = tpu.memref_squeeze %dma_start3A_203 : memref<1x1x8x64xf32, #tpu.memory_space<vmem>> -> memref<8x64xf32, #tpu.memory_space<vmem>>
      %dma_start3A_205 = arith.constant 0 : i32
      %dma_start3A_206 = arith.constant 0 : i32
      %dma_start3A_207 = tpu.memref_slice %arg2[%squeeze3A_190, %dma_start3A_205, %dma_start3A_206] : memref<125000x8x64xf32, #tpu.memory_space<hbm>> -> memref<1x8x64xf32, #tpu.memory_space<hbm>>
      %dma_start3A_208 = tpu.memref_squeeze %dma_start3A_207 : memref<1x8x64xf32, #tpu.memory_space<hbm>> -> memref<8x64xf32, #tpu.memory_space<hbm>>
      tpu.enqueue_dma source(%dma_start3A_208 : memref<8x64xf32, #tpu.memory_space<hbm>>) target(%dma_start3A_204 : memref<8x64xf32, #tpu.memory_space<vmem>>) target_semaphore(%arg8 : memref<!tpu.dma_semaphore, #tpu.memory_space<semaphore_mem>>)
      %slice3A_209 = vector.extract_strided_slice %shift_right_arithmetic3A_71 {offsets = [7], sizes = [1], strides = [1]} : vector<16xi32> to vector<1xi32>
      %squeeze3A_210 = vector.extract %slice3A_209[0] : i32 from vector<1xi32>
      %dma_start3A_211 = arith.constant 0 : i32
      %dma_start3A_212 = arith.constant 7 : i32
      %dma_start3A_213 = arith.constant 0 : i32
      %dma_start3A_214 = arith.constant 0 : i32
      %dma_start3A_215 = tpu.memref_slice %arg6[%dma_start3A_211, %dma_start3A_212, %dma_start3A_213, %dma_start3A_214] : memref<2x32x8x64xf32, #tpu.memory_space<vmem>> -> memref<1x1x8x64xf32, #tpu.memory_space<vmem>>
      %dma_start3A_216 = tpu.memref_squeeze %dma_start3A_215 : memref<1x1x8x64xf32, #tpu.memory_space<vmem>> -> memref<8x64xf32, #tpu.memory_space<vmem>>
      %dma_start3A_217 = arith.constant 0 : i32
      %dma_start3A_218 = arith.constant 0 : i32
      %dma_start3A_219 = tpu.memref_slice %arg2[%squeeze3A_210, %dma_start3A_217, %dma_start3A_218] : memref<125000x8x64xf32, #tpu.memory_space<hbm>> -> memref<1x8x64xf32, #tpu.memory_space<hbm>>
      %dma_start3A_220 = tpu.memref_squeeze %dma_start3A_219 : memref<1x8x64xf32, #tpu.memory_space<hbm>> -> memref<8x64xf32, #tpu.memory_space<hbm>>
      %dma_start3A_221 = arith.constant 0 : i32
      %dma_start3A_222 = arith.constant 0 : i32
      %dma_start3A_223 = tpu.memref_slice %arg6[%dma_start3A_211, %dma_start3A_212, %dma_start3A_221, %dma_start3A_222] : memref<2x32x8x64xf32, #tpu.memory_space<vmem>> -> memref<1x1x8x64xf32, #tpu.memory_space<vmem>>
      %dma_start3A_224 = tpu.memref_squeeze %dma_start3A_223 : memref<1x1x8x64xf32, #tpu.memory_space<vmem>> -> memref<8x64xf32, #tpu.memory_space<vmem>>
      %dma_start3A_225 = arith.constant 0 : i32
      %dma_start3A_226 = arith.constant 0 : i32
      %dma_start3A_227 = tpu.memref_slice %arg2[%squeeze3A_210, %dma_start3A_225, %dma_start3A_226] : memref<125000x8x64xf32, #tpu.memory_space<hbm>> -> memref<1x8x64xf32, #tpu.memory_space<hbm>>
      %dma_start3A_228 = tpu.memref_squeeze %dma_start3A_227 : memref<1x8x64xf32, #tpu.memory_space<hbm>> -> memref<8x64xf32, #tpu.memory_space<hbm>>
      tpu.enqueue_dma source(%dma_start3A_228 : memref<8x64xf32, #tpu.memory_space<hbm>>) target(%dma_start3A_224 : memref<8x64xf32, #tpu.memory_space<vmem>>) target_semaphore(%arg8 : memref<!tpu.dma_semaphore, #tpu.memory_space<semaphore_mem>>)
      %slice3A_229 = vector.extract_strided_slice %shift_right_arithmetic3A_71 {offsets = [8], sizes = [1], strides = [1]} : vector<16xi32> to vector<1xi32>
      %squeeze3A_230 = vector.extract %slice3A_229[0] : i32 from vector<1xi32>
      %dma_start3A_231 = arith.constant 0 : i32
      %dma_start3A_232 = arith.constant 8 : i32
      %dma_start3A_233 = arith.constant 0 : i32
      %dma_start3A_234 = arith.constant 0 : i32
      %dma_start3A_235 = tpu.memref_slice %arg6[%dma_start3A_231, %dma_start3A_232, %dma_start3A_233, %dma_start3A_234] : memref<2x32x8x64xf32, #tpu.memory_space<vmem>> -> memref<1x1x8x64xf32, #tpu.memory_space<vmem>>
      %dma_start3A_236 = tpu.memref_squeeze %dma_start3A_235 : memref<1x1x8x64xf32, #tpu.memory_space<vmem>> -> memref<8x64xf32, #tpu.memory_space<vmem>>
      %dma_start3A_237 = arith.constant 0 : i32
      %dma_start3A_238 = arith.constant 0 : i32
      %dma_start3A_239 = tpu.memref_slice %arg2[%squeeze3A_230, %dma_start3A_237, %dma_start3A_238] : memref<125000x8x64xf32, #tpu.memory_space<hbm>> -> memref<1x8x64xf32, #tpu.memory_space<hbm>>
      %dma_start3A_240 = tpu.memref_squeeze %dma_start3A_239 : memref<1x8x64xf32, #tpu.memory_space<hbm>> -> memref<8x64xf32, #tpu.memory_space<hbm>>
      %dma_start3A_241 = arith.constant 0 : i32
      %dma_start3A_242 = arith.constant 0 : i32
      %dma_start3A_243 = tpu.memref_slice %arg6[%dma_start3A_231, %dma_start3A_232, %dma_start3A_241, %dma_start3A_242] : memref<2x32x8x64xf32, #tpu.memory_space<vmem>> -> memref<1x1x8x64xf32, #tpu.memory_space<vmem>>
      %dma_start3A_244 = tpu.memref_squeeze %dma_start3A_243 : memref<1x1x8x64xf32, #tpu.memory_space<vmem>> -> memref<8x64xf32, #tpu.memory_space<vmem>>
      %dma_start3A_245 = arith.constant 0 : i32
      %dma_start3A_246 = arith.constant 0 : i32
      %dma_start3A_247 = tpu.memref_slice %arg2[%squeeze3A_230, %dma_start3A_245, %dma_start3A_246] : memref<125000x8x64xf32, #tpu.memory_space<hbm>> -> memref<1x8x64xf32, #tpu.memory_space<hbm>>
      %dma_start3A_248 = tpu.memref_squeeze %dma_start3A_247 : memref<1x8x64xf32, #tpu.memory_space<hbm>> -> memref<8x64xf32, #tpu.memory_space<hbm>>
      tpu.enqueue_dma source(%dma_start3A_248 : memref<8x64xf32, #tpu.memory_space<hbm>>) target(%dma_start3A_244 : memref<8x64xf32, #tpu.memory_space<vmem>>) target_semaphore(%arg8 : memref<!tpu.dma_semaphore, #tpu.memory_space<semaphore_mem>>)
      %slice3A_249 = vector.extract_strided_slice %shift_right_arithmetic3A_71 {offsets = [9], sizes = [1], strides = [1]} : vector<16xi32> to vector<1xi32>
      %squeeze3A_250 = vector.extract %slice3A_249[0] : i32 from vector<1xi32>
      %dma_start3A_251 = arith.constant 0 : i32
      %dma_start3A_252 = arith.constant 9 : i32
      %dma_start3A_253 = arith.constant 0 : i32
      %dma_start3A_254 = arith.constant 0 : i32
      %dma_start3A_255 = tpu.memref_slice %arg6[%dma_start3A_251, %dma_start3A_252, %dma_start3A_253, %dma_start3A_254] : memref<2x32x8x64xf32, #tpu.memory_space<vmem>> -> memref<1x1x8x64xf32, #tpu.memory_space<vmem>>
      %dma_start3A_256 = tpu.memref_squeeze %dma_start3A_255 : memref<1x1x8x64xf32, #tpu.memory_space<vmem>> -> memref<8x64xf32, #tpu.memory_space<vmem>>
      %dma_start3A_257 = arith.constant 0 : i32
      %dma_start3A_258 = arith.constant 0 : i32
      %dma_start3A_259 = tpu.memref_slice %arg2[%squeeze3A_250, %dma_start3A_257, %dma_start3A_258] : memref<125000x8x64xf32, #tpu.memory_space<hbm>> -> memref<1x8x64xf32, #tpu.memory_space<hbm>>
      %dma_start3A_260 = tpu.memref_squeeze %dma_start3A_259 : memref<1x8x64xf32, #tpu.memory_space<hbm>> -> memref<8x64xf32, #tpu.memory_space<hbm>>
      %dma_start3A_261 = arith.constant 0 : i32
      %dma_start3A_262 = arith.constant 0 : i32
      %dma_start3A_263 = tpu.memref_slice %arg6[%dma_start3A_251, %dma_start3A_252, %dma_start3A_261, %dma_start3A_262] : memref<2x32x8x64xf32, #tpu.memory_space<vmem>> -> memref<1x1x8x64xf32, #tpu.memory_space<vmem>>
      %dma_start3A_264 = tpu.memref_squeeze %dma_start3A_263 : memref<1x1x8x64xf32, #tpu.memory_space<vmem>> -> memref<8x64xf32, #tpu.memory_space<vmem>>
      %dma_start3A_265 = arith.constant 0 : i32
      %dma_start3A_266 = arith.constant 0 : i32
      %dma_start3A_267 = tpu.memref_slice %arg2[%squeeze3A_250, %dma_start3A_265, %dma_start3A_266] : memref<125000x8x64xf32, #tpu.memory_space<hbm>> -> memref<1x8x64xf32, #tpu.memory_space<hbm>>
      %dma_start3A_268 = tpu.memref_squeeze %dma_start3A_267 : memref<1x8x64xf32, #tpu.memory_space<hbm>> -> memref<8x64xf32, #tpu.memory_space<hbm>>
      tpu.enqueue_dma source(%dma_start3A_268 : memref<8x64xf32, #tpu.memory_space<hbm>>) target(%dma_start3A_264 : memref<8x64xf32, #tpu.memory_space<vmem>>) target_semaphore(%arg8 : memref<!tpu.dma_semaphore, #tpu.memory_space<semaphore_mem>>)
      %slice3A_269 = vector.extract_strided_slice %shift_right_arithmetic3A_71 {offsets = [10], sizes = [1], strides = [1]} : vector<16xi32> to vector<1xi32>
      %squeeze3A_270 = vector.extract %slice3A_269[0] : i32 from vector<1xi32>
      %dma_start3A_271 = arith.constant 0 : i32
      %dma_start3A_272 = arith.constant 10 : i32
      %dma_start3A_273 = arith.constant 0 : i32
      %dma_start3A_274 = arith.constant 0 : i32
      %dma_start3A_275 = tpu.memref_slice %arg6[%dma_start3A_271, %dma_start3A_272, %dma_start3A_273, %dma_start3A_274] : memref<2x32x8x64xf32, #tpu.memory_space<vmem>> -> memref<1x1x8x64xf32, #tpu.memory_space<vmem>>
      %dma_start3A_276 = tpu.memref_squeeze %dma_start3A_275 : memref<1x1x8x64xf32, #tpu.memory_space<vmem>> -> memref<8x64xf32, #tpu.memory_space<vmem>>
      %dma_start3A_277 = arith.constant 0 : i32
      %dma_start3A_278 = arith.constant 0 : i32
      %dma_start3A_279 = tpu.memref_slice %arg2[%squeeze3A_270, %dma_start3A_277, %dma_start3A_278] : memref<125000x8x64xf32, #tpu.memory_space<hbm>> -> memref<1x8x64xf32, #tpu.memory_space<hbm>>
      %dma_start3A_280 = tpu.memref_squeeze %dma_start3A_279 : memref<1x8x64xf32, #tpu.memory_space<hbm>> -> memref<8x64xf32, #tpu.memory_space<hbm>>
      %dma_start3A_281 = arith.constant 0 : i32
      %dma_start3A_282 = arith.constant 0 : i32
      %dma_start3A_283 = tpu.memref_slice %arg6[%dma_start3A_271, %dma_start3A_272, %dma_start3A_281, %dma_start3A_282] : memref<2x32x8x64xf32, #tpu.memory_space<vmem>> -> memref<1x1x8x64xf32, #tpu.memory_space<vmem>>
      %dma_start3A_284 = tpu.memref_squeeze %dma_start3A_283 : memref<1x1x8x64xf32, #tpu.memory_space<vmem>> -> memref<8x64xf32, #tpu.memory_space<vmem>>
      %dma_start3A_285 = arith.constant 0 : i32
      %dma_start3A_286 = arith.constant 0 : i32
      %dma_start3A_287 = tpu.memref_slice %arg2[%squeeze3A_270, %dma_start3A_285, %dma_start3A_286] : memref<125000x8x64xf32, #tpu.memory_space<hbm>> -> memref<1x8x64xf32, #tpu.memory_space<hbm>>
      %dma_start3A_288 = tpu.memref_squeeze %dma_start3A_287 : memref<1x8x64xf32, #tpu.memory_space<hbm>> -> memref<8x64xf32, #tpu.memory_space<hbm>>
      tpu.enqueue_dma source(%dma_start3A_288 : memref<8x64xf32, #tpu.memory_space<hbm>>) target(%dma_start3A_284 : memref<8x64xf32, #tpu.memory_space<vmem>>) target_semaphore(%arg8 : memref<!tpu.dma_semaphore, #tpu.memory_space<semaphore_mem>>)
      %slice3A_289 = vector.extract_strided_slice %shift_right_arithmetic3A_71 {offsets = [11], sizes = [1], strides = [1]} : vector<16xi32> to vector<1xi32>
      %squeeze3A_290 = vector.extract %slice3A_289[0] : i32 from vector<1xi32>
      %dma_start3A_291 = arith.constant 0 : i32
      %dma_start3A_292 = arith.constant 11 : i32
      %dma_start3A_293 = arith.constant 0 : i32
      %dma_start3A_294 = arith.constant 0 : i32
      %dma_start3A_295 = tpu.memref_slice %arg6[%dma_start3A_291, %dma_start3A_292, %dma_start3A_293, %dma_start3A_294] : memref<2x32x8x64xf32, #tpu.memory_space<vmem>> -> memref<1x1x8x64xf32, #tpu.memory_space<vmem>>
      %dma_start3A_296 = tpu.memref_squeeze %dma_start3A_295 : memref<1x1x8x64xf32, #tpu.memory_space<vmem>> -> memref<8x64xf32, #tpu.memory_space<vmem>>
      %dma_start3A_297 = arith.constant 0 : i32
      %dma_start3A_298 = arith.constant 0 : i32
      %dma_start3A_299 = tpu.memref_slice %arg2[%squeeze3A_290, %dma_start3A_297, %dma_start3A_298] : memref<125000x8x64xf32, #tpu.memory_space<hbm>> -> memref<1x8x64xf32, #tpu.memory_space<hbm>>
      %dma_start3A_300 = tpu.memref_squeeze %dma_start3A_299 : memref<1x8x64xf32, #tpu.memory_space<hbm>> -> memref<8x64xf32, #tpu.memory_space<hbm>>
      %dma_start3A_301 = arith.constant 0 : i32
      %dma_start3A_302 = arith.constant 0 : i32
      %dma_start3A_303 = tpu.memref_slice %arg6[%dma_start3A_291, %dma_start3A_292, %dma_start3A_301, %dma_start3A_302] : memref<2x32x8x64xf32, #tpu.memory_space<vmem>> -> memref<1x1x8x64xf32, #tpu.memory_space<vmem>>
      %dma_start3A_304 = tpu.memref_squeeze %dma_start3A_303 : memref<1x1x8x64xf32, #tpu.memory_space<vmem>> -> memref<8x64xf32, #tpu.memory_space<vmem>>
      %dma_start3A_305 = arith.constant 0 : i32
      %dma_start3A_306 = arith.constant 0 : i32
      %dma_start3A_307 = tpu.memref_slice %arg2[%squeeze3A_290, %dma_start3A_305, %dma_start3A_306] : memref<125000x8x64xf32, #tpu.memory_space<hbm>> -> memref<1x8x64xf32, #tpu.memory_space<hbm>>
      %dma_start3A_308 = tpu.memref_squeeze %dma_start3A_307 : memref<1x8x64xf32, #tpu.memory_space<hbm>> -> memref<8x64xf32, #tpu.memory_space<hbm>>
      tpu.enqueue_dma source(%dma_start3A_308 : memref<8x64xf32, #tpu.memory_space<hbm>>) target(%dma_start3A_304 : memref<8x64xf32, #tpu.memory_space<vmem>>) target_semaphore(%arg8 : memref<!tpu.dma_semaphore, #tpu.memory_space<semaphore_mem>>)
      %slice3A_309 = vector.extract_strided_slice %shift_right_arithmetic3A_71 {offsets = [12], sizes = [1], strides = [1]} : vector<16xi32> to vector<1xi32>
      %squeeze3A_310 = vector.extract %slice3A_309[0] : i32 from vector<1xi32>
      %dma_start3A_311 = arith.constant 0 : i32
      %dma_start3A_312 = arith.constant 12 : i32
      %dma_start3A_313 = arith.constant 0 : i32
      %dma_start3A_314 = arith.constant 0 : i32
      %dma_start3A_315 = tpu.memref_slice %arg6[%dma_start3A_311, %dma_start3A_312, %dma_start3A_313, %dma_start3A_314] : memref<2x32x8x64xf32, #tpu.memory_space<vmem>> -> memref<1x1x8x64xf32, #tpu.memory_space<vmem>>
      %dma_start3A_316 = tpu.memref_squeeze %dma_start3A_315 : memref<1x1x8x64xf32, #tpu.memory_space<vmem>> -> memref<8x64xf32, #tpu.memory_space<vmem>>
      %dma_start3A_317 = arith.constant 0 : i32
      %dma_start3A_318 = arith.constant 0 : i32
      %dma_start3A_319 = tpu.memref_slice %arg2[%squeeze3A_310, %dma_start3A_317, %dma_start3A_318] : memref<125000x8x64xf32, #tpu.memory_space<hbm>> -> memref<1x8x64xf32, #tpu.memory_space<hbm>>
      %dma_start3A_320 = tpu.memref_squeeze %dma_start3A_319 : memref<1x8x64xf32, #tpu.memory_space<hbm>> -> memref<8x64xf32, #tpu.memory_space<hbm>>
      %dma_start3A_321 = arith.constant 0 : i32
      %dma_start3A_322 = arith.constant 0 : i32
      %dma_start3A_323 = tpu.memref_slice %arg6[%dma_start3A_311, %dma_start3A_312, %dma_start3A_321, %dma_start3A_322] : memref<2x32x8x64xf32, #tpu.memory_space<vmem>> -> memref<1x1x8x64xf32, #tpu.memory_space<vmem>>
      %dma_start3A_324 = tpu.memref_squeeze %dma_start3A_323 : memref<1x1x8x64xf32, #tpu.memory_space<vmem>> -> memref<8x64xf32, #tpu.memory_space<vmem>>
      %dma_start3A_325 = arith.constant 0 : i32
      %dma_start3A_326 = arith.constant 0 : i32
      %dma_start3A_327 = tpu.memref_slice %arg2[%squeeze3A_310, %dma_start3A_325, %dma_start3A_326] : memref<125000x8x64xf32, #tpu.memory_space<hbm>> -> memref<1x8x64xf32, #tpu.memory_space<hbm>>
      %dma_start3A_328 = tpu.memref_squeeze %dma_start3A_327 : memref<1x8x64xf32, #tpu.memory_space<hbm>> -> memref<8x64xf32, #tpu.memory_space<hbm>>
      tpu.enqueue_dma source(%dma_start3A_328 : memref<8x64xf32, #tpu.memory_space<hbm>>) target(%dma_start3A_324 : memref<8x64xf32, #tpu.memory_space<vmem>>) target_semaphore(%arg8 : memref<!tpu.dma_semaphore, #tpu.memory_space<semaphore_mem>>)
      %slice3A_329 = vector.extract_strided_slice %shift_right_arithmetic3A_71 {offsets = [13], sizes = [1], strides = [1]} : vector<16xi32> to vector<1xi32>
      %squeeze3A_330 = vector.extract %slice3A_329[0] : i32 from vector<1xi32>
      %dma_start3A_331 = arith.constant 0 : i32
      %dma_start3A_332 = arith.constant 13 : i32
      %dma_start3A_333 = arith.constant 0 : i32
      %dma_start3A_334 = arith.constant 0 : i32
      %dma_start3A_335 = tpu.memref_slice %arg6[%dma_start3A_331, %dma_start3A_332, %dma_start3A_333, %dma_start3A_334] : memref<2x32x8x64xf32, #tpu.memory_space<vmem>> -> memref<1x1x8x64xf32, #tpu.memory_space<vmem>>
      %dma_start3A_336 = tpu.memref_squeeze %dma_start3A_335 : memref<1x1x8x64xf32, #tpu.memory_space<vmem>> -> memref<8x64xf32, #tpu.memory_space<vmem>>
      %dma_start3A_337 = arith.constant 0 : i32
      %dma_start3A_338 = arith.constant 0 : i32
      %dma_start3A_339 = tpu.memref_slice %arg2[%squeeze3A_330, %dma_start3A_337, %dma_start3A_338] : memref<125000x8x64xf32, #tpu.memory_space<hbm>> -> memref<1x8x64xf32, #tpu.memory_space<hbm>>
      %dma_start3A_340 = tpu.memref_squeeze %dma_start3A_339 : memref<1x8x64xf32, #tpu.memory_space<hbm>> -> memref<8x64xf32, #tpu.memory_space<hbm>>
      %dma_start3A_341 = arith.constant 0 : i32
      %dma_start3A_342 = arith.constant 0 : i32
      %dma_start3A_343 = tpu.memref_slice %arg6[%dma_start3A_331, %dma_start3A_332, %dma_start3A_341, %dma_start3A_342] : memref<2x32x8x64xf32, #tpu.memory_space<vmem>> -> memref<1x1x8x64xf32, #tpu.memory_space<vmem>>
      %dma_start3A_344 = tpu.memref_squeeze %dma_start3A_343 : memref<1x1x8x64xf32, #tpu.memory_space<vmem>> -> memref<8x64xf32, #tpu.memory_space<vmem>>
      %dma_start3A_345 = arith.constant 0 : i32
      %dma_start3A_346 = arith.constant 0 : i32
      %dma_start3A_347 = tpu.memref_slice %arg2[%squeeze3A_330, %dma_start3A_345, %dma_start3A_346] : memref<125000x8x64xf32, #tpu.memory_space<hbm>> -> memref<1x8x64xf32, #tpu.memory_space<hbm>>
      %dma_start3A_348 = tpu.memref_squeeze %dma_start3A_347 : memref<1x8x64xf32, #tpu.memory_space<hbm>> -> memref<8x64xf32, #tpu.memory_space<hbm>>
      tpu.enqueue_dma source(%dma_start3A_348 : memref<8x64xf32, #tpu.memory_space<hbm>>) target(%dma_start3A_344 : memref<8x64xf32, #tpu.memory_space<vmem>>) target_semaphore(%arg8 : memref<!tpu.dma_semaphore, #tpu.memory_space<semaphore_mem>>)
      %slice3A_349 = vector.extract_strided_slice %shift_right_arithmetic3A_71 {offsets = [14], sizes = [1], strides = [1]} : vector<16xi32> to vector<1xi32>
      %squeeze3A_350 = vector.extract %slice3A_349[0] : i32 from vector<1xi32>
      %dma_start3A_351 = arith.constant 0 : i32
      %dma_start3A_352 = arith.constant 14 : i32
      %dma_start3A_353 = arith.constant 0 : i32
      %dma_start3A_354 = arith.constant 0 : i32
      %dma_start3A_355 = tpu.memref_slice %arg6[%dma_start3A_351, %dma_start3A_352, %dma_start3A_353, %dma_start3A_354] : memref<2x32x8x64xf32, #tpu.memory_space<vmem>> -> memref<1x1x8x64xf32, #tpu.memory_space<vmem>>
      %dma_start3A_356 = tpu.memref_squeeze %dma_start3A_355 : memref<1x1x8x64xf32, #tpu.memory_space<vmem>> -> memref<8x64xf32, #tpu.memory_space<vmem>>
      %dma_start3A_357 = arith.constant 0 : i32
      %dma_start3A_358 = arith.constant 0 : i32
      %dma_start3A_359 = tpu.memref_slice %arg2[%squeeze3A_350, %dma_start3A_357, %dma_start3A_358] : memref<125000x8x64xf32, #tpu.memory_space<hbm>> -> memref<1x8x64xf32, #tpu.memory_space<hbm>>
      %dma_start3A_360 = tpu.memref_squeeze %dma_start3A_359 : memref<1x8x64xf32, #tpu.memory_space<hbm>> -> memref<8x64xf32, #tpu.memory_space<hbm>>
      %dma_start3A_361 = arith.constant 0 : i32
      %dma_start3A_362 = arith.constant 0 : i32
      %dma_start3A_363 = tpu.memref_slice %arg6[%dma_start3A_351, %dma_start3A_352, %dma_start3A_361, %dma_start3A_362] : memref<2x32x8x64xf32, #tpu.memory_space<vmem>> -> memref<1x1x8x64xf32, #tpu.memory_space<vmem>>
      %dma_start3A_364 = tpu.memref_squeeze %dma_start3A_363 : memref<1x1x8x64xf32, #tpu.memory_space<vmem>> -> memref<8x64xf32, #tpu.memory_space<vmem>>
      %dma_start3A_365 = arith.constant 0 : i32
      %dma_start3A_366 = arith.constant 0 : i32
      %dma_start3A_367 = tpu.memref_slice %arg2[%squeeze3A_350, %dma_start3A_365, %dma_start3A_366] : memref<125000x8x64xf32, #tpu.memory_space<hbm>> -> memref<1x8x64xf32, #tpu.memory_space<hbm>>
      %dma_start3A_368 = tpu.memref_squeeze %dma_start3A_367 : memref<1x8x64xf32, #tpu.memory_space<hbm>> -> memref<8x64xf32, #tpu.memory_space<hbm>>
      tpu.enqueue_dma source(%dma_start3A_368 : memref<8x64xf32, #tpu.memory_space<hbm>>) target(%dma_start3A_364 : memref<8x64xf32, #tpu.memory_space<vmem>>) target_semaphore(%arg8 : memref<!tpu.dma_semaphore, #tpu.memory_space<semaphore_mem>>)
      %slice3A_369 = vector.extract_strided_slice %shift_right_arithmetic3A_71 {offsets = [15], sizes = [1], strides = [1]} : vector<16xi32> to vector<1xi32>
      %squeeze3A_370 = vector.extract %slice3A_369[0] : i32 from vector<1xi32>
      %dma_start3A_371 = arith.constant 0 : i32
      %dma_start3A_372 = arith.constant 15 : i32
      %dma_start3A_373 = arith.constant 0 : i32
      %dma_start3A_374 = arith.constant 0 : i32
      %dma_start3A_375 = tpu.memref_slice %arg6[%dma_start3A_371, %dma_start3A_372, %dma_start3A_373, %dma_start3A_374] : memref<2x32x8x64xf32, #tpu.memory_space<vmem>> -> memref<1x1x8x64xf32, #tpu.memory_space<vmem>>
      %dma_start3A_376 = tpu.memref_squeeze %dma_start3A_375 : memref<1x1x8x64xf32, #tpu.memory_space<vmem>> -> memref<8x64xf32, #tpu.memory_space<vmem>>
      %dma_start3A_377 = arith.constant 0 : i32
      %dma_start3A_378 = arith.constant 0 : i32
      %dma_start3A_379 = tpu.memref_slice %arg2[%squeeze3A_370, %dma_start3A_377, %dma_start3A_378] : memref<125000x8x64xf32, #tpu.memory_space<hbm>> -> memref<1x8x64xf32, #tpu.memory_space<hbm>>
      %dma_start3A_380 = tpu.memref_squeeze %dma_start3A_379 : memref<1x8x64xf32, #tpu.memory_space<hbm>> -> memref<8x64xf32, #tpu.memory_space<hbm>>
      %dma_start3A_381 = arith.constant 0 : i32
      %dma_start3A_382 = arith.constant 0 : i32
      %dma_start3A_383 = tpu.memref_slice %arg6[%dma_start3A_371, %dma_start3A_372, %dma_start3A_381, %dma_start3A_382] : memref<2x32x8x64xf32, #tpu.memory_space<vmem>> -> memref<1x1x8x64xf32, #tpu.memory_space<vmem>>
      %dma_start3A_384 = tpu.memref_squeeze %dma_start3A_383 : memref<1x1x8x64xf32, #tpu.memory_space<vmem>> -> memref<8x64xf32, #tpu.memory_space<vmem>>
      %dma_start3A_385 = arith.constant 0 : i32
      %dma_start3A_386 = arith.constant 0 : i32
      %dma_start3A_387 = tpu.memref_slice %arg2[%squeeze3A_370, %dma_start3A_385, %dma_start3A_386] : memref<125000x8x64xf32, #tpu.memory_space<hbm>> -> memref<1x8x64xf32, #tpu.memory_space<hbm>>
      %dma_start3A_388 = tpu.memref_squeeze %dma_start3A_387 : memref<1x8x64xf32, #tpu.memory_space<hbm>> -> memref<8x64xf32, #tpu.memory_space<hbm>>
      tpu.enqueue_dma source(%dma_start3A_388 : memref<8x64xf32, #tpu.memory_space<hbm>>) target(%dma_start3A_384 : memref<8x64xf32, #tpu.memory_space<vmem>>) target_semaphore(%arg8 : memref<!tpu.dma_semaphore, #tpu.memory_space<semaphore_mem>>)
      %mul3A_389 = arith.constant 32 : i32
      %mul3A_390 = arith.muli %add3A_62, %mul3A_389 : i32
      %add3A_391 = arith.constant 16 : i32
      %add3A_392 = arith.addi %mul3A_390, %add3A_391 : i32
      %multiple_of3A_393 = tpu.assume_multiple %add3A_392, 16 : i32
      %get3A_394 = arith.index_cast %multiple_of3A_393 : i32 to index
      %get3A_395 = tpu.vector_load %arg5[%get3A_394] {strides = array<i32>} : memref<512xi32, #tpu.memory_space<vmem>>, vector<16xi32>,
      %shift_right_arithmetic3A_396 = arith.constant 3 : i32
      %shift_right_arithmetic3A_397 = vector.broadcast %shift_right_arithmetic3A_396 : i32 to vector<16xi32>
      %shift_right_arithmetic3A_398 = arith.shrsi %get3A_395, %shift_right_arithmetic3A_397 : vector<16xi32>
      %slice3A_399 = vector.extract_strided_slice %shift_right_arithmetic3A_398 {offsets = [0], sizes = [1], strides = [1]} : vector<16xi32> to vector<1xi32>
      %squeeze3A_400 = vector.extract %slice3A_399[0] : i32 from vector<1xi32>
      %dma_start3A_401 = arith.constant 0 : i32
      %dma_start3A_402 = arith.constant 16 : i32
      %dma_start3A_403 = arith.constant 0 : i32
      %dma_start3A_404 = arith.constant 0 : i32
      %dma_start3A_405 = tpu.memref_slice %arg6[%dma_start3A_401, %dma_start3A_402, %dma_start3A_403, %dma_start3A_404] : memref<2x32x8x64xf32, #tpu.memory_space<vmem>> -> memref<1x1x8x64xf32, #tpu.memory_space<vmem>>
      %dma_start3A_406 = tpu.memref_squeeze %dma_start3A_405 : memref<1x1x8x64xf32, #tpu.memory_space<vmem>> -> memref<8x64xf32, #tpu.memory_space<vmem>>
      %dma_start3A_407 = arith.constant 0 : i32
      %dma_start3A_408 = arith.constant 0 : i32
      %dma_start3A_409 = tpu.memref_slice %arg2[%squeeze3A_400, %dma_start3A_407, %dma_start3A_408] : memref<125000x8x64xf32, #tpu.memory_space<hbm>> -> memref<1x8x64xf32, #tpu.memory_space<hbm>>
      %dma_start3A_410 = tpu.memref_squeeze %dma_start3A_409 : memref<1x8x64xf32, #tpu.memory_space<hbm>> -> memref<8x64xf32, #tpu.memory_space<hbm>>
      %dma_start3A_411 = arith.constant 0 : i32
      %dma_start3A_412 = arith.constant 0 : i32
      %dma_start3A_413 = tpu.memref_slice %arg6[%dma_start3A_401, %dma_start3A_402, %dma_start3A_411, %dma_start3A_412] : memref<2x32x8x64xf32, #tpu.memory_space<vmem>> -> memref<1x1x8x64xf32, #tpu.memory_space<vmem>>
      %dma_start3A_414 = tpu.memref_squeeze %dma_start3A_413 : memref<1x1x8x64xf32, #tpu.memory_space<vmem>> -> memref<8x64xf32, #tpu.memory_space<vmem>>
      %dma_start3A_415 = arith.constant 0 : i32
      %dma_start3A_416 = arith.constant 0 : i32
      %dma_start3A_417 = tpu.memref_slice %arg2[%squeeze3A_400, %dma_start3A_415, %dma_start3A_416] : memref<125000x8x64xf32, #tpu.memory_space<hbm>> -> memref<1x8x64xf32, #tpu.memory_space<hbm>>
      %dma_start3A_418 = tpu.memref_squeeze %dma_start3A_417 : memref<1x8x64xf32, #tpu.memory_space<hbm>> -> memref<8x64xf32, #tpu.memory_space<hbm>>
      tpu.enqueue_dma source(%dma_start3A_418 : memref<8x64xf32, #tpu.memory_space<hbm>>) target(%dma_start3A_414 : memref<8x64xf32, #tpu.memory_space<vmem>>) target_semaphore(%arg8 : memref<!tpu.dma_semaphore, #tpu.memory_space<semaphore_mem>>)
      %slice3A_419 = vector.extract_strided_slice %shift_right_arithmetic3A_398 {offsets = [1], sizes = [1], strides = [1]} : vector<16xi32> to vector<1xi32>
      %squeeze3A_420 = vector.extract %slice3A_419[0] : i32 from vector<1xi32>
      %dma_start3A_421 = arith.constant 0 : i32
      %dma_start3A_422 = arith.constant 17 : i32
      %dma_start3A_423 = arith.constant 0 : i32
      %dma_start3A_424 = arith.constant 0 : i32
      %dma_start3A_425 = tpu.memref_slice %arg6[%dma_start3A_421, %dma_start3A_422, %dma_start3A_423, %dma_start3A_424] : memref<2x32x8x64xf32, #tpu.memory_space<vmem>> -> memref<1x1x8x64xf32, #tpu.memory_space<vmem>>
      %dma_start3A_426 = tpu.memref_squeeze %dma_start3A_425 : memref<1x1x8x64xf32, #tpu.memory_space<vmem>> -> memref<8x64xf32, #tpu.memory_space<vmem>>
      %dma_start3A_427 = arith.constant 0 : i32
      %dma_start3A_428 = arith.constant 0 : i32
      %dma_start3A_429 = tpu.memref_slice %arg2[%squeeze3A_420, %dma_start3A_427, %dma_start3A_428] : memref<125000x8x64xf32, #tpu.memory_space<hbm>> -> memref<1x8x64xf32, #tpu.memory_space<hbm>>
      %dma_start3A_430 = tpu.memref_squeeze %dma_start3A_429 : memref<1x8x64xf32, #tpu.memory_space<hbm>> -> memref<8x64xf32, #tpu.memory_space<hbm>>
      %dma_start3A_431 = arith.constant 0 : i32
      %dma_start3A_432 = arith.constant 0 : i32
      %dma_start3A_433 = tpu.memref_slice %arg6[%dma_start3A_421, %dma_start3A_422, %dma_start3A_431, %dma_start3A_432] : memref<2x32x8x64xf32, #tpu.memory_space<vmem>> -> memref<1x1x8x64xf32, #tpu.memory_space<vmem>>
      %dma_start3A_434 = tpu.memref_squeeze %dma_start3A_433 : memref<1x1x8x64xf32, #tpu.memory_space<vmem>> -> memref<8x64xf32, #tpu.memory_space<vmem>>
      %dma_start3A_435 = arith.constant 0 : i32
      %dma_start3A_436 = arith.constant 0 : i32
      %dma_start3A_437 = tpu.memref_slice %arg2[%squeeze3A_420, %dma_start3A_435, %dma_start3A_436] : memref<125000x8x64xf32, #tpu.memory_space<hbm>> -> memref<1x8x64xf32, #tpu.memory_space<hbm>>
      %dma_start3A_438 = tpu.memref_squeeze %dma_start3A_437 : memref<1x8x64xf32, #tpu.memory_space<hbm>> -> memref<8x64xf32, #tpu.memory_space<hbm>>
      tpu.enqueue_dma source(%dma_start3A_438 : memref<8x64xf32, #tpu.memory_space<hbm>>) target(%dma_start3A_434 : memref<8x64xf32, #tpu.memory_space<vmem>>) target_semaphore(%arg8 : memref<!tpu.dma_semaphore, #tpu.memory_space<semaphore_mem>>)
      %slice3A_439 = vector.extract_strided_slice %shift_right_arithmetic3A_398 {offsets = [2], sizes = [1], strides = [1]} : vector<16xi32> to vector<1xi32>
      %squeeze3A_440 = vector.extract %slice3A_439[0] : i32 from vector<1xi32>
      %dma_start3A_441 = arith.constant 0 : i32
      %dma_start3A_442 = arith.constant 18 : i32
      %dma_start3A_443 = arith.constant 0 : i32
      %dma_start3A_444 = arith.constant 0 : i32
      %dma_start3A_445 = tpu.memref_slice %arg6[%dma_start3A_441, %dma_start3A_442, %dma_start3A_443, %dma_start3A_444] : memref<2x32x8x64xf32, #tpu.memory_space<vmem>> -> memref<1x1x8x64xf32, #tpu.memory_space<vmem>>
      %dma_start3A_446 = tpu.memref_squeeze %dma_start3A_445 : memref<1x1x8x64xf32, #tpu.memory_space<vmem>> -> memref<8x64xf32, #tpu.memory_space<vmem>>
      %dma_start3A_447 = arith.constant 0 : i32
      %dma_start3A_448 = arith.constant 0 : i32
      %dma_start3A_449 = tpu.memref_slice %arg2[%squeeze3A_440, %dma_start3A_447, %dma_start3A_448] : memref<125000x8x64xf32, #tpu.memory_space<hbm>> -> memref<1x8x64xf32, #tpu.memory_space<hbm>>
      %dma_start3A_450 = tpu.memref_squeeze %dma_start3A_449 : memref<1x8x64xf32, #tpu.memory_space<hbm>> -> memref<8x64xf32, #tpu.memory_space<hbm>>
      %dma_start3A_451 = arith.constant 0 : i32
      %dma_start3A_452 = arith.constant 0 : i32
      %dma_start3A_453 = tpu.memref_slice %arg6[%dma_start3A_441, %dma_start3A_442, %dma_start3A_451, %dma_start3A_452] : memref<2x32x8x64xf32, #tpu.memory_space<vmem>> -> memref<1x1x8x64xf32, #tpu.memory_space<vmem>>
      %dma_start3A_454 = tpu.memref_squeeze %dma_start3A_453 : memref<1x1x8x64xf32, #tpu.memory_space<vmem>> -> memref<8x64xf32, #tpu.memory_space<vmem>>
      %dma_start3A_455 = arith.constant 0 : i32
      %dma_start3A_456 = arith.constant 0 : i32
      %dma_start3A_457 = tpu.memref_slice %arg2[%squeeze3A_440, %dma_start3A_455, %dma_start3A_456] : memref<125000x8x64xf32, #tpu.memory_space<hbm>> -> memref<1x8x64xf32, #tpu.memory_space<hbm>>
      %dma_start3A_458 = tpu.memref_squeeze %dma_start3A_457 : memref<1x8x64xf32, #tpu.memory_space<hbm>> -> memref<8x64xf32, #tpu.memory_space<hbm>>
      tpu.enqueue_dma source(%dma_start3A_458 : memref<8x64xf32, #tpu.memory_space<hbm>>) target(%dma_start3A_454 : memref<8x64xf32, #tpu.memory_space<vmem>>) target_semaphore(%arg8 : memref<!tpu.dma_semaphore, #tpu.memory_space<semaphore_mem>>)
      %slice3A_459 = vector.extract_strided_slice %shift_right_arithmetic3A_398 {offsets = [3], sizes = [1], strides = [1]} : vector<16xi32> to vector<1xi32>
      %squeeze3A_460 = vector.extract %slice3A_459[0] : i32 from vector<1xi32>
      %dma_start3A_461 = arith.constant 0 : i32
      %dma_start3A_462 = arith.constant 19 : i32
      %dma_start3A_463 = arith.constant 0 : i32
      %dma_start3A_464 = arith.constant 0 : i32
      %dma_start3A_465 = tpu.memref_slice %arg6[%dma_start3A_461, %dma_start3A_462, %dma_start3A_463, %dma_start3A_464] : memref<2x32x8x64xf32, #tpu.memory_space<vmem>> -> memref<1x1x8x64xf32, #tpu.memory_space<vmem>>
      %dma_start3A_466 = tpu.memref_squeeze %dma_start3A_465 : memref<1x1x8x64xf32, #tpu.memory_space<vmem>> -> memref<8x64xf32, #tpu.memory_space<vmem>>
      %dma_start3A_467 = arith.constant 0 : i32
      %dma_start3A_468 = arith.constant 0 : i32
      %dma_start3A_469 = tpu.memref_slice %arg2[%squeeze3A_460, %dma_start3A_467, %dma_start3A_468] : memref<125000x8x64xf32, #tpu.memory_space<hbm>> -> memref<1x8x64xf32, #tpu.memory_space<hbm>>
      %dma_start3A_470 = tpu.memref_squeeze %dma_start3A_469 : memref<1x8x64xf32, #tpu.memory_space<hbm>> -> memref<8x64xf32, #tpu.memory_space<hbm>>
      %dma_start3A_471 = arith.constant 0 : i32
      %dma_start3A_472 = arith.constant 0 : i32
      %dma_start3A_473 = tpu.memref_slice %arg6[%dma_start3A_461, %dma_start3A_462, %dma_start3A_471, %dma_start3A_472] : memref<2x32x8x64xf32, #tpu.memory_space<vmem>> -> memref<1x1x8x64xf32, #tpu.memory_space<vmem>>
      %dma_start3A_474 = tpu.memref_squeeze %dma_start3A_473 : memref<1x1x8x64xf32, #tpu.memory_space<vmem>> -> memref<8x64xf32, #tpu.memory_space<vmem>>
      %dma_start3A_475 = arith.constant 0 : i32
      %dma_start3A_476 = arith.constant 0 : i32
      %dma_start3A_477 = tpu.memref_slice %arg2[%squeeze3A_460, %dma_start3A_475, %dma_start3A_476] : memref<125000x8x64xf32, #tpu.memory_space<hbm>> -> memref<1x8x64xf32, #tpu.memory_space<hbm>>
      %dma_start3A_478 = tpu.memref_squeeze %dma_start3A_477 : memref<1x8x64xf32, #tpu.memory_space<hbm>> -> memref<8x64xf32, #tpu.memory_space<hbm>>
      tpu.enqueue_dma source(%dma_start3A_478 : memref<8x64xf32, #tpu.memory_space<hbm>>) target(%dma_start3A_474 : memref<8x64xf32, #tpu.memory_space<vmem>>) target_semaphore(%arg8 : memref<!tpu.dma_semaphore, #tpu.memory_space<semaphore_mem>>)
      %slice3A_479 = vector.extract_strided_slice %shift_right_arithmetic3A_398 {offsets = [4], sizes = [1], strides = [1]} : vector<16xi32> to vector<1xi32>
      %squeeze3A_480 = vector.extract %slice3A_479[0] : i32 from vector<1xi32>
      %dma_start3A_481 = arith.constant 0 : i32
      %dma_start3A_482 = arith.constant 20 : i32
      %dma_start3A_483 = arith.constant 0 : i32
      %dma_start3A_484 = arith.constant 0 : i32
      %dma_start3A_485 = tpu.memref_slice %arg6[%dma_start3A_481, %dma_start3A_482, %dma_start3A_483, %dma_start3A_484] : memref<2x32x8x64xf32, #tpu.memory_space<vmem>> -> memref<1x1x8x64xf32, #tpu.memory_space<vmem>>
      %dma_start3A_486 = tpu.memref_squeeze %dma_start3A_485 : memref<1x1x8x64xf32, #tpu.memory_space<vmem>> -> memref<8x64xf32, #tpu.memory_space<vmem>>
      %dma_start3A_487 = arith.constant 0 : i32
      %dma_start3A_488 = arith.constant 0 : i32
      %dma_start3A_489 = tpu.memref_slice %arg2[%squeeze3A_480, %dma_start3A_487, %dma_start3A_488] : memref<125000x8x64xf32, #tpu.memory_space<hbm>> -> memref<1x8x64xf32, #tpu.memory_space<hbm>>
      %dma_start3A_490 = tpu.memref_squeeze %dma_start3A_489 : memref<1x8x64xf32, #tpu.memory_space<hbm>> -> memref<8x64xf32, #tpu.memory_space<hbm>>
      %dma_start3A_491 = arith.constant 0 : i32
      %dma_start3A_492 = arith.constant 0 : i32
      %dma_start3A_493 = tpu.memref_slice %arg6[%dma_start3A_481, %dma_start3A_482, %dma_start3A_491, %dma_start3A_492] : memref<2x32x8x64xf32, #tpu.memory_space<vmem>> -> memref<1x1x8x64xf32, #tpu.memory_space<vmem>>
      %dma_start3A_494 = tpu.memref_squeeze %dma_start3A_493 : memref<1x1x8x64xf32, #tpu.memory_space<vmem>> -> memref<8x64xf32, #tpu.memory_space<vmem>>
      %dma_start3A_495 = arith.constant 0 : i32
      %dma_start3A_496 = arith.constant 0 : i32
      %dma_start3A_497 = tpu.memref_slice %arg2[%squeeze3A_480, %dma_start3A_495, %dma_start3A_496] : memref<125000x8x64xf32, #tpu.memory_space<hbm>> -> memref<1x8x64xf32, #tpu.memory_space<hbm>>
      %dma_start3A_498 = tpu.memref_squeeze %dma_start3A_497 : memref<1x8x64xf32, #tpu.memory_space<hbm>> -> memref<8x64xf32, #tpu.memory_space<hbm>>
      tpu.enqueue_dma source(%dma_start3A_498 : memref<8x64xf32, #tpu.memory_space<hbm>>) target(%dma_start3A_494 : memref<8x64xf32, #tpu.memory_space<vmem>>) target_semaphore(%arg8 : memref<!tpu.dma_semaphore, #tpu.memory_space<semaphore_mem>>)
      %slice3A_499 = vector.extract_strided_slice %shift_right_arithmetic3A_398 {offsets = [5], sizes = [1], strides = [1]} : vector<16xi32> to vector<1xi32>
      %squeeze3A_500 = vector.extract %slice3A_499[0] : i32 from vector<1xi32>
      %dma_start3A_501 = arith.constant 0 : i32
      %dma_start3A_502 = arith.constant 21 : i32
      %dma_start3A_503 = arith.constant 0 : i32
      %dma_start3A_504 = arith.constant 0 : i32
      %dma_start3A_505 = tpu.memref_slice %arg6[%dma_start3A_501, %dma_start3A_502, %dma_start3A_503, %dma_start3A_504] : memref<2x32x8x64xf32, #tpu.memory_space<vmem>> -> memref<1x1x8x64xf32, #tpu.memory_space<vmem>>
      %dma_start3A_506 = tpu.memref_squeeze %dma_start3A_505 : memref<1x1x8x64xf32, #tpu.memory_space<vmem>> -> memref<8x64xf32, #tpu.memory_space<vmem>>
      %dma_start3A_507 = arith.constant 0 : i32
      %dma_start3A_508 = arith.constant 0 : i32
      %dma_start3A_509 = tpu.memref_slice %arg2[%squeeze3A_500, %dma_start3A_507, %dma_start3A_508] : memref<125000x8x64xf32, #tpu.memory_space<hbm>> -> memref<1x8x64xf32, #tpu.memory_space<hbm>>
      %dma_start3A_510 = tpu.memref_squeeze %dma_start3A_509 : memref<1x8x64xf32, #tpu.memory_space<hbm>> -> memref<8x64xf32, #tpu.memory_space<hbm>>
      %dma_start3A_511 = arith.constant 0 : i32
      %dma_start3A_512 = arith.constant 0 : i32
      %dma_start3A_513 = tpu.memref_slice %arg6[%dma_start3A_501, %dma_start3A_502, %dma_start3A_511, %dma_start3A_512] : memref<2x32x8x64xf32, #tpu.memory_space<vmem>> -> memref<1x1x8x64xf32, #tpu.memory_space<vmem>>
      %dma_start3A_514 = tpu.memref_squeeze %dma_start3A_513 : memref<1x1x8x64xf32, #tpu.memory_space<vmem>> -> memref<8x64xf32, #tpu.memory_space<vmem>>
      %dma_start3A_515 = arith.constant 0 : i32
      %dma_start3A_516 = arith.constant 0 : i32
      %dma_start3A_517 = tpu.memref_slice %arg2[%squeeze3A_500, %dma_start3A_515, %dma_start3A_516] : memref<125000x8x64xf32, #tpu.memory_space<hbm>> -> memref<1x8x64xf32, #tpu.memory_space<hbm>>
      %dma_start3A_518 = tpu.memref_squeeze %dma_start3A_517 : memref<1x8x64xf32, #tpu.memory_space<hbm>> -> memref<8x64xf32, #tpu.memory_space<hbm>>
      tpu.enqueue_dma source(%dma_start3A_518 : memref<8x64xf32, #tpu.memory_space<hbm>>) target(%dma_start3A_514 : memref<8x64xf32, #tpu.memory_space<vmem>>) target_semaphore(%arg8 : memref<!tpu.dma_semaphore, #tpu.memory_space<semaphore_mem>>)
      %slice3A_519 = vector.extract_strided_slice %shift_right_arithmetic3A_398 {offsets = [6], sizes = [1], strides = [1]} : vector<16xi32> to vector<1xi32>
      %squeeze3A_520 = vector.extract %slice3A_519[0] : i32 from vector<1xi32>
      %dma_start3A_521 = arith.constant 0 : i32
      %dma_start3A_522 = arith.constant 22 : i32
      %dma_start3A_523 = arith.constant 0 : i32
      %dma_start3A_524 = arith.constant 0 : i32
      %dma_start3A_525 = tpu.memref_slice %arg6[%dma_start3A_521, %dma_start3A_522, %dma_start3A_523, %dma_start3A_524] : memref<2x32x8x64xf32, #tpu.memory_space<vmem>> -> memref<1x1x8x64xf32, #tpu.memory_space<vmem>>
      %dma_start3A_526 = tpu.memref_squeeze %dma_start3A_525 : memref<1x1x8x64xf32, #tpu.memory_space<vmem>> -> memref<8x64xf32, #tpu.memory_space<vmem>>
      %dma_start3A_527 = arith.constant 0 : i32
      %dma_start3A_528 = arith.constant 0 : i32
      %dma_start3A_529 = tpu.memref_slice %arg2[%squeeze3A_520, %dma_start3A_527, %dma_start3A_528] : memref<125000x8x64xf32, #tpu.memory_space<hbm>> -> memref<1x8x64xf32, #tpu.memory_space<hbm>>
      %dma_start3A_530 = tpu.memref_squeeze %dma_start3A_529 : memref<1x8x64xf32, #tpu.memory_space<hbm>> -> memref<8x64xf32, #tpu.memory_space<hbm>>
      %dma_start3A_531 = arith.constant 0 : i32
      %dma_start3A_532 = arith.constant 0 : i32
      %dma_start3A_533 = tpu.memref_slice %arg6[%dma_start3A_521, %dma_start3A_522, %dma_start3A_531, %dma_start3A_532] : memref<2x32x8x64xf32, #tpu.memory_space<vmem>> -> memref<1x1x8x64xf32, #tpu.memory_space<vmem>>
      %dma_start3A_534 = tpu.memref_squeeze %dma_start3A_533 : memref<1x1x8x64xf32, #tpu.memory_space<vmem>> -> memref<8x64xf32, #tpu.memory_space<vmem>>
      %dma_start3A_535 = arith.constant 0 : i32
      %dma_start3A_536 = arith.constant 0 : i32
      %dma_start3A_537 = tpu.memref_slice %arg2[%squeeze3A_520, %dma_start3A_535, %dma_start3A_536] : memref<125000x8x64xf32, #tpu.memory_space<hbm>> -> memref<1x8x64xf32, #tpu.memory_space<hbm>>
      %dma_start3A_538 = tpu.memref_squeeze %dma_start3A_537 : memref<1x8x64xf32, #tpu.memory_space<hbm>> -> memref<8x64xf32, #tpu.memory_space<hbm>>
      tpu.enqueue_dma source(%dma_start3A_538 : memref<8x64xf32, #tpu.memory_space<hbm>>) target(%dma_start3A_534 : memref<8x64xf32, #tpu.memory_space<vmem>>) target_semaphore(%arg8 : memref<!tpu.dma_semaphore, #tpu.memory_space<semaphore_mem>>)
      %slice3A_539 = vector.extract_strided_slice %shift_right_arithmetic3A_398 {offsets = [7], sizes = [1], strides = [1]} : vector<16xi32> to vector<1xi32>
      %squeeze3A_540 = vector.extract %slice3A_539[0] : i32 from vector<1xi32>
      %dma_start3A_541 = arith.constant 0 : i32
      %dma_start3A_542 = arith.constant 23 : i32
      %dma_start3A_543 = arith.constant 0 : i32
      %dma_start3A_544 = arith.constant 0 : i32
      %dma_start3A_545 = tpu.memref_slice %arg6[%dma_start3A_541, %dma_start3A_542, %dma_start3A_543, %dma_start3A_544] : memref<2x32x8x64xf32, #tpu.memory_space<vmem>> -> memref<1x1x8x64xf32, #tpu.memory_space<vmem>>
      %dma_start3A_546 = tpu.memref_squeeze %dma_start3A_545 : memref<1x1x8x64xf32, #tpu.memory_space<vmem>> -> memref<8x64xf32, #tpu.memory_space<vmem>>
      %dma_start3A_547 = arith.constant 0 : i32
      %dma_start3A_548 = arith.constant 0 : i32
      %dma_start3A_549 = tpu.memref_slice %arg2[%squeeze3A_540, %dma_start3A_547, %dma_start3A_548] : memref<125000x8x64xf32, #tpu.memory_space<hbm>> -> memref<1x8x64xf32, #tpu.memory_space<hbm>>
      %dma_start3A_550 = tpu.memref_squeeze %dma_start3A_549 : memref<1x8x64xf32, #tpu.memory_space<hbm>> -> memref<8x64xf32, #tpu.memory_space<hbm>>
      %dma_start3A_551 = arith.constant 0 : i32
      %dma_start3A_552 = arith.constant 0 : i32
      %dma_start3A_553 = tpu.memref_slice %arg6[%dma_start3A_541, %dma_start3A_542, %dma_start3A_551, %dma_start3A_552] : memref<2x32x8x64xf32, #tpu.memory_space<vmem>> -> memref<1x1x8x64xf32, #tpu.memory_space<vmem>>
      %dma_start3A_554 = tpu.memref_squeeze %dma_start3A_553 : memref<1x1x8x64xf32, #tpu.memory_space<vmem>> -> memref<8x64xf32, #tpu.memory_space<vmem>>
      %dma_start3A_555 = arith.constant 0 : i32
      %dma_start3A_556 = arith.constant 0 : i32
      %dma_start3A_557 = tpu.memref_slice %arg2[%squeeze3A_540, %dma_start3A_555, %dma_start3A_556] : memref<125000x8x64xf32, #tpu.memory_space<hbm>> -> memref<1x8x64xf32, #tpu.memory_space<hbm>>
      %dma_start3A_558 = tpu.memref_squeeze %dma_start3A_557 : memref<1x8x64xf32, #tpu.memory_space<hbm>> -> memref<8x64xf32, #tpu.memory_space<hbm>>
      tpu.enqueue_dma source(%dma_start3A_558 : memref<8x64xf32, #tpu.memory_space<hbm>>) target(%dma_start3A_554 : memref<8x64xf32, #tpu.memory_space<vmem>>) target_semaphore(%arg8 : memref<!tpu.dma_semaphore, #tpu.memory_space<semaphore_mem>>)
      %slice3A_559 = vector.extract_strided_slice %shift_right_arithmetic3A_398 {offsets = [8], sizes = [1], strides = [1]} : vector<16xi32> to vector<1xi32>
      %squeeze3A_560 = vector.extract %slice3A_559[0] : i32 from vector<1xi32>
      %dma_start3A_561 = arith.constant 0 : i32
      %dma_start3A_562 = arith.constant 24 : i32
      %dma_start3A_563 = arith.constant 0 : i32
      %dma_start3A_564 = arith.constant 0 : i32
      %dma_start3A_565 = tpu.memref_slice %arg6[%dma_start3A_561, %dma_start3A_562, %dma_start3A_563, %dma_start3A_564] : memref<2x32x8x64xf32, #tpu.memory_space<vmem>> -> memref<1x1x8x64xf32, #tpu.memory_space<vmem>>
      %dma_start3A_566 = tpu.memref_squeeze %dma_start3A_565 : memref<1x1x8x64xf32, #tpu.memory_space<vmem>> -> memref<8x64xf32, #tpu.memory_space<vmem>>
      %dma_start3A_567 = arith.constant 0 : i32
      %dma_start3A_568 = arith.constant 0 : i32
      %dma_start3A_569 = tpu.memref_slice %arg2[%squeeze3A_560, %dma_start3A_567, %dma_start3A_568] : memref<125000x8x64xf32, #tpu.memory_space<hbm>> -> memref<1x8x64xf32, #tpu.memory_space<hbm>>
      %dma_start3A_570 = tpu.memref_squeeze %dma_start3A_569 : memref<1x8x64xf32, #tpu.memory_space<hbm>> -> memref<8x64xf32, #tpu.memory_space<hbm>>
      %dma_start3A_571 = arith.constant 0 : i32
      %dma_start3A_572 = arith.constant 0 : i32
      %dma_start3A_573 = tpu.memref_slice %arg6[%dma_start3A_561, %dma_start3A_562, %dma_start3A_571, %dma_start3A_572] : memref<2x32x8x64xf32, #tpu.memory_space<vmem>> -> memref<1x1x8x64xf32, #tpu.memory_space<vmem>>
      %dma_start3A_574 = tpu.memref_squeeze %dma_start3A_573 : memref<1x1x8x64xf32, #tpu.memory_space<vmem>> -> memref<8x64xf32, #tpu.memory_space<vmem>>
      %dma_start3A_575 = arith.constant 0 : i32
      %dma_start3A_576 = arith.constant 0 : i32
      %dma_start3A_577 = tpu.memref_slice %arg2[%squeeze3A_560, %dma_start3A_575, %dma_start3A_576] : memref<125000x8x64xf32, #tpu.memory_space<hbm>> -> memref<1x8x64xf32, #tpu.memory_space<hbm>>
      %dma_start3A_578 = tpu.memref_squeeze %dma_start3A_577 : memref<1x8x64xf32, #tpu.memory_space<hbm>> -> memref<8x64xf32, #tpu.memory_space<hbm>>
      tpu.enqueue_dma source(%dma_start3A_578 : memref<8x64xf32, #tpu.memory_space<hbm>>) target(%dma_start3A_574 : memref<8x64xf32, #tpu.memory_space<vmem>>) target_semaphore(%arg8 : memref<!tpu.dma_semaphore, #tpu.memory_space<semaphore_mem>>)
      %slice3A_579 = vector.extract_strided_slice %shift_right_arithmetic3A_398 {offsets = [9], sizes = [1], strides = [1]} : vector<16xi32> to vector<1xi32>
      %squeeze3A_580 = vector.extract %slice3A_579[0] : i32 from vector<1xi32>
      %dma_start3A_581 = arith.constant 0 : i32
      %dma_start3A_582 = arith.constant 25 : i32
      %dma_start3A_583 = arith.constant 0 : i32
      %dma_start3A_584 = arith.constant 0 : i32
      %dma_start3A_585 = tpu.memref_slice %arg6[%dma_start3A_581, %dma_start3A_582, %dma_start3A_583, %dma_start3A_584] : memref<2x32x8x64xf32, #tpu.memory_space<vmem>> -> memref<1x1x8x64xf32, #tpu.memory_space<vmem>>
      %dma_start3A_586 = tpu.memref_squeeze %dma_start3A_585 : memref<1x1x8x64xf32, #tpu.memory_space<vmem>> -> memref<8x64xf32, #tpu.memory_space<vmem>>
      %dma_start3A_587 = arith.constant 0 : i32
      %dma_start3A_588 = arith.constant 0 : i32
      %dma_start3A_589 = tpu.memref_slice %arg2[%squeeze3A_580, %dma_start3A_587, %dma_start3A_588] : memref<125000x8x64xf32, #tpu.memory_space<hbm>> -> memref<1x8x64xf32, #tpu.memory_space<hbm>>
      %dma_start3A_590 = tpu.memref_squeeze %dma_start3A_589 : memref<1x8x64xf32, #tpu.memory_space<hbm>> -> memref<8x64xf32, #tpu.memory_space<hbm>>
      %dma_start3A_591 = arith.constant 0 : i32
      %dma_start3A_592 = arith.constant 0 : i32
      %dma_start3A_593 = tpu.memref_slice %arg6[%dma_start3A_581, %dma_start3A_582, %dma_start3A_591, %dma_start3A_592] : memref<2x32x8x64xf32, #tpu.memory_space<vmem>> -> memref<1x1x8x64xf32, #tpu.memory_space<vmem>>
      %dma_start3A_594 = tpu.memref_squeeze %dma_start3A_593 : memref<1x1x8x64xf32, #tpu.memory_space<vmem>> -> memref<8x64xf32, #tpu.memory_space<vmem>>
      %dma_start3A_595 = arith.constant 0 : i32
      %dma_start3A_596 = arith.constant 0 : i32
      %dma_start3A_597 = tpu.memref_slice %arg2[%squeeze3A_580, %dma_start3A_595, %dma_start3A_596] : memref<125000x8x64xf32, #tpu.memory_space<hbm>> -> memref<1x8x64xf32, #tpu.memory_space<hbm>>
      %dma_start3A_598 = tpu.memref_squeeze %dma_start3A_597 : memref<1x8x64xf32, #tpu.memory_space<hbm>> -> memref<8x64xf32, #tpu.memory_space<hbm>>
      tpu.enqueue_dma source(%dma_start3A_598 : memref<8x64xf32, #tpu.memory_space<hbm>>) target(%dma_start3A_594 : memref<8x64xf32, #tpu.memory_space<vmem>>) target_semaphore(%arg8 : memref<!tpu.dma_semaphore, #tpu.memory_space<semaphore_mem>>)
      %slice3A_599 = vector.extract_strided_slice %shift_right_arithmetic3A_398 {offsets = [10], sizes = [1], strides = [1]} : vector<16xi32> to vector<1xi32>
      %squeeze3A_600 = vector.extract %slice3A_599[0] : i32 from vector<1xi32>
      %dma_start3A_601 = arith.constant 0 : i32
      %dma_start3A_602 = arith.constant 26 : i32
      %dma_start3A_603 = arith.constant 0 : i32
      %dma_start3A_604 = arith.constant 0 : i32
      %dma_start3A_605 = tpu.memref_slice %arg6[%dma_start3A_601, %dma_start3A_602, %dma_start3A_603, %dma_start3A_604] : memref<2x32x8x64xf32, #tpu.memory_space<vmem>> -> memref<1x1x8x64xf32, #tpu.memory_space<vmem>>
      %dma_start3A_606 = tpu.memref_squeeze %dma_start3A_605 : memref<1x1x8x64xf32, #tpu.memory_space<vmem>> -> memref<8x64xf32, #tpu.memory_space<vmem>>
      %dma_start3A_607 = arith.constant 0 : i32
      %dma_start3A_608 = arith.constant 0 : i32
      %dma_start3A_609 = tpu.memref_slice %arg2[%squeeze3A_600, %dma_start3A_607, %dma_start3A_608] : memref<125000x8x64xf32, #tpu.memory_space<hbm>> -> memref<1x8x64xf32, #tpu.memory_space<hbm>>
      %dma_start3A_610 = tpu.memref_squeeze %dma_start3A_609 : memref<1x8x64xf32, #tpu.memory_space<hbm>> -> memref<8x64xf32, #tpu.memory_space<hbm>>
      %dma_start3A_611 = arith.constant 0 : i32
      %dma_start3A_612 = arith.constant 0 : i32
      %dma_start3A_613 = tpu.memref_slice %arg6[%dma_start3A_601, %dma_start3A_602, %dma_start3A_611, %dma_start3A_612] : memref<2x32x8x64xf32, #tpu.memory_space<vmem>> -> memref<1x1x8x64xf32, #tpu.memory_space<vmem>>
      %dma_start3A_614 = tpu.memref_squeeze %dma_start3A_613 : memref<1x1x8x64xf32, #tpu.memory_space<vmem>> -> memref<8x64xf32, #tpu.memory_space<vmem>>
      %dma_start3A_615 = arith.constant 0 : i32
      %dma_start3A_616 = arith.constant 0 : i32
      %dma_start3A_617 = tpu.memref_slice %arg2[%squeeze3A_600, %dma_start3A_615, %dma_start3A_616] : memref<125000x8x64xf32, #tpu.memory_space<hbm>> -> memref<1x8x64xf32, #tpu.memory_space<hbm>>
      %dma_start3A_618 = tpu.memref_squeeze %dma_start3A_617 : memref<1x8x64xf32, #tpu.memory_space<hbm>> -> memref<8x64xf32, #tpu.memory_space<hbm>>
      tpu.enqueue_dma source(%dma_start3A_618 : memref<8x64xf32, #tpu.memory_space<hbm>>) target(%dma_start3A_614 : memref<8x64xf32, #tpu.memory_space<vmem>>) target_semaphore(%arg8 : memref<!tpu.dma_semaphore, #tpu.memory_space<semaphore_mem>>)
      %slice3A_619 = vector.extract_strided_slice %shift_right_arithmetic3A_398 {offsets = [11], sizes = [1], strides = [1]} : vector<16xi32> to vector<1xi32>
      %squeeze3A_620 = vector.extract %slice3A_619[0] : i32 from vector<1xi32>
      %dma_start3A_621 = arith.constant 0 : i32
      %dma_start3A_622 = arith.constant 27 : i32
      %dma_start3A_623 = arith.constant 0 : i32
      %dma_start3A_624 = arith.constant 0 : i32
      %dma_start3A_625 = tpu.memref_slice %arg6[%dma_start3A_621, %dma_start3A_622, %dma_start3A_623, %dma_start3A_624] : memref<2x32x8x64xf32, #tpu.memory_space<vmem>> -> memref<1x1x8x64xf32, #tpu.memory_space<vmem>>
      %dma_start3A_626 = tpu.memref_squeeze %dma_start3A_625 : memref<1x1x8x64xf32, #tpu.memory_space<vmem>> -> memref<8x64xf32, #tpu.memory_space<vmem>>
      %dma_start3A_627 = arith.constant 0 : i32
      %dma_start3A_628 = arith.constant 0 : i32
      %dma_start3A_629 = tpu.memref_slice %arg2[%squeeze3A_620, %dma_start3A_627, %dma_start3A_628] : memref<125000x8x64xf32, #tpu.memory_space<hbm>> -> memref<1x8x64xf32, #tpu.memory_space<hbm>>
      %dma_start3A_630 = tpu.memref_squeeze %dma_start3A_629 : memref<1x8x64xf32, #tpu.memory_space<hbm>> -> memref<8x64xf32, #tpu.memory_space<hbm>>
      %dma_start3A_631 = arith.constant 0 : i32
      %dma_start3A_632 = arith.constant 0 : i32
      %dma_start3A_633 = tpu.memref_slice %arg6[%dma_start3A_621, %dma_start3A_622, %dma_start3A_631, %dma_start3A_632] : memref<2x32x8x64xf32, #tpu.memory_space<vmem>> -> memref<1x1x8x64xf32, #tpu.memory_space<vmem>>
      %dma_start3A_634 = tpu.memref_squeeze %dma_start3A_633 : memref<1x1x8x64xf32, #tpu.memory_space<vmem>> -> memref<8x64xf32, #tpu.memory_space<vmem>>
      %dma_start3A_635 = arith.constant 0 : i32
      %dma_start3A_636 = arith.constant 0 : i32
      %dma_start3A_637 = tpu.memref_slice %arg2[%squeeze3A_620, %dma_start3A_635, %dma_start3A_636] : memref<125000x8x64xf32, #tpu.memory_space<hbm>> -> memref<1x8x64xf32, #tpu.memory_space<hbm>>
      %dma_start3A_638 = tpu.memref_squeeze %dma_start3A_637 : memref<1x8x64xf32, #tpu.memory_space<hbm>> -> memref<8x64xf32, #tpu.memory_space<hbm>>
      tpu.enqueue_dma source(%dma_start3A_638 : memref<8x64xf32, #tpu.memory_space<hbm>>) target(%dma_start3A_634 : memref<8x64xf32, #tpu.memory_space<vmem>>) target_semaphore(%arg8 : memref<!tpu.dma_semaphore, #tpu.memory_space<semaphore_mem>>)
      %slice3A_639 = vector.extract_strided_slice %shift_right_arithmetic3A_398 {offsets = [12], sizes = [1], strides = [1]} : vector<16xi32> to vector<1xi32>
      %squeeze3A_640 = vector.extract %slice3A_639[0] : i32 from vector<1xi32>
      %dma_start3A_641 = arith.constant 0 : i32
      %dma_start3A_642 = arith.constant 28 : i32
      %dma_start3A_643 = arith.constant 0 : i32
      %dma_start3A_644 = arith.constant 0 : i32
      %dma_start3A_645 = tpu.memref_slice %arg6[%dma_start3A_641, %dma_start3A_642, %dma_start3A_643, %dma_start3A_644] : memref<2x32x8x64xf32, #tpu.memory_space<vmem>> -> memref<1x1x8x64xf32, #tpu.memory_space<vmem>>
      %dma_start3A_646 = tpu.memref_squeeze %dma_start3A_645 : memref<1x1x8x64xf32, #tpu.memory_space<vmem>> -> memref<8x64xf32, #tpu.memory_space<vmem>>
      %dma_start3A_647 = arith.constant 0 : i32
      %dma_start3A_648 = arith.constant 0 : i32
      %dma_start3A_649 = tpu.memref_slice %arg2[%squeeze3A_640, %dma_start3A_647, %dma_start3A_648] : memref<125000x8x64xf32, #tpu.memory_space<hbm>> -> memref<1x8x64xf32, #tpu.memory_space<hbm>>
      %dma_start3A_650 = tpu.memref_squeeze %dma_start3A_649 : memref<1x8x64xf32, #tpu.memory_space<hbm>> -> memref<8x64xf32, #tpu.memory_space<hbm>>
      %dma_start3A_651 = arith.constant 0 : i32
      %dma_start3A_652 = arith.constant 0 : i32
      %dma_start3A_653 = tpu.memref_slice %arg6[%dma_start3A_641, %dma_start3A_642, %dma_start3A_651, %dma_start3A_652] : memref<2x32x8x64xf32, #tpu.memory_space<vmem>> -> memref<1x1x8x64xf32, #tpu.memory_space<vmem>>
      %dma_start3A_654 = tpu.memref_squeeze %dma_start3A_653 : memref<1x1x8x64xf32, #tpu.memory_space<vmem>> -> memref<8x64xf32, #tpu.memory_space<vmem>>
      %dma_start3A_655 = arith.constant 0 : i32
      %dma_start3A_656 = arith.constant 0 : i32
      %dma_start3A_657 = tpu.memref_slice %arg2[%squeeze3A_640, %dma_start3A_655, %dma_start3A_656] : memref<125000x8x64xf32, #tpu.memory_space<hbm>> -> memref<1x8x64xf32, #tpu.memory_space<hbm>>
      %dma_start3A_658 = tpu.memref_squeeze %dma_start3A_657 : memref<1x8x64xf32, #tpu.memory_space<hbm>> -> memref<8x64xf32, #tpu.memory_space<hbm>>
      tpu.enqueue_dma source(%dma_start3A_658 : memref<8x64xf32, #tpu.memory_space<hbm>>) target(%dma_start3A_654 : memref<8x64xf32, #tpu.memory_space<vmem>>) target_semaphore(%arg8 : memref<!tpu.dma_semaphore, #tpu.memory_space<semaphore_mem>>)
      %slice3A_659 = vector.extract_strided_slice %shift_right_arithmetic3A_398 {offsets = [13], sizes = [1], strides = [1]} : vector<16xi32> to vector<1xi32>
      %squeeze3A_660 = vector.extract %slice3A_659[0] : i32 from vector<1xi32>
      %dma_start3A_661 = arith.constant 0 : i32
      %dma_start3A_662 = arith.constant 29 : i32
      %dma_start3A_663 = arith.constant 0 : i32
      %dma_start3A_664 = arith.constant 0 : i32
      %dma_start3A_665 = tpu.memref_slice %arg6[%dma_start3A_661, %dma_start3A_662, %dma_start3A_663, %dma_start3A_664] : memref<2x32x8x64xf32, #tpu.memory_space<vmem>> -> memref<1x1x8x64xf32, #tpu.memory_space<vmem>>
      %dma_start3A_666 = tpu.memref_squeeze %dma_start3A_665 : memref<1x1x8x64xf32, #tpu.memory_space<vmem>> -> memref<8x64xf32, #tpu.memory_space<vmem>>
      %dma_start3A_667 = arith.constant 0 : i32
      %dma_start3A_668 = arith.constant 0 : i32
      %dma_start3A_669 = tpu.memref_slice %arg2[%squeeze3A_660, %dma_start3A_667, %dma_start3A_668] : memref<125000x8x64xf32, #tpu.memory_space<hbm>> -> memref<1x8x64xf32, #tpu.memory_space<hbm>>
      %dma_start3A_670 = tpu.memref_squeeze %dma_start3A_669 : memref<1x8x64xf32, #tpu.memory_space<hbm>> -> memref<8x64xf32, #tpu.memory_space<hbm>>
      %dma_start3A_671 = arith.constant 0 : i32
      %dma_start3A_672 = arith.constant 0 : i32
      %dma_start3A_673 = tpu.memref_slice %arg6[%dma_start3A_661, %dma_start3A_662, %dma_start3A_671, %dma_start3A_672] : memref<2x32x8x64xf32, #tpu.memory_space<vmem>> -> memref<1x1x8x64xf32, #tpu.memory_space<vmem>>
      %dma_start3A_674 = tpu.memref_squeeze %dma_start3A_673 : memref<1x1x8x64xf32, #tpu.memory_space<vmem>> -> memref<8x64xf32, #tpu.memory_space<vmem>>
      %dma_start3A_675 = arith.constant 0 : i32
      %dma_start3A_676 = arith.constant 0 : i32
      %dma_start3A_677 = tpu.memref_slice %arg2[%squeeze3A_660, %dma_start3A_675, %dma_start3A_676] : memref<125000x8x64xf32, #tpu.memory_space<hbm>> -> memref<1x8x64xf32, #tpu.memory_space<hbm>>
      %dma_start3A_678 = tpu.memref_squeeze %dma_start3A_677 : memref<1x8x64xf32, #tpu.memory_space<hbm>> -> memref<8x64xf32, #tpu.memory_space<hbm>>
      tpu.enqueue_dma source(%dma_start3A_678 : memref<8x64xf32, #tpu.memory_space<hbm>>) target(%dma_start3A_674 : memref<8x64xf32, #tpu.memory_space<vmem>>) target_semaphore(%arg8 : memref<!tpu.dma_semaphore, #tpu.memory_space<semaphore_mem>>)
      %slice3A_679 = vector.extract_strided_slice %shift_right_arithmetic3A_398 {offsets = [14], sizes = [1], strides = [1]} : vector<16xi32> to vector<1xi32>
      %squeeze3A_680 = vector.extract %slice3A_679[0] : i32 from vector<1xi32>
      %dma_start3A_681 = arith.constant 0 : i32
      %dma_start3A_682 = arith.constant 30 : i32
      %dma_start3A_683 = arith.constant 0 : i32
      %dma_start3A_684 = arith.constant 0 : i32
      %dma_start3A_685 = tpu.memref_slice %arg6[%dma_start3A_681, %dma_start3A_682, %dma_start3A_683, %dma_start3A_684] : memref<2x32x8x64xf32, #tpu.memory_space<vmem>> -> memref<1x1x8x64xf32, #tpu.memory_space<vmem>>
      %dma_start3A_686 = tpu.memref_squeeze %dma_start3A_685 : memref<1x1x8x64xf32, #tpu.memory_space<vmem>> -> memref<8x64xf32, #tpu.memory_space<vmem>>
      %dma_start3A_687 = arith.constant 0 : i32
      %dma_start3A_688 = arith.constant 0 : i32
      %dma_start3A_689 = tpu.memref_slice %arg2[%squeeze3A_680, %dma_start3A_687, %dma_start3A_688] : memref<125000x8x64xf32, #tpu.memory_space<hbm>> -> memref<1x8x64xf32, #tpu.memory_space<hbm>>
      %dma_start3A_690 = tpu.memref_squeeze %dma_start3A_689 : memref<1x8x64xf32, #tpu.memory_space<hbm>> -> memref<8x64xf32, #tpu.memory_space<hbm>>
      %dma_start3A_691 = arith.constant 0 : i32
      %dma_start3A_692 = arith.constant 0 : i32
      %dma_start3A_693 = tpu.memref_slice %arg6[%dma_start3A_681, %dma_start3A_682, %dma_start3A_691, %dma_start3A_692] : memref<2x32x8x64xf32, #tpu.memory_space<vmem>> -> memref<1x1x8x64xf32, #tpu.memory_space<vmem>>
      %dma_start3A_694 = tpu.memref_squeeze %dma_start3A_693 : memref<1x1x8x64xf32, #tpu.memory_space<vmem>> -> memref<8x64xf32, #tpu.memory_space<vmem>>
      %dma_start3A_695 = arith.constant 0 : i32
      %dma_start3A_696 = arith.constant 0 : i32
      %dma_start3A_697 = tpu.memref_slice %arg2[%squeeze3A_680, %dma_start3A_695, %dma_start3A_696] : memref<125000x8x64xf32, #tpu.memory_space<hbm>> -> memref<1x8x64xf32, #tpu.memory_space<hbm>>
      %dma_start3A_698 = tpu.memref_squeeze %dma_start3A_697 : memref<1x8x64xf32, #tpu.memory_space<hbm>> -> memref<8x64xf32, #tpu.memory_space<hbm>>
      tpu.enqueue_dma source(%dma_start3A_698 : memref<8x64xf32, #tpu.memory_space<hbm>>) target(%dma_start3A_694 : memref<8x64xf32, #tpu.memory_space<vmem>>) target_semaphore(%arg8 : memref<!tpu.dma_semaphore, #tpu.memory_space<semaphore_mem>>)
      %slice3A_699 = vector.extract_strided_slice %shift_right_arithmetic3A_398 {offsets = [15], sizes = [1], strides = [1]} : vector<16xi32> to vector<1xi32>
      %squeeze3A_700 = vector.extract %slice3A_699[0] : i32 from vector<1xi32>
      %dma_start3A_701 = arith.constant 0 : i32
      %dma_start3A_702 = arith.constant 31 : i32
      %dma_start3A_703 = arith.constant 0 : i32
      %dma_start3A_704 = arith.constant 0 : i32
      %dma_start3A_705 = tpu.memref_slice %arg6[%dma_start3A_701, %dma_start3A_702, %dma_start3A_703, %dma_start3A_704] : memref<2x32x8x64xf32, #tpu.memory_space<vmem>> -> memref<1x1x8x64xf32, #tpu.memory_space<vmem>>
      %dma_start3A_706 = tpu.memref_squeeze %dma_start3A_705 : memref<1x1x8x64xf32, #tpu.memory_space<vmem>> -> memref<8x64xf32, #tpu.memory_space<vmem>>
      %dma_start3A_707 = arith.constant 0 : i32
      %dma_start3A_708 = arith.constant 0 : i32
      %dma_start3A_709 = tpu.memref_slice %arg2[%squeeze3A_700, %dma_start3A_707, %dma_start3A_708] : memref<125000x8x64xf32, #tpu.memory_space<hbm>> -> memref<1x8x64xf32, #tpu.memory_space<hbm>>
      %dma_start3A_710 = tpu.memref_squeeze %dma_start3A_709 : memref<1x8x64xf32, #tpu.memory_space<hbm>> -> memref<8x64xf32, #tpu.memory_space<hbm>>
      %dma_start3A_711 = arith.constant 0 : i32
      %dma_start3A_712 = arith.constant 0 : i32
      %dma_start3A_713 = tpu.memref_slice %arg6[%dma_start3A_701, %dma_start3A_702, %dma_start3A_711, %dma_start3A_712] : memref<2x32x8x64xf32, #tpu.memory_space<vmem>> -> memref<1x1x8x64xf32, #tpu.memory_space<vmem>>
      %dma_start3A_714 = tpu.memref_squeeze %dma_start3A_713 : memref<1x1x8x64xf32, #tpu.memory_space<vmem>> -> memref<8x64xf32, #tpu.memory_space<vmem>>
      %dma_start3A_715 = arith.constant 0 : i32
      %dma_start3A_716 = arith.constant 0 : i32
      %dma_start3A_717 = tpu.memref_slice %arg2[%squeeze3A_700, %dma_start3A_715, %dma_start3A_716] : memref<125000x8x64xf32, #tpu.memory_space<hbm>> -> memref<1x8x64xf32, #tpu.memory_space<hbm>>
      %dma_start3A_718 = tpu.memref_squeeze %dma_start3A_717 : memref<1x8x64xf32, #tpu.memory_space<hbm>> -> memref<8x64xf32, #tpu.memory_space<hbm>>
      tpu.enqueue_dma source(%dma_start3A_718 : memref<8x64xf32, #tpu.memory_space<hbm>>) target(%dma_start3A_714 : memref<8x64xf32, #tpu.memory_space<vmem>>) target_semaphore(%arg8 : memref<!tpu.dma_semaphore, #tpu.memory_space<semaphore_mem>>)
      %ge3A = arith.constant 2 : i32
      %ge3A_719 = arith.cmpi sge, %add3A_62, %ge3A : i32
      %convert_element_type3A = arith.extui %ge3A_719 : i1 to i32
      %cond3A = arith.constant 0 : i32
      %cond3A_720 = arith.cmpi ne, %convert_element_type3A, %cond3A : i32
      scf.if %cond3A_720 {
        %dma_wait3A_1444 = arith.constant 1 : i32
        %dma_wait3A_1445 = arith.constant 0 : i32
        %dma_wait3A_1446 = arith.constant 0 : i32
        %dma_wait3A_1447 = arith.constant 0 : i32
        %dma_wait3A_1448 = tpu.memref_slice %arg6[%dma_wait3A_1444, %dma_wait3A_1445, %dma_wait3A_1446, %dma_wait3A_1447] : memref<2x32x8x64xf32, #tpu.memory_space<vmem>> -> memref<1x32x8x64xf32, #tpu.memory_space<vmem>>
        %dma_wait3A_1449 = tpu.memref_squeeze %dma_wait3A_1448 : memref<1x32x8x64xf32, #tpu.memory_space<vmem>> -> memref<32x8x64xf32, #tpu.memory_space<vmem>>
        %dma_wait3A_1450 = arith.constant 0 : i32
        %dma_wait3A_1451 = arith.constant 0 : i32
        %dma_wait3A_1452 = arith.constant 0 : i32
        %dma_wait3A_1453 = tpu.memref_slice %arg2[%dma_wait3A_1450, %dma_wait3A_1451, %dma_wait3A_1452] : memref<125000x8x64xf32, #tpu.memory_space<hbm>> -> memref<32x8x64xf32, #tpu.memory_space<hbm>>
        %dma_wait3A_1454 = arith.constant 0 : i32
        %dma_wait3A_1455 = arith.constant 0 : i32
        %dma_wait3A_1456 = arith.constant 0 : i32
        %dma_wait3A_1457 = tpu.memref_slice %arg6[%dma_wait3A_1444, %dma_wait3A_1454, %dma_wait3A_1455, %dma_wait3A_1456] : memref<2x32x8x64xf32, #tpu.memory_space<vmem>> -> memref<1x32x8x64xf32, #tpu.memory_space<vmem>>
        %dma_wait3A_1458 = tpu.memref_squeeze %dma_wait3A_1457 : memref<1x32x8x64xf32, #tpu.memory_space<vmem>> -> memref<32x8x64xf32, #tpu.memory_space<vmem>>
        %dma_wait3A_1459 = arith.constant 0 : i32
        %dma_wait3A_1460 = arith.constant 0 : i32
        %dma_wait3A_1461 = arith.constant 0 : i32
        %dma_wait3A_1462 = tpu.memref_slice %arg2[%dma_wait3A_1459, %dma_wait3A_1460, %dma_wait3A_1461] : memref<125000x8x64xf32, #tpu.memory_space<hbm>> -> memref<32x8x64xf32, #tpu.memory_space<hbm>>
        tpu.wait_dma2 semaphore(%arg9 : memref<!tpu.dma_semaphore, #tpu.memory_space<semaphore_mem>>) src(%dma_wait3A_1462 : memref<32x8x64xf32, #tpu.memory_space<hbm>>) dst(%dma_wait3A_1458 : memref<32x8x64xf32, #tpu.memory_space<vmem>>)
        %sub3A = arith.constant 1 : i32
        %sub3A_1463 = arith.subi %add3A_62, %sub3A : i32
        %broadcast_in_dim3A_1464 = arith.constant 0 : i32
        %broadcast_in_dim3A_1465 = vector.broadcast %broadcast_in_dim3A_1464 : i32 to vector<16xi32>
        %mul3A_1466 = arith.constant 32 : i32
        %mul3A_1467 = arith.muli %sub3A_1463, %mul3A_1466 : i32
        %add3A_1468 = arith.constant 0 : i32
        %add3A_1469 = arith.addi %mul3A_1467, %add3A_1468 : i32
        %multiple_of3A_1470 = tpu.assume_multiple %add3A_1469, 16 : i32
        %get3A_1471 = arith.index_cast %multiple_of3A_1470 : i32 to index
        %get3A_1472 = tpu.vector_load %arg5[%get3A_1471] {strides = array<i32>} : memref<512xi32, #tpu.memory_space<vmem>>, vector<16xi32>,
        %rem3A_1473 = arith.constant 8 : i32
        %rem3A_1474 = vector.broadcast %rem3A_1473 : i32 to vector<16xi32>
        %rem3A_1475 = arith.remsi %get3A_1472, %rem3A_1474 : vector<16xi32>
        %add3A_1476 = vector.broadcast %multiple_of3A_1470 : i32 to vector<16xi32>
        %add3A_1477 = arith.addi %add3A_1476, %iota3A : vector<16xi32>
        %add3A_1478 = arith.constant 0 : i32
        %add3A_1479 = vector.broadcast %add3A_1478 : i32 to vector<16xi32>
        %add3A_1480 = arith.addi %add3A_1479, %iota3A : vector<16xi32>
        %scan3A_1481 = arith.constant 0 : i32
        %scan3A_1482 = arith.constant 64 : i32
        %scan3A_1483 = arith.addi %scan3A_1481, %scan3A_1482 : i32
        %scan3A_1484 = arith.constant 8 : i32
        scf.for %scan3A_1506 = %scan3A_1481 to %scan3A_1483 step %scan3A_1484  : i32 {
          %mul3A_1507 = arith.constant 1 : i32
          %mul3A_1508 = arith.muli %scan3A_1506, %mul3A_1507 : i32
          %add3A_1509 = arith.constant 0 : i32
          %add3A_1510 = arith.addi %add3A_1509, %mul3A_1508 : i32
          %add3A_1511 = vector.broadcast %add3A_1510 : i32 to vector<16xi32>
          %add3A_1512 = arith.addi %broadcast_in_dim3A_1465, %add3A_1511 : vector<16xi32>
          %gather3A = arith.constant 1 : i32
          %gather3A_1513 = arith.constant 0 : i32
          %gather3A_1514 = arith.constant 0 : i32
          %gather3A_1515 = arith.constant 0 : i32
          %gather3A_1516 = tpu.memref_slice %arg6[%gather3A, %gather3A_1513, %gather3A_1514, %gather3A_1515] : memref<2x32x8x64xf32, #tpu.memory_space<vmem>> -> memref<1x32x8x64xf32, #tpu.memory_space<vmem>>
          %gather3A_1517 = tpu.memref_squeeze %gather3A_1516 : memref<1x32x8x64xf32, #tpu.memory_space<vmem>> -> memref<32x8x64xf32, #tpu.memory_space<vmem>>
          %gather3A_1518 = tpu.vector_load_idx %gather3A_1517[%add3A_1480, %rem3A_1475, %add3A_1512] : memref<32x8x64xf32, #tpu.memory_space<vmem>>[vector<16xi32>, vector<16xi32>, vector<16xi32>], vector<16xf32>,
          tpu.vector_store_idx %arg7[%add3A_1512, %add3A_1477], %gather3A_1518 : memref<64x512xf32, #tpu.memory_space<vmem>>[vector<16xi32>, vector<16xi32>], vector<16xf32>,
          %scan3A_1519 = arith.constant 1 : i32
          %scan3A_1520 = arith.addi %scan3A_1506, %scan3A_1519 : i32
          %mul3A_1521 = arith.constant 1 : i32
          %mul3A_1522 = arith.muli %scan3A_1520, %mul3A_1521 : i32
          %add3A_1523 = arith.constant 0 : i32
          %add3A_1524 = arith.addi %add3A_1523, %mul3A_1522 : i32
          %add3A_1525 = vector.broadcast %add3A_1524 : i32 to vector<16xi32>
          %add3A_1526 = arith.addi %broadcast_in_dim3A_1465, %add3A_1525 : vector<16xi32>
          %gather3A_1527 = arith.constant 1 : i32
          %gather3A_1528 = arith.constant 0 : i32
          %gather3A_1529 = arith.constant 0 : i32
          %gather3A_1530 = arith.constant 0 : i32
          %gather3A_1531 = tpu.memref_slice %arg6[%gather3A_1527, %gather3A_1528, %gather3A_1529, %gather3A_1530] : memref<2x32x8x64xf32, #tpu.memory_space<vmem>> -> memref<1x32x8x64xf32, #tpu.memory_space<vmem>>
          %gather3A_1532 = tpu.memref_squeeze %gather3A_1531 : memref<1x32x8x64xf32, #tpu.memory_space<vmem>> -> memref<32x8x64xf32, #tpu.memory_space<vmem>>
          %gather3A_1533 = tpu.vector_load_idx %gather3A_1532[%add3A_1480, %rem3A_1475, %add3A_1526] : memref<32x8x64xf32, #tpu.memory_space<vmem>>[vector<16xi32>, vector<16xi32>, vector<16xi32>], vector<16xf32>,
          tpu.vector_store_idx %arg7[%add3A_1526, %add3A_1477], %gather3A_1533 : memref<64x512xf32, #tpu.memory_space<vmem>>[vector<16xi32>, vector<16xi32>], vector<16xf32>,
          %scan3A_1534 = arith.constant 2 : i32
          %scan3A_1535 = arith.addi %scan3A_1506, %scan3A_1534 : i32
          %mul3A_1536 = arith.constant 1 : i32
          %mul3A_1537 = arith.muli %scan3A_1535, %mul3A_1536 : i32
          %add3A_1538 = arith.constant 0 : i32
          %add3A_1539 = arith.addi %add3A_1538, %mul3A_1537 : i32
          %add3A_1540 = vector.broadcast %add3A_1539 : i32 to vector<16xi32>
          %add3A_1541 = arith.addi %broadcast_in_dim3A_1465, %add3A_1540 : vector<16xi32>
          %gather3A_1542 = arith.constant 1 : i32
          %gather3A_1543 = arith.constant 0 : i32
          %gather3A_1544 = arith.constant 0 : i32
          %gather3A_1545 = arith.constant 0 : i32
          %gather3A_1546 = tpu.memref_slice %arg6[%gather3A_1542, %gather3A_1543, %gather3A_1544, %gather3A_1545] : memref<2x32x8x64xf32, #tpu.memory_space<vmem>> -> memref<1x32x8x64xf32, #tpu.memory_space<vmem>>
          %gather3A_1547 = tpu.memref_squeeze %gather3A_1546 : memref<1x32x8x64xf32, #tpu.memory_space<vmem>> -> memref<32x8x64xf32, #tpu.memory_space<vmem>>
          %gather3A_1548 = tpu.vector_load_idx %gather3A_1547[%add3A_1480, %rem3A_1475, %add3A_1541] : memref<32x8x64xf32, #tpu.memory_space<vmem>>[vector<16xi32>, vector<16xi32>, vector<16xi32>], vector<16xf32>,
          tpu.vector_store_idx %arg7[%add3A_1541, %add3A_1477], %gather3A_1548 : memref<64x512xf32, #tpu.memory_space<vmem>>[vector<16xi32>, vector<16xi32>], vector<16xf32>,
          %scan3A_1549 = arith.constant 3 : i32
          %scan3A_1550 = arith.addi %scan3A_1506, %scan3A_1549 : i32
          %mul3A_1551 = arith.constant 1 : i32
          %mul3A_1552 = arith.muli %scan3A_1550, %mul3A_1551 : i32
          %add3A_1553 = arith.constant 0 : i32
          %add3A_1554 = arith.addi %add3A_1553, %mul3A_1552 : i32
          %add3A_1555 = vector.broadcast %add3A_1554 : i32 to vector<16xi32>
          %add3A_1556 = arith.addi %broadcast_in_dim3A_1465, %add3A_1555 : vector<16xi32>
          %gather3A_1557 = arith.constant 1 : i32
          %gather3A_1558 = arith.constant 0 : i32
          %gather3A_1559 = arith.constant 0 : i32
          %gather3A_1560 = arith.constant 0 : i32
          %gather3A_1561 = tpu.memref_slice %arg6[%gather3A_1557, %gather3A_1558, %gather3A_1559, %gather3A_1560] : memref<2x32x8x64xf32, #tpu.memory_space<vmem>> -> memref<1x32x8x64xf32, #tpu.memory_space<vmem>>
          %gather3A_1562 = tpu.memref_squeeze %gather3A_1561 : memref<1x32x8x64xf32, #tpu.memory_space<vmem>> -> memref<32x8x64xf32, #tpu.memory_space<vmem>>
          %gather3A_1563 = tpu.vector_load_idx %gather3A_1562[%add3A_1480, %rem3A_1475, %add3A_1556] : memref<32x8x64xf32, #tpu.memory_space<vmem>>[vector<16xi32>, vector<16xi32>, vector<16xi32>], vector<16xf32>,
          tpu.vector_store_idx %arg7[%add3A_1556, %add3A_1477], %gather3A_1563 : memref<64x512xf32, #tpu.memory_space<vmem>>[vector<16xi32>, vector<16xi32>], vector<16xf32>,
          %scan3A_1564 = arith.constant 4 : i32
          %scan3A_1565 = arith.addi %scan3A_1506, %scan3A_1564 : i32
          %mul3A_1566 = arith.constant 1 : i32
          %mul3A_1567 = arith.muli %scan3A_1565, %mul3A_1566 : i32
          %add3A_1568 = arith.constant 0 : i32
          %add3A_1569 = arith.addi %add3A_1568, %mul3A_1567 : i32
          %add3A_1570 = vector.broadcast %add3A_1569 : i32 to vector<16xi32>
          %add3A_1571 = arith.addi %broadcast_in_dim3A_1465, %add3A_1570 : vector<16xi32>
          %gather3A_1572 = arith.constant 1 : i32
          %gather3A_1573 = arith.constant 0 : i32
          %gather3A_1574 = arith.constant 0 : i32
          %gather3A_1575 = arith.constant 0 : i32
          %gather3A_1576 = tpu.memref_slice %arg6[%gather3A_1572, %gather3A_1573, %gather3A_1574, %gather3A_1575] : memref<2x32x8x64xf32, #tpu.memory_space<vmem>> -> memref<1x32x8x64xf32, #tpu.memory_space<vmem>>
          %gather3A_1577 = tpu.memref_squeeze %gather3A_1576 : memref<1x32x8x64xf32, #tpu.memory_space<vmem>> -> memref<32x8x64xf32, #tpu.memory_space<vmem>>
          %gather3A_1578 = tpu.vector_load_idx %gather3A_1577[%add3A_1480, %rem3A_1475, %add3A_1571] : memref<32x8x64xf32, #tpu.memory_space<vmem>>[vector<16xi32>, vector<16xi32>, vector<16xi32>], vector<16xf32>,
          tpu.vector_store_idx %arg7[%add3A_1571, %add3A_1477], %gather3A_1578 : memref<64x512xf32, #tpu.memory_space<vmem>>[vector<16xi32>, vector<16xi32>], vector<16xf32>,
          %scan3A_1579 = arith.constant 5 : i32
          %scan3A_1580 = arith.addi %scan3A_1506, %scan3A_1579 : i32
          %mul3A_1581 = arith.constant 1 : i32
          %mul3A_1582 = arith.muli %scan3A_1580, %mul3A_1581 : i32
          %add3A_1583 = arith.constant 0 : i32
          %add3A_1584 = arith.addi %add3A_1583, %mul3A_1582 : i32
          %add3A_1585 = vector.broadcast %add3A_1584 : i32 to vector<16xi32>
          %add3A_1586 = arith.addi %broadcast_in_dim3A_1465, %add3A_1585 : vector<16xi32>
          %gather3A_1587 = arith.constant 1 : i32
          %gather3A_1588 = arith.constant 0 : i32
          %gather3A_1589 = arith.constant 0 : i32
          %gather3A_1590 = arith.constant 0 : i32
          %gather3A_1591 = tpu.memref_slice %arg6[%gather3A_1587, %gather3A_1588, %gather3A_1589, %gather3A_1590] : memref<2x32x8x64xf32, #tpu.memory_space<vmem>> -> memref<1x32x8x64xf32, #tpu.memory_space<vmem>>
          %gather3A_1592 = tpu.memref_squeeze %gather3A_1591 : memref<1x32x8x64xf32, #tpu.memory_space<vmem>> -> memref<32x8x64xf32, #tpu.memory_space<vmem>>
          %gather3A_1593 = tpu.vector_load_idx %gather3A_1592[%add3A_1480, %rem3A_1475, %add3A_1586] : memref<32x8x64xf32, #tpu.memory_space<vmem>>[vector<16xi32>, vector<16xi32>, vector<16xi32>], vector<16xf32>,
          tpu.vector_store_idx %arg7[%add3A_1586, %add3A_1477], %gather3A_1593 : memref<64x512xf32, #tpu.memory_space<vmem>>[vector<16xi32>, vector<16xi32>], vector<16xf32>,
          %scan3A_1594 = arith.constant 6 : i32
          %scan3A_1595 = arith.addi %scan3A_1506, %scan3A_1594 : i32
          %mul3A_1596 = arith.constant 1 : i32
          %mul3A_1597 = arith.muli %scan3A_1595, %mul3A_1596 : i32
          %add3A_1598 = arith.constant 0 : i32
          %add3A_1599 = arith.addi %add3A_1598, %mul3A_1597 : i32
          %add3A_1600 = vector.broadcast %add3A_1599 : i32 to vector<16xi32>
          %add3A_1601 = arith.addi %broadcast_in_dim3A_1465, %add3A_1600 : vector<16xi32>
          %gather3A_1602 = arith.constant 1 : i32
          %gather3A_1603 = arith.constant 0 : i32
          %gather3A_1604 = arith.constant 0 : i32
          %gather3A_1605 = arith.constant 0 : i32
          %gather3A_1606 = tpu.memref_slice %arg6[%gather3A_1602, %gather3A_1603, %gather3A_1604, %gather3A_1605] : memref<2x32x8x64xf32, #tpu.memory_space<vmem>> -> memref<1x32x8x64xf32, #tpu.memory_space<vmem>>
          %gather3A_1607 = tpu.memref_squeeze %gather3A_1606 : memref<1x32x8x64xf32, #tpu.memory_space<vmem>> -> memref<32x8x64xf32, #tpu.memory_space<vmem>>
          %gather3A_1608 = tpu.vector_load_idx %gather3A_1607[%add3A_1480, %rem3A_1475, %add3A_1601] : memref<32x8x64xf32, #tpu.memory_space<vmem>>[vector<16xi32>, vector<16xi32>, vector<16xi32>], vector<16xf32>,
          tpu.vector_store_idx %arg7[%add3A_1601, %add3A_1477], %gather3A_1608 : memref<64x512xf32, #tpu.memory_space<vmem>>[vector<16xi32>, vector<16xi32>], vector<16xf32>,
          %scan3A_1609 = arith.constant 7 : i32
          %scan3A_1610 = arith.addi %scan3A_1506, %scan3A_1609 : i32
          %mul3A_1611 = arith.constant 1 : i32
          %mul3A_1612 = arith.muli %scan3A_1610, %mul3A_1611 : i32
          %add3A_1613 = arith.constant 0 : i32
          %add3A_1614 = arith.addi %add3A_1613, %mul3A_1612 : i32
          %add3A_1615 = vector.broadcast %add3A_1614 : i32 to vector<16xi32>
          %add3A_1616 = arith.addi %broadcast_in_dim3A_1465, %add3A_1615 : vector<16xi32>
          %gather3A_1617 = arith.constant 1 : i32
          %gather3A_1618 = arith.constant 0 : i32
          %gather3A_1619 = arith.constant 0 : i32
          %gather3A_1620 = arith.constant 0 : i32
          %gather3A_1621 = tpu.memref_slice %arg6[%gather3A_1617, %gather3A_1618, %gather3A_1619, %gather3A_1620] : memref<2x32x8x64xf32, #tpu.memory_space<vmem>> -> memref<1x32x8x64xf32, #tpu.memory_space<vmem>>
          %gather3A_1622 = tpu.memref_squeeze %gather3A_1621 : memref<1x32x8x64xf32, #tpu.memory_space<vmem>> -> memref<32x8x64xf32, #tpu.memory_space<vmem>>
          %gather3A_1623 = tpu.vector_load_idx %gather3A_1622[%add3A_1480, %rem3A_1475, %add3A_1616] : memref<32x8x64xf32, #tpu.memory_space<vmem>>[vector<16xi32>, vector<16xi32>, vector<16xi32>], vector<16xf32>,
          tpu.vector_store_idx %arg7[%add3A_1616, %add3A_1477], %gather3A_1623 : memref<64x512xf32, #tpu.memory_space<vmem>>[vector<16xi32>, vector<16xi32>], vector<16xf32>,
        }
        %scan3A_1485 = arith.constant 64 : i32
        %mul3A_1486 = arith.constant 32 : i32
        %mul3A_1487 = arith.muli %sub3A_1463, %mul3A_1486 : i32
        %add3A_1488 = arith.constant 16 : i32
        %add3A_1489 = arith.addi %mul3A_1487, %add3A_1488 : i32
        %multiple_of3A_1490 = tpu.assume_multiple %add3A_1489, 16 : i32
        %get3A_1491 = arith.index_cast %multiple_of3A_1490 : i32 to index
        %get3A_1492 = tpu.vector_load %arg5[%get3A_1491] {strides = array<i32>} : memref<512xi32, #tpu.memory_space<vmem>>, vector<16xi32>,
        %rem3A_1493 = arith.constant 8 : i32
        %rem3A_1494 = vector.broadcast %rem3A_1493 : i32 to vector<16xi32>
        %rem3A_1495 = arith.remsi %get3A_1492, %rem3A_1494 : vector<16xi32>
        %add3A_1496 = vector.broadcast %multiple_of3A_1490 : i32 to vector<16xi32>
        %add3A_1497 = arith.addi %add3A_1496, %iota3A : vector<16xi32>
        %add3A_1498 = arith.constant 16 : i32
        %add3A_1499 = vector.broadcast %add3A_1498 : i32 to vector<16xi32>
        %add3A_1500 = arith.addi %add3A_1499, %iota3A : vector<16xi32>
        %scan3A_1501 = arith.constant 0 : i32
        %scan3A_1502 = arith.constant 64 : i32
        %scan3A_1503 = arith.addi %scan3A_1501, %scan3A_1502 : i32
        %scan3A_1504 = arith.constant 8 : i32
        scf.for %scan3A_1506 = %scan3A_1501 to %scan3A_1503 step %scan3A_1504  : i32 {
          %mul3A_1507 = arith.constant 1 : i32
          %mul3A_1508 = arith.muli %scan3A_1506, %mul3A_1507 : i32
          %add3A_1509 = arith.constant 0 : i32
          %add3A_1510 = arith.addi %add3A_1509, %mul3A_1508 : i32
          %add3A_1511 = vector.broadcast %add3A_1510 : i32 to vector<16xi32>
          %add3A_1512 = arith.addi %broadcast_in_dim3A_1465, %add3A_1511 : vector<16xi32>
          %gather3A = arith.constant 1 : i32
          %gather3A_1513 = arith.constant 0 : i32
          %gather3A_1514 = arith.constant 0 : i32
          %gather3A_1515 = arith.constant 0 : i32
          %gather3A_1516 = tpu.memref_slice %arg6[%gather3A, %gather3A_1513, %gather3A_1514, %gather3A_1515] : memref<2x32x8x64xf32, #tpu.memory_space<vmem>> -> memref<1x32x8x64xf32, #tpu.memory_space<vmem>>
          %gather3A_1517 = tpu.memref_squeeze %gather3A_1516 : memref<1x32x8x64xf32, #tpu.memory_space<vmem>> -> memref<32x8x64xf32, #tpu.memory_space<vmem>>
          %gather3A_1518 = tpu.vector_load_idx %gather3A_1517[%add3A_1500, %rem3A_1495, %add3A_1512] : memref<32x8x64xf32, #tpu.memory_space<vmem>>[vector<16xi32>, vector<16xi32>, vector<16xi32>], vector<16xf32>,
          tpu.vector_store_idx %arg7[%add3A_1512, %add3A_1497], %gather3A_1518 : memref<64x512xf32, #tpu.memory_space<vmem>>[vector<16xi32>, vector<16xi32>], vector<16xf32>,
          %scan3A_1519 = arith.constant 1 : i32
          %scan3A_1520 = arith.addi %scan3A_1506, %scan3A_1519 : i32
          %mul3A_1521 = arith.constant 1 : i32
          %mul3A_1522 = arith.muli %scan3A_1520, %mul3A_1521 : i32
          %add3A_1523 = arith.constant 0 : i32
          %add3A_1524 = arith.addi %add3A_1523, %mul3A_1522 : i32
          %add3A_1525 = vector.broadcast %add3A_1524 : i32 to vector<16xi32>
          %add3A_1526 = arith.addi %broadcast_in_dim3A_1465, %add3A_1525 : vector<16xi32>
          %gather3A_1527 = arith.constant 1 : i32
          %gather3A_1528 = arith.constant 0 : i32
          %gather3A_1529 = arith.constant 0 : i32
          %gather3A_1530 = arith.constant 0 : i32
          %gather3A_1531 = tpu.memref_slice %arg6[%gather3A_1527, %gather3A_1528, %gather3A_1529, %gather3A_1530] : memref<2x32x8x64xf32, #tpu.memory_space<vmem>> -> memref<1x32x8x64xf32, #tpu.memory_space<vmem>>
          %gather3A_1532 = tpu.memref_squeeze %gather3A_1531 : memref<1x32x8x64xf32, #tpu.memory_space<vmem>> -> memref<32x8x64xf32, #tpu.memory_space<vmem>>
          %gather3A_1533 = tpu.vector_load_idx %gather3A_1532[%add3A_1500, %rem3A_1495, %add3A_1526] : memref<32x8x64xf32, #tpu.memory_space<vmem>>[vector<16xi32>, vector<16xi32>, vector<16xi32>], vector<16xf32>,
          tpu.vector_store_idx %arg7[%add3A_1526, %add3A_1497], %gather3A_1533 : memref<64x512xf32, #tpu.memory_space<vmem>>[vector<16xi32>, vector<16xi32>], vector<16xf32>,
          %scan3A_1534 = arith.constant 2 : i32
          %scan3A_1535 = arith.addi %scan3A_1506, %scan3A_1534 : i32
          %mul3A_1536 = arith.constant 1 : i32
          %mul3A_1537 = arith.muli %scan3A_1535, %mul3A_1536 : i32
          %add3A_1538 = arith.constant 0 : i32
          %add3A_1539 = arith.addi %add3A_1538, %mul3A_1537 : i32
          %add3A_1540 = vector.broadcast %add3A_1539 : i32 to vector<16xi32>
          %add3A_1541 = arith.addi %broadcast_in_dim3A_1465, %add3A_1540 : vector<16xi32>
          %gather3A_1542 = arith.constant 1 : i32
          %gather3A_1543 = arith.constant 0 : i32
          %gather3A_1544 = arith.constant 0 : i32
          %gather3A_1545 = arith.constant 0 : i32
          %gather3A_1546 = tpu.memref_slice %arg6[%gather3A_1542, %gather3A_1543, %gather3A_1544, %gather3A_1545] : memref<2x32x8x64xf32, #tpu.memory_space<vmem>> -> memref<1x32x8x64xf32, #tpu.memory_space<vmem>>
          %gather3A_1547 = tpu.memref_squeeze %gather3A_1546 : memref<1x32x8x64xf32, #tpu.memory_space<vmem>> -> memref<32x8x64xf32, #tpu.memory_space<vmem>>
          %gather3A_1548 = tpu.vector_load_idx %gather3A_1547[%add3A_1500, %rem3A_1495, %add3A_1541] : memref<32x8x64xf32, #tpu.memory_space<vmem>>[vector<16xi32>, vector<16xi32>, vector<16xi32>], vector<16xf32>,
          tpu.vector_store_idx %arg7[%add3A_1541, %add3A_1497], %gather3A_1548 : memref<64x512xf32, #tpu.memory_space<vmem>>[vector<16xi32>, vector<16xi32>], vector<16xf32>,
          %scan3A_1549 = arith.constant 3 : i32
          %scan3A_1550 = arith.addi %scan3A_1506, %scan3A_1549 : i32
          %mul3A_1551 = arith.constant 1 : i32
          %mul3A_1552 = arith.muli %scan3A_1550, %mul3A_1551 : i32
          %add3A_1553 = arith.constant 0 : i32
          %add3A_1554 = arith.addi %add3A_1553, %mul3A_1552 : i32
          %add3A_1555 = vector.broadcast %add3A_1554 : i32 to vector<16xi32>
          %add3A_1556 = arith.addi %broadcast_in_dim3A_1465, %add3A_1555 : vector<16xi32>
          %gather3A_1557 = arith.constant 1 : i32
          %gather3A_1558 = arith.constant 0 : i32
          %gather3A_1559 = arith.constant 0 : i32
          %gather3A_1560 = arith.constant 0 : i32
          %gather3A_1561 = tpu.memref_slice %arg6[%gather3A_1557, %gather3A_1558, %gather3A_1559, %gather3A_1560] : memref<2x32x8x64xf32, #tpu.memory_space<vmem>> -> memref<1x32x8x64xf32, #tpu.memory_space<vmem>>
          %gather3A_1562 = tpu.memref_squeeze %gather3A_1561 : memref<1x32x8x64xf32, #tpu.memory_space<vmem>> -> memref<32x8x64xf32, #tpu.memory_space<vmem>>
          %gather3A_1563 = tpu.vector_load_idx %gather3A_1562[%add3A_1500, %rem3A_1495, %add3A_1556] : memref<32x8x64xf32, #tpu.memory_space<vmem>>[vector<16xi32>, vector<16xi32>, vector<16xi32>], vector<16xf32>,
          tpu.vector_store_idx %arg7[%add3A_1556, %add3A_1497], %gather3A_1563 : memref<64x512xf32, #tpu.memory_space<vmem>>[vector<16xi32>, vector<16xi32>], vector<16xf32>,
          %scan3A_1564 = arith.constant 4 : i32
          %scan3A_1565 = arith.addi %scan3A_1506, %scan3A_1564 : i32
          %mul3A_1566 = arith.constant 1 : i32
          %mul3A_1567 = arith.muli %scan3A_1565, %mul3A_1566 : i32
          %add3A_1568 = arith.constant 0 : i32
          %add3A_1569 = arith.addi %add3A_1568, %mul3A_1567 : i32
          %add3A_1570 = vector.broadcast %add3A_1569 : i32 to vector<16xi32>
          %add3A_1571 = arith.addi %broadcast_in_dim3A_1465, %add3A_1570 : vector<16xi32>
          %gather3A_1572 = arith.constant 1 : i32
          %gather3A_1573 = arith.constant 0 : i32
          %gather3A_1574 = arith.constant 0 : i32
          %gather3A_1575 = arith.constant 0 : i32
          %gather3A_1576 = tpu.memref_slice %arg6[%gather3A_1572, %gather3A_1573, %gather3A_1574, %gather3A_1575] : memref<2x32x8x64xf32, #tpu.memory_space<vmem>> -> memref<1x32x8x64xf32, #tpu.memory_space<vmem>>
          %gather3A_1577 = tpu.memref_squeeze %gather3A_1576 : memref<1x32x8x64xf32, #tpu.memory_space<vmem>> -> memref<32x8x64xf32, #tpu.memory_space<vmem>>
          %gather3A_1578 = tpu.vector_load_idx %gather3A_1577[%add3A_1500, %rem3A_1495, %add3A_1571] : memref<32x8x64xf32, #tpu.memory_space<vmem>>[vector<16xi32>, vector<16xi32>, vector<16xi32>], vector<16xf32>,
          tpu.vector_store_idx %arg7[%add3A_1571, %add3A_1497], %gather3A_1578 : memref<64x512xf32, #tpu.memory_space<vmem>>[vector<16xi32>, vector<16xi32>], vector<16xf32>,
          %scan3A_1579 = arith.constant 5 : i32
          %scan3A_1580 = arith.addi %scan3A_1506, %scan3A_1579 : i32
          %mul3A_1581 = arith.constant 1 : i32
          %mul3A_1582 = arith.muli %scan3A_1580, %mul3A_1581 : i32
          %add3A_1583 = arith.constant 0 : i32
          %add3A_1584 = arith.addi %add3A_1583, %mul3A_1582 : i32
          %add3A_1585 = vector.broadcast %add3A_1584 : i32 to vector<16xi32>
          %add3A_1586 = arith.addi %broadcast_in_dim3A_1465, %add3A_1585 : vector<16xi32>
          %gather3A_1587 = arith.constant 1 : i32
          %gather3A_1588 = arith.constant 0 : i32
          %gather3A_1589 = arith.constant 0 : i32
          %gather3A_1590 = arith.constant 0 : i32
          %gather3A_1591 = tpu.memref_slice %arg6[%gather3A_1587, %gather3A_1588, %gather3A_1589, %gather3A_1590] : memref<2x32x8x64xf32, #tpu.memory_space<vmem>> -> memref<1x32x8x64xf32, #tpu.memory_space<vmem>>
          %gather3A_1592 = tpu.memref_squeeze %gather3A_1591 : memref<1x32x8x64xf32, #tpu.memory_space<vmem>> -> memref<32x8x64xf32, #tpu.memory_space<vmem>>
          %gather3A_1593 = tpu.vector_load_idx %gather3A_1592[%add3A_1500, %rem3A_1495, %add3A_1586] : memref<32x8x64xf32, #tpu.memory_space<vmem>>[vector<16xi32>, vector<16xi32>, vector<16xi32>], vector<16xf32>,
          tpu.vector_store_idx %arg7[%add3A_1586, %add3A_1497], %gather3A_1593 : memref<64x512xf32, #tpu.memory_space<vmem>>[vector<16xi32>, vector<16xi32>], vector<16xf32>,
          %scan3A_1594 = arith.constant 6 : i32
          %scan3A_1595 = arith.addi %scan3A_1506, %scan3A_1594 : i32
          %mul3A_1596 = arith.constant 1 : i32
          %mul3A_1597 = arith.muli %scan3A_1595, %mul3A_1596 : i32
          %add3A_1598 = arith.constant 0 : i32
          %add3A_1599 = arith.addi %add3A_1598, %mul3A_1597 : i32
          %add3A_1600 = vector.broadcast %add3A_1599 : i32 to vector<16xi32>
          %add3A_1601 = arith.addi %broadcast_in_dim3A_1465, %add3A_1600 : vector<16xi32>
          %gather3A_1602 = arith.constant 1 : i32
          %gather3A_1603 = arith.constant 0 : i32
          %gather3A_1604 = arith.constant 0 : i32
          %gather3A_1605 = arith.constant 0 : i32
          %gather3A_1606 = tpu.memref_slice %arg6[%gather3A_1602, %gather3A_1603, %gather3A_1604, %gather3A_1605] : memref<2x32x8x64xf32, #tpu.memory_space<vmem>> -> memref<1x32x8x64xf32, #tpu.memory_space<vmem>>
          %gather3A_1607 = tpu.memref_squeeze %gather3A_1606 : memref<1x32x8x64xf32, #tpu.memory_space<vmem>> -> memref<32x8x64xf32, #tpu.memory_space<vmem>>
          %gather3A_1608 = tpu.vector_load_idx %gather3A_1607[%add3A_1500, %rem3A_1495, %add3A_1601] : memref<32x8x64xf32, #tpu.memory_space<vmem>>[vector<16xi32>, vector<16xi32>, vector<16xi32>], vector<16xf32>,
          tpu.vector_store_idx %arg7[%add3A_1601, %add3A_1497], %gather3A_1608 : memref<64x512xf32, #tpu.memory_space<vmem>>[vector<16xi32>, vector<16xi32>], vector<16xf32>,
          %scan3A_1609 = arith.constant 7 : i32
          %scan3A_1610 = arith.addi %scan3A_1506, %scan3A_1609 : i32
          %mul3A_1611 = arith.constant 1 : i32
          %mul3A_1612 = arith.muli %scan3A_1610, %mul3A_1611 : i32
          %add3A_1613 = arith.constant 0 : i32
          %add3A_1614 = arith.addi %add3A_1613, %mul3A_1612 : i32
          %add3A_1615 = vector.broadcast %add3A_1614 : i32 to vector<16xi32>
          %add3A_1616 = arith.addi %broadcast_in_dim3A_1465, %add3A_1615 : vector<16xi32>
          %gather3A_1617 = arith.constant 1 : i32
          %gather3A_1618 = arith.constant 0 : i32
          %gather3A_1619 = arith.constant 0 : i32
          %gather3A_1620 = arith.constant 0 : i32
          %gather3A_1621 = tpu.memref_slice %arg6[%gather3A_1617, %gather3A_1618, %gather3A_1619, %gather3A_1620] : memref<2x32x8x64xf32, #tpu.memory_space<vmem>> -> memref<1x32x8x64xf32, #tpu.memory_space<vmem>>
          %gather3A_1622 = tpu.memref_squeeze %gather3A_1621 : memref<1x32x8x64xf32, #tpu.memory_space<vmem>> -> memref<32x8x64xf32, #tpu.memory_space<vmem>>
          %gather3A_1623 = tpu.vector_load_idx %gather3A_1622[%add3A_1500, %rem3A_1495, %add3A_1616] : memref<32x8x64xf32, #tpu.memory_space<vmem>>[vector<16xi32>, vector<16xi32>, vector<16xi32>], vector<16xf32>,
          tpu.vector_store_idx %arg7[%add3A_1616, %add3A_1497], %gather3A_1623 : memref<64x512xf32, #tpu.memory_space<vmem>>[vector<16xi32>, vector<16xi32>], vector<16xf32>,
        }
        %scan3A_1505 = arith.constant 64 : i32
      } else {
      }
      %add3A_721 = arith.constant 1 : i32
      %add3A_722 = arith.addi %add3A_62, %add3A_721 : i32
      %mul3A_723 = arith.constant 32 : i32
      %mul3A_724 = arith.muli %add3A_722, %mul3A_723 : i32
      %add3A_725 = arith.constant 0 : i32
      %add3A_726 = arith.addi %mul3A_724, %add3A_725 : i32
      %multiple_of3A_727 = tpu.assume_multiple %add3A_726, 16 : i32
      %get3A_728 = arith.index_cast %multiple_of3A_727 : i32 to index
      %get3A_729 = tpu.vector_load %arg5[%get3A_728] {strides = array<i32>} : memref<512xi32, #tpu.memory_space<vmem>>, vector<16xi32>,
      %shift_right_arithmetic3A_730 = arith.constant 3 : i32
      %shift_right_arithmetic3A_731 = vector.broadcast %shift_right_arithmetic3A_730 : i32 to vector<16xi32>
      %shift_right_arithmetic3A_732 = arith.shrsi %get3A_729, %shift_right_arithmetic3A_731 : vector<16xi32>
      %slice3A_733 = vector.extract_strided_slice %shift_right_arithmetic3A_732 {offsets = [0], sizes = [1], strides = [1]} : vector<16xi32> to vector<1xi32>
      %squeeze3A_734 = vector.extract %slice3A_733[0] : i32 from vector<1xi32>
      %dma_start3A_735 = arith.constant 1 : i32
      %dma_start3A_736 = arith.constant 0 : i32
      %dma_start3A_737 = arith.constant 0 : i32
      %dma_start3A_738 = arith.constant 0 : i32
      %dma_start3A_739 = tpu.memref_slice %arg6[%dma_start3A_735, %dma_start3A_736, %dma_start3A_737, %dma_start3A_738] : memref<2x32x8x64xf32, #tpu.memory_space<vmem>> -> memref<1x1x8x64xf32, #tpu.memory_space<vmem>>
      %dma_start3A_740 = tpu.memref_squeeze %dma_start3A_739 : memref<1x1x8x64xf32, #tpu.memory_space<vmem>> -> memref<8x64xf32, #tpu.memory_space<vmem>>
      %dma_start3A_741 = arith.constant 0 : i32
      %dma_start3A_742 = arith.constant 0 : i32
      %dma_start3A_743 = tpu.memref_slice %arg2[%squeeze3A_734, %dma_start3A_741, %dma_start3A_742] : memref<125000x8x64xf32, #tpu.memory_space<hbm>> -> memref<1x8x64xf32, #tpu.memory_space<hbm>>
      %dma_start3A_744 = tpu.memref_squeeze %dma_start3A_743 : memref<1x8x64xf32, #tpu.memory_space<hbm>> -> memref<8x64xf32, #tpu.memory_space<hbm>>
      %dma_start3A_745 = arith.constant 0 : i32
      %dma_start3A_746 = arith.constant 0 : i32
      %dma_start3A_747 = tpu.memref_slice %arg6[%dma_start3A_735, %dma_start3A_736, %dma_start3A_745, %dma_start3A_746] : memref<2x32x8x64xf32, #tpu.memory_space<vmem>> -> memref<1x1x8x64xf32, #tpu.memory_space<vmem>>
      %dma_start3A_748 = tpu.memref_squeeze %dma_start3A_747 : memref<1x1x8x64xf32, #tpu.memory_space<vmem>> -> memref<8x64xf32, #tpu.memory_space<vmem>>
      %dma_start3A_749 = arith.constant 0 : i32
      %dma_start3A_750 = arith.constant 0 : i32
      %dma_start3A_751 = tpu.memref_slice %arg2[%squeeze3A_734, %dma_start3A_749, %dma_start3A_750] : memref<125000x8x64xf32, #tpu.memory_space<hbm>> -> memref<1x8x64xf32, #tpu.memory_space<hbm>>
      %dma_start3A_752 = tpu.memref_squeeze %dma_start3A_751 : memref<1x8x64xf32, #tpu.memory_space<hbm>> -> memref<8x64xf32, #tpu.memory_space<hbm>>
      tpu.enqueue_dma source(%dma_start3A_752 : memref<8x64xf32, #tpu.memory_space<hbm>>) target(%dma_start3A_748 : memref<8x64xf32, #tpu.memory_space<vmem>>) target_semaphore(%arg9 : memref<!tpu.dma_semaphore, #tpu.memory_space<semaphore_mem>>)
      %slice3A_753 = vector.extract_strided_slice %shift_right_arithmetic3A_732 {offsets = [1], sizes = [1], strides = [1]} : vector<16xi32> to vector<1xi32>
      %squeeze3A_754 = vector.extract %slice3A_753[0] : i32 from vector<1xi32>
      %dma_start3A_755 = arith.constant 1 : i32
      %dma_start3A_756 = arith.constant 1 : i32
      %dma_start3A_757 = arith.constant 0 : i32
      %dma_start3A_758 = arith.constant 0 : i32
      %dma_start3A_759 = tpu.memref_slice %arg6[%dma_start3A_755, %dma_start3A_756, %dma_start3A_757, %dma_start3A_758] : memref<2x32x8x64xf32, #tpu.memory_space<vmem>> -> memref<1x1x8x64xf32, #tpu.memory_space<vmem>>
      %dma_start3A_760 = tpu.memref_squeeze %dma_start3A_759 : memref<1x1x8x64xf32, #tpu.memory_space<vmem>> -> memref<8x64xf32, #tpu.memory_space<vmem>>
      %dma_start3A_761 = arith.constant 0 : i32
      %dma_start3A_762 = arith.constant 0 : i32
      %dma_start3A_763 = tpu.memref_slice %arg2[%squeeze3A_754, %dma_start3A_761, %dma_start3A_762] : memref<125000x8x64xf32, #tpu.memory_space<hbm>> -> memref<1x8x64xf32, #tpu.memory_space<hbm>>
      %dma_start3A_764 = tpu.memref_squeeze %dma_start3A_763 : memref<1x8x64xf32, #tpu.memory_space<hbm>> -> memref<8x64xf32, #tpu.memory_space<hbm>>
      %dma_start3A_765 = arith.constant 0 : i32
      %dma_start3A_766 = arith.constant 0 : i32
      %dma_start3A_767 = tpu.memref_slice %arg6[%dma_start3A_755, %dma_start3A_756, %dma_start3A_765, %dma_start3A_766] : memref<2x32x8x64xf32, #tpu.memory_space<vmem>> -> memref<1x1x8x64xf32, #tpu.memory_space<vmem>>
      %dma_start3A_768 = tpu.memref_squeeze %dma_start3A_767 : memref<1x1x8x64xf32, #tpu.memory_space<vmem>> -> memref<8x64xf32, #tpu.memory_space<vmem>>
      %dma_start3A_769 = arith.constant 0 : i32
      %dma_start3A_770 = arith.constant 0 : i32
      %dma_start3A_771 = tpu.memref_slice %arg2[%squeeze3A_754, %dma_start3A_769, %dma_start3A_770] : memref<125000x8x64xf32, #tpu.memory_space<hbm>> -> memref<1x8x64xf32, #tpu.memory_space<hbm>>
      %dma_start3A_772 = tpu.memref_squeeze %dma_start3A_771 : memref<1x8x64xf32, #tpu.memory_space<hbm>> -> memref<8x64xf32, #tpu.memory_space<hbm>>
      tpu.enqueue_dma source(%dma_start3A_772 : memref<8x64xf32, #tpu.memory_space<hbm>>) target(%dma_start3A_768 : memref<8x64xf32, #tpu.memory_space<vmem>>) target_semaphore(%arg9 : memref<!tpu.dma_semaphore, #tpu.memory_space<semaphore_mem>>)
      %slice3A_773 = vector.extract_strided_slice %shift_right_arithmetic3A_732 {offsets = [2], sizes = [1], strides = [1]} : vector<16xi32> to vector<1xi32>
      %squeeze3A_774 = vector.extract %slice3A_773[0] : i32 from vector<1xi32>
      %dma_start3A_775 = arith.constant 1 : i32
      %dma_start3A_776 = arith.constant 2 : i32
      %dma_start3A_777 = arith.constant 0 : i32
      %dma_start3A_778 = arith.constant 0 : i32
      %dma_start3A_779 = tpu.memref_slice %arg6[%dma_start3A_775, %dma_start3A_776, %dma_start3A_777, %dma_start3A_778] : memref<2x32x8x64xf32, #tpu.memory_space<vmem>> -> memref<1x1x8x64xf32, #tpu.memory_space<vmem>>
      %dma_start3A_780 = tpu.memref_squeeze %dma_start3A_779 : memref<1x1x8x64xf32, #tpu.memory_space<vmem>> -> memref<8x64xf32, #tpu.memory_space<vmem>>
      %dma_start3A_781 = arith.constant 0 : i32
      %dma_start3A_782 = arith.constant 0 : i32
      %dma_start3A_783 = tpu.memref_slice %arg2[%squeeze3A_774, %dma_start3A_781, %dma_start3A_782] : memref<125000x8x64xf32, #tpu.memory_space<hbm>> -> memref<1x8x64xf32, #tpu.memory_space<hbm>>
      %dma_start3A_784 = tpu.memref_squeeze %dma_start3A_783 : memref<1x8x64xf32, #tpu.memory_space<hbm>> -> memref<8x64xf32, #tpu.memory_space<hbm>>
      %dma_start3A_785 = arith.constant 0 : i32
      %dma_start3A_786 = arith.constant 0 : i32
      %dma_start3A_787 = tpu.memref_slice %arg6[%dma_start3A_775, %dma_start3A_776, %dma_start3A_785, %dma_start3A_786] : memref<2x32x8x64xf32, #tpu.memory_space<vmem>> -> memref<1x1x8x64xf32, #tpu.memory_space<vmem>>
      %dma_start3A_788 = tpu.memref_squeeze %dma_start3A_787 : memref<1x1x8x64xf32, #tpu.memory_space<vmem>> -> memref<8x64xf32, #tpu.memory_space<vmem>>
      %dma_start3A_789 = arith.constant 0 : i32
      %dma_start3A_790 = arith.constant 0 : i32
      %dma_start3A_791 = tpu.memref_slice %arg2[%squeeze3A_774, %dma_start3A_789, %dma_start3A_790] : memref<125000x8x64xf32, #tpu.memory_space<hbm>> -> memref<1x8x64xf32, #tpu.memory_space<hbm>>
      %dma_start3A_792 = tpu.memref_squeeze %dma_start3A_791 : memref<1x8x64xf32, #tpu.memory_space<hbm>> -> memref<8x64xf32, #tpu.memory_space<hbm>>
      tpu.enqueue_dma source(%dma_start3A_792 : memref<8x64xf32, #tpu.memory_space<hbm>>) target(%dma_start3A_788 : memref<8x64xf32, #tpu.memory_space<vmem>>) target_semaphore(%arg9 : memref<!tpu.dma_semaphore, #tpu.memory_space<semaphore_mem>>)
      %slice3A_793 = vector.extract_strided_slice %shift_right_arithmetic3A_732 {offsets = [3], sizes = [1], strides = [1]} : vector<16xi32> to vector<1xi32>
      %squeeze3A_794 = vector.extract %slice3A_793[0] : i32 from vector<1xi32>
      %dma_start3A_795 = arith.constant 1 : i32
      %dma_start3A_796 = arith.constant 3 : i32
      %dma_start3A_797 = arith.constant 0 : i32
      %dma_start3A_798 = arith.constant 0 : i32
      %dma_start3A_799 = tpu.memref_slice %arg6[%dma_start3A_795, %dma_start3A_796, %dma_start3A_797, %dma_start3A_798] : memref<2x32x8x64xf32, #tpu.memory_space<vmem>> -> memref<1x1x8x64xf32, #tpu.memory_space<vmem>>
      %dma_start3A_800 = tpu.memref_squeeze %dma_start3A_799 : memref<1x1x8x64xf32, #tpu.memory_space<vmem>> -> memref<8x64xf32, #tpu.memory_space<vmem>>
      %dma_start3A_801 = arith.constant 0 : i32
      %dma_start3A_802 = arith.constant 0 : i32
      %dma_start3A_803 = tpu.memref_slice %arg2[%squeeze3A_794, %dma_start3A_801, %dma_start3A_802] : memref<125000x8x64xf32, #tpu.memory_space<hbm>> -> memref<1x8x64xf32, #tpu.memory_space<hbm>>
      %dma_start3A_804 = tpu.memref_squeeze %dma_start3A_803 : memref<1x8x64xf32, #tpu.memory_space<hbm>> -> memref<8x64xf32, #tpu.memory_space<hbm>>
      %dma_start3A_805 = arith.constant 0 : i32
      %dma_start3A_806 = arith.constant 0 : i32
      %dma_start3A_807 = tpu.memref_slice %arg6[%dma_start3A_795, %dma_start3A_796, %dma_start3A_805, %dma_start3A_806] : memref<2x32x8x64xf32, #tpu.memory_space<vmem>> -> memref<1x1x8x64xf32, #tpu.memory_space<vmem>>
      %dma_start3A_808 = tpu.memref_squeeze %dma_start3A_807 : memref<1x1x8x64xf32, #tpu.memory_space<vmem>> -> memref<8x64xf32, #tpu.memory_space<vmem>>
      %dma_start3A_809 = arith.constant 0 : i32
      %dma_start3A_810 = arith.constant 0 : i32
      %dma_start3A_811 = tpu.memref_slice %arg2[%squeeze3A_794, %dma_start3A_809, %dma_start3A_810] : memref<125000x8x64xf32, #tpu.memory_space<hbm>> -> memref<1x8x64xf32, #tpu.memory_space<hbm>>
      %dma_start3A_812 = tpu.memref_squeeze %dma_start3A_811 : memref<1x8x64xf32, #tpu.memory_space<hbm>> -> memref<8x64xf32, #tpu.memory_space<hbm>>
      tpu.enqueue_dma source(%dma_start3A_812 : memref<8x64xf32, #tpu.memory_space<hbm>>) target(%dma_start3A_808 : memref<8x64xf32, #tpu.memory_space<vmem>>) target_semaphore(%arg9 : memref<!tpu.dma_semaphore, #tpu.memory_space<semaphore_mem>>)
      %slice3A_813 = vector.extract_strided_slice %shift_right_arithmetic3A_732 {offsets = [4], sizes = [1], strides = [1]} : vector<16xi32> to vector<1xi32>
      %squeeze3A_814 = vector.extract %slice3A_813[0] : i32 from vector<1xi32>
      %dma_start3A_815 = arith.constant 1 : i32
      %dma_start3A_816 = arith.constant 4 : i32
      %dma_start3A_817 = arith.constant 0 : i32
      %dma_start3A_818 = arith.constant 0 : i32
      %dma_start3A_819 = tpu.memref_slice %arg6[%dma_start3A_815, %dma_start3A_816, %dma_start3A_817, %dma_start3A_818] : memref<2x32x8x64xf32, #tpu.memory_space<vmem>> -> memref<1x1x8x64xf32, #tpu.memory_space<vmem>>
      %dma_start3A_820 = tpu.memref_squeeze %dma_start3A_819 : memref<1x1x8x64xf32, #tpu.memory_space<vmem>> -> memref<8x64xf32, #tpu.memory_space<vmem>>
      %dma_start3A_821 = arith.constant 0 : i32
      %dma_start3A_822 = arith.constant 0 : i32
      %dma_start3A_823 = tpu.memref_slice %arg2[%squeeze3A_814, %dma_start3A_821, %dma_start3A_822] : memref<125000x8x64xf32, #tpu.memory_space<hbm>> -> memref<1x8x64xf32, #tpu.memory_space<hbm>>
      %dma_start3A_824 = tpu.memref_squeeze %dma_start3A_823 : memref<1x8x64xf32, #tpu.memory_space<hbm>> -> memref<8x64xf32, #tpu.memory_space<hbm>>
      %dma_start3A_825 = arith.constant 0 : i32
      %dma_start3A_826 = arith.constant 0 : i32
      %dma_start3A_827 = tpu.memref_slice %arg6[%dma_start3A_815, %dma_start3A_816, %dma_start3A_825, %dma_start3A_826] : memref<2x32x8x64xf32, #tpu.memory_space<vmem>> -> memref<1x1x8x64xf32, #tpu.memory_space<vmem>>
      %dma_start3A_828 = tpu.memref_squeeze %dma_start3A_827 : memref<1x1x8x64xf32, #tpu.memory_space<vmem>> -> memref<8x64xf32, #tpu.memory_space<vmem>>
      %dma_start3A_829 = arith.constant 0 : i32
      %dma_start3A_830 = arith.constant 0 : i32
      %dma_start3A_831 = tpu.memref_slice %arg2[%squeeze3A_814, %dma_start3A_829, %dma_start3A_830] : memref<125000x8x64xf32, #tpu.memory_space<hbm>> -> memref<1x8x64xf32, #tpu.memory_space<hbm>>
      %dma_start3A_832 = tpu.memref_squeeze %dma_start3A_831 : memref<1x8x64xf32, #tpu.memory_space<hbm>> -> memref<8x64xf32, #tpu.memory_space<hbm>>
      tpu.enqueue_dma source(%dma_start3A_832 : memref<8x64xf32, #tpu.memory_space<hbm>>) target(%dma_start3A_828 : memref<8x64xf32, #tpu.memory_space<vmem>>) target_semaphore(%arg9 : memref<!tpu.dma_semaphore, #tpu.memory_space<semaphore_mem>>)
      %slice3A_833 = vector.extract_strided_slice %shift_right_arithmetic3A_732 {offsets = [5], sizes = [1], strides = [1]} : vector<16xi32> to vector<1xi32>
      %squeeze3A_834 = vector.extract %slice3A_833[0] : i32 from vector<1xi32>
      %dma_start3A_835 = arith.constant 1 : i32
      %dma_start3A_836 = arith.constant 5 : i32
      %dma_start3A_837 = arith.constant 0 : i32
      %dma_start3A_838 = arith.constant 0 : i32
      %dma_start3A_839 = tpu.memref_slice %arg6[%dma_start3A_835, %dma_start3A_836, %dma_start3A_837, %dma_start3A_838] : memref<2x32x8x64xf32, #tpu.memory_space<vmem>> -> memref<1x1x8x64xf32, #tpu.memory_space<vmem>>
      %dma_start3A_840 = tpu.memref_squeeze %dma_start3A_839 : memref<1x1x8x64xf32, #tpu.memory_space<vmem>> -> memref<8x64xf32, #tpu.memory_space<vmem>>
      %dma_start3A_841 = arith.constant 0 : i32
      %dma_start3A_842 = arith.constant 0 : i32
      %dma_start3A_843 = tpu.memref_slice %arg2[%squeeze3A_834, %dma_start3A_841, %dma_start3A_842] : memref<125000x8x64xf32, #tpu.memory_space<hbm>> -> memref<1x8x64xf32, #tpu.memory_space<hbm>>
      %dma_start3A_844 = tpu.memref_squeeze %dma_start3A_843 : memref<1x8x64xf32, #tpu.memory_space<hbm>> -> memref<8x64xf32, #tpu.memory_space<hbm>>
      %dma_start3A_845 = arith.constant 0 : i32
      %dma_start3A_846 = arith.constant 0 : i32
      %dma_start3A_847 = tpu.memref_slice %arg6[%dma_start3A_835, %dma_start3A_836, %dma_start3A_845, %dma_start3A_846] : memref<2x32x8x64xf32, #tpu.memory_space<vmem>> -> memref<1x1x8x64xf32, #tpu.memory_space<vmem>>
      %dma_start3A_848 = tpu.memref_squeeze %dma_start3A_847 : memref<1x1x8x64xf32, #tpu.memory_space<vmem>> -> memref<8x64xf32, #tpu.memory_space<vmem>>
      %dma_start3A_849 = arith.constant 0 : i32
      %dma_start3A_850 = arith.constant 0 : i32
      %dma_start3A_851 = tpu.memref_slice %arg2[%squeeze3A_834, %dma_start3A_849, %dma_start3A_850] : memref<125000x8x64xf32, #tpu.memory_space<hbm>> -> memref<1x8x64xf32, #tpu.memory_space<hbm>>
      %dma_start3A_852 = tpu.memref_squeeze %dma_start3A_851 : memref<1x8x64xf32, #tpu.memory_space<hbm>> -> memref<8x64xf32, #tpu.memory_space<hbm>>
      tpu.enqueue_dma source(%dma_start3A_852 : memref<8x64xf32, #tpu.memory_space<hbm>>) target(%dma_start3A_848 : memref<8x64xf32, #tpu.memory_space<vmem>>) target_semaphore(%arg9 : memref<!tpu.dma_semaphore, #tpu.memory_space<semaphore_mem>>)
      %slice3A_853 = vector.extract_strided_slice %shift_right_arithmetic3A_732 {offsets = [6], sizes = [1], strides = [1]} : vector<16xi32> to vector<1xi32>
      %squeeze3A_854 = vector.extract %slice3A_853[0] : i32 from vector<1xi32>
      %dma_start3A_855 = arith.constant 1 : i32
      %dma_start3A_856 = arith.constant 6 : i32
      %dma_start3A_857 = arith.constant 0 : i32
      %dma_start3A_858 = arith.constant 0 : i32
      %dma_start3A_859 = tpu.memref_slice %arg6[%dma_start3A_855, %dma_start3A_856, %dma_start3A_857, %dma_start3A_858] : memref<2x32x8x64xf32, #tpu.memory_space<vmem>> -> memref<1x1x8x64xf32, #tpu.memory_space<vmem>>
      %dma_start3A_860 = tpu.memref_squeeze %dma_start3A_859 : memref<1x1x8x64xf32, #tpu.memory_space<vmem>> -> memref<8x64xf32, #tpu.memory_space<vmem>>
      %dma_start3A_861 = arith.constant 0 : i32
      %dma_start3A_862 = arith.constant 0 : i32
      %dma_start3A_863 = tpu.memref_slice %arg2[%squeeze3A_854, %dma_start3A_861, %dma_start3A_862] : memref<125000x8x64xf32, #tpu.memory_space<hbm>> -> memref<1x8x64xf32, #tpu.memory_space<hbm>>
      %dma_start3A_864 = tpu.memref_squeeze %dma_start3A_863 : memref<1x8x64xf32, #tpu.memory_space<hbm>> -> memref<8x64xf32, #tpu.memory_space<hbm>>
      %dma_start3A_865 = arith.constant 0 : i32
      %dma_start3A_866 = arith.constant 0 : i32
      %dma_start3A_867 = tpu.memref_slice %arg6[%dma_start3A_855, %dma_start3A_856, %dma_start3A_865, %dma_start3A_866] : memref<2x32x8x64xf32, #tpu.memory_space<vmem>> -> memref<1x1x8x64xf32, #tpu.memory_space<vmem>>
      %dma_start3A_868 = tpu.memref_squeeze %dma_start3A_867 : memref<1x1x8x64xf32, #tpu.memory_space<vmem>> -> memref<8x64xf32, #tpu.memory_space<vmem>>
      %dma_start3A_869 = arith.constant 0 : i32
      %dma_start3A_870 = arith.constant 0 : i32
      %dma_start3A_871 = tpu.memref_slice %arg2[%squeeze3A_854, %dma_start3A_869, %dma_start3A_870] : memref<125000x8x64xf32, #tpu.memory_space<hbm>> -> memref<1x8x64xf32, #tpu.memory_space<hbm>>
      %dma_start3A_872 = tpu.memref_squeeze %dma_start3A_871 : memref<1x8x64xf32, #tpu.memory_space<hbm>> -> memref<8x64xf32, #tpu.memory_space<hbm>>
      tpu.enqueue_dma source(%dma_start3A_872 : memref<8x64xf32, #tpu.memory_space<hbm>>) target(%dma_start3A_868 : memref<8x64xf32, #tpu.memory_space<vmem>>) target_semaphore(%arg9 : memref<!tpu.dma_semaphore, #tpu.memory_space<semaphore_mem>>)
      %slice3A_873 = vector.extract_strided_slice %shift_right_arithmetic3A_732 {offsets = [7], sizes = [1], strides = [1]} : vector<16xi32> to vector<1xi32>
      %squeeze3A_874 = vector.extract %slice3A_873[0] : i32 from vector<1xi32>
      %dma_start3A_875 = arith.constant 1 : i32
      %dma_start3A_876 = arith.constant 7 : i32
      %dma_start3A_877 = arith.constant 0 : i32
      %dma_start3A_878 = arith.constant 0 : i32
      %dma_start3A_879 = tpu.memref_slice %arg6[%dma_start3A_875, %dma_start3A_876, %dma_start3A_877, %dma_start3A_878] : memref<2x32x8x64xf32, #tpu.memory_space<vmem>> -> memref<1x1x8x64xf32, #tpu.memory_space<vmem>>
      %dma_start3A_880 = tpu.memref_squeeze %dma_start3A_879 : memref<1x1x8x64xf32, #tpu.memory_space<vmem>> -> memref<8x64xf32, #tpu.memory_space<vmem>>
      %dma_start3A_881 = arith.constant 0 : i32
      %dma_start3A_882 = arith.constant 0 : i32
      %dma_start3A_883 = tpu.memref_slice %arg2[%squeeze3A_874, %dma_start3A_881, %dma_start3A_882] : memref<125000x8x64xf32, #tpu.memory_space<hbm>> -> memref<1x8x64xf32, #tpu.memory_space<hbm>>
      %dma_start3A_884 = tpu.memref_squeeze %dma_start3A_883 : memref<1x8x64xf32, #tpu.memory_space<hbm>> -> memref<8x64xf32, #tpu.memory_space<hbm>>
      %dma_start3A_885 = arith.constant 0 : i32
      %dma_start3A_886 = arith.constant 0 : i32
      %dma_start3A_887 = tpu.memref_slice %arg6[%dma_start3A_875, %dma_start3A_876, %dma_start3A_885, %dma_start3A_886] : memref<2x32x8x64xf32, #tpu.memory_space<vmem>> -> memref<1x1x8x64xf32, #tpu.memory_space<vmem>>
      %dma_start3A_888 = tpu.memref_squeeze %dma_start3A_887 : memref<1x1x8x64xf32, #tpu.memory_space<vmem>> -> memref<8x64xf32, #tpu.memory_space<vmem>>
      %dma_start3A_889 = arith.constant 0 : i32
      %dma_start3A_890 = arith.constant 0 : i32
      %dma_start3A_891 = tpu.memref_slice %arg2[%squeeze3A_874, %dma_start3A_889, %dma_start3A_890] : memref<125000x8x64xf32, #tpu.memory_space<hbm>> -> memref<1x8x64xf32, #tpu.memory_space<hbm>>
      %dma_start3A_892 = tpu.memref_squeeze %dma_start3A_891 : memref<1x8x64xf32, #tpu.memory_space<hbm>> -> memref<8x64xf32, #tpu.memory_space<hbm>>
      tpu.enqueue_dma source(%dma_start3A_892 : memref<8x64xf32, #tpu.memory_space<hbm>>) target(%dma_start3A_888 : memref<8x64xf32, #tpu.memory_space<vmem>>) target_semaphore(%arg9 : memref<!tpu.dma_semaphore, #tpu.memory_space<semaphore_mem>>)
      %slice3A_893 = vector.extract_strided_slice %shift_right_arithmetic3A_732 {offsets = [8], sizes = [1], strides = [1]} : vector<16xi32> to vector<1xi32>
      %squeeze3A_894 = vector.extract %slice3A_893[0] : i32 from vector<1xi32>
      %dma_start3A_895 = arith.constant 1 : i32
      %dma_start3A_896 = arith.constant 8 : i32
      %dma_start3A_897 = arith.constant 0 : i32
      %dma_start3A_898 = arith.constant 0 : i32
      %dma_start3A_899 = tpu.memref_slice %arg6[%dma_start3A_895, %dma_start3A_896, %dma_start3A_897, %dma_start3A_898] : memref<2x32x8x64xf32, #tpu.memory_space<vmem>> -> memref<1x1x8x64xf32, #tpu.memory_space<vmem>>
      %dma_start3A_900 = tpu.memref_squeeze %dma_start3A_899 : memref<1x1x8x64xf32, #tpu.memory_space<vmem>> -> memref<8x64xf32, #tpu.memory_space<vmem>>
      %dma_start3A_901 = arith.constant 0 : i32
      %dma_start3A_902 = arith.constant 0 : i32
      %dma_start3A_903 = tpu.memref_slice %arg2[%squeeze3A_894, %dma_start3A_901, %dma_start3A_902] : memref<125000x8x64xf32, #tpu.memory_space<hbm>> -> memref<1x8x64xf32, #tpu.memory_space<hbm>>
      %dma_start3A_904 = tpu.memref_squeeze %dma_start3A_903 : memref<1x8x64xf32, #tpu.memory_space<hbm>> -> memref<8x64xf32, #tpu.memory_space<hbm>>
      %dma_start3A_905 = arith.constant 0 : i32
      %dma_start3A_906 = arith.constant 0 : i32
      %dma_start3A_907 = tpu.memref_slice %arg6[%dma_start3A_895, %dma_start3A_896, %dma_start3A_905, %dma_start3A_906] : memref<2x32x8x64xf32, #tpu.memory_space<vmem>> -> memref<1x1x8x64xf32, #tpu.memory_space<vmem>>
      %dma_start3A_908 = tpu.memref_squeeze %dma_start3A_907 : memref<1x1x8x64xf32, #tpu.memory_space<vmem>> -> memref<8x64xf32, #tpu.memory_space<vmem>>
      %dma_start3A_909 = arith.constant 0 : i32
      %dma_start3A_910 = arith.constant 0 : i32
      %dma_start3A_911 = tpu.memref_slice %arg2[%squeeze3A_894, %dma_start3A_909, %dma_start3A_910] : memref<125000x8x64xf32, #tpu.memory_space<hbm>> -> memref<1x8x64xf32, #tpu.memory_space<hbm>>
      %dma_start3A_912 = tpu.memref_squeeze %dma_start3A_911 : memref<1x8x64xf32, #tpu.memory_space<hbm>> -> memref<8x64xf32, #tpu.memory_space<hbm>>
      tpu.enqueue_dma source(%dma_start3A_912 : memref<8x64xf32, #tpu.memory_space<hbm>>) target(%dma_start3A_908 : memref<8x64xf32, #tpu.memory_space<vmem>>) target_semaphore(%arg9 : memref<!tpu.dma_semaphore, #tpu.memory_space<semaphore_mem>>)
      %slice3A_913 = vector.extract_strided_slice %shift_right_arithmetic3A_732 {offsets = [9], sizes = [1], strides = [1]} : vector<16xi32> to vector<1xi32>
      %squeeze3A_914 = vector.extract %slice3A_913[0] : i32 from vector<1xi32>
      %dma_start3A_915 = arith.constant 1 : i32
      %dma_start3A_916 = arith.constant 9 : i32
      %dma_start3A_917 = arith.constant 0 : i32
      %dma_start3A_918 = arith.constant 0 : i32
      %dma_start3A_919 = tpu.memref_slice %arg6[%dma_start3A_915, %dma_start3A_916, %dma_start3A_917, %dma_start3A_918] : memref<2x32x8x64xf32, #tpu.memory_space<vmem>> -> memref<1x1x8x64xf32, #tpu.memory_space<vmem>>
      %dma_start3A_920 = tpu.memref_squeeze %dma_start3A_919 : memref<1x1x8x64xf32, #tpu.memory_space<vmem>> -> memref<8x64xf32, #tpu.memory_space<vmem>>
      %dma_start3A_921 = arith.constant 0 : i32
      %dma_start3A_922 = arith.constant 0 : i32
      %dma_start3A_923 = tpu.memref_slice %arg2[%squeeze3A_914, %dma_start3A_921, %dma_start3A_922] : memref<125000x8x64xf32, #tpu.memory_space<hbm>> -> memref<1x8x64xf32, #tpu.memory_space<hbm>>
      %dma_start3A_924 = tpu.memref_squeeze %dma_start3A_923 : memref<1x8x64xf32, #tpu.memory_space<hbm>> -> memref<8x64xf32, #tpu.memory_space<hbm>>
      %dma_start3A_925 = arith.constant 0 : i32
      %dma_start3A_926 = arith.constant 0 : i32
      %dma_start3A_927 = tpu.memref_slice %arg6[%dma_start3A_915, %dma_start3A_916, %dma_start3A_925, %dma_start3A_926] : memref<2x32x8x64xf32, #tpu.memory_space<vmem>> -> memref<1x1x8x64xf32, #tpu.memory_space<vmem>>
      %dma_start3A_928 = tpu.memref_squeeze %dma_start3A_927 : memref<1x1x8x64xf32, #tpu.memory_space<vmem>> -> memref<8x64xf32, #tpu.memory_space<vmem>>
      %dma_start3A_929 = arith.constant 0 : i32
      %dma_start3A_930 = arith.constant 0 : i32
      %dma_start3A_931 = tpu.memref_slice %arg2[%squeeze3A_914, %dma_start3A_929, %dma_start3A_930] : memref<125000x8x64xf32, #tpu.memory_space<hbm>> -> memref<1x8x64xf32, #tpu.memory_space<hbm>>
      %dma_start3A_932 = tpu.memref_squeeze %dma_start3A_931 : memref<1x8x64xf32, #tpu.memory_space<hbm>> -> memref<8x64xf32, #tpu.memory_space<hbm>>
      tpu.enqueue_dma source(%dma_start3A_932 : memref<8x64xf32, #tpu.memory_space<hbm>>) target(%dma_start3A_928 : memref<8x64xf32, #tpu.memory_space<vmem>>) target_semaphore(%arg9 : memref<!tpu.dma_semaphore, #tpu.memory_space<semaphore_mem>>)
      %slice3A_933 = vector.extract_strided_slice %shift_right_arithmetic3A_732 {offsets = [10], sizes = [1], strides = [1]} : vector<16xi32> to vector<1xi32>
      %squeeze3A_934 = vector.extract %slice3A_933[0] : i32 from vector<1xi32>
      %dma_start3A_935 = arith.constant 1 : i32
      %dma_start3A_936 = arith.constant 10 : i32
      %dma_start3A_937 = arith.constant 0 : i32
      %dma_start3A_938 = arith.constant 0 : i32
      %dma_start3A_939 = tpu.memref_slice %arg6[%dma_start3A_935, %dma_start3A_936, %dma_start3A_937, %dma_start3A_938] : memref<2x32x8x64xf32, #tpu.memory_space<vmem>> -> memref<1x1x8x64xf32, #tpu.memory_space<vmem>>
      %dma_start3A_940 = tpu.memref_squeeze %dma_start3A_939 : memref<1x1x8x64xf32, #tpu.memory_space<vmem>> -> memref<8x64xf32, #tpu.memory_space<vmem>>
      %dma_start3A_941 = arith.constant 0 : i32
      %dma_start3A_942 = arith.constant 0 : i32
      %dma_start3A_943 = tpu.memref_slice %arg2[%squeeze3A_934, %dma_start3A_941, %dma_start3A_942] : memref<125000x8x64xf32, #tpu.memory_space<hbm>> -> memref<1x8x64xf32, #tpu.memory_space<hbm>>
      %dma_start3A_944 = tpu.memref_squeeze %dma_start3A_943 : memref<1x8x64xf32, #tpu.memory_space<hbm>> -> memref<8x64xf32, #tpu.memory_space<hbm>>
      %dma_start3A_945 = arith.constant 0 : i32
      %dma_start3A_946 = arith.constant 0 : i32
      %dma_start3A_947 = tpu.memref_slice %arg6[%dma_start3A_935, %dma_start3A_936, %dma_start3A_945, %dma_start3A_946] : memref<2x32x8x64xf32, #tpu.memory_space<vmem>> -> memref<1x1x8x64xf32, #tpu.memory_space<vmem>>
      %dma_start3A_948 = tpu.memref_squeeze %dma_start3A_947 : memref<1x1x8x64xf32, #tpu.memory_space<vmem>> -> memref<8x64xf32, #tpu.memory_space<vmem>>
      %dma_start3A_949 = arith.constant 0 : i32
      %dma_start3A_950 = arith.constant 0 : i32
      %dma_start3A_951 = tpu.memref_slice %arg2[%squeeze3A_934, %dma_start3A_949, %dma_start3A_950] : memref<125000x8x64xf32, #tpu.memory_space<hbm>> -> memref<1x8x64xf32, #tpu.memory_space<hbm>>
      %dma_start3A_952 = tpu.memref_squeeze %dma_start3A_951 : memref<1x8x64xf32, #tpu.memory_space<hbm>> -> memref<8x64xf32, #tpu.memory_space<hbm>>
      tpu.enqueue_dma source(%dma_start3A_952 : memref<8x64xf32, #tpu.memory_space<hbm>>) target(%dma_start3A_948 : memref<8x64xf32, #tpu.memory_space<vmem>>) target_semaphore(%arg9 : memref<!tpu.dma_semaphore, #tpu.memory_space<semaphore_mem>>)
      %slice3A_953 = vector.extract_strided_slice %shift_right_arithmetic3A_732 {offsets = [11], sizes = [1], strides = [1]} : vector<16xi32> to vector<1xi32>
      %squeeze3A_954 = vector.extract %slice3A_953[0] : i32 from vector<1xi32>
      %dma_start3A_955 = arith.constant 1 : i32
      %dma_start3A_956 = arith.constant 11 : i32
      %dma_start3A_957 = arith.constant 0 : i32
      %dma_start3A_958 = arith.constant 0 : i32
      %dma_start3A_959 = tpu.memref_slice %arg6[%dma_start3A_955, %dma_start3A_956, %dma_start3A_957, %dma_start3A_958] : memref<2x32x8x64xf32, #tpu.memory_space<vmem>> -> memref<1x1x8x64xf32, #tpu.memory_space<vmem>>
      %dma_start3A_960 = tpu.memref_squeeze %dma_start3A_959 : memref<1x1x8x64xf32, #tpu.memory_space<vmem>> -> memref<8x64xf32, #tpu.memory_space<vmem>>
      %dma_start3A_961 = arith.constant 0 : i32
      %dma_start3A_962 = arith.constant 0 : i32
      %dma_start3A_963 = tpu.memref_slice %arg2[%squeeze3A_954, %dma_start3A_961, %dma_start3A_962] : memref<125000x8x64xf32, #tpu.memory_space<hbm>> -> memref<1x8x64xf32, #tpu.memory_space<hbm>>
      %dma_start3A_964 = tpu.memref_squeeze %dma_start3A_963 : memref<1x8x64xf32, #tpu.memory_space<hbm>> -> memref<8x64xf32, #tpu.memory_space<hbm>>
      %dma_start3A_965 = arith.constant 0 : i32
      %dma_start3A_966 = arith.constant 0 : i32
      %dma_start3A_967 = tpu.memref_slice %arg6[%dma_start3A_955, %dma_start3A_956, %dma_start3A_965, %dma_start3A_966] : memref<2x32x8x64xf32, #tpu.memory_space<vmem>> -> memref<1x1x8x64xf32, #tpu.memory_space<vmem>>
      %dma_start3A_968 = tpu.memref_squeeze %dma_start3A_967 : memref<1x1x8x64xf32, #tpu.memory_space<vmem>> -> memref<8x64xf32, #tpu.memory_space<vmem>>
      %dma_start3A_969 = arith.constant 0 : i32
      %dma_start3A_970 = arith.constant 0 : i32
      %dma_start3A_971 = tpu.memref_slice %arg2[%squeeze3A_954, %dma_start3A_969, %dma_start3A_970] : memref<125000x8x64xf32, #tpu.memory_space<hbm>> -> memref<1x8x64xf32, #tpu.memory_space<hbm>>
      %dma_start3A_972 = tpu.memref_squeeze %dma_start3A_971 : memref<1x8x64xf32, #tpu.memory_space<hbm>> -> memref<8x64xf32, #tpu.memory_space<hbm>>
      tpu.enqueue_dma source(%dma_start3A_972 : memref<8x64xf32, #tpu.memory_space<hbm>>) target(%dma_start3A_968 : memref<8x64xf32, #tpu.memory_space<vmem>>) target_semaphore(%arg9 : memref<!tpu.dma_semaphore, #tpu.memory_space<semaphore_mem>>)
      %slice3A_973 = vector.extract_strided_slice %shift_right_arithmetic3A_732 {offsets = [12], sizes = [1], strides = [1]} : vector<16xi32> to vector<1xi32>
      %squeeze3A_974 = vector.extract %slice3A_973[0] : i32 from vector<1xi32>
      %dma_start3A_975 = arith.constant 1 : i32
      %dma_start3A_976 = arith.constant 12 : i32
      %dma_start3A_977 = arith.constant 0 : i32
      %dma_start3A_978 = arith.constant 0 : i32
      %dma_start3A_979 = tpu.memref_slice %arg6[%dma_start3A_975, %dma_start3A_976, %dma_start3A_977, %dma_start3A_978] : memref<2x32x8x64xf32, #tpu.memory_space<vmem>> -> memref<1x1x8x64xf32, #tpu.memory_space<vmem>>
      %dma_start3A_980 = tpu.memref_squeeze %dma_start3A_979 : memref<1x1x8x64xf32, #tpu.memory_space<vmem>> -> memref<8x64xf32, #tpu.memory_space<vmem>>
      %dma_start3A_981 = arith.constant 0 : i32
      %dma_start3A_982 = arith.constant 0 : i32
      %dma_start3A_983 = tpu.memref_slice %arg2[%squeeze3A_974, %dma_start3A_981, %dma_start3A_982] : memref<125000x8x64xf32, #tpu.memory_space<hbm>> -> memref<1x8x64xf32, #tpu.memory_space<hbm>>
      %dma_start3A_984 = tpu.memref_squeeze %dma_start3A_983 : memref<1x8x64xf32, #tpu.memory_space<hbm>> -> memref<8x64xf32, #tpu.memory_space<hbm>>
      %dma_start3A_985 = arith.constant 0 : i32
      %dma_start3A_986 = arith.constant 0 : i32
      %dma_start3A_987 = tpu.memref_slice %arg6[%dma_start3A_975, %dma_start3A_976, %dma_start3A_985, %dma_start3A_986] : memref<2x32x8x64xf32, #tpu.memory_space<vmem>> -> memref<1x1x8x64xf32, #tpu.memory_space<vmem>>
      %dma_start3A_988 = tpu.memref_squeeze %dma_start3A_987 : memref<1x1x8x64xf32, #tpu.memory_space<vmem>> -> memref<8x64xf32, #tpu.memory_space<vmem>>
      %dma_start3A_989 = arith.constant 0 : i32
      %dma_start3A_990 = arith.constant 0 : i32
      %dma_start3A_991 = tpu.memref_slice %arg2[%squeeze3A_974, %dma_start3A_989, %dma_start3A_990] : memref<125000x8x64xf32, #tpu.memory_space<hbm>> -> memref<1x8x64xf32, #tpu.memory_space<hbm>>
      %dma_start3A_992 = tpu.memref_squeeze %dma_start3A_991 : memref<1x8x64xf32, #tpu.memory_space<hbm>> -> memref<8x64xf32, #tpu.memory_space<hbm>>
      tpu.enqueue_dma source(%dma_start3A_992 : memref<8x64xf32, #tpu.memory_space<hbm>>) target(%dma_start3A_988 : memref<8x64xf32, #tpu.memory_space<vmem>>) target_semaphore(%arg9 : memref<!tpu.dma_semaphore, #tpu.memory_space<semaphore_mem>>)
      %slice3A_993 = vector.extract_strided_slice %shift_right_arithmetic3A_732 {offsets = [13], sizes = [1], strides = [1]} : vector<16xi32> to vector<1xi32>
      %squeeze3A_994 = vector.extract %slice3A_993[0] : i32 from vector<1xi32>
      %dma_start3A_995 = arith.constant 1 : i32
      %dma_start3A_996 = arith.constant 13 : i32
      %dma_start3A_997 = arith.constant 0 : i32
      %dma_start3A_998 = arith.constant 0 : i32
      %dma_start3A_999 = tpu.memref_slice %arg6[%dma_start3A_995, %dma_start3A_996, %dma_start3A_997, %dma_start3A_998] : memref<2x32x8x64xf32, #tpu.memory_space<vmem>> -> memref<1x1x8x64xf32, #tpu.memory_space<vmem>>
      %dma_start3A_1000 = tpu.memref_squeeze %dma_start3A_999 : memref<1x1x8x64xf32, #tpu.memory_space<vmem>> -> memref<8x64xf32, #tpu.memory_space<vmem>>
      %dma_start3A_1001 = arith.constant 0 : i32
      %dma_start3A_1002 = arith.constant 0 : i32
      %dma_start3A_1003 = tpu.memref_slice %arg2[%squeeze3A_994, %dma_start3A_1001, %dma_start3A_1002] : memref<125000x8x64xf32, #tpu.memory_space<hbm>> -> memref<1x8x64xf32, #tpu.memory_space<hbm>>
      %dma_start3A_1004 = tpu.memref_squeeze %dma_start3A_1003 : memref<1x8x64xf32, #tpu.memory_space<hbm>> -> memref<8x64xf32, #tpu.memory_space<hbm>>
      %dma_start3A_1005 = arith.constant 0 : i32
      %dma_start3A_1006 = arith.constant 0 : i32
      %dma_start3A_1007 = tpu.memref_slice %arg6[%dma_start3A_995, %dma_start3A_996, %dma_start3A_1005, %dma_start3A_1006] : memref<2x32x8x64xf32, #tpu.memory_space<vmem>> -> memref<1x1x8x64xf32, #tpu.memory_space<vmem>>
      %dma_start3A_1008 = tpu.memref_squeeze %dma_start3A_1007 : memref<1x1x8x64xf32, #tpu.memory_space<vmem>> -> memref<8x64xf32, #tpu.memory_space<vmem>>
      %dma_start3A_1009 = arith.constant 0 : i32
      %dma_start3A_1010 = arith.constant 0 : i32
      %dma_start3A_1011 = tpu.memref_slice %arg2[%squeeze3A_994, %dma_start3A_1009, %dma_start3A_1010] : memref<125000x8x64xf32, #tpu.memory_space<hbm>> -> memref<1x8x64xf32, #tpu.memory_space<hbm>>
      %dma_start3A_1012 = tpu.memref_squeeze %dma_start3A_1011 : memref<1x8x64xf32, #tpu.memory_space<hbm>> -> memref<8x64xf32, #tpu.memory_space<hbm>>
      tpu.enqueue_dma source(%dma_start3A_1012 : memref<8x64xf32, #tpu.memory_space<hbm>>) target(%dma_start3A_1008 : memref<8x64xf32, #tpu.memory_space<vmem>>) target_semaphore(%arg9 : memref<!tpu.dma_semaphore, #tpu.memory_space<semaphore_mem>>)
      %slice3A_1013 = vector.extract_strided_slice %shift_right_arithmetic3A_732 {offsets = [14], sizes = [1], strides = [1]} : vector<16xi32> to vector<1xi32>
      %squeeze3A_1014 = vector.extract %slice3A_1013[0] : i32 from vector<1xi32>
      %dma_start3A_1015 = arith.constant 1 : i32
      %dma_start3A_1016 = arith.constant 14 : i32
      %dma_start3A_1017 = arith.constant 0 : i32
      %dma_start3A_1018 = arith.constant 0 : i32
      %dma_start3A_1019 = tpu.memref_slice %arg6[%dma_start3A_1015, %dma_start3A_1016, %dma_start3A_1017, %dma_start3A_1018] : memref<2x32x8x64xf32, #tpu.memory_space<vmem>> -> memref<1x1x8x64xf32, #tpu.memory_space<vmem>>
      %dma_start3A_1020 = tpu.memref_squeeze %dma_start3A_1019 : memref<1x1x8x64xf32, #tpu.memory_space<vmem>> -> memref<8x64xf32, #tpu.memory_space<vmem>>
      %dma_start3A_1021 = arith.constant 0 : i32
      %dma_start3A_1022 = arith.constant 0 : i32
      %dma_start3A_1023 = tpu.memref_slice %arg2[%squeeze3A_1014, %dma_start3A_1021, %dma_start3A_1022] : memref<125000x8x64xf32, #tpu.memory_space<hbm>> -> memref<1x8x64xf32, #tpu.memory_space<hbm>>
      %dma_start3A_1024 = tpu.memref_squeeze %dma_start3A_1023 : memref<1x8x64xf32, #tpu.memory_space<hbm>> -> memref<8x64xf32, #tpu.memory_space<hbm>>
      %dma_start3A_1025 = arith.constant 0 : i32
      %dma_start3A_1026 = arith.constant 0 : i32
      %dma_start3A_1027 = tpu.memref_slice %arg6[%dma_start3A_1015, %dma_start3A_1016, %dma_start3A_1025, %dma_start3A_1026] : memref<2x32x8x64xf32, #tpu.memory_space<vmem>> -> memref<1x1x8x64xf32, #tpu.memory_space<vmem>>
      %dma_start3A_1028 = tpu.memref_squeeze %dma_start3A_1027 : memref<1x1x8x64xf32, #tpu.memory_space<vmem>> -> memref<8x64xf32, #tpu.memory_space<vmem>>
      %dma_start3A_1029 = arith.constant 0 : i32
      %dma_start3A_1030 = arith.constant 0 : i32
      %dma_start3A_1031 = tpu.memref_slice %arg2[%squeeze3A_1014, %dma_start3A_1029, %dma_start3A_1030] : memref<125000x8x64xf32, #tpu.memory_space<hbm>> -> memref<1x8x64xf32, #tpu.memory_space<hbm>>
      %dma_start3A_1032 = tpu.memref_squeeze %dma_start3A_1031 : memref<1x8x64xf32, #tpu.memory_space<hbm>> -> memref<8x64xf32, #tpu.memory_space<hbm>>
      tpu.enqueue_dma source(%dma_start3A_1032 : memref<8x64xf32, #tpu.memory_space<hbm>>) target(%dma_start3A_1028 : memref<8x64xf32, #tpu.memory_space<vmem>>) target_semaphore(%arg9 : memref<!tpu.dma_semaphore, #tpu.memory_space<semaphore_mem>>)
      %slice3A_1033 = vector.extract_strided_slice %shift_right_arithmetic3A_732 {offsets = [15], sizes = [1], strides = [1]} : vector<16xi32> to vector<1xi32>
      %squeeze3A_1034 = vector.extract %slice3A_1033[0] : i32 from vector<1xi32>
      %dma_start3A_1035 = arith.constant 1 : i32
      %dma_start3A_1036 = arith.constant 15 : i32
      %dma_start3A_1037 = arith.constant 0 : i32
      %dma_start3A_1038 = arith.constant 0 : i32
      %dma_start3A_1039 = tpu.memref_slice %arg6[%dma_start3A_1035, %dma_start3A_1036, %dma_start3A_1037, %dma_start3A_1038] : memref<2x32x8x64xf32, #tpu.memory_space<vmem>> -> memref<1x1x8x64xf32, #tpu.memory_space<vmem>>
      %dma_start3A_1040 = tpu.memref_squeeze %dma_start3A_1039 : memref<1x1x8x64xf32, #tpu.memory_space<vmem>> -> memref<8x64xf32, #tpu.memory_space<vmem>>
      %dma_start3A_1041 = arith.constant 0 : i32
      %dma_start3A_1042 = arith.constant 0 : i32
      %dma_start3A_1043 = tpu.memref_slice %arg2[%squeeze3A_1034, %dma_start3A_1041, %dma_start3A_1042] : memref<125000x8x64xf32, #tpu.memory_space<hbm>> -> memref<1x8x64xf32, #tpu.memory_space<hbm>>
      %dma_start3A_1044 = tpu.memref_squeeze %dma_start3A_1043 : memref<1x8x64xf32, #tpu.memory_space<hbm>> -> memref<8x64xf32, #tpu.memory_space<hbm>>
      %dma_start3A_1045 = arith.constant 0 : i32
      %dma_start3A_1046 = arith.constant 0 : i32
      %dma_start3A_1047 = tpu.memref_slice %arg6[%dma_start3A_1035, %dma_start3A_1036, %dma_start3A_1045, %dma_start3A_1046] : memref<2x32x8x64xf32, #tpu.memory_space<vmem>> -> memref<1x1x8x64xf32, #tpu.memory_space<vmem>>
      %dma_start3A_1048 = tpu.memref_squeeze %dma_start3A_1047 : memref<1x1x8x64xf32, #tpu.memory_space<vmem>> -> memref<8x64xf32, #tpu.memory_space<vmem>>
      %dma_start3A_1049 = arith.constant 0 : i32
      %dma_start3A_1050 = arith.constant 0 : i32
      %dma_start3A_1051 = tpu.memref_slice %arg2[%squeeze3A_1034, %dma_start3A_1049, %dma_start3A_1050] : memref<125000x8x64xf32, #tpu.memory_space<hbm>> -> memref<1x8x64xf32, #tpu.memory_space<hbm>>
      %dma_start3A_1052 = tpu.memref_squeeze %dma_start3A_1051 : memref<1x8x64xf32, #tpu.memory_space<hbm>> -> memref<8x64xf32, #tpu.memory_space<hbm>>
      tpu.enqueue_dma source(%dma_start3A_1052 : memref<8x64xf32, #tpu.memory_space<hbm>>) target(%dma_start3A_1048 : memref<8x64xf32, #tpu.memory_space<vmem>>) target_semaphore(%arg9 : memref<!tpu.dma_semaphore, #tpu.memory_space<semaphore_mem>>)
      %mul3A_1053 = arith.constant 32 : i32
      %mul3A_1054 = arith.muli %add3A_722, %mul3A_1053 : i32
      %add3A_1055 = arith.constant 16 : i32
      %add3A_1056 = arith.addi %mul3A_1054, %add3A_1055 : i32
      %multiple_of3A_1057 = tpu.assume_multiple %add3A_1056, 16 : i32
      %get3A_1058 = arith.index_cast %multiple_of3A_1057 : i32 to index
      %get3A_1059 = tpu.vector_load %arg5[%get3A_1058] {strides = array<i32>} : memref<512xi32, #tpu.memory_space<vmem>>, vector<16xi32>,
      %shift_right_arithmetic3A_1060 = arith.constant 3 : i32
      %shift_right_arithmetic3A_1061 = vector.broadcast %shift_right_arithmetic3A_1060 : i32 to vector<16xi32>
      %shift_right_arithmetic3A_1062 = arith.shrsi %get3A_1059, %shift_right_arithmetic3A_1061 : vector<16xi32>
      %slice3A_1063 = vector.extract_strided_slice %shift_right_arithmetic3A_1062 {offsets = [0], sizes = [1], strides = [1]} : vector<16xi32> to vector<1xi32>
      %squeeze3A_1064 = vector.extract %slice3A_1063[0] : i32 from vector<1xi32>
      %dma_start3A_1065 = arith.constant 1 : i32
      %dma_start3A_1066 = arith.constant 16 : i32
      %dma_start3A_1067 = arith.constant 0 : i32
      %dma_start3A_1068 = arith.constant 0 : i32
      %dma_start3A_1069 = tpu.memref_slice %arg6[%dma_start3A_1065, %dma_start3A_1066, %dma_start3A_1067, %dma_start3A_1068] : memref<2x32x8x64xf32, #tpu.memory_space<vmem>> -> memref<1x1x8x64xf32, #tpu.memory_space<vmem>>
      %dma_start3A_1070 = tpu.memref_squeeze %dma_start3A_1069 : memref<1x1x8x64xf32, #tpu.memory_space<vmem>> -> memref<8x64xf32, #tpu.memory_space<vmem>>
      %dma_start3A_1071 = arith.constant 0 : i32
      %dma_start3A_1072 = arith.constant 0 : i32
      %dma_start3A_1073 = tpu.memref_slice %arg2[%squeeze3A_1064, %dma_start3A_1071, %dma_start3A_1072] : memref<125000x8x64xf32, #tpu.memory_space<hbm>> -> memref<1x8x64xf32, #tpu.memory_space<hbm>>
      %dma_start3A_1074 = tpu.memref_squeeze %dma_start3A_1073 : memref<1x8x64xf32, #tpu.memory_space<hbm>> -> memref<8x64xf32, #tpu.memory_space<hbm>>
      %dma_start3A_1075 = arith.constant 0 : i32
      %dma_start3A_1076 = arith.constant 0 : i32
      %dma_start3A_1077 = tpu.memref_slice %arg6[%dma_start3A_1065, %dma_start3A_1066, %dma_start3A_1075, %dma_start3A_1076] : memref<2x32x8x64xf32, #tpu.memory_space<vmem>> -> memref<1x1x8x64xf32, #tpu.memory_space<vmem>>
      %dma_start3A_1078 = tpu.memref_squeeze %dma_start3A_1077 : memref<1x1x8x64xf32, #tpu.memory_space<vmem>> -> memref<8x64xf32, #tpu.memory_space<vmem>>
      %dma_start3A_1079 = arith.constant 0 : i32
      %dma_start3A_1080 = arith.constant 0 : i32
      %dma_start3A_1081 = tpu.memref_slice %arg2[%squeeze3A_1064, %dma_start3A_1079, %dma_start3A_1080] : memref<125000x8x64xf32, #tpu.memory_space<hbm>> -> memref<1x8x64xf32, #tpu.memory_space<hbm>>
      %dma_start3A_1082 = tpu.memref_squeeze %dma_start3A_1081 : memref<1x8x64xf32, #tpu.memory_space<hbm>> -> memref<8x64xf32, #tpu.memory_space<hbm>>
      tpu.enqueue_dma source(%dma_start3A_1082 : memref<8x64xf32, #tpu.memory_space<hbm>>) target(%dma_start3A_1078 : memref<8x64xf32, #tpu.memory_space<vmem>>) target_semaphore(%arg9 : memref<!tpu.dma_semaphore, #tpu.memory_space<semaphore_mem>>)
      %slice3A_1083 = vector.extract_strided_slice %shift_right_arithmetic3A_1062 {offsets = [1], sizes = [1], strides = [1]} : vector<16xi32> to vector<1xi32>
      %squeeze3A_1084 = vector.extract %slice3A_1083[0] : i32 from vector<1xi32>
      %dma_start3A_1085 = arith.constant 1 : i32
      %dma_start3A_1086 = arith.constant 17 : i32
      %dma_start3A_1087 = arith.constant 0 : i32
      %dma_start3A_1088 = arith.constant 0 : i32
      %dma_start3A_1089 = tpu.memref_slice %arg6[%dma_start3A_1085, %dma_start3A_1086, %dma_start3A_1087, %dma_start3A_1088] : memref<2x32x8x64xf32, #tpu.memory_space<vmem>> -> memref<1x1x8x64xf32, #tpu.memory_space<vmem>>
      %dma_start3A_1090 = tpu.memref_squeeze %dma_start3A_1089 : memref<1x1x8x64xf32, #tpu.memory_space<vmem>> -> memref<8x64xf32, #tpu.memory_space<vmem>>
      %dma_start3A_1091 = arith.constant 0 : i32
      %dma_start3A_1092 = arith.constant 0 : i32
      %dma_start3A_1093 = tpu.memref_slice %arg2[%squeeze3A_1084, %dma_start3A_1091, %dma_start3A_1092] : memref<125000x8x64xf32, #tpu.memory_space<hbm>> -> memref<1x8x64xf32, #tpu.memory_space<hbm>>
      %dma_start3A_1094 = tpu.memref_squeeze %dma_start3A_1093 : memref<1x8x64xf32, #tpu.memory_space<hbm>> -> memref<8x64xf32, #tpu.memory_space<hbm>>
      %dma_start3A_1095 = arith.constant 0 : i32
      %dma_start3A_1096 = arith.constant 0 : i32
      %dma_start3A_1097 = tpu.memref_slice %arg6[%dma_start3A_1085, %dma_start3A_1086, %dma_start3A_1095, %dma_start3A_1096] : memref<2x32x8x64xf32, #tpu.memory_space<vmem>> -> memref<1x1x8x64xf32, #tpu.memory_space<vmem>>
      %dma_start3A_1098 = tpu.memref_squeeze %dma_start3A_1097 : memref<1x1x8x64xf32, #tpu.memory_space<vmem>> -> memref<8x64xf32, #tpu.memory_space<vmem>>
      %dma_start3A_1099 = arith.constant 0 : i32
      %dma_start3A_1100 = arith.constant 0 : i32
      %dma_start3A_1101 = tpu.memref_slice %arg2[%squeeze3A_1084, %dma_start3A_1099, %dma_start3A_1100] : memref<125000x8x64xf32, #tpu.memory_space<hbm>> -> memref<1x8x64xf32, #tpu.memory_space<hbm>>
      %dma_start3A_1102 = tpu.memref_squeeze %dma_start3A_1101 : memref<1x8x64xf32, #tpu.memory_space<hbm>> -> memref<8x64xf32, #tpu.memory_space<hbm>>
      tpu.enqueue_dma source(%dma_start3A_1102 : memref<8x64xf32, #tpu.memory_space<hbm>>) target(%dma_start3A_1098 : memref<8x64xf32, #tpu.memory_space<vmem>>) target_semaphore(%arg9 : memref<!tpu.dma_semaphore, #tpu.memory_space<semaphore_mem>>)
      %slice3A_1103 = vector.extract_strided_slice %shift_right_arithmetic3A_1062 {offsets = [2], sizes = [1], strides = [1]} : vector<16xi32> to vector<1xi32>
      %squeeze3A_1104 = vector.extract %slice3A_1103[0] : i32 from vector<1xi32>
      %dma_start3A_1105 = arith.constant 1 : i32
      %dma_start3A_1106 = arith.constant 18 : i32
      %dma_start3A_1107 = arith.constant 0 : i32
      %dma_start3A_1108 = arith.constant 0 : i32
      %dma_start3A_1109 = tpu.memref_slice %arg6[%dma_start3A_1105, %dma_start3A_1106, %dma_start3A_1107, %dma_start3A_1108] : memref<2x32x8x64xf32, #tpu.memory_space<vmem>> -> memref<1x1x8x64xf32, #tpu.memory_space<vmem>>
      %dma_start3A_1110 = tpu.memref_squeeze %dma_start3A_1109 : memref<1x1x8x64xf32, #tpu.memory_space<vmem>> -> memref<8x64xf32, #tpu.memory_space<vmem>>
      %dma_start3A_1111 = arith.constant 0 : i32
      %dma_start3A_1112 = arith.constant 0 : i32
      %dma_start3A_1113 = tpu.memref_slice %arg2[%squeeze3A_1104, %dma_start3A_1111, %dma_start3A_1112] : memref<125000x8x64xf32, #tpu.memory_space<hbm>> -> memref<1x8x64xf32, #tpu.memory_space<hbm>>
      %dma_start3A_1114 = tpu.memref_squeeze %dma_start3A_1113 : memref<1x8x64xf32, #tpu.memory_space<hbm>> -> memref<8x64xf32, #tpu.memory_space<hbm>>
      %dma_start3A_1115 = arith.constant 0 : i32
      %dma_start3A_1116 = arith.constant 0 : i32
      %dma_start3A_1117 = tpu.memref_slice %arg6[%dma_start3A_1105, %dma_start3A_1106, %dma_start3A_1115, %dma_start3A_1116] : memref<2x32x8x64xf32, #tpu.memory_space<vmem>> -> memref<1x1x8x64xf32, #tpu.memory_space<vmem>>
      %dma_start3A_1118 = tpu.memref_squeeze %dma_start3A_1117 : memref<1x1x8x64xf32, #tpu.memory_space<vmem>> -> memref<8x64xf32, #tpu.memory_space<vmem>>
      %dma_start3A_1119 = arith.constant 0 : i32
      %dma_start3A_1120 = arith.constant 0 : i32
      %dma_start3A_1121 = tpu.memref_slice %arg2[%squeeze3A_1104, %dma_start3A_1119, %dma_start3A_1120] : memref<125000x8x64xf32, #tpu.memory_space<hbm>> -> memref<1x8x64xf32, #tpu.memory_space<hbm>>
      %dma_start3A_1122 = tpu.memref_squeeze %dma_start3A_1121 : memref<1x8x64xf32, #tpu.memory_space<hbm>> -> memref<8x64xf32, #tpu.memory_space<hbm>>
      tpu.enqueue_dma source(%dma_start3A_1122 : memref<8x64xf32, #tpu.memory_space<hbm>>) target(%dma_start3A_1118 : memref<8x64xf32, #tpu.memory_space<vmem>>) target_semaphore(%arg9 : memref<!tpu.dma_semaphore, #tpu.memory_space<semaphore_mem>>)
      %slice3A_1123 = vector.extract_strided_slice %shift_right_arithmetic3A_1062 {offsets = [3], sizes = [1], strides = [1]} : vector<16xi32> to vector<1xi32>
      %squeeze3A_1124 = vector.extract %slice3A_1123[0] : i32 from vector<1xi32>
      %dma_start3A_1125 = arith.constant 1 : i32
      %dma_start3A_1126 = arith.constant 19 : i32
      %dma_start3A_1127 = arith.constant 0 : i32
      %dma_start3A_1128 = arith.constant 0 : i32
      %dma_start3A_1129 = tpu.memref_slice %arg6[%dma_start3A_1125, %dma_start3A_1126, %dma_start3A_1127, %dma_start3A_1128] : memref<2x32x8x64xf32, #tpu.memory_space<vmem>> -> memref<1x1x8x64xf32, #tpu.memory_space<vmem>>
      %dma_start3A_1130 = tpu.memref_squeeze %dma_start3A_1129 : memref<1x1x8x64xf32, #tpu.memory_space<vmem>> -> memref<8x64xf32, #tpu.memory_space<vmem>>
      %dma_start3A_1131 = arith.constant 0 : i32
      %dma_start3A_1132 = arith.constant 0 : i32
      %dma_start3A_1133 = tpu.memref_slice %arg2[%squeeze3A_1124, %dma_start3A_1131, %dma_start3A_1132] : memref<125000x8x64xf32, #tpu.memory_space<hbm>> -> memref<1x8x64xf32, #tpu.memory_space<hbm>>
      %dma_start3A_1134 = tpu.memref_squeeze %dma_start3A_1133 : memref<1x8x64xf32, #tpu.memory_space<hbm>> -> memref<8x64xf32, #tpu.memory_space<hbm>>
      %dma_start3A_1135 = arith.constant 0 : i32
      %dma_start3A_1136 = arith.constant 0 : i32
      %dma_start3A_1137 = tpu.memref_slice %arg6[%dma_start3A_1125, %dma_start3A_1126, %dma_start3A_1135, %dma_start3A_1136] : memref<2x32x8x64xf32, #tpu.memory_space<vmem>> -> memref<1x1x8x64xf32, #tpu.memory_space<vmem>>
      %dma_start3A_1138 = tpu.memref_squeeze %dma_start3A_1137 : memref<1x1x8x64xf32, #tpu.memory_space<vmem>> -> memref<8x64xf32, #tpu.memory_space<vmem>>
      %dma_start3A_1139 = arith.constant 0 : i32
      %dma_start3A_1140 = arith.constant 0 : i32
      %dma_start3A_1141 = tpu.memref_slice %arg2[%squeeze3A_1124, %dma_start3A_1139, %dma_start3A_1140] : memref<125000x8x64xf32, #tpu.memory_space<hbm>> -> memref<1x8x64xf32, #tpu.memory_space<hbm>>
      %dma_start3A_1142 = tpu.memref_squeeze %dma_start3A_1141 : memref<1x8x64xf32, #tpu.memory_space<hbm>> -> memref<8x64xf32, #tpu.memory_space<hbm>>
      tpu.enqueue_dma source(%dma_start3A_1142 : memref<8x64xf32, #tpu.memory_space<hbm>>) target(%dma_start3A_1138 : memref<8x64xf32, #tpu.memory_space<vmem>>) target_semaphore(%arg9 : memref<!tpu.dma_semaphore, #tpu.memory_space<semaphore_mem>>)
      %slice3A_1143 = vector.extract_strided_slice %shift_right_arithmetic3A_1062 {offsets = [4], sizes = [1], strides = [1]} : vector<16xi32> to vector<1xi32>
      %squeeze3A_1144 = vector.extract %slice3A_1143[0] : i32 from vector<1xi32>
      %dma_start3A_1145 = arith.constant 1 : i32
      %dma_start3A_1146 = arith.constant 20 : i32
      %dma_start3A_1147 = arith.constant 0 : i32
      %dma_start3A_1148 = arith.constant 0 : i32
      %dma_start3A_1149 = tpu.memref_slice %arg6[%dma_start3A_1145, %dma_start3A_1146, %dma_start3A_1147, %dma_start3A_1148] : memref<2x32x8x64xf32, #tpu.memory_space<vmem>> -> memref<1x1x8x64xf32, #tpu.memory_space<vmem>>
      %dma_start3A_1150 = tpu.memref_squeeze %dma_start3A_1149 : memref<1x1x8x64xf32, #tpu.memory_space<vmem>> -> memref<8x64xf32, #tpu.memory_space<vmem>>
      %dma_start3A_1151 = arith.constant 0 : i32
      %dma_start3A_1152 = arith.constant 0 : i32
      %dma_start3A_1153 = tpu.memref_slice %arg2[%squeeze3A_1144, %dma_start3A_1151, %dma_start3A_1152] : memref<125000x8x64xf32, #tpu.memory_space<hbm>> -> memref<1x8x64xf32, #tpu.memory_space<hbm>>
      %dma_start3A_1154 = tpu.memref_squeeze %dma_start3A_1153 : memref<1x8x64xf32, #tpu.memory_space<hbm>> -> memref<8x64xf32, #tpu.memory_space<hbm>>
      %dma_start3A_1155 = arith.constant 0 : i32
      %dma_start3A_1156 = arith.constant 0 : i32
      %dma_start3A_1157 = tpu.memref_slice %arg6[%dma_start3A_1145, %dma_start3A_1146, %dma_start3A_1155, %dma_start3A_1156] : memref<2x32x8x64xf32, #tpu.memory_space<vmem>> -> memref<1x1x8x64xf32, #tpu.memory_space<vmem>>
      %dma_start3A_1158 = tpu.memref_squeeze %dma_start3A_1157 : memref<1x1x8x64xf32, #tpu.memory_space<vmem>> -> memref<8x64xf32, #tpu.memory_space<vmem>>
      %dma_start3A_1159 = arith.constant 0 : i32
      %dma_start3A_1160 = arith.constant 0 : i32
      %dma_start3A_1161 = tpu.memref_slice %arg2[%squeeze3A_1144, %dma_start3A_1159, %dma_start3A_1160] : memref<125000x8x64xf32, #tpu.memory_space<hbm>> -> memref<1x8x64xf32, #tpu.memory_space<hbm>>
      %dma_start3A_1162 = tpu.memref_squeeze %dma_start3A_1161 : memref<1x8x64xf32, #tpu.memory_space<hbm>> -> memref<8x64xf32, #tpu.memory_space<hbm>>
      tpu.enqueue_dma source(%dma_start3A_1162 : memref<8x64xf32, #tpu.memory_space<hbm>>) target(%dma_start3A_1158 : memref<8x64xf32, #tpu.memory_space<vmem>>) target_semaphore(%arg9 : memref<!tpu.dma_semaphore, #tpu.memory_space<semaphore_mem>>)
      %slice3A_1163 = vector.extract_strided_slice %shift_right_arithmetic3A_1062 {offsets = [5], sizes = [1], strides = [1]} : vector<16xi32> to vector<1xi32>
      %squeeze3A_1164 = vector.extract %slice3A_1163[0] : i32 from vector<1xi32>
      %dma_start3A_1165 = arith.constant 1 : i32
      %dma_start3A_1166 = arith.constant 21 : i32
      %dma_start3A_1167 = arith.constant 0 : i32
      %dma_start3A_1168 = arith.constant 0 : i32
      %dma_start3A_1169 = tpu.memref_slice %arg6[%dma_start3A_1165, %dma_start3A_1166, %dma_start3A_1167, %dma_start3A_1168] : memref<2x32x8x64xf32, #tpu.memory_space<vmem>> -> memref<1x1x8x64xf32, #tpu.memory_space<vmem>>
      %dma_start3A_1170 = tpu.memref_squeeze %dma_start3A_1169 : memref<1x1x8x64xf32, #tpu.memory_space<vmem>> -> memref<8x64xf32, #tpu.memory_space<vmem>>
      %dma_start3A_1171 = arith.constant 0 : i32
      %dma_start3A_1172 = arith.constant 0 : i32
      %dma_start3A_1173 = tpu.memref_slice %arg2[%squeeze3A_1164, %dma_start3A_1171, %dma_start3A_1172] : memref<125000x8x64xf32, #tpu.memory_space<hbm>> -> memref<1x8x64xf32, #tpu.memory_space<hbm>>
      %dma_start3A_1174 = tpu.memref_squeeze %dma_start3A_1173 : memref<1x8x64xf32, #tpu.memory_space<hbm>> -> memref<8x64xf32, #tpu.memory_space<hbm>>
      %dma_start3A_1175 = arith.constant 0 : i32
      %dma_start3A_1176 = arith.constant 0 : i32
      %dma_start3A_1177 = tpu.memref_slice %arg6[%dma_start3A_1165, %dma_start3A_1166, %dma_start3A_1175, %dma_start3A_1176] : memref<2x32x8x64xf32, #tpu.memory_space<vmem>> -> memref<1x1x8x64xf32, #tpu.memory_space<vmem>>
      %dma_start3A_1178 = tpu.memref_squeeze %dma_start3A_1177 : memref<1x1x8x64xf32, #tpu.memory_space<vmem>> -> memref<8x64xf32, #tpu.memory_space<vmem>>
      %dma_start3A_1179 = arith.constant 0 : i32
      %dma_start3A_1180 = arith.constant 0 : i32
      %dma_start3A_1181 = tpu.memref_slice %arg2[%squeeze3A_1164, %dma_start3A_1179, %dma_start3A_1180] : memref<125000x8x64xf32, #tpu.memory_space<hbm>> -> memref<1x8x64xf32, #tpu.memory_space<hbm>>
      %dma_start3A_1182 = tpu.memref_squeeze %dma_start3A_1181 : memref<1x8x64xf32, #tpu.memory_space<hbm>> -> memref<8x64xf32, #tpu.memory_space<hbm>>
      tpu.enqueue_dma source(%dma_start3A_1182 : memref<8x64xf32, #tpu.memory_space<hbm>>) target(%dma_start3A_1178 : memref<8x64xf32, #tpu.memory_space<vmem>>) target_semaphore(%arg9 : memref<!tpu.dma_semaphore, #tpu.memory_space<semaphore_mem>>)
      %slice3A_1183 = vector.extract_strided_slice %shift_right_arithmetic3A_1062 {offsets = [6], sizes = [1], strides = [1]} : vector<16xi32> to vector<1xi32>
      %squeeze3A_1184 = vector.extract %slice3A_1183[0] : i32 from vector<1xi32>
      %dma_start3A_1185 = arith.constant 1 : i32
      %dma_start3A_1186 = arith.constant 22 : i32
      %dma_start3A_1187 = arith.constant 0 : i32
      %dma_start3A_1188 = arith.constant 0 : i32
      %dma_start3A_1189 = tpu.memref_slice %arg6[%dma_start3A_1185, %dma_start3A_1186, %dma_start3A_1187, %dma_start3A_1188] : memref<2x32x8x64xf32, #tpu.memory_space<vmem>> -> memref<1x1x8x64xf32, #tpu.memory_space<vmem>>
      %dma_start3A_1190 = tpu.memref_squeeze %dma_start3A_1189 : memref<1x1x8x64xf32, #tpu.memory_space<vmem>> -> memref<8x64xf32, #tpu.memory_space<vmem>>
      %dma_start3A_1191 = arith.constant 0 : i32
      %dma_start3A_1192 = arith.constant 0 : i32
      %dma_start3A_1193 = tpu.memref_slice %arg2[%squeeze3A_1184, %dma_start3A_1191, %dma_start3A_1192] : memref<125000x8x64xf32, #tpu.memory_space<hbm>> -> memref<1x8x64xf32, #tpu.memory_space<hbm>>
      %dma_start3A_1194 = tpu.memref_squeeze %dma_start3A_1193 : memref<1x8x64xf32, #tpu.memory_space<hbm>> -> memref<8x64xf32, #tpu.memory_space<hbm>>
      %dma_start3A_1195 = arith.constant 0 : i32
      %dma_start3A_1196 = arith.constant 0 : i32
      %dma_start3A_1197 = tpu.memref_slice %arg6[%dma_start3A_1185, %dma_start3A_1186, %dma_start3A_1195, %dma_start3A_1196] : memref<2x32x8x64xf32, #tpu.memory_space<vmem>> -> memref<1x1x8x64xf32, #tpu.memory_space<vmem>>
      %dma_start3A_1198 = tpu.memref_squeeze %dma_start3A_1197 : memref<1x1x8x64xf32, #tpu.memory_space<vmem>> -> memref<8x64xf32, #tpu.memory_space<vmem>>
      %dma_start3A_1199 = arith.constant 0 : i32
      %dma_start3A_1200 = arith.constant 0 : i32
      %dma_start3A_1201 = tpu.memref_slice %arg2[%squeeze3A_1184, %dma_start3A_1199, %dma_start3A_1200] : memref<125000x8x64xf32, #tpu.memory_space<hbm>> -> memref<1x8x64xf32, #tpu.memory_space<hbm>>
      %dma_start3A_1202 = tpu.memref_squeeze %dma_start3A_1201 : memref<1x8x64xf32, #tpu.memory_space<hbm>> -> memref<8x64xf32, #tpu.memory_space<hbm>>
      tpu.enqueue_dma source(%dma_start3A_1202 : memref<8x64xf32, #tpu.memory_space<hbm>>) target(%dma_start3A_1198 : memref<8x64xf32, #tpu.memory_space<vmem>>) target_semaphore(%arg9 : memref<!tpu.dma_semaphore, #tpu.memory_space<semaphore_mem>>)
      %slice3A_1203 = vector.extract_strided_slice %shift_right_arithmetic3A_1062 {offsets = [7], sizes = [1], strides = [1]} : vector<16xi32> to vector<1xi32>
      %squeeze3A_1204 = vector.extract %slice3A_1203[0] : i32 from vector<1xi32>
      %dma_start3A_1205 = arith.constant 1 : i32
      %dma_start3A_1206 = arith.constant 23 : i32
      %dma_start3A_1207 = arith.constant 0 : i32
      %dma_start3A_1208 = arith.constant 0 : i32
      %dma_start3A_1209 = tpu.memref_slice %arg6[%dma_start3A_1205, %dma_start3A_1206, %dma_start3A_1207, %dma_start3A_1208] : memref<2x32x8x64xf32, #tpu.memory_space<vmem>> -> memref<1x1x8x64xf32, #tpu.memory_space<vmem>>
      %dma_start3A_1210 = tpu.memref_squeeze %dma_start3A_1209 : memref<1x1x8x64xf32, #tpu.memory_space<vmem>> -> memref<8x64xf32, #tpu.memory_space<vmem>>
      %dma_start3A_1211 = arith.constant 0 : i32
      %dma_start3A_1212 = arith.constant 0 : i32
      %dma_start3A_1213 = tpu.memref_slice %arg2[%squeeze3A_1204, %dma_start3A_1211, %dma_start3A_1212] : memref<125000x8x64xf32, #tpu.memory_space<hbm>> -> memref<1x8x64xf32, #tpu.memory_space<hbm>>
      %dma_start3A_1214 = tpu.memref_squeeze %dma_start3A_1213 : memref<1x8x64xf32, #tpu.memory_space<hbm>> -> memref<8x64xf32, #tpu.memory_space<hbm>>
      %dma_start3A_1215 = arith.constant 0 : i32
      %dma_start3A_1216 = arith.constant 0 : i32
      %dma_start3A_1217 = tpu.memref_slice %arg6[%dma_start3A_1205, %dma_start3A_1206, %dma_start3A_1215, %dma_start3A_1216] : memref<2x32x8x64xf32, #tpu.memory_space<vmem>> -> memref<1x1x8x64xf32, #tpu.memory_space<vmem>>
      %dma_start3A_1218 = tpu.memref_squeeze %dma_start3A_1217 : memref<1x1x8x64xf32, #tpu.memory_space<vmem>> -> memref<8x64xf32, #tpu.memory_space<vmem>>
      %dma_start3A_1219 = arith.constant 0 : i32
      %dma_start3A_1220 = arith.constant 0 : i32
      %dma_start3A_1221 = tpu.memref_slice %arg2[%squeeze3A_1204, %dma_start3A_1219, %dma_start3A_1220] : memref<125000x8x64xf32, #tpu.memory_space<hbm>> -> memref<1x8x64xf32, #tpu.memory_space<hbm>>
      %dma_start3A_1222 = tpu.memref_squeeze %dma_start3A_1221 : memref<1x8x64xf32, #tpu.memory_space<hbm>> -> memref<8x64xf32, #tpu.memory_space<hbm>>
      tpu.enqueue_dma source(%dma_start3A_1222 : memref<8x64xf32, #tpu.memory_space<hbm>>) target(%dma_start3A_1218 : memref<8x64xf32, #tpu.memory_space<vmem>>) target_semaphore(%arg9 : memref<!tpu.dma_semaphore, #tpu.memory_space<semaphore_mem>>)
      %slice3A_1223 = vector.extract_strided_slice %shift_right_arithmetic3A_1062 {offsets = [8], sizes = [1], strides = [1]} : vector<16xi32> to vector<1xi32>
      %squeeze3A_1224 = vector.extract %slice3A_1223[0] : i32 from vector<1xi32>
      %dma_start3A_1225 = arith.constant 1 : i32
      %dma_start3A_1226 = arith.constant 24 : i32
      %dma_start3A_1227 = arith.constant 0 : i32
      %dma_start3A_1228 = arith.constant 0 : i32
      %dma_start3A_1229 = tpu.memref_slice %arg6[%dma_start3A_1225, %dma_start3A_1226, %dma_start3A_1227, %dma_start3A_1228] : memref<2x32x8x64xf32, #tpu.memory_space<vmem>> -> memref<1x1x8x64xf32, #tpu.memory_space<vmem>>
      %dma_start3A_1230 = tpu.memref_squeeze %dma_start3A_1229 : memref<1x1x8x64xf32, #tpu.memory_space<vmem>> -> memref<8x64xf32, #tpu.memory_space<vmem>>
      %dma_start3A_1231 = arith.constant 0 : i32
      %dma_start3A_1232 = arith.constant 0 : i32
      %dma_start3A_1233 = tpu.memref_slice %arg2[%squeeze3A_1224, %dma_start3A_1231, %dma_start3A_1232] : memref<125000x8x64xf32, #tpu.memory_space<hbm>> -> memref<1x8x64xf32, #tpu.memory_space<hbm>>
      %dma_start3A_1234 = tpu.memref_squeeze %dma_start3A_1233 : memref<1x8x64xf32, #tpu.memory_space<hbm>> -> memref<8x64xf32, #tpu.memory_space<hbm>>
      %dma_start3A_1235 = arith.constant 0 : i32
      %dma_start3A_1236 = arith.constant 0 : i32
      %dma_start3A_1237 = tpu.memref_slice %arg6[%dma_start3A_1225, %dma_start3A_1226, %dma_start3A_1235, %dma_start3A_1236] : memref<2x32x8x64xf32, #tpu.memory_space<vmem>> -> memref<1x1x8x64xf32, #tpu.memory_space<vmem>>
      %dma_start3A_1238 = tpu.memref_squeeze %dma_start3A_1237 : memref<1x1x8x64xf32, #tpu.memory_space<vmem>> -> memref<8x64xf32, #tpu.memory_space<vmem>>
      %dma_start3A_1239 = arith.constant 0 : i32
      %dma_start3A_1240 = arith.constant 0 : i32
      %dma_start3A_1241 = tpu.memref_slice %arg2[%squeeze3A_1224, %dma_start3A_1239, %dma_start3A_1240] : memref<125000x8x64xf32, #tpu.memory_space<hbm>> -> memref<1x8x64xf32, #tpu.memory_space<hbm>>
      %dma_start3A_1242 = tpu.memref_squeeze %dma_start3A_1241 : memref<1x8x64xf32, #tpu.memory_space<hbm>> -> memref<8x64xf32, #tpu.memory_space<hbm>>
      tpu.enqueue_dma source(%dma_start3A_1242 : memref<8x64xf32, #tpu.memory_space<hbm>>) target(%dma_start3A_1238 : memref<8x64xf32, #tpu.memory_space<vmem>>) target_semaphore(%arg9 : memref<!tpu.dma_semaphore, #tpu.memory_space<semaphore_mem>>)
      %slice3A_1243 = vector.extract_strided_slice %shift_right_arithmetic3A_1062 {offsets = [9], sizes = [1], strides = [1]} : vector<16xi32> to vector<1xi32>
      %squeeze3A_1244 = vector.extract %slice3A_1243[0] : i32 from vector<1xi32>
      %dma_start3A_1245 = arith.constant 1 : i32
      %dma_start3A_1246 = arith.constant 25 : i32
      %dma_start3A_1247 = arith.constant 0 : i32
      %dma_start3A_1248 = arith.constant 0 : i32
      %dma_start3A_1249 = tpu.memref_slice %arg6[%dma_start3A_1245, %dma_start3A_1246, %dma_start3A_1247, %dma_start3A_1248] : memref<2x32x8x64xf32, #tpu.memory_space<vmem>> -> memref<1x1x8x64xf32, #tpu.memory_space<vmem>>
      %dma_start3A_1250 = tpu.memref_squeeze %dma_start3A_1249 : memref<1x1x8x64xf32, #tpu.memory_space<vmem>> -> memref<8x64xf32, #tpu.memory_space<vmem>>
      %dma_start3A_1251 = arith.constant 0 : i32
      %dma_start3A_1252 = arith.constant 0 : i32
      %dma_start3A_1253 = tpu.memref_slice %arg2[%squeeze3A_1244, %dma_start3A_1251, %dma_start3A_1252] : memref<125000x8x64xf32, #tpu.memory_space<hbm>> -> memref<1x8x64xf32, #tpu.memory_space<hbm>>
      %dma_start3A_1254 = tpu.memref_squeeze %dma_start3A_1253 : memref<1x8x64xf32, #tpu.memory_space<hbm>> -> memref<8x64xf32, #tpu.memory_space<hbm>>
      %dma_start3A_1255 = arith.constant 0 : i32
      %dma_start3A_1256 = arith.constant 0 : i32
      %dma_start3A_1257 = tpu.memref_slice %arg6[%dma_start3A_1245, %dma_start3A_1246, %dma_start3A_1255, %dma_start3A_1256] : memref<2x32x8x64xf32, #tpu.memory_space<vmem>> -> memref<1x1x8x64xf32, #tpu.memory_space<vmem>>
      %dma_start3A_1258 = tpu.memref_squeeze %dma_start3A_1257 : memref<1x1x8x64xf32, #tpu.memory_space<vmem>> -> memref<8x64xf32, #tpu.memory_space<vmem>>
      %dma_start3A_1259 = arith.constant 0 : i32
      %dma_start3A_1260 = arith.constant 0 : i32
      %dma_start3A_1261 = tpu.memref_slice %arg2[%squeeze3A_1244, %dma_start3A_1259, %dma_start3A_1260] : memref<125000x8x64xf32, #tpu.memory_space<hbm>> -> memref<1x8x64xf32, #tpu.memory_space<hbm>>
      %dma_start3A_1262 = tpu.memref_squeeze %dma_start3A_1261 : memref<1x8x64xf32, #tpu.memory_space<hbm>> -> memref<8x64xf32, #tpu.memory_space<hbm>>
      tpu.enqueue_dma source(%dma_start3A_1262 : memref<8x64xf32, #tpu.memory_space<hbm>>) target(%dma_start3A_1258 : memref<8x64xf32, #tpu.memory_space<vmem>>) target_semaphore(%arg9 : memref<!tpu.dma_semaphore, #tpu.memory_space<semaphore_mem>>)
      %slice3A_1263 = vector.extract_strided_slice %shift_right_arithmetic3A_1062 {offsets = [10], sizes = [1], strides = [1]} : vector<16xi32> to vector<1xi32>
      %squeeze3A_1264 = vector.extract %slice3A_1263[0] : i32 from vector<1xi32>
      %dma_start3A_1265 = arith.constant 1 : i32
      %dma_start3A_1266 = arith.constant 26 : i32
      %dma_start3A_1267 = arith.constant 0 : i32
      %dma_start3A_1268 = arith.constant 0 : i32
      %dma_start3A_1269 = tpu.memref_slice %arg6[%dma_start3A_1265, %dma_start3A_1266, %dma_start3A_1267, %dma_start3A_1268] : memref<2x32x8x64xf32, #tpu.memory_space<vmem>> -> memref<1x1x8x64xf32, #tpu.memory_space<vmem>>
      %dma_start3A_1270 = tpu.memref_squeeze %dma_start3A_1269 : memref<1x1x8x64xf32, #tpu.memory_space<vmem>> -> memref<8x64xf32, #tpu.memory_space<vmem>>
      %dma_start3A_1271 = arith.constant 0 : i32
      %dma_start3A_1272 = arith.constant 0 : i32
      %dma_start3A_1273 = tpu.memref_slice %arg2[%squeeze3A_1264, %dma_start3A_1271, %dma_start3A_1272] : memref<125000x8x64xf32, #tpu.memory_space<hbm>> -> memref<1x8x64xf32, #tpu.memory_space<hbm>>
      %dma_start3A_1274 = tpu.memref_squeeze %dma_start3A_1273 : memref<1x8x64xf32, #tpu.memory_space<hbm>> -> memref<8x64xf32, #tpu.memory_space<hbm>>
      %dma_start3A_1275 = arith.constant 0 : i32
      %dma_start3A_1276 = arith.constant 0 : i32
      %dma_start3A_1277 = tpu.memref_slice %arg6[%dma_start3A_1265, %dma_start3A_1266, %dma_start3A_1275, %dma_start3A_1276] : memref<2x32x8x64xf32, #tpu.memory_space<vmem>> -> memref<1x1x8x64xf32, #tpu.memory_space<vmem>>
      %dma_start3A_1278 = tpu.memref_squeeze %dma_start3A_1277 : memref<1x1x8x64xf32, #tpu.memory_space<vmem>> -> memref<8x64xf32, #tpu.memory_space<vmem>>
      %dma_start3A_1279 = arith.constant 0 : i32
      %dma_start3A_1280 = arith.constant 0 : i32
      %dma_start3A_1281 = tpu.memref_slice %arg2[%squeeze3A_1264, %dma_start3A_1279, %dma_start3A_1280] : memref<125000x8x64xf32, #tpu.memory_space<hbm>> -> memref<1x8x64xf32, #tpu.memory_space<hbm>>
      %dma_start3A_1282 = tpu.memref_squeeze %dma_start3A_1281 : memref<1x8x64xf32, #tpu.memory_space<hbm>> -> memref<8x64xf32, #tpu.memory_space<hbm>>
      tpu.enqueue_dma source(%dma_start3A_1282 : memref<8x64xf32, #tpu.memory_space<hbm>>) target(%dma_start3A_1278 : memref<8x64xf32, #tpu.memory_space<vmem>>) target_semaphore(%arg9 : memref<!tpu.dma_semaphore, #tpu.memory_space<semaphore_mem>>)
      %slice3A_1283 = vector.extract_strided_slice %shift_right_arithmetic3A_1062 {offsets = [11], sizes = [1], strides = [1]} : vector<16xi32> to vector<1xi32>
      %squeeze3A_1284 = vector.extract %slice3A_1283[0] : i32 from vector<1xi32>
      %dma_start3A_1285 = arith.constant 1 : i32
      %dma_start3A_1286 = arith.constant 27 : i32
      %dma_start3A_1287 = arith.constant 0 : i32
      %dma_start3A_1288 = arith.constant 0 : i32
      %dma_start3A_1289 = tpu.memref_slice %arg6[%dma_start3A_1285, %dma_start3A_1286, %dma_start3A_1287, %dma_start3A_1288] : memref<2x32x8x64xf32, #tpu.memory_space<vmem>> -> memref<1x1x8x64xf32, #tpu.memory_space<vmem>>
      %dma_start3A_1290 = tpu.memref_squeeze %dma_start3A_1289 : memref<1x1x8x64xf32, #tpu.memory_space<vmem>> -> memref<8x64xf32, #tpu.memory_space<vmem>>
      %dma_start3A_1291 = arith.constant 0 : i32
      %dma_start3A_1292 = arith.constant 0 : i32
      %dma_start3A_1293 = tpu.memref_slice %arg2[%squeeze3A_1284, %dma_start3A_1291, %dma_start3A_1292] : memref<125000x8x64xf32, #tpu.memory_space<hbm>> -> memref<1x8x64xf32, #tpu.memory_space<hbm>>
      %dma_start3A_1294 = tpu.memref_squeeze %dma_start3A_1293 : memref<1x8x64xf32, #tpu.memory_space<hbm>> -> memref<8x64xf32, #tpu.memory_space<hbm>>
      %dma_start3A_1295 = arith.constant 0 : i32
      %dma_start3A_1296 = arith.constant 0 : i32
      %dma_start3A_1297 = tpu.memref_slice %arg6[%dma_start3A_1285, %dma_start3A_1286, %dma_start3A_1295, %dma_start3A_1296] : memref<2x32x8x64xf32, #tpu.memory_space<vmem>> -> memref<1x1x8x64xf32, #tpu.memory_space<vmem>>
      %dma_start3A_1298 = tpu.memref_squeeze %dma_start3A_1297 : memref<1x1x8x64xf32, #tpu.memory_space<vmem>> -> memref<8x64xf32, #tpu.memory_space<vmem>>
      %dma_start3A_1299 = arith.constant 0 : i32
      %dma_start3A_1300 = arith.constant 0 : i32
      %dma_start3A_1301 = tpu.memref_slice %arg2[%squeeze3A_1284, %dma_start3A_1299, %dma_start3A_1300] : memref<125000x8x64xf32, #tpu.memory_space<hbm>> -> memref<1x8x64xf32, #tpu.memory_space<hbm>>
      %dma_start3A_1302 = tpu.memref_squeeze %dma_start3A_1301 : memref<1x8x64xf32, #tpu.memory_space<hbm>> -> memref<8x64xf32, #tpu.memory_space<hbm>>
      tpu.enqueue_dma source(%dma_start3A_1302 : memref<8x64xf32, #tpu.memory_space<hbm>>) target(%dma_start3A_1298 : memref<8x64xf32, #tpu.memory_space<vmem>>) target_semaphore(%arg9 : memref<!tpu.dma_semaphore, #tpu.memory_space<semaphore_mem>>)
      %slice3A_1303 = vector.extract_strided_slice %shift_right_arithmetic3A_1062 {offsets = [12], sizes = [1], strides = [1]} : vector<16xi32> to vector<1xi32>
      %squeeze3A_1304 = vector.extract %slice3A_1303[0] : i32 from vector<1xi32>
      %dma_start3A_1305 = arith.constant 1 : i32
      %dma_start3A_1306 = arith.constant 28 : i32
      %dma_start3A_1307 = arith.constant 0 : i32
      %dma_start3A_1308 = arith.constant 0 : i32
      %dma_start3A_1309 = tpu.memref_slice %arg6[%dma_start3A_1305, %dma_start3A_1306, %dma_start3A_1307, %dma_start3A_1308] : memref<2x32x8x64xf32, #tpu.memory_space<vmem>> -> memref<1x1x8x64xf32, #tpu.memory_space<vmem>>
      %dma_start3A_1310 = tpu.memref_squeeze %dma_start3A_1309 : memref<1x1x8x64xf32, #tpu.memory_space<vmem>> -> memref<8x64xf32, #tpu.memory_space<vmem>>
      %dma_start3A_1311 = arith.constant 0 : i32
      %dma_start3A_1312 = arith.constant 0 : i32
      %dma_start3A_1313 = tpu.memref_slice %arg2[%squeeze3A_1304, %dma_start3A_1311, %dma_start3A_1312] : memref<125000x8x64xf32, #tpu.memory_space<hbm>> -> memref<1x8x64xf32, #tpu.memory_space<hbm>>
      %dma_start3A_1314 = tpu.memref_squeeze %dma_start3A_1313 : memref<1x8x64xf32, #tpu.memory_space<hbm>> -> memref<8x64xf32, #tpu.memory_space<hbm>>
      %dma_start3A_1315 = arith.constant 0 : i32
      %dma_start3A_1316 = arith.constant 0 : i32
      %dma_start3A_1317 = tpu.memref_slice %arg6[%dma_start3A_1305, %dma_start3A_1306, %dma_start3A_1315, %dma_start3A_1316] : memref<2x32x8x64xf32, #tpu.memory_space<vmem>> -> memref<1x1x8x64xf32, #tpu.memory_space<vmem>>
      %dma_start3A_1318 = tpu.memref_squeeze %dma_start3A_1317 : memref<1x1x8x64xf32, #tpu.memory_space<vmem>> -> memref<8x64xf32, #tpu.memory_space<vmem>>
      %dma_start3A_1319 = arith.constant 0 : i32
      %dma_start3A_1320 = arith.constant 0 : i32
      %dma_start3A_1321 = tpu.memref_slice %arg2[%squeeze3A_1304, %dma_start3A_1319, %dma_start3A_1320] : memref<125000x8x64xf32, #tpu.memory_space<hbm>> -> memref<1x8x64xf32, #tpu.memory_space<hbm>>
      %dma_start3A_1322 = tpu.memref_squeeze %dma_start3A_1321 : memref<1x8x64xf32, #tpu.memory_space<hbm>> -> memref<8x64xf32, #tpu.memory_space<hbm>>
      tpu.enqueue_dma source(%dma_start3A_1322 : memref<8x64xf32, #tpu.memory_space<hbm>>) target(%dma_start3A_1318 : memref<8x64xf32, #tpu.memory_space<vmem>>) target_semaphore(%arg9 : memref<!tpu.dma_semaphore, #tpu.memory_space<semaphore_mem>>)
      %slice3A_1323 = vector.extract_strided_slice %shift_right_arithmetic3A_1062 {offsets = [13], sizes = [1], strides = [1]} : vector<16xi32> to vector<1xi32>
      %squeeze3A_1324 = vector.extract %slice3A_1323[0] : i32 from vector<1xi32>
      %dma_start3A_1325 = arith.constant 1 : i32
      %dma_start3A_1326 = arith.constant 29 : i32
      %dma_start3A_1327 = arith.constant 0 : i32
      %dma_start3A_1328 = arith.constant 0 : i32
      %dma_start3A_1329 = tpu.memref_slice %arg6[%dma_start3A_1325, %dma_start3A_1326, %dma_start3A_1327, %dma_start3A_1328] : memref<2x32x8x64xf32, #tpu.memory_space<vmem>> -> memref<1x1x8x64xf32, #tpu.memory_space<vmem>>
      %dma_start3A_1330 = tpu.memref_squeeze %dma_start3A_1329 : memref<1x1x8x64xf32, #tpu.memory_space<vmem>> -> memref<8x64xf32, #tpu.memory_space<vmem>>
      %dma_start3A_1331 = arith.constant 0 : i32
      %dma_start3A_1332 = arith.constant 0 : i32
      %dma_start3A_1333 = tpu.memref_slice %arg2[%squeeze3A_1324, %dma_start3A_1331, %dma_start3A_1332] : memref<125000x8x64xf32, #tpu.memory_space<hbm>> -> memref<1x8x64xf32, #tpu.memory_space<hbm>>
      %dma_start3A_1334 = tpu.memref_squeeze %dma_start3A_1333 : memref<1x8x64xf32, #tpu.memory_space<hbm>> -> memref<8x64xf32, #tpu.memory_space<hbm>>
      %dma_start3A_1335 = arith.constant 0 : i32
      %dma_start3A_1336 = arith.constant 0 : i32
      %dma_start3A_1337 = tpu.memref_slice %arg6[%dma_start3A_1325, %dma_start3A_1326, %dma_start3A_1335, %dma_start3A_1336] : memref<2x32x8x64xf32, #tpu.memory_space<vmem>> -> memref<1x1x8x64xf32, #tpu.memory_space<vmem>>
      %dma_start3A_1338 = tpu.memref_squeeze %dma_start3A_1337 : memref<1x1x8x64xf32, #tpu.memory_space<vmem>> -> memref<8x64xf32, #tpu.memory_space<vmem>>
      %dma_start3A_1339 = arith.constant 0 : i32
      %dma_start3A_1340 = arith.constant 0 : i32
      %dma_start3A_1341 = tpu.memref_slice %arg2[%squeeze3A_1324, %dma_start3A_1339, %dma_start3A_1340] : memref<125000x8x64xf32, #tpu.memory_space<hbm>> -> memref<1x8x64xf32, #tpu.memory_space<hbm>>
      %dma_start3A_1342 = tpu.memref_squeeze %dma_start3A_1341 : memref<1x8x64xf32, #tpu.memory_space<hbm>> -> memref<8x64xf32, #tpu.memory_space<hbm>>
      tpu.enqueue_dma source(%dma_start3A_1342 : memref<8x64xf32, #tpu.memory_space<hbm>>) target(%dma_start3A_1338 : memref<8x64xf32, #tpu.memory_space<vmem>>) target_semaphore(%arg9 : memref<!tpu.dma_semaphore, #tpu.memory_space<semaphore_mem>>)
      %slice3A_1343 = vector.extract_strided_slice %shift_right_arithmetic3A_1062 {offsets = [14], sizes = [1], strides = [1]} : vector<16xi32> to vector<1xi32>
      %squeeze3A_1344 = vector.extract %slice3A_1343[0] : i32 from vector<1xi32>
      %dma_start3A_1345 = arith.constant 1 : i32
      %dma_start3A_1346 = arith.constant 30 : i32
      %dma_start3A_1347 = arith.constant 0 : i32
      %dma_start3A_1348 = arith.constant 0 : i32
      %dma_start3A_1349 = tpu.memref_slice %arg6[%dma_start3A_1345, %dma_start3A_1346, %dma_start3A_1347, %dma_start3A_1348] : memref<2x32x8x64xf32, #tpu.memory_space<vmem>> -> memref<1x1x8x64xf32, #tpu.memory_space<vmem>>
      %dma_start3A_1350 = tpu.memref_squeeze %dma_start3A_1349 : memref<1x1x8x64xf32, #tpu.memory_space<vmem>> -> memref<8x64xf32, #tpu.memory_space<vmem>>
      %dma_start3A_1351 = arith.constant 0 : i32
      %dma_start3A_1352 = arith.constant 0 : i32
      %dma_start3A_1353 = tpu.memref_slice %arg2[%squeeze3A_1344, %dma_start3A_1351, %dma_start3A_1352] : memref<125000x8x64xf32, #tpu.memory_space<hbm>> -> memref<1x8x64xf32, #tpu.memory_space<hbm>>
      %dma_start3A_1354 = tpu.memref_squeeze %dma_start3A_1353 : memref<1x8x64xf32, #tpu.memory_space<hbm>> -> memref<8x64xf32, #tpu.memory_space<hbm>>
      %dma_start3A_1355 = arith.constant 0 : i32
      %dma_start3A_1356 = arith.constant 0 : i32
      %dma_start3A_1357 = tpu.memref_slice %arg6[%dma_start3A_1345, %dma_start3A_1346, %dma_start3A_1355, %dma_start3A_1356] : memref<2x32x8x64xf32, #tpu.memory_space<vmem>> -> memref<1x1x8x64xf32, #tpu.memory_space<vmem>>
      %dma_start3A_1358 = tpu.memref_squeeze %dma_start3A_1357 : memref<1x1x8x64xf32, #tpu.memory_space<vmem>> -> memref<8x64xf32, #tpu.memory_space<vmem>>
      %dma_start3A_1359 = arith.constant 0 : i32
      %dma_start3A_1360 = arith.constant 0 : i32
      %dma_start3A_1361 = tpu.memref_slice %arg2[%squeeze3A_1344, %dma_start3A_1359, %dma_start3A_1360] : memref<125000x8x64xf32, #tpu.memory_space<hbm>> -> memref<1x8x64xf32, #tpu.memory_space<hbm>>
      %dma_start3A_1362 = tpu.memref_squeeze %dma_start3A_1361 : memref<1x8x64xf32, #tpu.memory_space<hbm>> -> memref<8x64xf32, #tpu.memory_space<hbm>>
      tpu.enqueue_dma source(%dma_start3A_1362 : memref<8x64xf32, #tpu.memory_space<hbm>>) target(%dma_start3A_1358 : memref<8x64xf32, #tpu.memory_space<vmem>>) target_semaphore(%arg9 : memref<!tpu.dma_semaphore, #tpu.memory_space<semaphore_mem>>)
      %slice3A_1363 = vector.extract_strided_slice %shift_right_arithmetic3A_1062 {offsets = [15], sizes = [1], strides = [1]} : vector<16xi32> to vector<1xi32>
      %squeeze3A_1364 = vector.extract %slice3A_1363[0] : i32 from vector<1xi32>
      %dma_start3A_1365 = arith.constant 1 : i32
      %dma_start3A_1366 = arith.constant 31 : i32
      %dma_start3A_1367 = arith.constant 0 : i32
      %dma_start3A_1368 = arith.constant 0 : i32
      %dma_start3A_1369 = tpu.memref_slice %arg6[%dma_start3A_1365, %dma_start3A_1366, %dma_start3A_1367, %dma_start3A_1368] : memref<2x32x8x64xf32, #tpu.memory_space<vmem>> -> memref<1x1x8x64xf32, #tpu.memory_space<vmem>>
      %dma_start3A_1370 = tpu.memref_squeeze %dma_start3A_1369 : memref<1x1x8x64xf32, #tpu.memory_space<vmem>> -> memref<8x64xf32, #tpu.memory_space<vmem>>
      %dma_start3A_1371 = arith.constant 0 : i32
      %dma_start3A_1372 = arith.constant 0 : i32
      %dma_start3A_1373 = tpu.memref_slice %arg2[%squeeze3A_1364, %dma_start3A_1371, %dma_start3A_1372] : memref<125000x8x64xf32, #tpu.memory_space<hbm>> -> memref<1x8x64xf32, #tpu.memory_space<hbm>>
      %dma_start3A_1374 = tpu.memref_squeeze %dma_start3A_1373 : memref<1x8x64xf32, #tpu.memory_space<hbm>> -> memref<8x64xf32, #tpu.memory_space<hbm>>
      %dma_start3A_1375 = arith.constant 0 : i32
      %dma_start3A_1376 = arith.constant 0 : i32
      %dma_start3A_1377 = tpu.memref_slice %arg6[%dma_start3A_1365, %dma_start3A_1366, %dma_start3A_1375, %dma_start3A_1376] : memref<2x32x8x64xf32, #tpu.memory_space<vmem>> -> memref<1x1x8x64xf32, #tpu.memory_space<vmem>>
      %dma_start3A_1378 = tpu.memref_squeeze %dma_start3A_1377 : memref<1x1x8x64xf32, #tpu.memory_space<vmem>> -> memref<8x64xf32, #tpu.memory_space<vmem>>
      %dma_start3A_1379 = arith.constant 0 : i32
      %dma_start3A_1380 = arith.constant 0 : i32
      %dma_start3A_1381 = tpu.memref_slice %arg2[%squeeze3A_1364, %dma_start3A_1379, %dma_start3A_1380] : memref<125000x8x64xf32, #tpu.memory_space<hbm>> -> memref<1x8x64xf32, #tpu.memory_space<hbm>>
      %dma_start3A_1382 = tpu.memref_squeeze %dma_start3A_1381 : memref<1x8x64xf32, #tpu.memory_space<hbm>> -> memref<8x64xf32, #tpu.memory_space<hbm>>
      tpu.enqueue_dma source(%dma_start3A_1382 : memref<8x64xf32, #tpu.memory_space<hbm>>) target(%dma_start3A_1378 : memref<8x64xf32, #tpu.memory_space<vmem>>) target_semaphore(%arg9 : memref<!tpu.dma_semaphore, #tpu.memory_space<semaphore_mem>>)
      %dma_wait3A_1383 = arith.constant 0 : i32
      %dma_wait3A_1384 = arith.constant 0 : i32
      %dma_wait3A_1385 = arith.constant 0 : i32
      %dma_wait3A_1386 = arith.constant 0 : i32
      %dma_wait3A_1387 = tpu.memref_slice %arg6[%dma_wait3A_1383, %dma_wait3A_1384, %dma_wait3A_1385, %dma_wait3A_1386] : memref<2x32x8x64xf32, #tpu.memory_space<vmem>> -> memref<1x32x8x64xf32, #tpu.memory_space<vmem>>
      %dma_wait3A_1388 = tpu.memref_squeeze %dma_wait3A_1387 : memref<1x32x8x64xf32, #tpu.memory_space<vmem>> -> memref<32x8x64xf32, #tpu.memory_space<vmem>>
      %dma_wait3A_1389 = arith.constant 0 : i32
      %dma_wait3A_1390 = arith.constant 0 : i32
      %dma_wait3A_1391 = arith.constant 0 : i32
      %dma_wait3A_1392 = tpu.memref_slice %arg2[%dma_wait3A_1389, %dma_wait3A_1390, %dma_wait3A_1391] : memref<125000x8x64xf32, #tpu.memory_space<hbm>> -> memref<32x8x64xf32, #tpu.memory_space<hbm>>
      %dma_wait3A_1393 = arith.constant 0 : i32
      %dma_wait3A_1394 = arith.constant 0 : i32
      %dma_wait3A_1395 = arith.constant 0 : i32
      %dma_wait3A_1396 = tpu.memref_slice %arg6[%dma_wait3A_1383, %dma_wait3A_1393, %dma_wait3A_1394, %dma_wait3A_1395] : memref<2x32x8x64xf32, #tpu.memory_space<vmem>> -> memref<1x32x8x64xf32, #tpu.memory_space<vmem>>
      %dma_wait3A_1397 = tpu.memref_squeeze %dma_wait3A_1396 : memref<1x32x8x64xf32, #tpu.memory_space<vmem>> -> memref<32x8x64xf32, #tpu.memory_space<vmem>>
      %dma_wait3A_1398 = arith.constant 0 : i32
      %dma_wait3A_1399 = arith.constant 0 : i32
      %dma_wait3A_1400 = arith.constant 0 : i32
      %dma_wait3A_1401 = tpu.memref_slice %arg2[%dma_wait3A_1398, %dma_wait3A_1399, %dma_wait3A_1400] : memref<125000x8x64xf32, #tpu.memory_space<hbm>> -> memref<32x8x64xf32, #tpu.memory_space<hbm>>
      tpu.wait_dma2 semaphore(%arg8 : memref<!tpu.dma_semaphore, #tpu.memory_space<semaphore_mem>>) src(%dma_wait3A_1401 : memref<32x8x64xf32, #tpu.memory_space<hbm>>) dst(%dma_wait3A_1397 : memref<32x8x64xf32, #tpu.memory_space<vmem>>)
      %broadcast_in_dim3A_1402 = arith.constant 0 : i32
      %broadcast_in_dim3A_1403 = vector.broadcast %broadcast_in_dim3A_1402 : i32 to vector<16xi32>
      %mul3A_1404 = arith.constant 32 : i32
      %mul3A_1405 = arith.muli %add3A_62, %mul3A_1404 : i32
      %add3A_1406 = arith.constant 0 : i32
      %add3A_1407 = arith.addi %mul3A_1405, %add3A_1406 : i32
      %multiple_of3A_1408 = tpu.assume_multiple %add3A_1407, 16 : i32
      %get3A_1409 = arith.index_cast %multiple_of3A_1408 : i32 to index
      %get3A_1410 = tpu.vector_load %arg5[%get3A_1409] {strides = array<i32>} : memref<512xi32, #tpu.memory_space<vmem>>, vector<16xi32>,
      %rem3A_1411 = arith.constant 8 : i32
      %rem3A_1412 = vector.broadcast %rem3A_1411 : i32 to vector<16xi32>
      %rem3A_1413 = arith.remsi %get3A_1410, %rem3A_1412 : vector<16xi32>
      %add3A_1414 = vector.broadcast %multiple_of3A_1408 : i32 to vector<16xi32>
      %add3A_1415 = arith.addi %add3A_1414, %iota3A : vector<16xi32>
      %add3A_1416 = arith.constant 0 : i32
      %add3A_1417 = vector.broadcast %add3A_1416 : i32 to vector<16xi32>
      %add3A_1418 = arith.addi %add3A_1417, %iota3A : vector<16xi32>
      %scan3A_1419 = arith.constant 0 : i32
      %scan3A_1420 = arith.constant 64 : i32
      %scan3A_1421 = arith.addi %scan3A_1419, %scan3A_1420 : i32
      %scan3A_1422 = arith.constant 8 : i32
      scf.for %scan3A_1444 = %scan3A_1419 to %scan3A_1421 step %scan3A_1422  : i32 {
        %mul3A_1445 = arith.constant 1 : i32
        %mul3A_1446 = arith.muli %scan3A_1444, %mul3A_1445 : i32
        %add3A_1447 = arith.constant 0 : i32
        %add3A_1448 = arith.addi %add3A_1447, %mul3A_1446 : i32
        %add3A_1449 = vector.broadcast %add3A_1448 : i32 to vector<16xi32>
        %add3A_1450 = arith.addi %broadcast_in_dim3A_1403, %add3A_1449 : vector<16xi32>
        %gather3A = arith.constant 0 : i32
        %gather3A_1451 = arith.constant 0 : i32
        %gather3A_1452 = arith.constant 0 : i32
        %gather3A_1453 = arith.constant 0 : i32
        %gather3A_1454 = tpu.memref_slice %arg6[%gather3A, %gather3A_1451, %gather3A_1452, %gather3A_1453] : memref<2x32x8x64xf32, #tpu.memory_space<vmem>> -> memref<1x32x8x64xf32, #tpu.memory_space<vmem>>
        %gather3A_1455 = tpu.memref_squeeze %gather3A_1454 : memref<1x32x8x64xf32, #tpu.memory_space<vmem>> -> memref<32x8x64xf32, #tpu.memory_space<vmem>>
        %gather3A_1456 = tpu.vector_load_idx %gather3A_1455[%add3A_1418, %rem3A_1413, %add3A_1450] : memref<32x8x64xf32, #tpu.memory_space<vmem>>[vector<16xi32>, vector<16xi32>, vector<16xi32>], vector<16xf32>,
        tpu.vector_store_idx %arg7[%add3A_1450, %add3A_1415], %gather3A_1456 : memref<64x512xf32, #tpu.memory_space<vmem>>[vector<16xi32>, vector<16xi32>], vector<16xf32>,
        %scan3A_1457 = arith.constant 1 : i32
        %scan3A_1458 = arith.addi %scan3A_1444, %scan3A_1457 : i32
        %mul3A_1459 = arith.constant 1 : i32
        %mul3A_1460 = arith.muli %scan3A_1458, %mul3A_1459 : i32
        %add3A_1461 = arith.constant 0 : i32
        %add3A_1462 = arith.addi %add3A_1461, %mul3A_1460 : i32
        %add3A_1463 = vector.broadcast %add3A_1462 : i32 to vector<16xi32>
        %add3A_1464 = arith.addi %broadcast_in_dim3A_1403, %add3A_1463 : vector<16xi32>
        %gather3A_1465 = arith.constant 0 : i32
        %gather3A_1466 = arith.constant 0 : i32
        %gather3A_1467 = arith.constant 0 : i32
        %gather3A_1468 = arith.constant 0 : i32
        %gather3A_1469 = tpu.memref_slice %arg6[%gather3A_1465, %gather3A_1466, %gather3A_1467, %gather3A_1468] : memref<2x32x8x64xf32, #tpu.memory_space<vmem>> -> memref<1x32x8x64xf32, #tpu.memory_space<vmem>>
        %gather3A_1470 = tpu.memref_squeeze %gather3A_1469 : memref<1x32x8x64xf32, #tpu.memory_space<vmem>> -> memref<32x8x64xf32, #tpu.memory_space<vmem>>
        %gather3A_1471 = tpu.vector_load_idx %gather3A_1470[%add3A_1418, %rem3A_1413, %add3A_1464] : memref<32x8x64xf32, #tpu.memory_space<vmem>>[vector<16xi32>, vector<16xi32>, vector<16xi32>], vector<16xf32>,
        tpu.vector_store_idx %arg7[%add3A_1464, %add3A_1415], %gather3A_1471 : memref<64x512xf32, #tpu.memory_space<vmem>>[vector<16xi32>, vector<16xi32>], vector<16xf32>,
        %scan3A_1472 = arith.constant 2 : i32
        %scan3A_1473 = arith.addi %scan3A_1444, %scan3A_1472 : i32
        %mul3A_1474 = arith.constant 1 : i32
        %mul3A_1475 = arith.muli %scan3A_1473, %mul3A_1474 : i32
        %add3A_1476 = arith.constant 0 : i32
        %add3A_1477 = arith.addi %add3A_1476, %mul3A_1475 : i32
        %add3A_1478 = vector.broadcast %add3A_1477 : i32 to vector<16xi32>
        %add3A_1479 = arith.addi %broadcast_in_dim3A_1403, %add3A_1478 : vector<16xi32>
        %gather3A_1480 = arith.constant 0 : i32
        %gather3A_1481 = arith.constant 0 : i32
        %gather3A_1482 = arith.constant 0 : i32
        %gather3A_1483 = arith.constant 0 : i32
        %gather3A_1484 = tpu.memref_slice %arg6[%gather3A_1480, %gather3A_1481, %gather3A_1482, %gather3A_1483] : memref<2x32x8x64xf32, #tpu.memory_space<vmem>> -> memref<1x32x8x64xf32, #tpu.memory_space<vmem>>
        %gather3A_1485 = tpu.memref_squeeze %gather3A_1484 : memref<1x32x8x64xf32, #tpu.memory_space<vmem>> -> memref<32x8x64xf32, #tpu.memory_space<vmem>>
        %gather3A_1486 = tpu.vector_load_idx %gather3A_1485[%add3A_1418, %rem3A_1413, %add3A_1479] : memref<32x8x64xf32, #tpu.memory_space<vmem>>[vector<16xi32>, vector<16xi32>, vector<16xi32>], vector<16xf32>,
        tpu.vector_store_idx %arg7[%add3A_1479, %add3A_1415], %gather3A_1486 : memref<64x512xf32, #tpu.memory_space<vmem>>[vector<16xi32>, vector<16xi32>], vector<16xf32>,
        %scan3A_1487 = arith.constant 3 : i32
        %scan3A_1488 = arith.addi %scan3A_1444, %scan3A_1487 : i32
        %mul3A_1489 = arith.constant 1 : i32
        %mul3A_1490 = arith.muli %scan3A_1488, %mul3A_1489 : i32
        %add3A_1491 = arith.constant 0 : i32
        %add3A_1492 = arith.addi %add3A_1491, %mul3A_1490 : i32
        %add3A_1493 = vector.broadcast %add3A_1492 : i32 to vector<16xi32>
        %add3A_1494 = arith.addi %broadcast_in_dim3A_1403, %add3A_1493 : vector<16xi32>
        %gather3A_1495 = arith.constant 0 : i32
        %gather3A_1496 = arith.constant 0 : i32
        %gather3A_1497 = arith.constant 0 : i32
        %gather3A_1498 = arith.constant 0 : i32
        %gather3A_1499 = tpu.memref_slice %arg6[%gather3A_1495, %gather3A_1496, %gather3A_1497, %gather3A_1498] : memref<2x32x8x64xf32, #tpu.memory_space<vmem>> -> memref<1x32x8x64xf32, #tpu.memory_space<vmem>>
        %gather3A_1500 = tpu.memref_squeeze %gather3A_1499 : memref<1x32x8x64xf32, #tpu.memory_space<vmem>> -> memref<32x8x64xf32, #tpu.memory_space<vmem>>
        %gather3A_1501 = tpu.vector_load_idx %gather3A_1500[%add3A_1418, %rem3A_1413, %add3A_1494] : memref<32x8x64xf32, #tpu.memory_space<vmem>>[vector<16xi32>, vector<16xi32>, vector<16xi32>], vector<16xf32>,
        tpu.vector_store_idx %arg7[%add3A_1494, %add3A_1415], %gather3A_1501 : memref<64x512xf32, #tpu.memory_space<vmem>>[vector<16xi32>, vector<16xi32>], vector<16xf32>,
        %scan3A_1502 = arith.constant 4 : i32
        %scan3A_1503 = arith.addi %scan3A_1444, %scan3A_1502 : i32
        %mul3A_1504 = arith.constant 1 : i32
        %mul3A_1505 = arith.muli %scan3A_1503, %mul3A_1504 : i32
        %add3A_1506 = arith.constant 0 : i32
        %add3A_1507 = arith.addi %add3A_1506, %mul3A_1505 : i32
        %add3A_1508 = vector.broadcast %add3A_1507 : i32 to vector<16xi32>
        %add3A_1509 = arith.addi %broadcast_in_dim3A_1403, %add3A_1508 : vector<16xi32>
        %gather3A_1510 = arith.constant 0 : i32
        %gather3A_1511 = arith.constant 0 : i32
        %gather3A_1512 = arith.constant 0 : i32
        %gather3A_1513 = arith.constant 0 : i32
        %gather3A_1514 = tpu.memref_slice %arg6[%gather3A_1510, %gather3A_1511, %gather3A_1512, %gather3A_1513] : memref<2x32x8x64xf32, #tpu.memory_space<vmem>> -> memref<1x32x8x64xf32, #tpu.memory_space<vmem>>
        %gather3A_1515 = tpu.memref_squeeze %gather3A_1514 : memref<1x32x8x64xf32, #tpu.memory_space<vmem>> -> memref<32x8x64xf32, #tpu.memory_space<vmem>>
        %gather3A_1516 = tpu.vector_load_idx %gather3A_1515[%add3A_1418, %rem3A_1413, %add3A_1509] : memref<32x8x64xf32, #tpu.memory_space<vmem>>[vector<16xi32>, vector<16xi32>, vector<16xi32>], vector<16xf32>,
        tpu.vector_store_idx %arg7[%add3A_1509, %add3A_1415], %gather3A_1516 : memref<64x512xf32, #tpu.memory_space<vmem>>[vector<16xi32>, vector<16xi32>], vector<16xf32>,
        %scan3A_1517 = arith.constant 5 : i32
        %scan3A_1518 = arith.addi %scan3A_1444, %scan3A_1517 : i32
        %mul3A_1519 = arith.constant 1 : i32
        %mul3A_1520 = arith.muli %scan3A_1518, %mul3A_1519 : i32
        %add3A_1521 = arith.constant 0 : i32
        %add3A_1522 = arith.addi %add3A_1521, %mul3A_1520 : i32
        %add3A_1523 = vector.broadcast %add3A_1522 : i32 to vector<16xi32>
        %add3A_1524 = arith.addi %broadcast_in_dim3A_1403, %add3A_1523 : vector<16xi32>
        %gather3A_1525 = arith.constant 0 : i32
        %gather3A_1526 = arith.constant 0 : i32
        %gather3A_1527 = arith.constant 0 : i32
        %gather3A_1528 = arith.constant 0 : i32
        %gather3A_1529 = tpu.memref_slice %arg6[%gather3A_1525, %gather3A_1526, %gather3A_1527, %gather3A_1528] : memref<2x32x8x64xf32, #tpu.memory_space<vmem>> -> memref<1x32x8x64xf32, #tpu.memory_space<vmem>>
        %gather3A_1530 = tpu.memref_squeeze %gather3A_1529 : memref<1x32x8x64xf32, #tpu.memory_space<vmem>> -> memref<32x8x64xf32, #tpu.memory_space<vmem>>
        %gather3A_1531 = tpu.vector_load_idx %gather3A_1530[%add3A_1418, %rem3A_1413, %add3A_1524] : memref<32x8x64xf32, #tpu.memory_space<vmem>>[vector<16xi32>, vector<16xi32>, vector<16xi32>], vector<16xf32>,
        tpu.vector_store_idx %arg7[%add3A_1524, %add3A_1415], %gather3A_1531 : memref<64x512xf32, #tpu.memory_space<vmem>>[vector<16xi32>, vector<16xi32>], vector<16xf32>,
        %scan3A_1532 = arith.constant 6 : i32
        %scan3A_1533 = arith.addi %scan3A_1444, %scan3A_1532 : i32
        %mul3A_1534 = arith.constant 1 : i32
        %mul3A_1535 = arith.muli %scan3A_1533, %mul3A_1534 : i32
        %add3A_1536 = arith.constant 0 : i32
        %add3A_1537 = arith.addi %add3A_1536, %mul3A_1535 : i32
        %add3A_1538 = vector.broadcast %add3A_1537 : i32 to vector<16xi32>
        %add3A_1539 = arith.addi %broadcast_in_dim3A_1403, %add3A_1538 : vector<16xi32>
        %gather3A_1540 = arith.constant 0 : i32
        %gather3A_1541 = arith.constant 0 : i32
        %gather3A_1542 = arith.constant 0 : i32
        %gather3A_1543 = arith.constant 0 : i32
        %gather3A_1544 = tpu.memref_slice %arg6[%gather3A_1540, %gather3A_1541, %gather3A_1542, %gather3A_1543] : memref<2x32x8x64xf32, #tpu.memory_space<vmem>> -> memref<1x32x8x64xf32, #tpu.memory_space<vmem>>
        %gather3A_1545 = tpu.memref_squeeze %gather3A_1544 : memref<1x32x8x64xf32, #tpu.memory_space<vmem>> -> memref<32x8x64xf32, #tpu.memory_space<vmem>>
        %gather3A_1546 = tpu.vector_load_idx %gather3A_1545[%add3A_1418, %rem3A_1413, %add3A_1539] : memref<32x8x64xf32, #tpu.memory_space<vmem>>[vector<16xi32>, vector<16xi32>, vector<16xi32>], vector<16xf32>,
        tpu.vector_store_idx %arg7[%add3A_1539, %add3A_1415], %gather3A_1546 : memref<64x512xf32, #tpu.memory_space<vmem>>[vector<16xi32>, vector<16xi32>], vector<16xf32>,
        %scan3A_1547 = arith.constant 7 : i32
        %scan3A_1548 = arith.addi %scan3A_1444, %scan3A_1547 : i32
        %mul3A_1549 = arith.constant 1 : i32
        %mul3A_1550 = arith.muli %scan3A_1548, %mul3A_1549 : i32
        %add3A_1551 = arith.constant 0 : i32
        %add3A_1552 = arith.addi %add3A_1551, %mul3A_1550 : i32
        %add3A_1553 = vector.broadcast %add3A_1552 : i32 to vector<16xi32>
        %add3A_1554 = arith.addi %broadcast_in_dim3A_1403, %add3A_1553 : vector<16xi32>
        %gather3A_1555 = arith.constant 0 : i32
        %gather3A_1556 = arith.constant 0 : i32
        %gather3A_1557 = arith.constant 0 : i32
        %gather3A_1558 = arith.constant 0 : i32
        %gather3A_1559 = tpu.memref_slice %arg6[%gather3A_1555, %gather3A_1556, %gather3A_1557, %gather3A_1558] : memref<2x32x8x64xf32, #tpu.memory_space<vmem>> -> memref<1x32x8x64xf32, #tpu.memory_space<vmem>>
        %gather3A_1560 = tpu.memref_squeeze %gather3A_1559 : memref<1x32x8x64xf32, #tpu.memory_space<vmem>> -> memref<32x8x64xf32, #tpu.memory_space<vmem>>
        %gather3A_1561 = tpu.vector_load_idx %gather3A_1560[%add3A_1418, %rem3A_1413, %add3A_1554] : memref<32x8x64xf32, #tpu.memory_space<vmem>>[vector<16xi32>, vector<16xi32>, vector<16xi32>], vector<16xf32>,
        tpu.vector_store_idx %arg7[%add3A_1554, %add3A_1415], %gather3A_1561 : memref<64x512xf32, #tpu.memory_space<vmem>>[vector<16xi32>, vector<16xi32>], vector<16xf32>,
      }
      %scan3A_1423 = arith.constant 64 : i32
      %mul3A_1424 = arith.constant 32 : i32
      %mul3A_1425 = arith.muli %add3A_62, %mul3A_1424 : i32
      %add3A_1426 = arith.constant 16 : i32
      %add3A_1427 = arith.addi %mul3A_1425, %add3A_1426 : i32
      %multiple_of3A_1428 = tpu.assume_multiple %add3A_1427, 16 : i32
      %get3A_1429 = arith.index_cast %multiple_of3A_1428 : i32 to index
      %get3A_1430 = tpu.vector_load %arg5[%get3A_1429] {strides = array<i32>} : memref<512xi32, #tpu.memory_space<vmem>>, vector<16xi32>,
      %rem3A_1431 = arith.constant 8 : i32
      %rem3A_1432 = vector.broadcast %rem3A_1431 : i32 to vector<16xi32>
      %rem3A_1433 = arith.remsi %get3A_1430, %rem3A_1432 : vector<16xi32>
      %add3A_1434 = vector.broadcast %multiple_of3A_1428 : i32 to vector<16xi32>
      %add3A_1435 = arith.addi %add3A_1434, %iota3A : vector<16xi32>
      %add3A_1436 = arith.constant 16 : i32
      %add3A_1437 = vector.broadcast %add3A_1436 : i32 to vector<16xi32>
      %add3A_1438 = arith.addi %add3A_1437, %iota3A : vector<16xi32>
      %scan3A_1439 = arith.constant 0 : i32
      %scan3A_1440 = arith.constant 64 : i32
      %scan3A_1441 = arith.addi %scan3A_1439, %scan3A_1440 : i32
      %scan3A_1442 = arith.constant 8 : i32
      scf.for %scan3A_1444 = %scan3A_1439 to %scan3A_1441 step %scan3A_1442  : i32 {
        %mul3A_1445 = arith.constant 1 : i32
        %mul3A_1446 = arith.muli %scan3A_1444, %mul3A_1445 : i32
        %add3A_1447 = arith.constant 0 : i32
        %add3A_1448 = arith.addi %add3A_1447, %mul3A_1446 : i32
        %add3A_1449 = vector.broadcast %add3A_1448 : i32 to vector<16xi32>
        %add3A_1450 = arith.addi %broadcast_in_dim3A_1403, %add3A_1449 : vector<16xi32>
        %gather3A = arith.constant 0 : i32
        %gather3A_1451 = arith.constant 0 : i32
        %gather3A_1452 = arith.constant 0 : i32
        %gather3A_1453 = arith.constant 0 : i32
        %gather3A_1454 = tpu.memref_slice %arg6[%gather3A, %gather3A_1451, %gather3A_1452, %gather3A_1453] : memref<2x32x8x64xf32, #tpu.memory_space<vmem>> -> memref<1x32x8x64xf32, #tpu.memory_space<vmem>>
        %gather3A_1455 = tpu.memref_squeeze %gather3A_1454 : memref<1x32x8x64xf32, #tpu.memory_space<vmem>> -> memref<32x8x64xf32, #tpu.memory_space<vmem>>
        %gather3A_1456 = tpu.vector_load_idx %gather3A_1455[%add3A_1438, %rem3A_1433, %add3A_1450] : memref<32x8x64xf32, #tpu.memory_space<vmem>>[vector<16xi32>, vector<16xi32>, vector<16xi32>], vector<16xf32>,
        tpu.vector_store_idx %arg7[%add3A_1450, %add3A_1435], %gather3A_1456 : memref<64x512xf32, #tpu.memory_space<vmem>>[vector<16xi32>, vector<16xi32>], vector<16xf32>,
        %scan3A_1457 = arith.constant 1 : i32
        %scan3A_1458 = arith.addi %scan3A_1444, %scan3A_1457 : i32
        %mul3A_1459 = arith.constant 1 : i32
        %mul3A_1460 = arith.muli %scan3A_1458, %mul3A_1459 : i32
        %add3A_1461 = arith.constant 0 : i32
        %add3A_1462 = arith.addi %add3A_1461, %mul3A_1460 : i32
        %add3A_1463 = vector.broadcast %add3A_1462 : i32 to vector<16xi32>
        %add3A_1464 = arith.addi %broadcast_in_dim3A_1403, %add3A_1463 : vector<16xi32>
        %gather3A_1465 = arith.constant 0 : i32
        %gather3A_1466 = arith.constant 0 : i32
        %gather3A_1467 = arith.constant 0 : i32
        %gather3A_1468 = arith.constant 0 : i32
        %gather3A_1469 = tpu.memref_slice %arg6[%gather3A_1465, %gather3A_1466, %gather3A_1467, %gather3A_1468] : memref<2x32x8x64xf32, #tpu.memory_space<vmem>> -> memref<1x32x8x64xf32, #tpu.memory_space<vmem>>
        %gather3A_1470 = tpu.memref_squeeze %gather3A_1469 : memref<1x32x8x64xf32, #tpu.memory_space<vmem>> -> memref<32x8x64xf32, #tpu.memory_space<vmem>>
        %gather3A_1471 = tpu.vector_load_idx %gather3A_1470[%add3A_1438, %rem3A_1433, %add3A_1464] : memref<32x8x64xf32, #tpu.memory_space<vmem>>[vector<16xi32>, vector<16xi32>, vector<16xi32>], vector<16xf32>,
        tpu.vector_store_idx %arg7[%add3A_1464, %add3A_1435], %gather3A_1471 : memref<64x512xf32, #tpu.memory_space<vmem>>[vector<16xi32>, vector<16xi32>], vector<16xf32>,
        %scan3A_1472 = arith.constant 2 : i32
        %scan3A_1473 = arith.addi %scan3A_1444, %scan3A_1472 : i32
        %mul3A_1474 = arith.constant 1 : i32
        %mul3A_1475 = arith.muli %scan3A_1473, %mul3A_1474 : i32
        %add3A_1476 = arith.constant 0 : i32
        %add3A_1477 = arith.addi %add3A_1476, %mul3A_1475 : i32
        %add3A_1478 = vector.broadcast %add3A_1477 : i32 to vector<16xi32>
        %add3A_1479 = arith.addi %broadcast_in_dim3A_1403, %add3A_1478 : vector<16xi32>
        %gather3A_1480 = arith.constant 0 : i32
        %gather3A_1481 = arith.constant 0 : i32
        %gather3A_1482 = arith.constant 0 : i32
        %gather3A_1483 = arith.constant 0 : i32
        %gather3A_1484 = tpu.memref_slice %arg6[%gather3A_1480, %gather3A_1481, %gather3A_1482, %gather3A_1483] : memref<2x32x8x64xf32, #tpu.memory_space<vmem>> -> memref<1x32x8x64xf32, #tpu.memory_space<vmem>>
        %gather3A_1485 = tpu.memref_squeeze %gather3A_1484 : memref<1x32x8x64xf32, #tpu.memory_space<vmem>> -> memref<32x8x64xf32, #tpu.memory_space<vmem>>
        %gather3A_1486 = tpu.vector_load_idx %gather3A_1485[%add3A_1438, %rem3A_1433, %add3A_1479] : memref<32x8x64xf32, #tpu.memory_space<vmem>>[vector<16xi32>, vector<16xi32>, vector<16xi32>], vector<16xf32>,
        tpu.vector_store_idx %arg7[%add3A_1479, %add3A_1435], %gather3A_1486 : memref<64x512xf32, #tpu.memory_space<vmem>>[vector<16xi32>, vector<16xi32>], vector<16xf32>,
        %scan3A_1487 = arith.constant 3 : i32
        %scan3A_1488 = arith.addi %scan3A_1444, %scan3A_1487 : i32
        %mul3A_1489 = arith.constant 1 : i32
        %mul3A_1490 = arith.muli %scan3A_1488, %mul3A_1489 : i32
        %add3A_1491 = arith.constant 0 : i32
        %add3A_1492 = arith.addi %add3A_1491, %mul3A_1490 : i32
        %add3A_1493 = vector.broadcast %add3A_1492 : i32 to vector<16xi32>
        %add3A_1494 = arith.addi %broadcast_in_dim3A_1403, %add3A_1493 : vector<16xi32>
        %gather3A_1495 = arith.constant 0 : i32
        %gather3A_1496 = arith.constant 0 : i32
        %gather3A_1497 = arith.constant 0 : i32
        %gather3A_1498 = arith.constant 0 : i32
        %gather3A_1499 = tpu.memref_slice %arg6[%gather3A_1495, %gather3A_1496, %gather3A_1497, %gather3A_1498] : memref<2x32x8x64xf32, #tpu.memory_space<vmem>> -> memref<1x32x8x64xf32, #tpu.memory_space<vmem>>
        %gather3A_1500 = tpu.memref_squeeze %gather3A_1499 : memref<1x32x8x64xf32, #tpu.memory_space<vmem>> -> memref<32x8x64xf32, #tpu.memory_space<vmem>>
        %gather3A_1501 = tpu.vector_load_idx %gather3A_1500[%add3A_1438, %rem3A_1433, %add3A_1494] : memref<32x8x64xf32, #tpu.memory_space<vmem>>[vector<16xi32>, vector<16xi32>, vector<16xi32>], vector<16xf32>,
        tpu.vector_store_idx %arg7[%add3A_1494, %add3A_1435], %gather3A_1501 : memref<64x512xf32, #tpu.memory_space<vmem>>[vector<16xi32>, vector<16xi32>], vector<16xf32>,
        %scan3A_1502 = arith.constant 4 : i32
        %scan3A_1503 = arith.addi %scan3A_1444, %scan3A_1502 : i32
        %mul3A_1504 = arith.constant 1 : i32
        %mul3A_1505 = arith.muli %scan3A_1503, %mul3A_1504 : i32
        %add3A_1506 = arith.constant 0 : i32
        %add3A_1507 = arith.addi %add3A_1506, %mul3A_1505 : i32
        %add3A_1508 = vector.broadcast %add3A_1507 : i32 to vector<16xi32>
        %add3A_1509 = arith.addi %broadcast_in_dim3A_1403, %add3A_1508 : vector<16xi32>
        %gather3A_1510 = arith.constant 0 : i32
        %gather3A_1511 = arith.constant 0 : i32
        %gather3A_1512 = arith.constant 0 : i32
        %gather3A_1513 = arith.constant 0 : i32
        %gather3A_1514 = tpu.memref_slice %arg6[%gather3A_1510, %gather3A_1511, %gather3A_1512, %gather3A_1513] : memref<2x32x8x64xf32, #tpu.memory_space<vmem>> -> memref<1x32x8x64xf32, #tpu.memory_space<vmem>>
        %gather3A_1515 = tpu.memref_squeeze %gather3A_1514 : memref<1x32x8x64xf32, #tpu.memory_space<vmem>> -> memref<32x8x64xf32, #tpu.memory_space<vmem>>
        %gather3A_1516 = tpu.vector_load_idx %gather3A_1515[%add3A_1438, %rem3A_1433, %add3A_1509] : memref<32x8x64xf32, #tpu.memory_space<vmem>>[vector<16xi32>, vector<16xi32>, vector<16xi32>], vector<16xf32>,
        tpu.vector_store_idx %arg7[%add3A_1509, %add3A_1435], %gather3A_1516 : memref<64x512xf32, #tpu.memory_space<vmem>>[vector<16xi32>, vector<16xi32>], vector<16xf32>,
        %scan3A_1517 = arith.constant 5 : i32
        %scan3A_1518 = arith.addi %scan3A_1444, %scan3A_1517 : i32
        %mul3A_1519 = arith.constant 1 : i32
        %mul3A_1520 = arith.muli %scan3A_1518, %mul3A_1519 : i32
        %add3A_1521 = arith.constant 0 : i32
        %add3A_1522 = arith.addi %add3A_1521, %mul3A_1520 : i32
        %add3A_1523 = vector.broadcast %add3A_1522 : i32 to vector<16xi32>
        %add3A_1524 = arith.addi %broadcast_in_dim3A_1403, %add3A_1523 : vector<16xi32>
        %gather3A_1525 = arith.constant 0 : i32
        %gather3A_1526 = arith.constant 0 : i32
        %gather3A_1527 = arith.constant 0 : i32
        %gather3A_1528 = arith.constant 0 : i32
        %gather3A_1529 = tpu.memref_slice %arg6[%gather3A_1525, %gather3A_1526, %gather3A_1527, %gather3A_1528] : memref<2x32x8x64xf32, #tpu.memory_space<vmem>> -> memref<1x32x8x64xf32, #tpu.memory_space<vmem>>
        %gather3A_1530 = tpu.memref_squeeze %gather3A_1529 : memref<1x32x8x64xf32, #tpu.memory_space<vmem>> -> memref<32x8x64xf32, #tpu.memory_space<vmem>>
        %gather3A_1531 = tpu.vector_load_idx %gather3A_1530[%add3A_1438, %rem3A_1433, %add3A_1524] : memref<32x8x64xf32, #tpu.memory_space<vmem>>[vector<16xi32>, vector<16xi32>, vector<16xi32>], vector<16xf32>,
        tpu.vector_store_idx %arg7[%add3A_1524, %add3A_1435], %gather3A_1531 : memref<64x512xf32, #tpu.memory_space<vmem>>[vector<16xi32>, vector<16xi32>], vector<16xf32>,
        %scan3A_1532 = arith.constant 6 : i32
        %scan3A_1533 = arith.addi %scan3A_1444, %scan3A_1532 : i32
        %mul3A_1534 = arith.constant 1 : i32
        %mul3A_1535 = arith.muli %scan3A_1533, %mul3A_1534 : i32
        %add3A_1536 = arith.constant 0 : i32
        %add3A_1537 = arith.addi %add3A_1536, %mul3A_1535 : i32
        %add3A_1538 = vector.broadcast %add3A_1537 : i32 to vector<16xi32>
        %add3A_1539 = arith.addi %broadcast_in_dim3A_1403, %add3A_1538 : vector<16xi32>
        %gather3A_1540 = arith.constant 0 : i32
        %gather3A_1541 = arith.constant 0 : i32
        %gather3A_1542 = arith.constant 0 : i32
        %gather3A_1543 = arith.constant 0 : i32
        %gather3A_1544 = tpu.memref_slice %arg6[%gather3A_1540, %gather3A_1541, %gather3A_1542, %gather3A_1543] : memref<2x32x8x64xf32, #tpu.memory_space<vmem>> -> memref<1x32x8x64xf32, #tpu.memory_space<vmem>>
        %gather3A_1545 = tpu.memref_squeeze %gather3A_1544 : memref<1x32x8x64xf32, #tpu.memory_space<vmem>> -> memref<32x8x64xf32, #tpu.memory_space<vmem>>
        %gather3A_1546 = tpu.vector_load_idx %gather3A_1545[%add3A_1438, %rem3A_1433, %add3A_1539] : memref<32x8x64xf32, #tpu.memory_space<vmem>>[vector<16xi32>, vector<16xi32>, vector<16xi32>], vector<16xf32>,
        tpu.vector_store_idx %arg7[%add3A_1539, %add3A_1435], %gather3A_1546 : memref<64x512xf32, #tpu.memory_space<vmem>>[vector<16xi32>, vector<16xi32>], vector<16xf32>,
        %scan3A_1547 = arith.constant 7 : i32
        %scan3A_1548 = arith.addi %scan3A_1444, %scan3A_1547 : i32
        %mul3A_1549 = arith.constant 1 : i32
        %mul3A_1550 = arith.muli %scan3A_1548, %mul3A_1549 : i32
        %add3A_1551 = arith.constant 0 : i32
        %add3A_1552 = arith.addi %add3A_1551, %mul3A_1550 : i32
        %add3A_1553 = vector.broadcast %add3A_1552 : i32 to vector<16xi32>
        %add3A_1554 = arith.addi %broadcast_in_dim3A_1403, %add3A_1553 : vector<16xi32>
        %gather3A_1555 = arith.constant 0 : i32
        %gather3A_1556 = arith.constant 0 : i32
        %gather3A_1557 = arith.constant 0 : i32
        %gather3A_1558 = arith.constant 0 : i32
        %gather3A_1559 = tpu.memref_slice %arg6[%gather3A_1555, %gather3A_1556, %gather3A_1557, %gather3A_1558] : memref<2x32x8x64xf32, #tpu.memory_space<vmem>> -> memref<1x32x8x64xf32, #tpu.memory_space<vmem>>
        %gather3A_1560 = tpu.memref_squeeze %gather3A_1559 : memref<1x32x8x64xf32, #tpu.memory_space<vmem>> -> memref<32x8x64xf32, #tpu.memory_space<vmem>>
        %gather3A_1561 = tpu.vector_load_idx %gather3A_1560[%add3A_1438, %rem3A_1433, %add3A_1554] : memref<32x8x64xf32, #tpu.memory_space<vmem>>[vector<16xi32>, vector<16xi32>, vector<16xi32>], vector<16xf32>,
        tpu.vector_store_idx %arg7[%add3A_1554, %add3A_1435], %gather3A_1561 : memref<64x512xf32, #tpu.memory_space<vmem>>[vector<16xi32>, vector<16xi32>], vector<16xf32>,
      }
      %scan3A_1443 = arith.constant 64 : i32
    }
    %scan3A_6 = arith.constant 8 : i32
    %dma_wait3A = arith.constant 1 : i32
    %dma_wait3A_7 = arith.constant 0 : i32
    %dma_wait3A_8 = arith.constant 0 : i32
    %dma_wait3A_9 = arith.constant 0 : i32
    %dma_wait3A_10 = tpu.memref_slice %arg6[%dma_wait3A, %dma_wait3A_7, %dma_wait3A_8, %dma_wait3A_9] : memref<2x32x8x64xf32, #tpu.memory_space<vmem>> -> memref<1x32x8x64xf32, #tpu.memory_space<vmem>>
    %dma_wait3A_11 = tpu.memref_squeeze %dma_wait3A_10 : memref<1x32x8x64xf32, #tpu.memory_space<vmem>> -> memref<32x8x64xf32, #tpu.memory_space<vmem>>
    %dma_wait3A_12 = arith.constant 0 : i32
    %dma_wait3A_13 = arith.constant 0 : i32
    %dma_wait3A_14 = arith.constant 0 : i32
    %dma_wait3A_15 = tpu.memref_slice %arg2[%dma_wait3A_12, %dma_wait3A_13, %dma_wait3A_14] : memref<125000x8x64xf32, #tpu.memory_space<hbm>> -> memref<32x8x64xf32, #tpu.memory_space<hbm>>
    %dma_wait3A_16 = arith.constant 0 : i32
    %dma_wait3A_17 = arith.constant 0 : i32
    %dma_wait3A_18 = arith.constant 0 : i32
    %dma_wait3A_19 = tpu.memref_slice %arg6[%dma_wait3A, %dma_wait3A_16, %dma_wait3A_17, %dma_wait3A_18] : memref<2x32x8x64xf32, #tpu.memory_space<vmem>> -> memref<1x32x8x64xf32, #tpu.memory_space<vmem>>
    %dma_wait3A_20 = tpu.memref_squeeze %dma_wait3A_19 : memref<1x32x8x64xf32, #tpu.memory_space<vmem>> -> memref<32x8x64xf32, #tpu.memory_space<vmem>>
    %dma_wait3A_21 = arith.constant 0 : i32
    %dma_wait3A_22 = arith.constant 0 : i32
    %dma_wait3A_23 = arith.constant 0 : i32
    %dma_wait3A_24 = tpu.memref_slice %arg2[%dma_wait3A_21, %dma_wait3A_22, %dma_wait3A_23] : memref<125000x8x64xf32, #tpu.memory_space<hbm>> -> memref<32x8x64xf32, #tpu.memory_space<hbm>>
    tpu.wait_dma2 semaphore(%arg9 : memref<!tpu.dma_semaphore, #tpu.memory_space<semaphore_mem>>) src(%dma_wait3A_24 : memref<32x8x64xf32, #tpu.memory_space<hbm>>) dst(%dma_wait3A_20 : memref<32x8x64xf32, #tpu.memory_space<vmem>>)
    %broadcast_in_dim3A = arith.constant 0 : i32
    %broadcast_in_dim3A_25 = vector.broadcast %broadcast_in_dim3A : i32 to vector<16xi32>
    %multiple_of3A_26 = arith.constant 480 : i32
    %multiple_of3A_27 = tpu.assume_multiple %multiple_of3A_26, 16 : i32
    %get3A = arith.index_cast %multiple_of3A_27 : i32 to index
    %get3A_28 = tpu.vector_load %arg5[%get3A] {strides = array<i32>} : memref<512xi32, #tpu.memory_space<vmem>>, vector<16xi32>,
    %rem3A = arith.constant 8 : i32
    %rem3A_29 = vector.broadcast %rem3A : i32 to vector<16xi32>
    %rem3A_30 = arith.remsi %get3A_28, %rem3A_29 : vector<16xi32>
    %add3A_31 = vector.broadcast %multiple_of3A_27 : i32 to vector<16xi32>
    %add3A_32 = arith.addi %add3A_31, %iota3A : vector<16xi32>
    %add3A_33 = arith.constant 0 : i32
    %add3A_34 = vector.broadcast %add3A_33 : i32 to vector<16xi32>
    %add3A_35 = arith.addi %add3A_34, %iota3A : vector<16xi32>
    %scan3A_36 = arith.constant 0 : i32
    %scan3A_37 = arith.constant 64 : i32
    %scan3A_38 = arith.addi %scan3A_36, %scan3A_37 : i32
    %scan3A_39 = arith.constant 8 : i32
    scf.for %scan3A_58 = %scan3A_36 to %scan3A_38 step %scan3A_39  : i32 {
      %mul3A_59 = arith.constant 1 : i32
      %mul3A_60 = arith.muli %scan3A_58, %mul3A_59 : i32
      %add3A_61 = arith.constant 0 : i32
      %add3A_62 = arith.addi %add3A_61, %mul3A_60 : i32
      %add3A_63 = vector.broadcast %add3A_62 : i32 to vector<16xi32>
      %add3A_64 = arith.addi %broadcast_in_dim3A_25, %add3A_63 : vector<16xi32>
      %gather3A = arith.constant 1 : i32
      %gather3A_65 = arith.constant 0 : i32
      %gather3A_66 = arith.constant 0 : i32
      %gather3A_67 = arith.constant 0 : i32
      %gather3A_68 = tpu.memref_slice %arg6[%gather3A, %gather3A_65, %gather3A_66, %gather3A_67] : memref<2x32x8x64xf32, #tpu.memory_space<vmem>> -> memref<1x32x8x64xf32, #tpu.memory_space<vmem>>
      %gather3A_69 = tpu.memref_squeeze %gather3A_68 : memref<1x32x8x64xf32, #tpu.memory_space<vmem>> -> memref<32x8x64xf32, #tpu.memory_space<vmem>>
      %gather3A_70 = tpu.vector_load_idx %gather3A_69[%add3A_35, %rem3A_30, %add3A_64] : memref<32x8x64xf32, #tpu.memory_space<vmem>>[vector<16xi32>, vector<16xi32>, vector<16xi32>], vector<16xf32>,
      tpu.vector_store_idx %arg7[%add3A_64, %add3A_32], %gather3A_70 : memref<64x512xf32, #tpu.memory_space<vmem>>[vector<16xi32>, vector<16xi32>], vector<16xf32>,
      %scan3A_71 = arith.constant 1 : i32
      %scan3A_72 = arith.addi %scan3A_58, %scan3A_71 : i32
      %mul3A_73 = arith.constant 1 : i32
      %mul3A_74 = arith.muli %scan3A_72, %mul3A_73 : i32
      %add3A_75 = arith.constant 0 : i32
      %add3A_76 = arith.addi %add3A_75, %mul3A_74 : i32
      %add3A_77 = vector.broadcast %add3A_76 : i32 to vector<16xi32>
      %add3A_78 = arith.addi %broadcast_in_dim3A_25, %add3A_77 : vector<16xi32>
      %gather3A_79 = arith.constant 1 : i32
      %gather3A_80 = arith.constant 0 : i32
      %gather3A_81 = arith.constant 0 : i32
      %gather3A_82 = arith.constant 0 : i32
      %gather3A_83 = tpu.memref_slice %arg6[%gather3A_79, %gather3A_80, %gather3A_81, %gather3A_82] : memref<2x32x8x64xf32, #tpu.memory_space<vmem>> -> memref<1x32x8x64xf32, #tpu.memory_space<vmem>>
      %gather3A_84 = tpu.memref_squeeze %gather3A_83 : memref<1x32x8x64xf32, #tpu.memory_space<vmem>> -> memref<32x8x64xf32, #tpu.memory_space<vmem>>
      %gather3A_85 = tpu.vector_load_idx %gather3A_84[%add3A_35, %rem3A_30, %add3A_78] : memref<32x8x64xf32, #tpu.memory_space<vmem>>[vector<16xi32>, vector<16xi32>, vector<16xi32>], vector<16xf32>,
      tpu.vector_store_idx %arg7[%add3A_78, %add3A_32], %gather3A_85 : memref<64x512xf32, #tpu.memory_space<vmem>>[vector<16xi32>, vector<16xi32>], vector<16xf32>,
      %scan3A_86 = arith.constant 2 : i32
      %scan3A_87 = arith.addi %scan3A_58, %scan3A_86 : i32
      %mul3A_88 = arith.constant 1 : i32
      %mul3A_89 = arith.muli %scan3A_87, %mul3A_88 : i32
      %add3A_90 = arith.constant 0 : i32
      %add3A_91 = arith.addi %add3A_90, %mul3A_89 : i32
      %add3A_92 = vector.broadcast %add3A_91 : i32 to vector<16xi32>
      %add3A_93 = arith.addi %broadcast_in_dim3A_25, %add3A_92 : vector<16xi32>
      %gather3A_94 = arith.constant 1 : i32
      %gather3A_95 = arith.constant 0 : i32
      %gather3A_96 = arith.constant 0 : i32
      %gather3A_97 = arith.constant 0 : i32
      %gather3A_98 = tpu.memref_slice %arg6[%gather3A_94, %gather3A_95, %gather3A_96, %gather3A_97] : memref<2x32x8x64xf32, #tpu.memory_space<vmem>> -> memref<1x32x8x64xf32, #tpu.memory_space<vmem>>
      %gather3A_99 = tpu.memref_squeeze %gather3A_98 : memref<1x32x8x64xf32, #tpu.memory_space<vmem>> -> memref<32x8x64xf32, #tpu.memory_space<vmem>>
      %gather3A_100 = tpu.vector_load_idx %gather3A_99[%add3A_35, %rem3A_30, %add3A_93] : memref<32x8x64xf32, #tpu.memory_space<vmem>>[vector<16xi32>, vector<16xi32>, vector<16xi32>], vector<16xf32>,
      tpu.vector_store_idx %arg7[%add3A_93, %add3A_32], %gather3A_100 : memref<64x512xf32, #tpu.memory_space<vmem>>[vector<16xi32>, vector<16xi32>], vector<16xf32>,
      %scan3A_101 = arith.constant 3 : i32
      %scan3A_102 = arith.addi %scan3A_58, %scan3A_101 : i32
      %mul3A_103 = arith.constant 1 : i32
      %mul3A_104 = arith.muli %scan3A_102, %mul3A_103 : i32
      %add3A_105 = arith.constant 0 : i32
      %add3A_106 = arith.addi %add3A_105, %mul3A_104 : i32
      %add3A_107 = vector.broadcast %add3A_106 : i32 to vector<16xi32>
      %add3A_108 = arith.addi %broadcast_in_dim3A_25, %add3A_107 : vector<16xi32>
      %gather3A_109 = arith.constant 1 : i32
      %gather3A_110 = arith.constant 0 : i32
      %gather3A_111 = arith.constant 0 : i32
      %gather3A_112 = arith.constant 0 : i32
      %gather3A_113 = tpu.memref_slice %arg6[%gather3A_109, %gather3A_110, %gather3A_111, %gather3A_112] : memref<2x32x8x64xf32, #tpu.memory_space<vmem>> -> memref<1x32x8x64xf32, #tpu.memory_space<vmem>>
      %gather3A_114 = tpu.memref_squeeze %gather3A_113 : memref<1x32x8x64xf32, #tpu.memory_space<vmem>> -> memref<32x8x64xf32, #tpu.memory_space<vmem>>
      %gather3A_115 = tpu.vector_load_idx %gather3A_114[%add3A_35, %rem3A_30, %add3A_108] : memref<32x8x64xf32, #tpu.memory_space<vmem>>[vector<16xi32>, vector<16xi32>, vector<16xi32>], vector<16xf32>,
      tpu.vector_store_idx %arg7[%add3A_108, %add3A_32], %gather3A_115 : memref<64x512xf32, #tpu.memory_space<vmem>>[vector<16xi32>, vector<16xi32>], vector<16xf32>,
      %scan3A_116 = arith.constant 4 : i32
      %scan3A_117 = arith.addi %scan3A_58, %scan3A_116 : i32
      %mul3A_118 = arith.constant 1 : i32
      %mul3A_119 = arith.muli %scan3A_117, %mul3A_118 : i32
      %add3A_120 = arith.constant 0 : i32
      %add3A_121 = arith.addi %add3A_120, %mul3A_119 : i32
      %add3A_122 = vector.broadcast %add3A_121 : i32 to vector<16xi32>
      %add3A_123 = arith.addi %broadcast_in_dim3A_25, %add3A_122 : vector<16xi32>
      %gather3A_124 = arith.constant 1 : i32
      %gather3A_125 = arith.constant 0 : i32
      %gather3A_126 = arith.constant 0 : i32
      %gather3A_127 = arith.constant 0 : i32
      %gather3A_128 = tpu.memref_slice %arg6[%gather3A_124, %gather3A_125, %gather3A_126, %gather3A_127] : memref<2x32x8x64xf32, #tpu.memory_space<vmem>> -> memref<1x32x8x64xf32, #tpu.memory_space<vmem>>
      %gather3A_129 = tpu.memref_squeeze %gather3A_128 : memref<1x32x8x64xf32, #tpu.memory_space<vmem>> -> memref<32x8x64xf32, #tpu.memory_space<vmem>>
      %gather3A_130 = tpu.vector_load_idx %gather3A_129[%add3A_35, %rem3A_30, %add3A_123] : memref<32x8x64xf32, #tpu.memory_space<vmem>>[vector<16xi32>, vector<16xi32>, vector<16xi32>], vector<16xf32>,
      tpu.vector_store_idx %arg7[%add3A_123, %add3A_32], %gather3A_130 : memref<64x512xf32, #tpu.memory_space<vmem>>[vector<16xi32>, vector<16xi32>], vector<16xf32>,
      %scan3A_131 = arith.constant 5 : i32
      %scan3A_132 = arith.addi %scan3A_58, %scan3A_131 : i32
      %mul3A_133 = arith.constant 1 : i32
      %mul3A_134 = arith.muli %scan3A_132, %mul3A_133 : i32
      %add3A_135 = arith.constant 0 : i32
      %add3A_136 = arith.addi %add3A_135, %mul3A_134 : i32
      %add3A_137 = vector.broadcast %add3A_136 : i32 to vector<16xi32>
      %add3A_138 = arith.addi %broadcast_in_dim3A_25, %add3A_137 : vector<16xi32>
      %gather3A_139 = arith.constant 1 : i32
      %gather3A_140 = arith.constant 0 : i32
      %gather3A_141 = arith.constant 0 : i32
      %gather3A_142 = arith.constant 0 : i32
      %gather3A_143 = tpu.memref_slice %arg6[%gather3A_139, %gather3A_140, %gather3A_141, %gather3A_142] : memref<2x32x8x64xf32, #tpu.memory_space<vmem>> -> memref<1x32x8x64xf32, #tpu.memory_space<vmem>>
      %gather3A_144 = tpu.memref_squeeze %gather3A_143 : memref<1x32x8x64xf32, #tpu.memory_space<vmem>> -> memref<32x8x64xf32, #tpu.memory_space<vmem>>
      %gather3A_145 = tpu.vector_load_idx %gather3A_144[%add3A_35, %rem3A_30, %add3A_138] : memref<32x8x64xf32, #tpu.memory_space<vmem>>[vector<16xi32>, vector<16xi32>, vector<16xi32>], vector<16xf32>,
      tpu.vector_store_idx %arg7[%add3A_138, %add3A_32], %gather3A_145 : memref<64x512xf32, #tpu.memory_space<vmem>>[vector<16xi32>, vector<16xi32>], vector<16xf32>,
      %scan3A_146 = arith.constant 6 : i32
      %scan3A_147 = arith.addi %scan3A_58, %scan3A_146 : i32
      %mul3A_148 = arith.constant 1 : i32
      %mul3A_149 = arith.muli %scan3A_147, %mul3A_148 : i32
      %add3A_150 = arith.constant 0 : i32
      %add3A_151 = arith.addi %add3A_150, %mul3A_149 : i32
      %add3A_152 = vector.broadcast %add3A_151 : i32 to vector<16xi32>
      %add3A_153 = arith.addi %broadcast_in_dim3A_25, %add3A_152 : vector<16xi32>
      %gather3A_154 = arith.constant 1 : i32
      %gather3A_155 = arith.constant 0 : i32
      %gather3A_156 = arith.constant 0 : i32
      %gather3A_157 = arith.constant 0 : i32
      %gather3A_158 = tpu.memref_slice %arg6[%gather3A_154, %gather3A_155, %gather3A_156, %gather3A_157] : memref<2x32x8x64xf32, #tpu.memory_space<vmem>> -> memref<1x32x8x64xf32, #tpu.memory_space<vmem>>
      %gather3A_159 = tpu.memref_squeeze %gather3A_158 : memref<1x32x8x64xf32, #tpu.memory_space<vmem>> -> memref<32x8x64xf32, #tpu.memory_space<vmem>>
      %gather3A_160 = tpu.vector_load_idx %gather3A_159[%add3A_35, %rem3A_30, %add3A_153] : memref<32x8x64xf32, #tpu.memory_space<vmem>>[vector<16xi32>, vector<16xi32>, vector<16xi32>], vector<16xf32>,
      tpu.vector_store_idx %arg7[%add3A_153, %add3A_32], %gather3A_160 : memref<64x512xf32, #tpu.memory_space<vmem>>[vector<16xi32>, vector<16xi32>], vector<16xf32>,
      %scan3A_161 = arith.constant 7 : i32
      %scan3A_162 = arith.addi %scan3A_58, %scan3A_161 : i32
      %mul3A_163 = arith.constant 1 : i32
      %mul3A_164 = arith.muli %scan3A_162, %mul3A_163 : i32
      %add3A_165 = arith.constant 0 : i32
      %add3A_166 = arith.addi %add3A_165, %mul3A_164 : i32
      %add3A_167 = vector.broadcast %add3A_166 : i32 to vector<16xi32>
      %add3A_168 = arith.addi %broadcast_in_dim3A_25, %add3A_167 : vector<16xi32>
      %gather3A_169 = arith.constant 1 : i32
      %gather3A_170 = arith.constant 0 : i32
      %gather3A_171 = arith.constant 0 : i32
      %gather3A_172 = arith.constant 0 : i32
      %gather3A_173 = tpu.memref_slice %arg6[%gather3A_169, %gather3A_170, %gather3A_171, %gather3A_172] : memref<2x32x8x64xf32, #tpu.memory_space<vmem>> -> memref<1x32x8x64xf32, #tpu.memory_space<vmem>>
      %gather3A_174 = tpu.memref_squeeze %gather3A_173 : memref<1x32x8x64xf32, #tpu.memory_space<vmem>> -> memref<32x8x64xf32, #tpu.memory_space<vmem>>
      %gather3A_175 = tpu.vector_load_idx %gather3A_174[%add3A_35, %rem3A_30, %add3A_168] : memref<32x8x64xf32, #tpu.memory_space<vmem>>[vector<16xi32>, vector<16xi32>, vector<16xi32>], vector<16xf32>,
      tpu.vector_store_idx %arg7[%add3A_168, %add3A_32], %gather3A_175 : memref<64x512xf32, #tpu.memory_space<vmem>>[vector<16xi32>, vector<16xi32>], vector<16xf32>,
    }
    %scan3A_40 = arith.constant 64 : i32
    %multiple_of3A_41 = arith.constant 496 : i32
    %multiple_of3A_42 = tpu.assume_multiple %multiple_of3A_41, 16 : i32
    %get3A_43 = arith.index_cast %multiple_of3A_42 : i32 to index
    %get3A_44 = tpu.vector_load %arg5[%get3A_43] {strides = array<i32>} : memref<512xi32, #tpu.memory_space<vmem>>, vector<16xi32>,
    %rem3A_45 = arith.constant 8 : i32
    %rem3A_46 = vector.broadcast %rem3A_45 : i32 to vector<16xi32>
    %rem3A_47 = arith.remsi %get3A_44, %rem3A_46 : vector<16xi32>
    %add3A_48 = vector.broadcast %multiple_of3A_42 : i32 to vector<16xi32>
    %add3A_49 = arith.addi %add3A_48, %iota3A : vector<16xi32>
    %add3A_50 = arith.constant 16 : i32
    %add3A_51 = vector.broadcast %add3A_50 : i32 to vector<16xi32>
    %add3A_52 = arith.addi %add3A_51, %iota3A : vector<16xi32>
    %scan3A_53 = arith.constant 0 : i32
    %scan3A_54 = arith.constant 64 : i32
    %scan3A_55 = arith.addi %scan3A_53, %scan3A_54 : i32
    %scan3A_56 = arith.constant 8 : i32
    scf.for %scan3A_58 = %scan3A_53 to %scan3A_55 step %scan3A_56  : i32 {
      %mul3A_59 = arith.constant 1 : i32
      %mul3A_60 = arith.muli %scan3A_58, %mul3A_59 : i32
      %add3A_61 = arith.constant 0 : i32
      %add3A_62 = arith.addi %add3A_61, %mul3A_60 : i32
      %add3A_63 = vector.broadcast %add3A_62 : i32 to vector<16xi32>
      %add3A_64 = arith.addi %broadcast_in_dim3A_25, %add3A_63 : vector<16xi32>
      %gather3A = arith.constant 1 : i32
      %gather3A_65 = arith.constant 0 : i32
      %gather3A_66 = arith.constant 0 : i32
      %gather3A_67 = arith.constant 0 : i32
      %gather3A_68 = tpu.memref_slice %arg6[%gather3A, %gather3A_65, %gather3A_66, %gather3A_67] : memref<2x32x8x64xf32, #tpu.memory_space<vmem>> -> memref<1x32x8x64xf32, #tpu.memory_space<vmem>>
      %gather3A_69 = tpu.memref_squeeze %gather3A_68 : memref<1x32x8x64xf32, #tpu.memory_space<vmem>> -> memref<32x8x64xf32, #tpu.memory_space<vmem>>
      %gather3A_70 = tpu.vector_load_idx %gather3A_69[%add3A_52, %rem3A_47, %add3A_64] : memref<32x8x64xf32, #tpu.memory_space<vmem>>[vector<16xi32>, vector<16xi32>, vector<16xi32>], vector<16xf32>,
      tpu.vector_store_idx %arg7[%add3A_64, %add3A_49], %gather3A_70 : memref<64x512xf32, #tpu.memory_space<vmem>>[vector<16xi32>, vector<16xi32>], vector<16xf32>,
      %scan3A_71 = arith.constant 1 : i32
      %scan3A_72 = arith.addi %scan3A_58, %scan3A_71 : i32
      %mul3A_73 = arith.constant 1 : i32
      %mul3A_74 = arith.muli %scan3A_72, %mul3A_73 : i32
      %add3A_75 = arith.constant 0 : i32
      %add3A_76 = arith.addi %add3A_75, %mul3A_74 : i32
      %add3A_77 = vector.broadcast %add3A_76 : i32 to vector<16xi32>
      %add3A_78 = arith.addi %broadcast_in_dim3A_25, %add3A_77 : vector<16xi32>
      %gather3A_79 = arith.constant 1 : i32
      %gather3A_80 = arith.constant 0 : i32
      %gather3A_81 = arith.constant 0 : i32
      %gather3A_82 = arith.constant 0 : i32
      %gather3A_83 = tpu.memref_slice %arg6[%gather3A_79, %gather3A_80, %gather3A_81, %gather3A_82] : memref<2x32x8x64xf32, #tpu.memory_space<vmem>> -> memref<1x32x8x64xf32, #tpu.memory_space<vmem>>
      %gather3A_84 = tpu.memref_squeeze %gather3A_83 : memref<1x32x8x64xf32, #tpu.memory_space<vmem>> -> memref<32x8x64xf32, #tpu.memory_space<vmem>>
      %gather3A_85 = tpu.vector_load_idx %gather3A_84[%add3A_52, %rem3A_47, %add3A_78] : memref<32x8x64xf32, #tpu.memory_space<vmem>>[vector<16xi32>, vector<16xi32>, vector<16xi32>], vector<16xf32>,
      tpu.vector_store_idx %arg7[%add3A_78, %add3A_49], %gather3A_85 : memref<64x512xf32, #tpu.memory_space<vmem>>[vector<16xi32>, vector<16xi32>], vector<16xf32>,
      %scan3A_86 = arith.constant 2 : i32
      %scan3A_87 = arith.addi %scan3A_58, %scan3A_86 : i32
      %mul3A_88 = arith.constant 1 : i32
      %mul3A_89 = arith.muli %scan3A_87, %mul3A_88 : i32
      %add3A_90 = arith.constant 0 : i32
      %add3A_91 = arith.addi %add3A_90, %mul3A_89 : i32
      %add3A_92 = vector.broadcast %add3A_91 : i32 to vector<16xi32>
      %add3A_93 = arith.addi %broadcast_in_dim3A_25, %add3A_92 : vector<16xi32>
      %gather3A_94 = arith.constant 1 : i32
      %gather3A_95 = arith.constant 0 : i32
      %gather3A_96 = arith.constant 0 : i32
      %gather3A_97 = arith.constant 0 : i32
      %gather3A_98 = tpu.memref_slice %arg6[%gather3A_94, %gather3A_95, %gather3A_96, %gather3A_97] : memref<2x32x8x64xf32, #tpu.memory_space<vmem>> -> memref<1x32x8x64xf32, #tpu.memory_space<vmem>>
      %gather3A_99 = tpu.memref_squeeze %gather3A_98 : memref<1x32x8x64xf32, #tpu.memory_space<vmem>> -> memref<32x8x64xf32, #tpu.memory_space<vmem>>
      %gather3A_100 = tpu.vector_load_idx %gather3A_99[%add3A_52, %rem3A_47, %add3A_93] : memref<32x8x64xf32, #tpu.memory_space<vmem>>[vector<16xi32>, vector<16xi32>, vector<16xi32>], vector<16xf32>,
      tpu.vector_store_idx %arg7[%add3A_93, %add3A_49], %gather3A_100 : memref<64x512xf32, #tpu.memory_space<vmem>>[vector<16xi32>, vector<16xi32>], vector<16xf32>,
      %scan3A_101 = arith.constant 3 : i32
      %scan3A_102 = arith.addi %scan3A_58, %scan3A_101 : i32
      %mul3A_103 = arith.constant 1 : i32
      %mul3A_104 = arith.muli %scan3A_102, %mul3A_103 : i32
      %add3A_105 = arith.constant 0 : i32
      %add3A_106 = arith.addi %add3A_105, %mul3A_104 : i32
      %add3A_107 = vector.broadcast %add3A_106 : i32 to vector<16xi32>
      %add3A_108 = arith.addi %broadcast_in_dim3A_25, %add3A_107 : vector<16xi32>
      %gather3A_109 = arith.constant 1 : i32
      %gather3A_110 = arith.constant 0 : i32
      %gather3A_111 = arith.constant 0 : i32
      %gather3A_112 = arith.constant 0 : i32
      %gather3A_113 = tpu.memref_slice %arg6[%gather3A_109, %gather3A_110, %gather3A_111, %gather3A_112] : memref<2x32x8x64xf32, #tpu.memory_space<vmem>> -> memref<1x32x8x64xf32, #tpu.memory_space<vmem>>
      %gather3A_114 = tpu.memref_squeeze %gather3A_113 : memref<1x32x8x64xf32, #tpu.memory_space<vmem>> -> memref<32x8x64xf32, #tpu.memory_space<vmem>>
      %gather3A_115 = tpu.vector_load_idx %gather3A_114[%add3A_52, %rem3A_47, %add3A_108] : memref<32x8x64xf32, #tpu.memory_space<vmem>>[vector<16xi32>, vector<16xi32>, vector<16xi32>], vector<16xf32>,
      tpu.vector_store_idx %arg7[%add3A_108, %add3A_49], %gather3A_115 : memref<64x512xf32, #tpu.memory_space<vmem>>[vector<16xi32>, vector<16xi32>], vector<16xf32>,
      %scan3A_116 = arith.constant 4 : i32
      %scan3A_117 = arith.addi %scan3A_58, %scan3A_116 : i32
      %mul3A_118 = arith.constant 1 : i32
      %mul3A_119 = arith.muli %scan3A_117, %mul3A_118 : i32
      %add3A_120 = arith.constant 0 : i32
      %add3A_121 = arith.addi %add3A_120, %mul3A_119 : i32
      %add3A_122 = vector.broadcast %add3A_121 : i32 to vector<16xi32>
      %add3A_123 = arith.addi %broadcast_in_dim3A_25, %add3A_122 : vector<16xi32>
      %gather3A_124 = arith.constant 1 : i32
      %gather3A_125 = arith.constant 0 : i32
      %gather3A_126 = arith.constant 0 : i32
      %gather3A_127 = arith.constant 0 : i32
      %gather3A_128 = tpu.memref_slice %arg6[%gather3A_124, %gather3A_125, %gather3A_126, %gather3A_127] : memref<2x32x8x64xf32, #tpu.memory_space<vmem>> -> memref<1x32x8x64xf32, #tpu.memory_space<vmem>>
      %gather3A_129 = tpu.memref_squeeze %gather3A_128 : memref<1x32x8x64xf32, #tpu.memory_space<vmem>> -> memref<32x8x64xf32, #tpu.memory_space<vmem>>
      %gather3A_130 = tpu.vector_load_idx %gather3A_129[%add3A_52, %rem3A_47, %add3A_123] : memref<32x8x64xf32, #tpu.memory_space<vmem>>[vector<16xi32>, vector<16xi32>, vector<16xi32>], vector<16xf32>,
      tpu.vector_store_idx %arg7[%add3A_123, %add3A_49], %gather3A_130 : memref<64x512xf32, #tpu.memory_space<vmem>>[vector<16xi32>, vector<16xi32>], vector<16xf32>,
      %scan3A_131 = arith.constant 5 : i32
      %scan3A_132 = arith.addi %scan3A_58, %scan3A_131 : i32
      %mul3A_133 = arith.constant 1 : i32
      %mul3A_134 = arith.muli %scan3A_132, %mul3A_133 : i32
      %add3A_135 = arith.constant 0 : i32
      %add3A_136 = arith.addi %add3A_135, %mul3A_134 : i32
      %add3A_137 = vector.broadcast %add3A_136 : i32 to vector<16xi32>
      %add3A_138 = arith.addi %broadcast_in_dim3A_25, %add3A_137 : vector<16xi32>
      %gather3A_139 = arith.constant 1 : i32
      %gather3A_140 = arith.constant 0 : i32
      %gather3A_141 = arith.constant 0 : i32
      %gather3A_142 = arith.constant 0 : i32
      %gather3A_143 = tpu.memref_slice %arg6[%gather3A_139, %gather3A_140, %gather3A_141, %gather3A_142] : memref<2x32x8x64xf32, #tpu.memory_space<vmem>> -> memref<1x32x8x64xf32, #tpu.memory_space<vmem>>
      %gather3A_144 = tpu.memref_squeeze %gather3A_143 : memref<1x32x8x64xf32, #tpu.memory_space<vmem>> -> memref<32x8x64xf32, #tpu.memory_space<vmem>>
      %gather3A_145 = tpu.vector_load_idx %gather3A_144[%add3A_52, %rem3A_47, %add3A_138] : memref<32x8x64xf32, #tpu.memory_space<vmem>>[vector<16xi32>, vector<16xi32>, vector<16xi32>], vector<16xf32>,
      tpu.vector_store_idx %arg7[%add3A_138, %add3A_49], %gather3A_145 : memref<64x512xf32, #tpu.memory_space<vmem>>[vector<16xi32>, vector<16xi32>], vector<16xf32>,
      %scan3A_146 = arith.constant 6 : i32
      %scan3A_147 = arith.addi %scan3A_58, %scan3A_146 : i32
      %mul3A_148 = arith.constant 1 : i32
      %mul3A_149 = arith.muli %scan3A_147, %mul3A_148 : i32
      %add3A_150 = arith.constant 0 : i32
      %add3A_151 = arith.addi %add3A_150, %mul3A_149 : i32
      %add3A_152 = vector.broadcast %add3A_151 : i32 to vector<16xi32>
      %add3A_153 = arith.addi %broadcast_in_dim3A_25, %add3A_152 : vector<16xi32>
      %gather3A_154 = arith.constant 1 : i32
      %gather3A_155 = arith.constant 0 : i32
      %gather3A_156 = arith.constant 0 : i32
      %gather3A_157 = arith.constant 0 : i32
      %gather3A_158 = tpu.memref_slice %arg6[%gather3A_154, %gather3A_155, %gather3A_156, %gather3A_157] : memref<2x32x8x64xf32, #tpu.memory_space<vmem>> -> memref<1x32x8x64xf32, #tpu.memory_space<vmem>>
      %gather3A_159 = tpu.memref_squeeze %gather3A_158 : memref<1x32x8x64xf32, #tpu.memory_space<vmem>> -> memref<32x8x64xf32, #tpu.memory_space<vmem>>
      %gather3A_160 = tpu.vector_load_idx %gather3A_159[%add3A_52, %rem3A_47, %add3A_153] : memref<32x8x64xf32, #tpu.memory_space<vmem>>[vector<16xi32>, vector<16xi32>, vector<16xi32>], vector<16xf32>,
      tpu.vector_store_idx %arg7[%add3A_153, %add3A_49], %gather3A_160 : memref<64x512xf32, #tpu.memory_space<vmem>>[vector<16xi32>, vector<16xi32>], vector<16xf32>,
      %scan3A_161 = arith.constant 7 : i32
      %scan3A_162 = arith.addi %scan3A_58, %scan3A_161 : i32
      %mul3A_163 = arith.constant 1 : i32
      %mul3A_164 = arith.muli %scan3A_162, %mul3A_163 : i32
      %add3A_165 = arith.constant 0 : i32
      %add3A_166 = arith.addi %add3A_165, %mul3A_164 : i32
      %add3A_167 = vector.broadcast %add3A_166 : i32 to vector<16xi32>
      %add3A_168 = arith.addi %broadcast_in_dim3A_25, %add3A_167 : vector<16xi32>
      %gather3A_169 = arith.constant 1 : i32
      %gather3A_170 = arith.constant 0 : i32
      %gather3A_171 = arith.constant 0 : i32
      %gather3A_172 = arith.constant 0 : i32
      %gather3A_173 = tpu.memref_slice %arg6[%gather3A_169, %gather3A_170, %gather3A_171, %gather3A_172] : memref<2x32x8x64xf32, #tpu.memory_space<vmem>> -> memref<1x32x8x64xf32, #tpu.memory_space<vmem>>
      %gather3A_174 = tpu.memref_squeeze %gather3A_173 : memref<1x32x8x64xf32, #tpu.memory_space<vmem>> -> memref<32x8x64xf32, #tpu.memory_space<vmem>>
      %gather3A_175 = tpu.vector_load_idx %gather3A_174[%add3A_52, %rem3A_47, %add3A_168] : memref<32x8x64xf32, #tpu.memory_space<vmem>>[vector<16xi32>, vector<16xi32>, vector<16xi32>], vector<16xf32>,
      tpu.vector_store_idx %arg7[%add3A_168, %add3A_49], %gather3A_175 : memref<64x512xf32, #tpu.memory_space<vmem>>[vector<16xi32>, vector<16xi32>], vector<16xf32>,
    }
    %scan3A_57 = arith.constant 64 : i32
    "tpu.region"() ({
      %run_scoped3A = tpu.sem_alloc : memref<!tpu.dma_semaphore, #tpu.memory_space<semaphore_mem>>
      %dma_start3A = arith.constant 0 : i32
      %dma_start3A_58 = tpu.memref_slice %arg4[%dma_start3A, %multiple_of3A] : memref<64x16384xf32, #tpu.memory_space<hbm>> -> memref<64x512xf32, #tpu.memory_space<hbm>>
      %dma_start3A_59 = arith.constant 0 : i32
      %dma_start3A_60 = tpu.memref_slice %arg4[%dma_start3A_59, %multiple_of3A] : memref<64x16384xf32, #tpu.memory_space<hbm>> -> memref<64x512xf32, #tpu.memory_space<hbm>>
      tpu.enqueue_dma source(%arg7 : memref<64x512xf32, #tpu.memory_space<vmem>>) target(%dma_start3A_60 : memref<64x512xf32, #tpu.memory_space<hbm>>) target_semaphore(%run_scoped3A : memref<!tpu.dma_semaphore, #tpu.memory_space<semaphore_mem>>)
      %dma_wait3A_61 = arith.constant 0 : i32
      %dma_wait3A_62 = tpu.memref_slice %arg4[%dma_wait3A_61, %multiple_of3A] : memref<64x16384xf32, #tpu.memory_space<hbm>> -> memref<64x512xf32, #tpu.memory_space<hbm>>
      %dma_wait3A_63 = arith.constant 0 : i32
      %dma_wait3A_64 = tpu.memref_slice %arg4[%dma_wait3A_63, %multiple_of3A] : memref<64x16384xf32, #tpu.memory_space<hbm>> -> memref<64x512xf32, #tpu.memory_space<hbm>>
      tpu.wait_dma2 semaphore(%run_scoped3A : memref<!tpu.dma_semaphore, #tpu.memory_space<semaphore_mem>>) src(%arg7 : memref<64x512xf32, #tpu.memory_space<vmem>>) dst(%dma_wait3A_64 : memref<64x512xf32, #tpu.memory_space<hbm>>)
      tpu.yield
    }) : () -> ()
    return
  }
}

</mosaic_0001>

<sc_bundles>
// kernel: kernel.3.cloned.1.call-start
scs
__scs_entry_jumppad:
0x0: {  	(pc) =	sbr.rel $0x88, $3  }
0x1: {  	(tag) =	ssettag $0x0;
	lr =	simm.s32 $0x1  }
0x2: {  	[smem:$0x3F9E] =	sst lr;
	_ =	strace $0xD0000000  }
0x3: {  	_ = 	snop  }
0x4: {  	_ = 	snop  }
0x5: {  	_ = 	snop  }
0x6: {  	_ = 	snop  }
0x7: {  	_ = 	snop  }
__scs_overlays_trampoline_lowered:
0x8: {  	[smem:$0x3FAD] =	sst s0  }
0x9: {  	[smem:$0x3FAE] =	sst s1  }
0xa: {  	[smem:$0x3FAF] =	sst s2  }
0xb: {  	[smem:$0x3FB0] =	sst s3  }
0xc: {  	[smem:$0x3FB1] =	sst s4  }
0xd: {  	[smem:$0x3FB2] =	sst s5  }
0xe: {  	[smem:$0x3FB3] =	sst s6  }
0xf: {  	[smem:$0x3FB4] =	sst s7  }
0x10: {  	[smem:$0x3FB5] =	sst s8  }
0x11: {  	[smem:$0x3FB6] =	sst s9;
	s0 =	simm.s32 @!p0 $0x0  }
0x12: {  	s1 =	sld [smem:$0x3F9C];
	s0 =	simm.s32 @p0 $0x1  }
0x13: {  	[smem:$0x3FB7] =	sst s0;
	s0 =	simm.s32 @!p1 $0x0  }
0x14: {  	s2 =	sld [smem:$0x3F9B];
	s0 =	simm.s32 @p1 $0x1  }
0x15: {  	[smem:$0x3FB8] =	sst s0;
	s0 =	simm.s32 @!p2 $0x0  }
0x16: {  	s3 =	sld [smem:$0x3FDB];
	s0 =	simm.s32 @p2 $0x1  }
0x17: {  	s4 =	simm.s32 $0x1BF5;
	[smem:$0x3FBA] =	sst s0  }
0x18: {  	s0 =	sld [smem:$0x3F9D];
	_ =	swait.ge [sflag:s4], $0x0  }
0x19: {  	s7 =	sld [smem:$0x3F9E]  }
0x1a: {  	s8 =	sadd.s32 $0xFFFFE003, lr  }
0x1b: {  	s9 =	sadd.s32 $0xFFFFFEF7, lr;
	s5 =	simm.s32 $0xFFFFFFFF;
	p2 =	slt.u32 s8, $0xFFFFF086  }
0x1c: {  	p1 =	slt.u32 s9, $0xF7A;
	s5 =	simm.s32 @!p2 $0x0  }
0x1d: {  	s5 =	simm.s32 @p1 $0x1;
	p0 =	seq.s32 s7, s2  }
0x1e: {  	s7 =	smul.u32 @!p0 $0xF7A, s2;
	p2 =	seq.s32 @!p0 s5, $0x0  }
0x1f: {  	s9 =	smul.u32 $0xF7A, s1;
	s8 =	simm.s32 @!p0 $0x1BF5;
	p2 =	por !p2, p0  }
0x20: {  	[sflag:s8] =	ssyncset.s32 @!p0 $0xFFFFF086;
	s6 =	sadd.s32 @!p0 s3, s7;
	s7 =	simm.s32 @!p0 $0x108  }
0x21: {  	s3 =	sadd.s32 s3, s9;
	s6 =	sadd.s32 @!p0 $0x88, s6;
	s7 =	simm.s32 @p2 $0x1082  }
0x22: {  	[simem:s7], [sflag:s8] =	dma.local @!p0 [hbm:s6], $0xF7A  }
0x23: {  	s9 =	sor.u32 $0xD0000000, s2;
	s6 =	simm.s32 $0x108;
	_ =	swait.ge @!p0 [sflag:s8], $0x0  }
0x24: {  	s3 =	sadd.s32 $0x88, s3;
	s6 =	simm.s32 @!p1 $0x1082;
	[sflag:s4] =	ssyncset.s32 $0xFFFFF086  }
0x25: {  	[simem:s6], [sflag:s4] =	dma.local [hbm:s3], $0xF7A  }
0x26: {  	[smem:$0x3F9E] =	sst s1;
	(tag) =	ssettag s2;
	_ =	strace s9  }
0x27: {  	s1 =	sld [smem:$0x3FAE]  }
0x28: {  	s2 =	sld [smem:$0x3FAF]  }
0x29: {  	s4 =	sld [smem:$0x3FB1]  }
0x2a: {  	p0 =	seq.s32 s5, $0x0;
	s5 =	sld [smem:$0x3FB2]  }
0x2b: {  	s6 =	sld [smem:$0x3FB3]  }
0x2c: {  	s7 =	sld [smem:$0x3FB4]  }
0x2d: {  	s3 =	simm.s32 $0x108;
	s8 =	sld [smem:$0x3FB5]  }
0x2e: {  	s3 =	simm.s32 @!p0 $0x1082;
	s9 =	sld [smem:$0x3FB6]  }
0x2f: {  	lr =	sadd.s32 s0, s3;
	s0 =	sld [smem:$0x3FAD]  }
0x30: {  	s3 =	sld [smem:$0x3FB0]  }
0x31: {  	[smem:$0x3FB9] =	sst s10  }
0x32: {  	s10 =	sld [smem:$0x3FB7];
	_ =	sdelay $0x3  }
0x33: {  	p0 =	seq.s32 s10, $0x1;
	s10 =	sld [smem:$0x3FB9];
	_ =	sdelay $0x3  }
0x34: {  	[smem:$0x3FB9] =	sst s10  }
0x35: {  	s10 =	sld [smem:$0x3FB8];
	_ =	sdelay $0x3  }
0x36: {  	p1 =	seq.s32 s10, $0x1;
	s10 =	sld [smem:$0x3FB9];
	_ =	sdelay $0x3  }
0x37: {  	[smem:$0x3FB9] =	sst s10  }
0x38: {  	s10 =	sld [smem:$0x3FBA]  }
0x39: {  	_ = 	snop;
	(pc) =	sbr.ind lr, $3  }
0x3a: {  	_ = 	snop  }
0x3b: {  	_ = 	snop  }
0x3c: {  	p2 =	seq.s32 s10, $0x1;
	s10 =	sld [smem:$0x3FB9]  }
0x3d: {  	_ =	shalt  }
0x3e: {  	_ =	shalt  }
0x3f: {  	_ =	shalt  }
0x40: {  	_ =	shalt  }
0x41: {  	_ =	shalt  }
0x42: {  	_ =	shalt  }
0x43: {  	_ =	shalt  }
0x44: {  	_ =	shalt  }
0x45: {  	_ =	shalt  }
0x46: {  	_ =	shalt  }
0x47: {  	_ =	shalt  }
0x48: {  	_ =	shalt  }
0x49: {  	_ =	shalt  }
0x4a: {  	_ =	shalt  }
0x4b: {  	_ =	shalt  }
0x4c: {  	_ =	shalt  }
0x4d: {  	_ =	shalt  }
0x4e: {  	_ =	shalt  }
0x4f: {  	_ =	shalt  }
0x50: {  	_ =	shalt  }
0x51: {  	_ =	shalt  }
0x52: {  	_ =	shalt  }
0x53: {  	_ =	shalt  }
0x54: {  	_ =	shalt  }
0x55: {  	_ =	shalt  }
0x56: {  	_ =	shalt  }
0x57: {  	_ =	shalt  }
0x58: {  	_ =	shalt  }
0x59: {  	_ =	shalt  }
0x5a: {  	_ =	shalt  }
0x5b: {  	_ =	shalt  }
0x5c: {  	_ =	shalt  }
0x5d: {  	_ =	shalt  }
0x5e: {  	_ =	shalt  }
0x5f: {  	_ =	shalt  }
0x60: {  	_ =	shalt  }
0x61: {  	_ =	shalt  }
0x62: {  	_ =	shalt  }
0x63: {  	_ =	shalt  }
0x64: {  	_ =	shalt  }
0x65: {  	_ =	shalt  }
0x66: {  	_ =	shalt  }
0x67: {  	_ =	shalt  }
0x68: {  	_ =	shalt  }
0x69: {  	_ =	shalt  }
0x6a: {  	_ =	shalt  }
0x6b: {  	_ =	shalt  }
0x6c: {  	_ =	shalt  }
0x6d: {  	_ =	shalt  }
0x6e: {  	_ =	shalt  }
0x6f: {  	_ =	shalt  }
0x70: {  	_ =	shalt  }
0x71: {  	_ =	shalt  }
0x72: {  	_ =	shalt  }
0x73: {  	_ =	shalt  }
0x74: {  	_ =	shalt  }
0x75: {  	_ =	shalt  }
0x76: {  	_ =	shalt  }
0x77: {  	_ =	shalt  }
0x78: {  	_ =	shalt  }
0x79: {  	_ =	shalt  }
0x7a: {  	_ =	shalt  }
0x7b: {  	_ =	shalt  }
0x7c: {  	_ =	shalt  }
0x7d: {  	_ =	shalt  }
0x7e: {  	_ =	shalt  }
0x7f: {  	_ =	shalt  }
0x80: {  	_ =	shalt  }
0x81: {  	_ =	shalt  }
0x82: {  	_ =	shalt  }
0x83: {  	_ =	shalt  }
0x84: {  	_ =	shalt  }
0x85: {  	_ =	shalt  }
0x86: {  	_ =	shalt  }
0x87: {  	_ =	shalt  }
.Lfunc_end0:
.L_simem_size_0:
called_computation_lowered:
.L_overlay_start_0:
0x88: {  	s2 =	sld [smem:$0x3FD9]  }
0x89: {  	s3 =	sld [smem:$0x3FFE];
	_ =	sdelay $0x1  }
0x8a: {  	s1 =	srdreg.scid  }
0x8b: {  	s0 =	sand.u32 $0x1, s1  }
0x8c: {  	s17 =	sshll.u32 s0, $0xA;
	s2 =	sadd.s32 s3, s2  }
0x8d: {  	s2 =	sadd.s32 s2, s17  }
0x8e: {  	[smem:$0x3FC5] =	sst s2  }
0x8f: {  	_ = 	snop  }
0x90: {  	s2 =	sld [smem:$0x3FD0];
	(tm) =	ssettm $0x1  }
0x91: {  	s18 =	sld [smem:$0x3FFB];
	_ =	sdelay $0x3  }
0x92: {  	_ =	strace s18  }
0x93: {  	s3 =	sld [smem:$0x3FFC];
	_ =	sdelay $0x3  }
0x94: {  	_ =	strace s3  }
0x95: {  	s3 =	sld [smem:$0x3FFD];
	_ =	sdelay $0x3  }
0x96: {  	_ =	strace s3  }
0x97: {  	_ =	strace $0x8FFFFFFF  }
0x98: {  	s19 =	sld [smem:$0x3FDB];
	_ =	sdelay $0x1  }
0x99: {  	s4 =	simm.s32 $_scs_section_size  }
0x9a: {  	s5 =	simm.s32 $_size__tile_overlayer_lowered;
	s6 =	simm.s32 $_tile_overlayer_lowered  }
0x9b: {  	s22 =	simm.s32 $0x1BFF;
	s21 =	sshll.u32 s6, $0x1;
	s3 =	sadd.s32 s4, s19  }
0x9c: {  	s7 =	simm.s32 $0x0;
	s20 =	sshll.u32 s5, $0x1;
	s5 =	sadd.s32 s21, s3  }
0x9d: {  	[timem:s7], [sflag:s22] =	dma.local [hbm:s5], s20  }
0x9e: {  	_ =	swait.ge [sflag:s22], s20  }
0x9f: {  	s4 =	ssub.s32 $0x0, s20;
	[sflag:s22] =	ssyncset.done $0x0  }
0xa0: {  	[sflag:s22] =	ssyncadd.s32 s4;
	_ =	sdelay $0x1  }
0xa1: {  	s23 =	simm.s32 $0x1B8B  }
0xa2: {  	_ =	swait.ge [sflag:s23], $0x1  }
0xa3: {  	[sflag:s23] =	ssyncset.done $0x0  }
0xa4: {  	s25 =	simm.s32 $0x1B8E;
	s24 =	sld [smem:$0x3FFE];
	[sflag:s23] =	ssyncadd.s32 $0xFFFFFFFF  }
0xa5: {  	s26 =	simm.s32 $execute0_lowered;
	[smem:$0x3FD2] =	sst s25  }
0xa6: {  	s5 =	sshll.u32 s26, $0x1;
	_ =	strace $0x80000046;
	[dreg:$0x1] =	wrdreg $0xFFFFFFFF  }
0xa7: {  	s28 =	simm.s32 $_size_execute0_lowered;
	s3 =	sadd.s32 s3, s5;
	[dreg:$0x0] =	wrdreg $0x0  }
0xa8: {  	s5 =	sshll.u32 s28, $0x1;
	[dreg:$0x2] =	wrdreg s3  }
0xa9: {  	[dreg:$0x3] =	wrdreg s5  }
0xaa: {  	[dreg:$0x4] =	wrdreg $0xC0  }
0xab: {  	_ =	task [dreg:s7], $0x5FFFF  }
0xac: {  	[dreg:$0x1] =	wrdreg $0xFFFFFFFF  }
0xad: {  	[dreg:$0x0] =	wrdreg $0x60  }
0xae: {  	[dreg:$0x2] =	wrdreg s24  }
0xaf: {  	[dreg:$0x3] =	wrdreg s2  }
0xb0: {  	[dreg:$0x4] =	wrdreg $0x9  }
0xb1: {  	_ =	task.clear_ibuf [dreg:s7], $0x5FFFF;
	_ =	strace $0x90000046  }
0xb2: {  	s29 =	simm.s32 $0x9;
	_ =	strace $0x80000048  }
0xb3: {  	_ =	swait.ge [sflag:s29], $0x1  }
0xb4: {  	[sflag:s29] =	ssyncadd.s32 $0xFFFFFFFF  }
0xb5: {  	_ =	strace $0x90000048  }
0xb6: {  	_ =	sfence  }
0xb7: {  	s30 =	sld [smem:$0x0];
	_ =	sdelay $0x2  }
0xb8: {  	s31 =	sshll.u32 s1, $0xD;
	s1 =	sshrl.u32 s1, $0x2  }
0xb9: {  	s3 =	sand.u32 $0x4000, s31;
	s1 =	sadd.s32 s1, s30  }
0xba: {  	s0 =	sor.u32 s3, s0;
	s1 =	sshll.u32 s1, $0x11  }
0xbb: {  	s0 =	sor.u32 s1, s0  }
0xbc: {  	s0 =	sadd.s32 $0x8F2B, s0  }
0xbd: {  	[sflag:s0] =	ssyncadd.remote.s32 $0x1  }
0xbe: {  	_ =	sfence.sel $0xFFFF  }
0xbf: {  	[dreg:$0x0] =	wrdreg $0xFFFFFFFF;
	(pc) =	sbr.abs _section_cstart, $3  }
0xc0: {  	[dreg:$0x1] =	wrdreg $0xFFFFFFFF  }
0xc1: {  	_ =	task.clear_ibuf [dreg:s7], $0x2FFFF;
	_ =	strace $0x9FFFFFFF  }
0xc2: {  	(tm) =	ssettm $0x7FFFFFFF  }
0xc3: {  	_ =	shalt  }
tec
execute0_lowered:
.L_overlay_start_1:
0x0: {  	(tag) =	ssettag $0x1  }
0x1: {  	s0 =	rddreg [dreg:$0x0]  }
0x2: {  	s1 =	rddreg [dreg:$0x1]  }
0x3: {  	s2 =	srdreg.scid;
	s4 =	stileid.u32  }
0x4: {  	s21 =	simm.s32 $0x3;
	s8 =	simm.s32 $0x200;
	s12 =	simm.s32 $0x8200  }
0x5: {  	s28 =	simm.s32 $0xBE00;
	s29 =	simm.s32 $0xC200;
	s30 =	simm.s32 $0xC600  }
0x6: {  	s31 =	simm.s32 $0xCA00;
	s7 =	simm.s32 $0xE200;
	s9 =	simm.s32 $0xE600  }
0x7: {  	s10 =	simm.s32 $0xEA00;
	s11 =	simm.s32 $0xEE00;
	s13 =	simm.s32 $0xF200  }
0x8: {  	s14 =	simm.s32 $0xF600;
	s15 =	simm.s32 $0xFA00;
	s16 =	simm.s32 $0xFE00  }
0x9: {  	s17 =	simm.s32 $0x1;
	s18 =	simm.s32 $0x10200;
	s19 =	simm.s32 $0x2  }
0xa: {  	s22 =	simm.s32 $0x0;
	s3 =	sand.u32 $0x1, s2;
	s2 =	simm.s32 $0x0  }
0xb: {  	v0 =	vlaneseq.u32;
	s4 =	sshll.u32 s4, $0xA;
	s5 =	sshll.u32 s3, $0x9;
	[smem:$0x7FF] =	sst s2  }
0xc: {  	v1 =	vmul.u32 $0x400, v0;
	s6 =	ssub.s32 $0x2, s3;
	s3 =	sadd.s32 $0x600, s0;
	s4 =	sor.u32 s5, s4  }
0xd: {  	v3 =	vor.u32 $0xC60, v0;
	v4 =	vor.u32 $0xCE0, v0;
	v5 =	vor.u32 $0xD60, v0;
	_ =	strace $0x80000047;
	s24 =	sshrl.u32 s6, $0x1;
	s5 =	sshrl.u32 s4, $0x3  }
0xe: {  	v6 =	vor.u32 $0xDE0, v0;
	v7 =	vor.u32 $0xE60, v0;
	v8 =	vor.u32 $0xEE0, v0;
	s25 =	sadd.s32 s1, s4;
	s1 =	simm.s32 $0xD200;
	s4 =	simm.s32 $0xD600  }
0xf: {  	v9 =	vor.u32 $0x360, v0;
	v10 =	vor.u32 $0x3E0, v0;
	v11 =	vor.u32 $0xC70, v0;
	s0 =	sadd.s32 s5, s0;
	s5 =	ssub.s32 s6, s24;
	[dreg:$0x4] =	wrdreg s25  }
0x10: {  	v12 =	vor.u32 $0xCF0, v0;
	v13 =	vor.u32 $0xD70, v0;
	s25 =	simm.s32 $0xB600;
	s6 =	simm.s32 $0xDE00;
	s0 =	sadd.s32 $0xF42A00, s0  }
0x11: {  	v14 =	vor.u32 $0xDF0, v0;
	v15 =	vor.u32 $0xE70, v0;
	v16 =	vor.u32 $0xEF0, v0;
	s26 =	smax.u32 s5, $0x1;
	s5 =	simm.s32 $0xDA00;
	[dreg:$0x3] =	wrdreg s0  }
0x12: {  	v17 =	vor.u32 $0x370, v0;
	v18 =	vor.u32 $0x3F0, v0;
	v2 =	vor.u32 $0x4000, v1;
	[dreg:$0x5] =	wrdreg s26;
	s26 =	simm.s32 $0xBA00;
	s0 =	simm.s32 $0xCE00  }
.LBB2_1:
0x13: {  	[dreg:$0x6] =	wrdreg s22  }
0x14: {  	s20 =	rddreg [dreg:$0x3]  }
0x15: {  	[tilespmem:s2], [sflag:$0x3] =	stream.linear.gather [hbm4b:s20+s2], $0x200, $0x38;
	[tilespmem:$0x18200] =	vst v63  }
0x16: {  	_ =	swait.ge [sflag:s21], $0x200  }
0x17: {  	[sflag:s21] =	ssyncset.done $0x0  }
0x18: {  	s20 =	simm.s32 $0x0;
	[sflag:s21] =	ssyncadd.s32 $0xFFFFFE00  }
.LBB2_2:
0x19: {  	s21 =	sshll.u32 s20, $0x6  }
0x1a: {  	v19 =	vld [tilespmem:s21+$0x0];
	_ =	sdelay $0x4  }
0x1b: {  	v19 =	vshrl.u32 v19, $0x3  }
0x1c: {  	v19 =	vshll.u32 v19, $0x7  }
0x1d: {  	(v2sf) =	vpush v19, $0x0;
	_ =	sdelay $0x1  }
0x1e: {  	(v2sf) =	vpush v19, $0x1;
	_ =	sdelay $0x4  }
0x1f: {  	(v2sf) =	vpush v19, $0x2;
	_ =	sdelay $0x1  }
0x20: {  	(v2sf) =	vpush v19, $0x3;
	_ =	sdelay $0x5  }
0x21: {  	s22 =	spop (v2sf);
	(v2sf) =	vpush v19, $0x4  }
0x22: {  	s22 =	sand.u32 $0x1FFFFF80, s22  }
0x23: {  	s24 =	spop (v2sf);
	(v2sf) =	vpush v19, $0x5;
	s22 =	sadd.s32 s3, s22  }
0x24: {  	[tilespmem:s8], [sflag:$0x1] =	stream.linear.gather [hbm4b:s22+s2], $0x400, $0x38;
	[tilespmem:$0x18200] =	vst v63  }
0x25: {  	s22 =	sand.u32 $0x1FFFFF80, s24  }
0x26: {  	s23 =	simm.s32 $0x600;
	s22 =	sadd.s32 s3, s22  }
0x27: {  	[tilespmem:s23], [sflag:$0x1] =	stream.linear.gather [hbm4b:s22+s2], $0x400, $0x38;
	[tilespmem:$0x18200] =	vst v63  }
0x28: {  	s23 =	spop (v2sf);
	(v2sf) =	vpush v19, $0x6;
	_ =	sdelay $0x1  }
0x29: {  	s22 =	sand.u32 $0x1FFFFF80, s23;
	s23 =	spop (v2sf);
	(v2sf) =	vpush v19, $0x7;
	_ =	sdelay $0x2  }
0x2a: {  	s24 =	simm.s32 $0xA00;
	s22 =	sadd.s32 s3, s22  }
0x2b: {  	[tilespmem:s24], [sflag:$0x1] =	stream.linear.gather [hbm4b:s22+s2], $0x400, $0x38;
	[tilespmem:$0x18200] =	vst v63  }
0x2c: {  	s22 =	sand.u32 $0x1FFFFF80, s23  }
0x2d: {  	s24 =	simm.s32 $0xE00;
	s22 =	sadd.s32 s3, s22;
	s23 =	spop (v2sf);
	(v2sf) =	vpush v19, $0x8  }
0x2e: {  	[tilespmem:s24], [sflag:$0x1] =	stream.linear.gather [hbm4b:s22+s2], $0x400, $0x38;
	[tilespmem:$0x18200] =	vst v63  }
0x2f: {  	s22 =	sand.u32 $0x1FFFFF80, s23;
	s23 =	spop (v2sf);
	(v2sf) =	vpush v19, $0x9;
	_ =	sdelay $0x1  }
0x30: {  	s24 =	simm.s32 $0x1200;
	s22 =	sadd.s32 s3, s22  }
0x31: {  	[tilespmem:s24], [sflag:$0x1] =	stream.linear.gather [hbm4b:s22+s2], $0x400, $0x38;
	[tilespmem:$0x18200] =	vst v63  }
0x32: {  	s22 =	sand.u32 $0x1FFFFF80, s23  }
0x33: {  	s24 =	simm.s32 $0x1600;
	s22 =	sadd.s32 s3, s22;
	s23 =	spop (v2sf);
	(v2sf) =	vpush v19, $0xA  }
0x34: {  	[tilespmem:s24], [sflag:$0x1] =	stream.linear.gather [hbm4b:s22+s2], $0x400, $0x38;
	[tilespmem:$0x18200] =	vst v63  }
0x35: {  	s22 =	sand.u32 $0x1FFFFF80, s23;
	s23 =	spop (v2sf);
	(v2sf) =	vpush v19, $0xB;
	_ =	sdelay $0x2  }
0x36: {  	s24 =	simm.s32 $0x1A00;
	s22 =	sadd.s32 s3, s22  }
0x37: {  	[tilespmem:s24], [sflag:$0x1] =	stream.linear.gather [hbm4b:s22+s2], $0x400, $0x38;
	[tilespmem:$0x18200] =	vst v63  }
0x38: {  	s22 =	sand.u32 $0x1FFFFF80, s23  }
0x39: {  	s24 =	simm.s32 $0x1E00;
	s22 =	sadd.s32 s3, s22;
	s23 =	spop (v2sf);
	(v2sf) =	vpush v19, $0xC  }
0x3a: {  	[tilespmem:s24], [sflag:$0x1] =	stream.linear.gather [hbm4b:s22+s2], $0x400, $0x38;
	[tilespmem:$0x18200] =	vst v63  }
0x3b: {  	s22 =	sand.u32 $0x1FFFFF80, s23;
	s23 =	spop (v2sf);
	(v2sf) =	vpush v19, $0xD;
	_ =	sdelay $0x1  }
0x3c: {  	s24 =	simm.s32 $0x2200;
	s22 =	sadd.s32 s3, s22  }
0x3d: {  	[tilespmem:s24], [sflag:$0x1] =	stream.linear.gather [hbm4b:s22+s2], $0x400, $0x38;
	[tilespmem:$0x18200] =	vst v63  }
0x3e: {  	s22 =	sand.u32 $0x1FFFFF80, s23  }
0x3f: {  	s24 =	simm.s32 $0x2600;
	s22 =	sadd.s32 s3, s22;
	s23 =	spop (v2sf);
	(v2sf) =	vpush v19, $0xE  }
0x40: {  	[tilespmem:s24], [sflag:$0x1] =	stream.linear.gather [hbm4b:s22+s2], $0x400, $0x38;
	[tilespmem:$0x18200] =	vst v63  }
0x41: {  	s22 =	sand.u32 $0x1FFFFF80, s23;
	s23 =	spop (v2sf);
	(v2sf) =	vpush v19, $0xF  }
0x42: {  	s24 =	simm.s32 $0x2A00;
	s22 =	sadd.s32 s3, s22  }
0x43: {  	[tilespmem:s24], [sflag:$0x1] =	stream.linear.gather [hbm4b:s22+s2], $0x400, $0x38;
	[tilespmem:$0x18200] =	vst v63  }
0x44: {  	s22 =	sand.u32 $0x1FFFFF80, s23  }
0x45: {  	s24 =	simm.s32 $0x2E00;
	s22 =	sadd.s32 s3, s22  }
0x46: {  	[tilespmem:s24], [sflag:$0x1] =	stream.linear.gather [hbm4b:s22+s2], $0x400, $0x38;
	[tilespmem:$0x18200] =	vst v63  }
0x47: {  	s23 =	spop (v2sf)  }
0x48: {  	s22 =	sand.u32 $0x1FFFFF80, s23  }
0x49: {  	s24 =	simm.s32 $0x3200;
	s23 =	spop (v2sf);
	s22 =	sadd.s32 s3, s22  }
0x4a: {  	[tilespmem:s24], [sflag:$0x1] =	stream.linear.gather [hbm4b:s22+s2], $0x400, $0x38;
	[tilespmem:$0x18200] =	vst v63  }
0x4b: {  	s22 =	sand.u32 $0x1FFFFF80, s23  }
0x4c: {  	s24 =	simm.s32 $0x3600;
	s22 =	sadd.s32 s3, s22  }
0x4d: {  	[tilespmem:s24], [sflag:$0x1] =	stream.linear.gather [hbm4b:s22+s2], $0x400, $0x38;
	[tilespmem:$0x18200] =	vst v63  }
0x4e: {  	s23 =	spop (v2sf)  }
0x4f: {  	s22 =	sand.u32 $0x1FFFFF80, s23  }
0x50: {  	s24 =	simm.s32 $0x3A00;
	s23 =	spop (v2sf);
	s22 =	sadd.s32 s3, s22  }
0x51: {  	[tilespmem:s24], [sflag:$0x1] =	stream.linear.gather [hbm4b:s22+s2], $0x400, $0x38;
	[tilespmem:$0x18200] =	vst v63  }
0x52: {  	s22 =	sand.u32 $0x1FFFFF80, s23  }
0x53: {  	s24 =	simm.s32 $0x3E00;
	s22 =	sadd.s32 s3, s22  }
0x54: {  	[tilespmem:s24], [sflag:$0x1] =	stream.linear.gather [hbm4b:s22+s2], $0x400, $0x38;
	[tilespmem:$0x18200] =	vst v63  }
0x55: {  	v19 =	vld [tilespmem:s21+$0x10];
	_ =	sdelay $0x4  }
0x56: {  	v19 =	vshrl.u32 v19, $0x3  }
0x57: {  	v19 =	vshll.u32 v19, $0x7  }
0x58: {  	(v2sf) =	vpush v19, $0x0;
	_ =	sdelay $0x1  }
0x59: {  	(v2sf) =	vpush v19, $0x1;
	_ =	sdelay $0x2  }
0x5a: {  	(v2sf) =	vpush v19, $0x2;
	_ =	sdelay $0x2  }
0x5b: {  	(v2sf) =	vpush v19, $0x3;
	_ =	sdelay $0x6  }
0x5c: {  	s23 =	spop (v2sf);
	(v2sf) =	vpush v19, $0x4;
	_ =	sdelay $0x1  }
0x5d: {  	s22 =	sand.u32 $0x1FFFFF80, s23;
	s23 =	spop (v2sf);
	(v2sf) =	vpush v19, $0x5  }
0x5e: {  	s24 =	simm.s32 $0x4200;
	s22 =	sadd.s32 s3, s22  }
0x5f: {  	[tilespmem:s24], [sflag:$0x1] =	stream.linear.gather [hbm4b:s22+s2], $0x400, $0x38;
	[tilespmem:$0x18200] =	vst v63  }
0x60: {  	s22 =	sand.u32 $0x1FFFFF80, s23;
	s23 =	spop (v2sf);
	(v2sf) =	vpush v19, $0x6  }
0x61: {  	s24 =	simm.s32 $0x4600;
	s22 =	sadd.s32 s3, s22  }
0x62: {  	[tilespmem:s24], [sflag:$0x1] =	stream.linear.gather [hbm4b:s22+s2], $0x400, $0x38;
	[tilespmem:$0x18200] =	vst v63  }
0x63: {  	s22 =	sand.u32 $0x1FFFFF80, s23;
	s23 =	spop (v2sf);
	(v2sf) =	vpush v19, $0x7;
	_ =	sdelay $0x3  }
0x64: {  	s24 =	simm.s32 $0x4A00;
	s22 =	sadd.s32 s3, s22  }
0x65: {  	[tilespmem:s24], [sflag:$0x1] =	stream.linear.gather [hbm4b:s22+s2], $0x400, $0x38;
	[tilespmem:$0x18200] =	vst v63  }
0x66: {  	s22 =	sand.u32 $0x1FFFFF80, s23  }
0x67: {  	s24 =	simm.s32 $0x4E00;
	s22 =	sadd.s32 s3, s22;
	s23 =	spop (v2sf);
	(v2sf) =	vpush v19, $0x8  }
0x68: {  	[tilespmem:s24], [sflag:$0x1] =	stream.linear.gather [hbm4b:s22+s2], $0x400, $0x38;
	[tilespmem:$0x18200] =	vst v63  }
0x69: {  	s22 =	sand.u32 $0x1FFFFF80, s23;
	s23 =	spop (v2sf);
	(v2sf) =	vpush v19, $0x9  }
0x6a: {  	s24 =	simm.s32 $0x5200;
	s22 =	sadd.s32 s3, s22  }
0x6b: {  	[tilespmem:s24], [sflag:$0x1] =	stream.linear.gather [hbm4b:s22+s2], $0x400, $0x38;
	[tilespmem:$0x18200] =	vst v63  }
0x6c: {  	s22 =	sand.u32 $0x1FFFFF80, s23;
	s23 =	spop (v2sf);
	(v2sf) =	vpush v19, $0xA  }
0x6d: {  	s24 =	simm.s32 $0x5600;
	s22 =	sadd.s32 s3, s22  }
0x6e: {  	[tilespmem:s24], [sflag:$0x1] =	stream.linear.gather [hbm4b:s22+s2], $0x400, $0x38;
	[tilespmem:$0x18200] =	vst v63  }
0x6f: {  	s22 =	sand.u32 $0x1FFFFF80, s23;
	s23 =	spop (v2sf);
	(v2sf) =	vpush v19, $0xB;
	_ =	sdelay $0x3  }
0x70: {  	s24 =	simm.s32 $0x5A00;
	s22 =	sadd.s32 s3, s22  }
0x71: {  	[tilespmem:s24], [sflag:$0x1] =	stream.linear.gather [hbm4b:s22+s2], $0x400, $0x38;
	[tilespmem:$0x18200] =	vst v63  }
0x72: {  	s22 =	sand.u32 $0x1FFFFF80, s23  }
0x73: {  	s24 =	simm.s32 $0x5E00;
	s22 =	sadd.s32 s3, s22;
	s23 =	spop (v2sf);
	(v2sf) =	vpush v19, $0xC  }
0x74: {  	[tilespmem:s24], [sflag:$0x1] =	stream.linear.gather [hbm4b:s22+s2], $0x400, $0x38;
	[tilespmem:$0x18200] =	vst v63  }
0x75: {  	s22 =	sand.u32 $0x1FFFFF80, s23;
	s23 =	spop (v2sf);
	(v2sf) =	vpush v19, $0xD  }
0x76: {  	s24 =	simm.s32 $0x6200;
	s22 =	sadd.s32 s3, s22  }
0x77: {  	[tilespmem:s24], [sflag:$0x1] =	stream.linear.gather [hbm4b:s22+s2], $0x400, $0x38;
	[tilespmem:$0x18200] =	vst v63  }
0x78: {  	s22 =	sand.u32 $0x1FFFFF80, s23;
	s23 =	spop (v2sf);
	(v2sf) =	vpush v19, $0xE  }
0x79: {  	s24 =	simm.s32 $0x6600;
	s22 =	sadd.s32 s3, s22  }
0x7a: {  	[tilespmem:s24], [sflag:$0x1] =	stream.linear.gather [hbm4b:s22+s2], $0x400, $0x38;
	[tilespmem:$0x18200] =	vst v63  }
0x7b: {  	s22 =	sand.u32 $0x1FFFFF80, s23;
	s23 =	spop (v2sf);
	(v2sf) =	vpush v19, $0xF;
	_ =	sdelay $0x1  }
0x7c: {  	s24 =	simm.s32 $0x6A00;
	s22 =	sadd.s32 s3, s22  }
0x7d: {  	[tilespmem:s24], [sflag:$0x1] =	stream.linear.gather [hbm4b:s22+s2], $0x400, $0x38;
	[tilespmem:$0x18200] =	vst v63  }
0x7e: {  	s22 =	sand.u32 $0x1FFFFF80, s23  }
0x7f: {  	s24 =	simm.s32 $0x6E00;
	s22 =	sadd.s32 s3, s22  }
0x80: {  	[tilespmem:s24], [sflag:$0x1] =	stream.linear.gather [hbm4b:s22+s2], $0x400, $0x38;
	[tilespmem:$0x18200] =	vst v63  }
0x81: {  	s23 =	spop (v2sf)  }
0x82: {  	s22 =	sand.u32 $0x1FFFFF80, s23  }
0x83: {  	s24 =	simm.s32 $0x7200;
	s23 =	spop (v2sf);
	s22 =	sadd.s32 s3, s22  }
0x84: {  	[tilespmem:s24], [sflag:$0x1] =	stream.linear.gather [hbm4b:s22+s2], $0x400, $0x38;
	[tilespmem:$0x18200] =	vst v63  }
0x85: {  	s22 =	sand.u32 $0x1FFFFF80, s23  }
0x86: {  	s24 =	simm.s32 $0x7600;
	s23 =	spop (v2sf);
	s22 =	sadd.s32 s3, s22  }
0x87: {  	[tilespmem:s24], [sflag:$0x1] =	stream.linear.gather [hbm4b:s22+s2], $0x400, $0x38;
	[tilespmem:$0x18200] =	vst v63  }
0x88: {  	p0 =	seq.s32 s20, $0x0;
	s22 =	sand.u32 $0x1FFFFF80, s23;
	s24 =	simm.s32 $0x7A00  }
.Ltmp0:
0x89: {  	s23 =	spop (v2sf);
	s22 =	sadd.s32 s3, s22;
	(pc) =	sbr.rel @p0 .LBB2_8-.Ltmp0, $4  }
0x8a: {  	[tilespmem:s24], [sflag:$0x1] =	stream.linear.gather [hbm4b:s22+s2], $0x400, $0x38;
	[tilespmem:$0x18200] =	vst v63  }
0x8b: {  	s22 =	sand.u32 $0x1FFFFF80, s23  }
0x8c: {  	s24 =	simm.s32 $0x7E00;
	s22 =	sadd.s32 s3, s22  }
0x8d: {  	[tilespmem:s24], [sflag:$0x1] =	stream.linear.gather [hbm4b:s22+s2], $0x400, $0x38;
	[tilespmem:$0x18200] =	vst v63  }
0x8e: {  	_ =	swait.ge [sflag:s19], $0x8000  }
0x8f: {  	[sflag:s19] =	ssyncset.done $0x0  }
0x90: {  	[sflag:s19] =	ssyncadd.s32 $0xFFFF8000  }
0x91: {  	v19 =	vld [tilespmem:s21+$0xFFFFFFE0];
	_ =	sdelay $0x4  }
0x92: {  	v20 =	vshra.s32 v19, $0x1F  }
0x93: {  	v20 =	vshrl.u32 v20, $0x1D  }
0x94: {  	v20 =	vadd.s32 v20, v19  }
0x95: {  	v20 =	vshrl.u32 v20, $0x3  }
0x96: {  	v20 =	vshll.u32 v20, $0x3  }
0x97: {  	v19 =	vsub.s32 v19, v20  }
0x98: {  	v19 =	vshll.u32 v19, $0x7  }
0x99: {  	s22 =	simm.s32 $0x0;
	v19 =	vadd.s32 v1, v19  }
0x9a: {  	s23 =	sadd.s32 $0xFFFFFFE0, s21;
	v21 =	vor.u32 s22, v19  }
0x9b: {  	v20 =	vmov s23  }
0x9c: {  	v22 =	vor.u32 s23, v0;
	v26 =	vshll.u32 v20, $0x3  }
0x9d: {  	v27 =	vand.u32 $0x6F, v22;
	v22 =	vmov s22;
	v20 =	vand.u32 $0xFFFFFC00, v26  }
0x9e: {  	v22 =	vshll.u32 v22, $0x9;
	v20 =	vor.u32 v27, v20  }
0x9f: {  	s24 =	simm.s32 $0x1;
	v22 =	vadd.s32 v20, v22;
	v23 =	vld.idx.msk [tilespmem:v21+s12+$0x0], $0xffff  }
0xa0: {  	v24 =	vor.u32 s24, v19;
	_ =	sdelay $0x1  }
0xa1: {  	v21 =	vmov s24  }
0xa2: {  	v25 =	vshll.u32 v21, $0x9  }
0xa3: {  	v21 =	vor.u32 $0x80, v20;
	[tilespmem:v22+s18+$0x0] =	vst.idx.msk $0xffff, v23;
	v22 =	vand.u32 $0x7000, v25  }
0xa4: {  	s23 =	simm.s32 $0x2;
	v23 =	vld.idx.msk [tilespmem:v24+s12+$0x0], $0xffff;
	v24 =	vadd.s32 v21, v22  }
0xa5: {  	v25 =	vor.u32 s23, v19;
	_ =	sdelay $0x1  }
0xa6: {  	v22 =	vmov s23  }
0xa7: {  	v28 =	vshll.u32 v22, $0x9  }
0xa8: {  	v22 =	vor.u32 $0x100, v20;
	[tilespmem:v24+s18+$0x0] =	vst.idx.msk $0xffff, v23;
	v23 =	vand.u32 $0x7000, v28  }
0xa9: {  	s24 =	simm.s32 $0x3;
	v24 =	vld.idx.msk [tilespmem:v25+s12+$0x0], $0xffff;
	v25 =	vadd.s32 v22, v23  }
0xaa: {  	v28 =	vor.u32 s24, v19;
	_ =	sdelay $0x1  }
0xab: {  	v23 =	vmov s24  }
0xac: {  	v29 =	vshll.u32 v23, $0x9  }
0xad: {  	v23 =	vor.u32 $0x180, v20;
	[tilespmem:v25+s18+$0x0] =	vst.idx.msk $0xffff, v24;
	v24 =	vand.u32 $0x7000, v29  }
0xae: {  	s23 =	simm.s32 $0x4;
	v25 =	vld.idx.msk [tilespmem:v28+s12+$0x0], $0xffff;
	v28 =	vadd.s32 v23, v24  }
0xaf: {  	v29 =	vor.u32 s23, v19;
	_ =	sdelay $0x1  }
0xb0: {  	v24 =	vmov s23  }
0xb1: {  	v30 =	vshll.u32 v24, $0x9  }
0xb2: {  	v24 =	vor.u32 $0x200, v20;
	[tilespmem:v28+s18+$0x0] =	vst.idx.msk $0xffff, v25;
	v25 =	vand.u32 $0x7000, v30  }
0xb3: {  	s24 =	simm.s32 $0x5;
	v28 =	vld.idx.msk [tilespmem:v29+s12+$0x0], $0xffff;
	v29 =	vadd.s32 v24, v25  }
0xb4: {  	v30 =	vor.u32 s24, v19;
	_ =	sdelay $0x1  }
0xb5: {  	v25 =	vmov s24  }
0xb6: {  	v31 =	vshll.u32 v25, $0x9  }
0xb7: {  	v25 =	vor.u32 $0x280, v20;
	[tilespmem:v29+s18+$0x0] =	vst.idx.msk $0xffff, v28;
	v28 =	vand.u32 $0x7000, v31  }
0xb8: {  	s23 =	simm.s32 $0x6;
	v29 =	vld.idx.msk [tilespmem:v30+s12+$0x0], $0xffff;
	v28 =	vadd.s32 v25, v28  }
0xb9: {  	v30 =	vor.u32 s23, v19;
	_ =	sdelay $0x1  }
0xba: {  	v31 =	vmov s23  }
0xbb: {  	v27 =	vor.u32 v27, v26;
	v31 =	vshll.u32 v31, $0x9  }
0xbc: {  	v26 =	vor.u32 $0x300, v27;
	[tilespmem:v28+s18+$0x0] =	vst.idx.msk $0xffff, v29;
	v28 =	vand.u32 $0x7000, v31  }
0xbd: {  	s24 =	simm.s32 $0x7;
	v29 =	vld.idx.msk [tilespmem:v30+s12+$0x0], $0xffff;
	v28 =	vadd.s32 v26, v28  }
0xbe: {  	v30 =	vor.u32 s24, v19;
	_ =	sdelay $0x1  }
0xbf: {  	v31 =	vmov s24  }
0xc0: {  	v31 =	vshll.u32 v31, $0x9  }
0xc1: {  	v27 =	vor.u32 $0x380, v27;
	[tilespmem:v28+s18+$0x0] =	vst.idx.msk $0xffff, v29;
	v29 =	vand.u32 $0x7000, v31  }
0xc2: {  	s22 =	simm.s32 $0x8;
	v28 =	vld.idx.msk [tilespmem:v30+s12+$0x0], $0xffff;
	v30 =	vadd.s32 v27, v29  }
0xc3: {  	s23 =	simm.s32 $0x10;
	v29 =	vor.u32 s22, v19  }
.LBB2_4:
0xc4: {  	p0 =	slt.u32 s23, $0x38;
	_ =	sdelay $0x2  }
0xc5: {  	v31 =	vmov s22;
	[tilespmem:v30+s18+$0x0] =	vst.idx.msk $0xffff, v28  }
0xc6: {  	v28 =	vld.idx.msk [tilespmem:v29+s12+$0x0], $0xffff;
	v29 =	vshll.u32 v31, $0x9  }
0xc7: {  	s24 =	sadd.s32 $0x1, s22;
	v29 =	vadd.s32 v20, v29  }
0xc8: {  	v30 =	vor.u32 s24, v19;
	_ =	sdelay $0x2  }
0xc9: {  	v31 =	vmov s24  }
0xca: {  	[tilespmem:v29+s18+$0x0] =	vst.idx.msk $0xffff, v28;
	v28 =	vshll.u32 v31, $0x9  }
0xcb: {  	v29 =	vld.idx.msk [tilespmem:v30+s12+$0x0], $0xffff;
	v28 =	vand.u32 $0x7000, v28  }
0xcc: {  	s24 =	sadd.s32 $0x2, s22;
	v28 =	vadd.s32 v21, v28  }
0xcd: {  	v30 =	vor.u32 s24, v19;
	_ =	sdelay $0x2  }
0xce: {  	v31 =	vmov s24  }
0xcf: {  	[tilespmem:v28+s18+$0x0] =	vst.idx.msk $0xffff, v29;
	v28 =	vshll.u32 v31, $0x9  }
0xd0: {  	v29 =	vld.idx.msk [tilespmem:v30+s12+$0x0], $0xffff;
	v28 =	vand.u32 $0x7000, v28  }
0xd1: {  	s24 =	sadd.s32 $0x3, s22;
	v28 =	vadd.s32 v22, v28  }
0xd2: {  	v30 =	vor.u32 s24, v19;
	_ =	sdelay $0x2  }
0xd3: {  	v31 =	vmov s24  }
0xd4: {  	[tilespmem:v28+s18+$0x0] =	vst.idx.msk $0xffff, v29;
	v28 =	vshll.u32 v31, $0x9  }
0xd5: {  	v29 =	vld.idx.msk [tilespmem:v30+s12+$0x0], $0xffff;
	v28 =	vand.u32 $0x7000, v28  }
0xd6: {  	s24 =	sadd.s32 $0x4, s22;
	v28 =	vadd.s32 v23, v28  }
0xd7: {  	v30 =	vor.u32 s24, v19;
	_ =	sdelay $0x2  }
0xd8: {  	v31 =	vmov s24  }
0xd9: {  	[tilespmem:v28+s18+$0x0] =	vst.idx.msk $0xffff, v29;
	v28 =	vshll.u32 v31, $0x9  }
0xda: {  	v29 =	vld.idx.msk [tilespmem:v30+s12+$0x0], $0xffff;
	v28 =	vand.u32 $0x7000, v28  }
0xdb: {  	s24 =	sadd.s32 $0x5, s22;
	v28 =	vadd.s32 v24, v28  }
0xdc: {  	v30 =	vor.u32 s24, v19;
	_ =	sdelay $0x2  }
0xdd: {  	v31 =	vmov s24  }
0xde: {  	[tilespmem:v28+s18+$0x0] =	vst.idx.msk $0xffff, v29;
	v28 =	vshll.u32 v31, $0x9  }
0xdf: {  	v29 =	vld.idx.msk [tilespmem:v30+s12+$0x0], $0xffff;
	v28 =	vand.u32 $0x7000, v28  }
0xe0: {  	s24 =	sadd.s32 $0x6, s22;
	v28 =	vadd.s32 v25, v28  }
0xe1: {  	v30 =	vor.u32 s24, v19;
	_ =	sdelay $0x2  }
0xe2: {  	v31 =	vmov s24  }
0xe3: {  	[tilespmem:v28+s18+$0x0] =	vst.idx.msk $0xffff, v29;
	v28 =	vshll.u32 v31, $0x9  }
0xe4: {  	v29 =	vld.idx.msk [tilespmem:v30+s12+$0x0], $0xffff;
	v28 =	vand.u32 $0x7000, v28  }
0xe5: {  	s24 =	sadd.s32 $0x7, s22;
	s22 =	smov.u32 s23;
	v28 =	vadd.s32 v26, v28  }
0xe6: {  	v30 =	vor.u32 s24, v19;
	_ =	sdelay $0x2  }
.Ltmp1:
0xe7: {  	v31 =	vmov s24;
	(pc) =	sbr.rel @p0 .LBB2_4-.Ltmp1, $4  }
0xe8: {  	[tilespmem:v28+s18+$0x0] =	vst.idx.msk $0xffff, v29;
	v29 =	vshll.u32 v31, $0x9  }
0xe9: {  	v28 =	vld.idx.msk [tilespmem:v30+s12+$0x0], $0xffff;
	v29 =	vand.u32 $0x7000, v29  }
0xea: {  	v30 =	vadd.s32 v27, v29  }
0xeb: {  	s23 =	sadd.s32 $0x8, s23;
	v29 =	vor.u32 s22, v19  }
0xec: {  	_ =	sdelay $0x2  }
0xed: {  	v31 =	vmov s22  }
0xee: {  	[tilespmem:v30+s18+$0x0] =	vst.idx.msk $0xffff, v28;
	v28 =	vshll.u32 v31, $0x9  }
0xef: {  	s23 =	sadd.s32 $0x1, s22;
	v29 =	vld.idx.msk [tilespmem:v29+s12+$0x0], $0xffff;
	v20 =	vadd.s32 v20, v28  }
0xf0: {  	v28 =	vor.u32 s23, v19;
	_ =	sdelay $0x1  }
0xf1: {  	v30 =	vmov s23  }
0xf2: {  	v30 =	vshll.u32 v30, $0x9  }
0xf3: {  	[tilespmem:v20+s18+$0x0] =	vst.idx.msk $0xffff, v29;
	v20 =	vand.u32 $0x7000, v30  }
0xf4: {  	s24 =	sadd.s32 $0x2, s22;
	v28 =	vld.idx.msk [tilespmem:v28+s12+$0x0], $0xffff;
	v20 =	vadd.s32 v21, v20  }
0xf5: {  	v21 =	vor.u32 s24, v19;
	_ =	sdelay $0x1  }
0xf6: {  	v29 =	vmov s24  }
0xf7: {  	v29 =	vshll.u32 v29, $0x9  }
0xf8: {  	[tilespmem:v20+s18+$0x0] =	vst.idx.msk $0xffff, v28;
	v20 =	vand.u32 $0x7000, v29  }
0xf9: {  	s24 =	sadd.s32 $0x3, s22;
	v21 =	vld.idx.msk [tilespmem:v21+s12+$0x0], $0xffff;
	v20 =	vadd.s32 v22, v20  }
0xfa: {  	v22 =	vor.u32 s24, v19;
	_ =	sdelay $0x1  }
0xfb: {  	v28 =	vmov s24  }
0xfc: {  	v28 =	vshll.u32 v28, $0x9  }
0xfd: {  	[tilespmem:v20+s18+$0x0] =	vst.idx.msk $0xffff, v21;
	v20 =	vand.u32 $0x7000, v28  }
0xfe: {  	s24 =	sadd.s32 $0x4, s22;
	v21 =	vld.idx.msk [tilespmem:v22+s12+$0x0], $0xffff;
	v20 =	vadd.s32 v23, v20  }
0xff: {  	v22 =	vor.u32 s24, v19;
	_ =	sdelay $0x1  }
0x100: {  	v23 =	vmov s24  }
0x101: {  	v23 =	vshll.u32 v23, $0x9  }
0x102: {  	[tilespmem:v20+s18+$0x0] =	vst.idx.msk $0xffff, v21;
	v20 =	vand.u32 $0x7000, v23  }
0x103: {  	s24 =	sadd.s32 $0x5, s22;
	v21 =	vld.idx.msk [tilespmem:v22+s12+$0x0], $0xffff;
	v20 =	vadd.s32 v24, v20  }
0x104: {  	v22 =	vor.u32 s24, v19;
	_ =	sdelay $0x1  }
0x105: {  	v23 =	vmov s24  }
0x106: {  	v23 =	vshll.u32 v23, $0x9  }
0x107: {  	[tilespmem:v20+s18+$0x0] =	vst.idx.msk $0xffff, v21;
	v20 =	vand.u32 $0x7000, v23  }
0x108: {  	s24 =	sadd.s32 $0x6, s22;
	v21 =	vld.idx.msk [tilespmem:v22+s12+$0x0], $0xffff;
	v20 =	vadd.s32 v25, v20  }
0x109: {  	v22 =	vor.u32 s24, v19;
	_ =	sdelay $0x1  }
0x10a: {  	v23 =	vmov s24  }
0x10b: {  	v23 =	vshll.u32 v23, $0x9  }
0x10c: {  	[tilespmem:v20+s18+$0x0] =	vst.idx.msk $0xffff, v21;
	v20 =	vand.u32 $0x7000, v23  }
0x10d: {  	s23 =	sadd.s32 $0x7, s22;
	v21 =	vld.idx.msk [tilespmem:v22+s12+$0x0], $0xffff;
	v20 =	vadd.s32 v26, v20  }
0x10e: {  	v19 =	vor.u32 s23, v19;
	_ =	sdelay $0x1  }
0x10f: {  	v22 =	vmov s23  }
0x110: {  	v22 =	vshll.u32 v22, $0x9  }
0x111: {  	[tilespmem:v20+s18+$0x0] =	vst.idx.msk $0xffff, v21;
	v20 =	vand.u32 $0x7000, v22  }
0x112: {  	v19 =	vld.idx.msk [tilespmem:v19+s12+$0x0], $0xffff;
	v20 =	vadd.s32 v27, v20;
	_ =	sdelay $0x4  }
0x113: {  	[tilespmem:v20+s18+$0x0] =	vst.idx.msk $0xffff, v19  }
0x114: {  	v19 =	vld [tilespmem:s21+$0xFFFFFFF0];
	_ =	sdelay $0x4  }
0x115: {  	v20 =	vshra.s32 v19, $0x1F  }
0x116: {  	v20 =	vshrl.u32 v20, $0x1D  }
0x117: {  	v20 =	vadd.s32 v20, v19  }
0x118: {  	v20 =	vshrl.u32 v20, $0x3  }
0x119: {  	v20 =	vshll.u32 v20, $0x3  }
0x11a: {  	v19 =	vsub.s32 v19, v20  }
0x11b: {  	v19 =	vshll.u32 v19, $0x7  }
0x11c: {  	s22 =	simm.s32 $0x0;
	v19 =	vadd.s32 v2, v19  }
0x11d: {  	s24 =	sadd.s32 $0xFFFFFFF0, s21;
	v21 =	vor.u32 s22, v19  }
0x11e: {  	v20 =	vmov s24  }
0x11f: {  	v22 =	vor.u32 s24, v0;
	v27 =	vshll.u32 v20, $0x3  }
0x120: {  	v28 =	vand.u32 $0x7F, v22;
	v22 =	vmov s22;
	v20 =	vand.u32 $0xFFFFFC00, v27  }
0x121: {  	v22 =	vshll.u32 v22, $0x9;
	v20 =	vor.u32 v28, v20  }
0x122: {  	s24 =	simm.s32 $0x1;
	v22 =	vadd.s32 v20, v22;
	v23 =	vld.idx.msk [tilespmem:v21+s12+$0x0], $0xffff  }
0x123: {  	v24 =	vor.u32 s24, v19;
	_ =	sdelay $0x1  }
0x124: {  	v21 =	vmov s24  }
0x125: {  	v25 =	vshll.u32 v21, $0x9  }
0x126: {  	v21 =	vor.u32 $0x80, v20;
	[tilespmem:v22+s18+$0x0] =	vst.idx.msk $0xffff, v23;
	v22 =	vand.u32 $0x7000, v25  }
0x127: {  	s23 =	simm.s32 $0x2;
	v23 =	vld.idx.msk [tilespmem:v24+s12+$0x0], $0xffff;
	v24 =	vadd.s32 v21, v22  }
0x128: {  	v25 =	vor.u32 s23, v19;
	_ =	sdelay $0x1  }
0x129: {  	v22 =	vmov s23  }
0x12a: {  	v26 =	vshll.u32 v22, $0x9  }
0x12b: {  	v22 =	vor.u32 $0x100, v20;
	[tilespmem:v24+s18+$0x0] =	vst.idx.msk $0xffff, v23;
	v23 =	vand.u32 $0x7000, v26  }
0x12c: {  	s24 =	simm.s32 $0x3;
	v24 =	vld.idx.msk [tilespmem:v25+s12+$0x0], $0xffff;
	v25 =	vadd.s32 v22, v23  }
0x12d: {  	v26 =	vor.u32 s24, v19;
	_ =	sdelay $0x1  }
0x12e: {  	v23 =	vmov s24  }
0x12f: {  	v29 =	vshll.u32 v23, $0x9  }
0x130: {  	v23 =	vor.u32 $0x180, v20;
	[tilespmem:v25+s18+$0x0] =	vst.idx.msk $0xffff, v24;
	v24 =	vand.u32 $0x7000, v29  }
0x131: {  	s23 =	simm.s32 $0x4;
	v25 =	vld.idx.msk [tilespmem:v26+s12+$0x0], $0xffff;
	v26 =	vadd.s32 v23, v24  }
0x132: {  	v29 =	vor.u32 s23, v19;
	_ =	sdelay $0x1  }
0x133: {  	v24 =	vmov s23  }
0x134: {  	v30 =	vshll.u32 v24, $0x9  }
0x135: {  	v24 =	vor.u32 $0x200, v20;
	[tilespmem:v26+s18+$0x0] =	vst.idx.msk $0xffff, v25;
	v25 =	vand.u32 $0x7000, v30  }
0x136: {  	s24 =	simm.s32 $0x5;
	v26 =	vld.idx.msk [tilespmem:v29+s12+$0x0], $0xffff;
	v29 =	vadd.s32 v24, v25  }
0x137: {  	v30 =	vor.u32 s24, v19;
	_ =	sdelay $0x1  }
0x138: {  	v25 =	vmov s24  }
0x139: {  	v31 =	vshll.u32 v25, $0x9  }
0x13a: {  	v25 =	vor.u32 $0x280, v20;
	[tilespmem:v29+s18+$0x0] =	vst.idx.msk $0xffff, v26;
	v26 =	vand.u32 $0x7000, v31  }
0x13b: {  	s23 =	simm.s32 $0x6;
	v29 =	vld.idx.msk [tilespmem:v30+s12+$0x0], $0xffff;
	v30 =	vadd.s32 v25, v26  }
0x13c: {  	v31 =	vor.u32 s23, v19;
	_ =	sdelay $0x1  }
0x13d: {  	v26 =	vmov s23  }
0x13e: {  	v32 =	vshll.u32 v26, $0x9  }
0x13f: {  	v26 =	vor.u32 $0x300, v20;
	[tilespmem:v30+s18+$0x0] =	vst.idx.msk $0xffff, v29;
	v29 =	vand.u32 $0x7000, v32  }
0x140: {  	s24 =	simm.s32 $0x7;
	v30 =	vld.idx.msk [tilespmem:v31+s12+$0x0], $0xffff;
	v29 =	vadd.s32 v26, v29  }
0x141: {  	v31 =	vor.u32 s24, v19;
	_ =	sdelay $0x1  }
0x142: {  	v63 =	vmov s24  }
0x143: {  	v27 =	vor.u32 v28, v27;
	v28 =	vshll.u32 v63, $0x9  }
0x144: {  	v27 =	vor.u32 $0x380, v27;
	[tilespmem:v29+s18+$0x0] =	vst.idx.msk $0xffff, v30;
	v29 =	vand.u32 $0x7000, v28  }
0x145: {  	s22 =	simm.s32 $0x8;
	v28 =	vld.idx.msk [tilespmem:v31+s12+$0x0], $0xffff;
	v30 =	vadd.s32 v27, v29  }
0x146: {  	s23 =	simm.s32 $0x10;
	v29 =	vor.u32 s22, v19  }
.LBB2_6:
0x147: {  	p0 =	slt.u32 s23, $0x38;
	_ =	sdelay $0x2  }
0x148: {  	v31 =	vmov s22;
	[tilespmem:v30+s18+$0x0] =	vst.idx.msk $0xffff, v28  }
0x149: {  	v28 =	vld.idx.msk [tilespmem:v29+s12+$0x0], $0xffff;
	v29 =	vshll.u32 v31, $0x9  }
0x14a: {  	s24 =	sadd.s32 $0x1, s22;
	v29 =	vadd.s32 v20, v29  }
0x14b: {  	v30 =	vor.u32 s24, v19;
	_ =	sdelay $0x2  }
0x14c: {  	v31 =	vmov s24  }
0x14d: {  	[tilespmem:v29+s18+$0x0] =	vst.idx.msk $0xffff, v28;
	v28 =	vshll.u32 v31, $0x9  }
0x14e: {  	v29 =	vld.idx.msk [tilespmem:v30+s12+$0x0], $0xffff;
	v28 =	vand.u32 $0x7000, v28  }
0x14f: {  	s24 =	sadd.s32 $0x2, s22;
	v28 =	vadd.s32 v21, v28  }
0x150: {  	v30 =	vor.u32 s24, v19;
	_ =	sdelay $0x2  }
0x151: {  	v31 =	vmov s24  }
0x152: {  	[tilespmem:v28+s18+$0x0] =	vst.idx.msk $0xffff, v29;
	v28 =	vshll.u32 v31, $0x9  }
0x153: {  	v29 =	vld.idx.msk [tilespmem:v30+s12+$0x0], $0xffff;
	v28 =	vand.u32 $0x7000, v28  }
0x154: {  	s24 =	sadd.s32 $0x3, s22;
	v28 =	vadd.s32 v22, v28  }
0x155: {  	v30 =	vor.u32 s24, v19;
	_ =	sdelay $0x2  }
0x156: {  	v31 =	vmov s24  }
0x157: {  	[tilespmem:v28+s18+$0x0] =	vst.idx.msk $0xffff, v29;
	v28 =	vshll.u32 v31, $0x9  }
0x158: {  	v29 =	vld.idx.msk [tilespmem:v30+s12+$0x0], $0xffff;
	v28 =	vand.u32 $0x7000, v28  }
0x159: {  	s24 =	sadd.s32 $0x4, s22;
	v28 =	vadd.s32 v23, v28  }
0x15a: {  	v30 =	vor.u32 s24, v19;
	_ =	sdelay $0x2  }
0x15b: {  	v31 =	vmov s24  }
0x15c: {  	[tilespmem:v28+s18+$0x0] =	vst.idx.msk $0xffff, v29;
	v28 =	vshll.u32 v31, $0x9  }
0x15d: {  	v29 =	vld.idx.msk [tilespmem:v30+s12+$0x0], $0xffff;
	v28 =	vand.u32 $0x7000, v28  }
0x15e: {  	s24 =	sadd.s32 $0x5, s22;
	v28 =	vadd.s32 v24, v28  }
0x15f: {  	v30 =	vor.u32 s24, v19;
	_ =	sdelay $0x2  }
0x160: {  	v31 =	vmov s24  }
0x161: {  	[tilespmem:v28+s18+$0x0] =	vst.idx.msk $0xffff, v29;
	v28 =	vshll.u32 v31, $0x9  }
0x162: {  	v29 =	vld.idx.msk [tilespmem:v30+s12+$0x0], $0xffff;
	v28 =	vand.u32 $0x7000, v28  }
0x163: {  	s24 =	sadd.s32 $0x6, s22;
	v28 =	vadd.s32 v25, v28  }
0x164: {  	v30 =	vor.u32 s24, v19;
	_ =	sdelay $0x2  }
0x165: {  	v31 =	vmov s24  }
0x166: {  	[tilespmem:v28+s18+$0x0] =	vst.idx.msk $0xffff, v29;
	v28 =	vshll.u32 v31, $0x9  }
0x167: {  	v29 =	vld.idx.msk [tilespmem:v30+s12+$0x0], $0xffff;
	v28 =	vand.u32 $0x7000, v28  }
0x168: {  	s24 =	sadd.s32 $0x7, s22;
	s22 =	smov.u32 s23;
	v28 =	vadd.s32 v26, v28  }
0x169: {  	v30 =	vor.u32 s24, v19;
	_ =	sdelay $0x2  }
.Ltmp2:
0x16a: {  	v31 =	vmov s24;
	(pc) =	sbr.rel @p0 .LBB2_6-.Ltmp2, $4  }
0x16b: {  	[tilespmem:v28+s18+$0x0] =	vst.idx.msk $0xffff, v29;
	v29 =	vshll.u32 v31, $0x9  }
0x16c: {  	v28 =	vld.idx.msk [tilespmem:v30+s12+$0x0], $0xffff;
	v29 =	vand.u32 $0x7000, v29  }
0x16d: {  	v30 =	vadd.s32 v27, v29  }
0x16e: {  	s23 =	sadd.s32 $0x8, s23;
	v29 =	vor.u32 s22, v19  }
0x16f: {  	_ =	sdelay $0x2  }
0x170: {  	v31 =	vmov s22  }
0x171: {  	v50 =	vshll.u32 v31, $0x9;
	[tilespmem:v30+s18+$0x0] =	vst.idx.msk $0xffff, v28  }
0x172: {  	s23 =	sadd.s32 $0x1, s22;
	v20 =	vadd.s32 v20, v50;
	v29 =	vld.idx.msk [tilespmem:v29+s12+$0x0], $0xffff  }
0x173: {  	v51 =	vor.u32 s23, v19;
	_ =	sdelay $0x1  }
0x174: {  	v52 =	vmov s23  }
0x175: {  	v30 =	vshll.u32 v52, $0x9  }
0x176: {  	[tilespmem:v20+s18+$0x0] =	vst.idx.msk $0xffff, v29;
	v20 =	vand.u32 $0x7000, v30  }
0x177: {  	s24 =	sadd.s32 $0x2, s22;
	v28 =	vld.idx.msk [tilespmem:v51+s12+$0x0], $0xffff;
	v20 =	vadd.s32 v21, v20  }
0x178: {  	v53 =	vor.u32 s24, v19;
	_ =	sdelay $0x1  }
0x179: {  	v54 =	vmov s24  }
0x17a: {  	v29 =	vshll.u32 v54, $0x9  }
0x17b: {  	[tilespmem:v20+s18+$0x0] =	vst.idx.msk $0xffff, v28;
	v20 =	vand.u32 $0x7000, v29  }
0x17c: {  	s24 =	sadd.s32 $0x3, s22;
	v21 =	vld.idx.msk [tilespmem:v53+s12+$0x0], $0xffff;
	v20 =	vadd.s32 v22, v20  }
0x17d: {  	v55 =	vor.u32 s24, v19;
	_ =	sdelay $0x1  }
0x17e: {  	v56 =	vmov s24  }
0x17f: {  	v28 =	vshll.u32 v56, $0x9  }
0x180: {  	[tilespmem:v20+s18+$0x0] =	vst.idx.msk $0xffff, v21;
	v20 =	vand.u32 $0x7000, v28  }
0x181: {  	s24 =	sadd.s32 $0x4, s22;
	v21 =	vld.idx.msk [tilespmem:v55+s12+$0x0], $0xffff;
	v20 =	vadd.s32 v23, v20  }
0x182: {  	v57 =	vor.u32 s24, v19;
	_ =	sdelay $0x1  }
0x183: {  	v58 =	vmov s24  }
0x184: {  	v23 =	vshll.u32 v58, $0x9  }
0x185: {  	[tilespmem:v20+s18+$0x0] =	vst.idx.msk $0xffff, v21;
	v20 =	vand.u32 $0x7000, v23  }
0x186: {  	s24 =	sadd.s32 $0x5, s22;
	v21 =	vld.idx.msk [tilespmem:v57+s12+$0x0], $0xffff;
	v20 =	vadd.s32 v24, v20  }
0x187: {  	v59 =	vor.u32 s24, v19;
	_ =	sdelay $0x1  }
0x188: {  	v60 =	vmov s24  }
0x189: {  	v23 =	vshll.u32 v60, $0x9  }
0x18a: {  	[tilespmem:v20+s18+$0x0] =	vst.idx.msk $0xffff, v21;
	v20 =	vand.u32 $0x7000, v23  }
0x18b: {  	s24 =	sadd.s32 $0x6, s22;
	v21 =	vld.idx.msk [tilespmem:v59+s12+$0x0], $0xffff;
	v20 =	vadd.s32 v25, v20  }
0x18c: {  	v61 =	vor.u32 s24, v19;
	_ =	sdelay $0x1  }
0x18d: {  	v62 =	vmov s24  }
0x18e: {  	v23 =	vshll.u32 v62, $0x9  }
0x18f: {  	[tilespmem:v20+s18+$0x0] =	vst.idx.msk $0xffff, v21;
	v20 =	vand.u32 $0x7000, v23  }
0x190: {  	s24 =	sadd.s32 $0x7, s22;
	v21 =	vld.idx.msk [tilespmem:v61+s12+$0x0], $0xffff;
	v20 =	vadd.s32 v26, v20  }
0x191: {  	v19 =	vor.u32 s24, v19;
	_ =	sdelay $0x1  }
0x192: {  	v63 =	vmov s24  }
0x193: {  	v22 =	vshll.u32 v63, $0x9  }
0x194: {  	[tilespmem:v20+s18+$0x0] =	vst.idx.msk $0xffff, v21;
	v20 =	vand.u32 $0x7000, v22  }
0x195: {  	v19 =	vld.idx.msk [tilespmem:v19+s12+$0x0], $0xffff;
	v20 =	vadd.s32 v27, v20;
	_ =	sdelay $0x4  }
0x196: {  	[tilespmem:v20+s18+$0x0] =	vst.idx.msk $0xffff, v19  }
.LBB2_8:
0x197: {  	v19 =	vld [tilespmem:s21+$0x20];
	_ =	sdelay $0x4  }
0x198: {  	v19 =	vshrl.u32 v19, $0x3  }
0x199: {  	v19 =	vshll.u32 v19, $0x7  }
0x19a: {  	(v2sf) =	vpush v19, $0x0;
	_ =	sdelay $0x1  }
0x19b: {  	(v2sf) =	vpush v19, $0x1;
	_ =	sdelay $0x4  }
0x19c: {  	(v2sf) =	vpush v19, $0x2;
	_ =	sdelay $0x3  }
0x19d: {  	(v2sf) =	vpush v19, $0x3;
	_ =	sdelay $0x3  }
0x19e: {  	s22 =	spop (v2sf);
	(v2sf) =	vpush v19, $0x4  }
0x19f: {  	s22 =	sand.u32 $0x1FFFFF80, s22  }
0x1a0: {  	s24 =	spop (v2sf);
	s23 =	sadd.s32 s3, s22;
	s22 =	simm.s32 $0x0  }
0x1a1: {  	[tilespmem:s12], [sflag:$0x2] =	stream.linear.gather [hbm4b:s23+s22], $0x400, $0x38;
	[tilespmem:$0x18200] =	vst v63  }
0x1a2: {  	(v2sf) =	vpush v19, $0x5;
	s23 =	sand.u32 $0x1FFFFF80, s24  }
0x1a3: {  	s24 =	simm.s32 $0x8600;
	s23 =	sadd.s32 s3, s23  }
0x1a4: {  	[tilespmem:s24], [sflag:$0x2] =	stream.linear.gather [hbm4b:s23+s22], $0x400, $0x38;
	[tilespmem:$0x18200] =	vst v63  }
0x1a5: {  	s24 =	spop (v2sf)  }
0x1a6: {  	(v2sf) =	vpush v19, $0x6;
	s23 =	sand.u32 $0x1FFFFF80, s24  }
0x1a7: {  	s24 =	simm.s32 $0x8A00;
	s23 =	sadd.s32 s3, s23  }
0x1a8: {  	[tilespmem:s24], [sflag:$0x2] =	stream.linear.gather [hbm4b:s23+s22], $0x400, $0x38;
	[tilespmem:$0x18200] =	vst v63  }
0x1a9: {  	s24 =	spop (v2sf)  }
0x1aa: {  	(v2sf) =	vpush v19, $0x7;
	s23 =	sand.u32 $0x1FFFFF80, s24  }
0x1ab: {  	s24 =	simm.s32 $0x8E00;
	s23 =	sadd.s32 s3, s23  }
0x1ac: {  	[tilespmem:s24], [sflag:$0x2] =	stream.linear.gather [hbm4b:s23+s22], $0x400, $0x38;
	[tilespmem:$0x18200] =	vst v63  }
0x1ad: {  	s24 =	spop (v2sf)  }
0x1ae: {  	(v2sf) =	vpush v19, $0x8;
	s23 =	sand.u32 $0x1FFFFF80, s24  }
0x1af: {  	s24 =	simm.s32 $0x9200;
	s23 =	sadd.s32 s3, s23  }
0x1b0: {  	[tilespmem:s24], [sflag:$0x2] =	stream.linear.gather [hbm4b:s23+s22], $0x400, $0x38;
	[tilespmem:$0x18200] =	vst v63  }
0x1b1: {  	s24 =	spop (v2sf)  }
0x1b2: {  	(v2sf) =	vpush v19, $0x9;
	s23 =	sand.u32 $0x1FFFFF80, s24  }
0x1b3: {  	s24 =	simm.s32 $0x9600;
	s23 =	sadd.s32 s3, s23  }
0x1b4: {  	[tilespmem:s24], [sflag:$0x2] =	stream.linear.gather [hbm4b:s23+s22], $0x400, $0x38;
	[tilespmem:$0x18200] =	vst v63  }
0x1b5: {  	s24 =	spop (v2sf)  }
0x1b6: {  	(v2sf) =	vpush v19, $0xA;
	s23 =	sand.u32 $0x1FFFFF80, s24  }
0x1b7: {  	s24 =	simm.s32 $0x9A00;
	s23 =	sadd.s32 s3, s23  }
0x1b8: {  	[tilespmem:s24], [sflag:$0x2] =	stream.linear.gather [hbm4b:s23+s22], $0x400, $0x38;
	[tilespmem:$0x18200] =	vst v63  }
0x1b9: {  	s24 =	spop (v2sf)  }
0x1ba: {  	(v2sf) =	vpush v19, $0xB;
	s23 =	sand.u32 $0x1FFFFF80, s24  }
0x1bb: {  	s24 =	simm.s32 $0x9E00;
	s23 =	sadd.s32 s3, s23  }
0x1bc: {  	[tilespmem:s24], [sflag:$0x2] =	stream.linear.gather [hbm4b:s23+s22], $0x400, $0x38;
	[tilespmem:$0x18200] =	vst v63  }
0x1bd: {  	s24 =	spop (v2sf)  }
0x1be: {  	(v2sf) =	vpush v19, $0xC;
	s23 =	sand.u32 $0x1FFFFF80, s24  }
0x1bf: {  	s24 =	simm.s32 $0xA200;
	s23 =	sadd.s32 s3, s23  }
0x1c0: {  	[tilespmem:s24], [sflag:$0x2] =	stream.linear.gather [hbm4b:s23+s22], $0x400, $0x38;
	[tilespmem:$0x18200] =	vst v63  }
0x1c1: {  	s24 =	spop (v2sf)  }
0x1c2: {  	(v2sf) =	vpush v19, $0xD;
	s23 =	sand.u32 $0x1FFFFF80, s24  }
0x1c3: {  	s24 =	simm.s32 $0xA600;
	s23 =	sadd.s32 s3, s23  }
0x1c4: {  	[tilespmem:s24], [sflag:$0x2] =	stream.linear.gather [hbm4b:s23+s22], $0x400, $0x38;
	[tilespmem:$0x18200] =	vst v63  }
0x1c5: {  	s24 =	spop (v2sf)  }
0x1c6: {  	(v2sf) =	vpush v19, $0xE;
	s23 =	sand.u32 $0x1FFFFF80, s24  }
0x1c7: {  	s24 =	simm.s32 $0xAA00;
	s23 =	sadd.s32 s3, s23  }
0x1c8: {  	[tilespmem:s24], [sflag:$0x2] =	stream.linear.gather [hbm4b:s23+s22], $0x400, $0x38;
	[tilespmem:$0x18200] =	vst v63  }
0x1c9: {  	s24 =	spop (v2sf)  }
0x1ca: {  	(v2sf) =	vpush v19, $0xF;
	s23 =	sand.u32 $0x1FFFFF80, s24  }
0x1cb: {  	s24 =	simm.s32 $0xAE00;
	s23 =	sadd.s32 s3, s23  }
0x1cc: {  	[tilespmem:s24], [sflag:$0x2] =	stream.linear.gather [hbm4b:s23+s22], $0x400, $0x38;
	[tilespmem:$0x18200] =	vst v63  }
0x1cd: {  	s24 =	spop (v2sf)  }
0x1ce: {  	s23 =	sand.u32 $0x1FFFFF80, s24  }
0x1cf: {  	s24 =	simm.s32 $0xB200;
	s23 =	sadd.s32 s3, s23  }
0x1d0: {  	[tilespmem:s24], [sflag:$0x2] =	stream.linear.gather [hbm4b:s23+s22], $0x400, $0x38;
	[tilespmem:$0x18200] =	vst v63  }
0x1d1: {  	s24 =	spop (v2sf)  }
0x1d2: {  	s23 =	sand.u32 $0x1FFFFF80, s24  }
0x1d3: {  	s23 =	sadd.s32 s3, s23  }
0x1d4: {  	[tilespmem:s25], [sflag:$0x2] =	stream.linear.gather [hbm4b:s23+s22], $0x400, $0x38;
	[tilespmem:$0x18200] =	vst v63  }
0x1d5: {  	s24 =	spop (v2sf)  }
0x1d6: {  	s23 =	sand.u32 $0x1FFFFF80, s24  }
0x1d7: {  	s23 =	sadd.s32 s3, s23  }
0x1d8: {  	[tilespmem:s26], [sflag:$0x2] =	stream.linear.gather [hbm4b:s23+s22], $0x400, $0x38;
	[tilespmem:$0x18200] =	vst v63  }
0x1d9: {  	s24 =	spop (v2sf)  }
0x1da: {  	s23 =	sand.u32 $0x1FFFFF80, s24  }
0x1db: {  	s23 =	sadd.s32 s3, s23  }
0x1dc: {  	[tilespmem:s28], [sflag:$0x2] =	stream.linear.gather [hbm4b:s23+s22], $0x400, $0x38;
	[tilespmem:$0x18200] =	vst v63  }
0x1dd: {  	v19 =	vld [tilespmem:s21+$0x30];
	_ =	sdelay $0x4  }
0x1de: {  	v19 =	vshrl.u32 v19, $0x3  }
0x1df: {  	v19 =	vshll.u32 v19, $0x7  }
0x1e0: {  	(v2sf) =	vpush v19, $0x0;
	_ =	sdelay $0x1  }
0x1e1: {  	(v2sf) =	vpush v19, $0x1;
	_ =	sdelay $0x2  }
0x1e2: {  	(v2sf) =	vpush v19, $0x2;
	_ =	sdelay $0x2  }
0x1e3: {  	(v2sf) =	vpush v19, $0x3;
	_ =	sdelay $0x6  }
0x1e4: {  	s24 =	spop (v2sf);
	(v2sf) =	vpush v19, $0x4;
	_ =	sdelay $0x1  }
0x1e5: {  	s23 =	sand.u32 $0x1FFFFF80, s24;
	s24 =	spop (v2sf);
	(v2sf) =	vpush v19, $0x5  }
0x1e6: {  	s23 =	sadd.s32 s3, s23  }
0x1e7: {  	[tilespmem:s29], [sflag:$0x2] =	stream.linear.gather [hbm4b:s23+s22], $0x400, $0x38;
	[tilespmem:$0x18200] =	vst v63  }
0x1e8: {  	s23 =	sand.u32 $0x1FFFFF80, s24;
	s24 =	spop (v2sf);
	(v2sf) =	vpush v19, $0x6  }
0x1e9: {  	s23 =	sadd.s32 s3, s23  }
0x1ea: {  	[tilespmem:s30], [sflag:$0x2] =	stream.linear.gather [hbm4b:s23+s22], $0x400, $0x38;
	[tilespmem:$0x18200] =	vst v63  }
0x1eb: {  	s23 =	sand.u32 $0x1FFFFF80, s24;
	s24 =	spop (v2sf);
	(v2sf) =	vpush v19, $0x7;
	_ =	sdelay $0x3  }
0x1ec: {  	s23 =	sadd.s32 s3, s23  }
0x1ed: {  	[tilespmem:s31], [sflag:$0x2] =	stream.linear.gather [hbm4b:s23+s22], $0x400, $0x38;
	[tilespmem:$0x18200] =	vst v63  }
0x1ee: {  	s23 =	sand.u32 $0x1FFFFF80, s24  }
0x1ef: {  	s23 =	sadd.s32 s3, s23;
	s24 =	spop (v2sf);
	(v2sf) =	vpush v19, $0x8  }
0x1f0: {  	[tilespmem:s0], [sflag:$0x2] =	stream.linear.gather [hbm4b:s23+s22], $0x400, $0x38;
	[tilespmem:$0x18200] =	vst v63  }
0x1f1: {  	s23 =	sand.u32 $0x1FFFFF80, s24;
	s24 =	spop (v2sf);
	(v2sf) =	vpush v19, $0x9  }
0x1f2: {  	s23 =	sadd.s32 s3, s23  }
0x1f3: {  	[tilespmem:s1], [sflag:$0x2] =	stream.linear.gather [hbm4b:s23+s22], $0x400, $0x38;
	[tilespmem:$0x18200] =	vst v63  }
0x1f4: {  	s23 =	sand.u32 $0x1FFFFF80, s24;
	s24 =	spop (v2sf);
	(v2sf) =	vpush v19, $0xA  }
0x1f5: {  	s23 =	sadd.s32 s3, s23  }
0x1f6: {  	[tilespmem:s4], [sflag:$0x2] =	stream.linear.gather [hbm4b:s23+s22], $0x400, $0x38;
	[tilespmem:$0x18200] =	vst v63  }
0x1f7: {  	s23 =	sand.u32 $0x1FFFFF80, s24;
	s24 =	spop (v2sf);
	(v2sf) =	vpush v19, $0xB;
	_ =	sdelay $0x3  }
0x1f8: {  	s23 =	sadd.s32 s3, s23  }
0x1f9: {  	[tilespmem:s5], [sflag:$0x2] =	stream.linear.gather [hbm4b:s23+s22], $0x400, $0x38;
	[tilespmem:$0x18200] =	vst v63  }
0x1fa: {  	s23 =	sand.u32 $0x1FFFFF80, s24  }
0x1fb: {  	s23 =	sadd.s32 s3, s23;
	s24 =	spop (v2sf);
	(v2sf) =	vpush v19, $0xC  }
0x1fc: {  	[tilespmem:s6], [sflag:$0x2] =	stream.linear.gather [hbm4b:s23+s22], $0x400, $0x38;
	[tilespmem:$0x18200] =	vst v63  }
0x1fd: {  	s23 =	sand.u32 $0x1FFFFF80, s24;
	s24 =	spop (v2sf);
	(v2sf) =	vpush v19, $0xD  }
0x1fe: {  	s23 =	sadd.s32 s3, s23  }
0x1ff: {  	[tilespmem:s7], [sflag:$0x2] =	stream.linear.gather [hbm4b:s23+s22], $0x400, $0x38;
	[tilespmem:$0x18200] =	vst v63  }
0x200: {  	s23 =	sand.u32 $0x1FFFFF80, s24;
	s24 =	spop (v2sf);
	(v2sf) =	vpush v19, $0xE  }
0x201: {  	s23 =	sadd.s32 s3, s23  }
0x202: {  	[tilespmem:s9], [sflag:$0x2] =	stream.linear.gather [hbm4b:s23+s22], $0x400, $0x38;
	[tilespmem:$0x18200] =	vst v63  }
0x203: {  	s23 =	sand.u32 $0x1FFFFF80, s24;
	s24 =	spop (v2sf);
	(v2sf) =	vpush v19, $0xF;
	_ =	sdelay $0x1  }
0x204: {  	s23 =	sadd.s32 s3, s23  }
0x205: {  	[tilespmem:s10], [sflag:$0x2] =	stream.linear.gather [hbm4b:s23+s22], $0x400, $0x38;
	[tilespmem:$0x18200] =	vst v63  }
0x206: {  	s23 =	sand.u32 $0x1FFFFF80, s24  }
0x207: {  	s23 =	sadd.s32 s3, s23  }
0x208: {  	[tilespmem:s11], [sflag:$0x2] =	stream.linear.gather [hbm4b:s23+s22], $0x400, $0x38;
	[tilespmem:$0x18200] =	vst v63  }
0x209: {  	s24 =	spop (v2sf)  }
0x20a: {  	s23 =	sand.u32 $0x1FFFFF80, s24  }
0x20b: {  	s24 =	spop (v2sf);
	s23 =	sadd.s32 s3, s23  }
0x20c: {  	[tilespmem:s13], [sflag:$0x2] =	stream.linear.gather [hbm4b:s23+s22], $0x400, $0x38;
	[tilespmem:$0x18200] =	vst v63  }
0x20d: {  	s23 =	sand.u32 $0x1FFFFF80, s24  }
0x20e: {  	s24 =	spop (v2sf);
	s23 =	sadd.s32 s3, s23  }
0x20f: {  	[tilespmem:s14], [sflag:$0x2] =	stream.linear.gather [hbm4b:s23+s22], $0x400, $0x38;
	[tilespmem:$0x18200] =	vst v63  }
0x210: {  	s23 =	sand.u32 $0x1FFFFF80, s24  }
0x211: {  	s24 =	spop (v2sf);
	s23 =	sadd.s32 s3, s23  }
0x212: {  	[tilespmem:s15], [sflag:$0x2] =	stream.linear.gather [hbm4b:s23+s22], $0x400, $0x38;
	[tilespmem:$0x18200] =	vst v63  }
0x213: {  	s23 =	sand.u32 $0x1FFFFF80, s24  }
0x214: {  	s23 =	sadd.s32 s3, s23  }
0x215: {  	[tilespmem:s16], [sflag:$0x2] =	stream.linear.gather [hbm4b:s23+s22], $0x400, $0x38;
	[tilespmem:$0x18200] =	vst v63  }
0x216: {  	_ =	swait.ge [sflag:s17], $0x8000  }
0x217: {  	[sflag:s17] =	ssyncset.done $0x0  }
0x218: {  	[sflag:s17] =	ssyncadd.s32 $0xFFFF8000  }
0x219: {  	v19 =	vld [tilespmem:s21+$0x0];
	_ =	sdelay $0x4  }
0x21a: {  	v20 =	vshra.s32 v19, $0x1F  }
0x21b: {  	v20 =	vshrl.u32 v20, $0x1D  }
0x21c: {  	v20 =	vadd.s32 v20, v19  }
0x21d: {  	v20 =	vand.u32 $0xFFFFFFF8, v20  }
0x21e: {  	v19 =	vsub.s32 v19, v20  }
0x21f: {  	v19 =	vshll.u32 v19, $0x7  }
0x220: {  	v19 =	vadd.s32 v1, v19  }
0x221: {  	v21 =	vor.u32 s22, v19  }
0x222: {  	v20 =	vmov s21  }
0x223: {  	v22 =	vor.u32 s21, v0;
	v20 =	vshll.u32 v20, $0x3  }
0x224: {  	v22 =	vand.u32 $0x4F, v22;
	v23 =	vmov s22;
	v20 =	vand.u32 $0xC00, v20  }
0x225: {  	v20 =	vor.u32 v20, v22;
	v22 =	vshll.u32 v23, $0x9  }
0x226: {  	s24 =	simm.s32 $0x1;
	v22 =	vor.u32 v20, v22;
	v23 =	vld.idx.msk [tilespmem:v21+s8+$0x0], $0xffff  }
0x227: {  	v24 =	vor.u32 s24, v19;
	_ =	sdelay $0x1  }
0x228: {  	v21 =	vmov s24  }
0x229: {  	v25 =	vshll.u32 v21, $0x9  }
0x22a: {  	v21 =	vor.u32 $0x80, v20;
	[tilespmem:v22+s18+$0x0] =	vst.idx.msk $0xffff, v23;
	v22 =	vand.u32 $0x7000, v25  }
0x22b: {  	s23 =	simm.s32 $0x2;
	v23 =	vld.idx.msk [tilespmem:v24+s8+$0x0], $0xffff;
	v24 =	vor.u32 v22, v21  }
0x22c: {  	v25 =	vor.u32 s23, v19;
	_ =	sdelay $0x1  }
0x22d: {  	v22 =	vmov s23  }
0x22e: {  	v26 =	vshll.u32 v22, $0x9  }
0x22f: {  	v22 =	vor.u32 $0x100, v20;
	[tilespmem:v24+s18+$0x0] =	vst.idx.msk $0xffff, v23;
	v23 =	vand.u32 $0x7000, v26  }
0x230: {  	s24 =	simm.s32 $0x3;
	v24 =	vld.idx.msk [tilespmem:v25+s8+$0x0], $0xffff;
	v25 =	vor.u32 v23, v22  }
0x231: {  	v26 =	vor.u32 s24, v19;
	_ =	sdelay $0x1  }
0x232: {  	v23 =	vmov s24  }
0x233: {  	v27 =	vshll.u32 v23, $0x9  }
0x234: {  	v23 =	vor.u32 $0x180, v20;
	[tilespmem:v25+s18+$0x0] =	vst.idx.msk $0xffff, v24;
	v24 =	vand.u32 $0x7000, v27  }
0x235: {  	s23 =	simm.s32 $0x4;
	v25 =	vld.idx.msk [tilespmem:v26+s8+$0x0], $0xffff;
	v26 =	vor.u32 v24, v23  }
0x236: {  	v27 =	vor.u32 s23, v19;
	_ =	sdelay $0x1  }
0x237: {  	v24 =	vmov s23  }
0x238: {  	v28 =	vshll.u32 v24, $0x9  }
0x239: {  	v24 =	vor.u32 $0x200, v20;
	[tilespmem:v26+s18+$0x0] =	vst.idx.msk $0xffff, v25;
	v25 =	vand.u32 $0x7000, v28  }
0x23a: {  	s24 =	simm.s32 $0x5;
	v26 =	vld.idx.msk [tilespmem:v27+s8+$0x0], $0xffff;
	v27 =	vor.u32 v25, v24  }
0x23b: {  	v28 =	vor.u32 s24, v19;
	_ =	sdelay $0x1  }
0x23c: {  	v25 =	vmov s24  }
0x23d: {  	v29 =	vshll.u32 v25, $0x9  }
0x23e: {  	v25 =	vor.u32 $0x280, v20;
	[tilespmem:v27+s18+$0x0] =	vst.idx.msk $0xffff, v26;
	v26 =	vand.u32 $0x7000, v29  }
0x23f: {  	s23 =	simm.s32 $0x6;
	v27 =	vld.idx.msk [tilespmem:v28+s8+$0x0], $0xffff;
	v28 =	vor.u32 v26, v25  }
0x240: {  	v29 =	vor.u32 s23, v19;
	_ =	sdelay $0x1  }
0x241: {  	v26 =	vmov s23  }
0x242: {  	v30 =	vshll.u32 v26, $0x9  }
0x243: {  	v26 =	vor.u32 $0x300, v20;
	[tilespmem:v28+s18+$0x0] =	vst.idx.msk $0xffff, v27;
	v27 =	vand.u32 $0x7000, v30  }
0x244: {  	s24 =	simm.s32 $0x7;
	v28 =	vld.idx.msk [tilespmem:v29+s8+$0x0], $0xffff;
	v29 =	vor.u32 v27, v26  }
0x245: {  	v30 =	vor.u32 s24, v19;
	_ =	sdelay $0x1  }
0x246: {  	v27 =	vmov s24  }
0x247: {  	v31 =	vshll.u32 v27, $0x9  }
0x248: {  	v27 =	vor.u32 $0x380, v20;
	[tilespmem:v29+s18+$0x0] =	vst.idx.msk $0xffff, v28;
	v29 =	vand.u32 $0x7000, v31  }
0x249: {  	s22 =	simm.s32 $0x8;
	v28 =	vld.idx.msk [tilespmem:v30+s8+$0x0], $0xffff;
	v30 =	vor.u32 v29, v27  }
0x24a: {  	s21 =	sor.u32 $0x10, s21;
	s23 =	simm.s32 $0x10;
	v29 =	vor.u32 s22, v19  }
.LBB2_9:
0x24b: {  	p0 =	slt.u32 s23, $0x38;
	_ =	sdelay $0x2  }
0x24c: {  	v31 =	vmov s22;
	[tilespmem:v30+s18+$0x0] =	vst.idx.msk $0xffff, v28  }
0x24d: {  	v28 =	vld.idx.msk [tilespmem:v29+s8+$0x0], $0xffff;
	v29 =	vshll.u32 v31, $0x9  }
0x24e: {  	s24 =	sadd.s32 $0x1, s22;
	v29 =	vor.u32 v20, v29  }
0x24f: {  	v30 =	vor.u32 s24, v19;
	_ =	sdelay $0x2  }
0x250: {  	v31 =	vmov s24  }
0x251: {  	[tilespmem:v29+s18+$0x0] =	vst.idx.msk $0xffff, v28;
	v28 =	vshll.u32 v31, $0x9  }
0x252: {  	v29 =	vld.idx.msk [tilespmem:v30+s8+$0x0], $0xffff;
	v28 =	vand.u32 $0x7000, v28  }
0x253: {  	s24 =	sadd.s32 $0x2, s22;
	v28 =	vor.u32 v28, v21  }
0x254: {  	v30 =	vor.u32 s24, v19;
	_ =	sdelay $0x2  }
0x255: {  	v31 =	vmov s24  }
0x256: {  	[tilespmem:v28+s18+$0x0] =	vst.idx.msk $0xffff, v29;
	v28 =	vshll.u32 v31, $0x9  }
0x257: {  	v29 =	vld.idx.msk [tilespmem:v30+s8+$0x0], $0xffff;
	v28 =	vand.u32 $0x7000, v28  }
0x258: {  	s24 =	sadd.s32 $0x3, s22;
	v28 =	vor.u32 v28, v22  }
0x259: {  	v30 =	vor.u32 s24, v19;
	_ =	sdelay $0x2  }
0x25a: {  	v31 =	vmov s24  }
0x25b: {  	[tilespmem:v28+s18+$0x0] =	vst.idx.msk $0xffff, v29;
	v28 =	vshll.u32 v31, $0x9  }
0x25c: {  	v29 =	vld.idx.msk [tilespmem:v30+s8+$0x0], $0xffff;
	v28 =	vand.u32 $0x7000, v28  }
0x25d: {  	s24 =	sadd.s32 $0x4, s22;
	v28 =	vor.u32 v28, v23  }
0x25e: {  	v30 =	vor.u32 s24, v19;
	_ =	sdelay $0x2  }
0x25f: {  	v31 =	vmov s24  }
0x260: {  	[tilespmem:v28+s18+$0x0] =	vst.idx.msk $0xffff, v29;
	v28 =	vshll.u32 v31, $0x9  }
0x261: {  	v29 =	vld.idx.msk [tilespmem:v30+s8+$0x0], $0xffff;
	v28 =	vand.u32 $0x7000, v28  }
0x262: {  	s24 =	sadd.s32 $0x5, s22;
	v28 =	vor.u32 v28, v24  }
0x263: {  	v30 =	vor.u32 s24, v19;
	_ =	sdelay $0x2  }
0x264: {  	v31 =	vmov s24  }
0x265: {  	[tilespmem:v28+s18+$0x0] =	vst.idx.msk $0xffff, v29;
	v28 =	vshll.u32 v31, $0x9  }
0x266: {  	v29 =	vld.idx.msk [tilespmem:v30+s8+$0x0], $0xffff;
	v28 =	vand.u32 $0x7000, v28  }
0x267: {  	s24 =	sadd.s32 $0x6, s22;
	v28 =	vor.u32 v28, v25  }
0x268: {  	v30 =	vor.u32 s24, v19;
	_ =	sdelay $0x2  }
0x269: {  	v31 =	vmov s24  }
0x26a: {  	[tilespmem:v28+s18+$0x0] =	vst.idx.msk $0xffff, v29;
	v28 =	vshll.u32 v31, $0x9  }
0x26b: {  	v29 =	vld.idx.msk [tilespmem:v30+s8+$0x0], $0xffff;
	v28 =	vand.u32 $0x7000, v28  }
0x26c: {  	s24 =	sadd.s32 $0x7, s22;
	s22 =	smov.u32 s23;
	v28 =	vor.u32 v28, v26  }
0x26d: {  	v30 =	vor.u32 s24, v19;
	_ =	sdelay $0x2  }
.Ltmp3:
0x26e: {  	v31 =	vmov s24;
	(pc) =	sbr.rel @p0 .LBB2_9-.Ltmp3, $4  }
0x26f: {  	[tilespmem:v28+s18+$0x0] =	vst.idx.msk $0xffff, v29;
	v29 =	vshll.u32 v31, $0x9  }
0x270: {  	v28 =	vld.idx.msk [tilespmem:v30+s8+$0x0], $0xffff;
	v29 =	vand.u32 $0x7000, v29  }
0x271: {  	v30 =	vor.u32 v29, v27  }
0x272: {  	s23 =	sadd.s32 $0x8, s23;
	v29 =	vor.u32 s22, v19  }
0x273: {  	_ =	sdelay $0x2  }
0x274: {  	v31 =	vmov s22  }
0x275: {  	[tilespmem:v30+s18+$0x0] =	vst.idx.msk $0xffff, v28;
	v28 =	vshll.u32 v31, $0x9  }
0x276: {  	s23 =	sadd.s32 $0x1, s22;
	v29 =	vld.idx.msk [tilespmem:v29+s8+$0x0], $0xffff;
	v20 =	vor.u32 v20, v28  }
0x277: {  	v28 =	vor.u32 s23, v19;
	_ =	sdelay $0x1  }
0x278: {  	v30 =	vmov s23  }
0x279: {  	v30 =	vshll.u32 v30, $0x9  }
0x27a: {  	[tilespmem:v20+s18+$0x0] =	vst.idx.msk $0xffff, v29;
	v20 =	vand.u32 $0x7000, v30  }
0x27b: {  	s24 =	sadd.s32 $0x2, s22;
	v28 =	vld.idx.msk [tilespmem:v28+s8+$0x0], $0xffff;
	v20 =	vor.u32 v20, v21  }
0x27c: {  	v21 =	vor.u32 s24, v19;
	_ =	sdelay $0x1  }
0x27d: {  	v29 =	vmov s24  }
0x27e: {  	v29 =	vshll.u32 v29, $0x9  }
0x27f: {  	[tilespmem:v20+s18+$0x0] =	vst.idx.msk $0xffff, v28;
	v20 =	vand.u32 $0x7000, v29  }
0x280: {  	s24 =	sadd.s32 $0x3, s22;
	v21 =	vld.idx.msk [tilespmem:v21+s8+$0x0], $0xffff;
	v20 =	vor.u32 v20, v22  }
0x281: {  	v22 =	vor.u32 s24, v19;
	_ =	sdelay $0x1  }
0x282: {  	v28 =	vmov s24  }
0x283: {  	v28 =	vshll.u32 v28, $0x9  }
0x284: {  	[tilespmem:v20+s18+$0x0] =	vst.idx.msk $0xffff, v21;
	v20 =	vand.u32 $0x7000, v28  }
0x285: {  	s24 =	sadd.s32 $0x4, s22;
	v21 =	vld.idx.msk [tilespmem:v22+s8+$0x0], $0xffff;
	v20 =	vor.u32 v20, v23  }
0x286: {  	v22 =	vor.u32 s24, v19;
	_ =	sdelay $0x1  }
0x287: {  	v23 =	vmov s24  }
0x288: {  	v23 =	vshll.u32 v23, $0x9  }
0x289: {  	[tilespmem:v20+s18+$0x0] =	vst.idx.msk $0xffff, v21;
	v20 =	vand.u32 $0x7000, v23  }
0x28a: {  	s24 =	sadd.s32 $0x5, s22;
	v21 =	vld.idx.msk [tilespmem:v22+s8+$0x0], $0xffff;
	v20 =	vor.u32 v20, v24  }
0x28b: {  	v22 =	vor.u32 s24, v19;
	_ =	sdelay $0x1  }
0x28c: {  	v23 =	vmov s24  }
0x28d: {  	v23 =	vshll.u32 v23, $0x9  }
0x28e: {  	[tilespmem:v20+s18+$0x0] =	vst.idx.msk $0xffff, v21;
	v20 =	vand.u32 $0x7000, v23  }
0x28f: {  	s24 =	sadd.s32 $0x6, s22;
	v21 =	vld.idx.msk [tilespmem:v22+s8+$0x0], $0xffff;
	v20 =	vor.u32 v20, v25  }
0x290: {  	v22 =	vor.u32 s24, v19;
	_ =	sdelay $0x1  }
0x291: {  	v23 =	vmov s24  }
0x292: {  	v23 =	vshll.u32 v23, $0x9  }
0x293: {  	[tilespmem:v20+s18+$0x0] =	vst.idx.msk $0xffff, v21;
	v20 =	vand.u32 $0x7000, v23  }
0x294: {  	s24 =	sadd.s32 $0x7, s22;
	v21 =	vld.idx.msk [tilespmem:v22+s8+$0x0], $0xffff;
	v20 =	vor.u32 v20, v26  }
0x295: {  	v19 =	vor.u32 s24, v19;
	_ =	sdelay $0x1  }
0x296: {  	v22 =	vmov s24  }
0x297: {  	v22 =	vshll.u32 v22, $0x9  }
0x298: {  	[tilespmem:v20+s18+$0x0] =	vst.idx.msk $0xffff, v21;
	v20 =	vand.u32 $0x7000, v22  }
0x299: {  	v19 =	vld.idx.msk [tilespmem:v19+s8+$0x0], $0xffff;
	v20 =	vor.u32 v20, v27;
	_ =	sdelay $0x4  }
0x29a: {  	[tilespmem:v20+s18+$0x0] =	vst.idx.msk $0xffff, v19  }
0x29b: {  	v19 =	vld [tilespmem:s21+$0x0];
	_ =	sdelay $0x4  }
0x29c: {  	v20 =	vshra.s32 v19, $0x1F  }
0x29d: {  	v20 =	vshrl.u32 v20, $0x1D  }
0x29e: {  	v20 =	vadd.s32 v20, v19  }
0x29f: {  	v20 =	vshrl.u32 v20, $0x3  }
0x2a0: {  	v20 =	vshll.u32 v20, $0x3  }
0x2a1: {  	v19 =	vsub.s32 v19, v20  }
0x2a2: {  	v19 =	vshll.u32 v19, $0x7  }
0x2a3: {  	s23 =	simm.s32 $0x0;
	v19 =	vadd.s32 v2, v19  }
0x2a4: {  	v21 =	vor.u32 s23, v19  }
0x2a5: {  	v20 =	vmov s21  }
0x2a6: {  	v22 =	vor.u32 s21, v0;
	v20 =	vshll.u32 v20, $0x3  }
0x2a7: {  	v23 =	vmov s23;
	v22 =	vand.u32 $0x5F, v22;
	v20 =	vand.u32 $0xC00, v20  }
0x2a8: {  	v20 =	vor.u32 v20, v22;
	v22 =	vshll.u32 v23, $0x9  }
0x2a9: {  	s24 =	simm.s32 $0x1;
	v22 =	vor.u32 v20, v22;
	v23 =	vld.idx.msk [tilespmem:v21+s8+$0x0], $0xffff  }
0x2aa: {  	v24 =	vor.u32 s24, v19;
	_ =	sdelay $0x1  }
0x2ab: {  	v21 =	vmov s24  }
0x2ac: {  	v25 =	vshll.u32 v21, $0x9  }
0x2ad: {  	v21 =	vor.u32 $0x80, v20;
	[tilespmem:v22+s18+$0x0] =	vst.idx.msk $0xffff, v23;
	v22 =	vand.u32 $0x7000, v25  }
0x2ae: {  	s22 =	simm.s32 $0x2;
	v23 =	vld.idx.msk [tilespmem:v24+s8+$0x0], $0xffff;
	v24 =	vor.u32 v22, v21  }
0x2af: {  	v25 =	vor.u32 s22, v19;
	_ =	sdelay $0x1  }
0x2b0: {  	v22 =	vmov s22  }
0x2b1: {  	v26 =	vshll.u32 v22, $0x9  }
0x2b2: {  	v22 =	vor.u32 $0x100, v20;
	[tilespmem:v24+s18+$0x0] =	vst.idx.msk $0xffff, v23;
	v23 =	vand.u32 $0x7000, v26  }
0x2b3: {  	s23 =	simm.s32 $0x3;
	v24 =	vld.idx.msk [tilespmem:v25+s8+$0x0], $0xffff;
	v25 =	vor.u32 v23, v22  }
0x2b4: {  	v26 =	vor.u32 s23, v19;
	_ =	sdelay $0x1  }
0x2b5: {  	v23 =	vmov s23  }
0x2b6: {  	v27 =	vshll.u32 v23, $0x9  }
0x2b7: {  	v23 =	vor.u32 $0x180, v20;
	[tilespmem:v25+s18+$0x0] =	vst.idx.msk $0xffff, v24;
	v24 =	vand.u32 $0x7000, v27  }
0x2b8: {  	s24 =	simm.s32 $0x4;
	v25 =	vld.idx.msk [tilespmem:v26+s8+$0x0], $0xffff;
	v26 =	vor.u32 v24, v23  }
0x2b9: {  	v27 =	vor.u32 s24, v19;
	_ =	sdelay $0x1  }
0x2ba: {  	v24 =	vmov s24  }
0x2bb: {  	v28 =	vshll.u32 v24, $0x9  }
0x2bc: {  	v24 =	vor.u32 $0x200, v20;
	[tilespmem:v26+s18+$0x0] =	vst.idx.msk $0xffff, v25;
	v25 =	vand.u32 $0x7000, v28  }
0x2bd: {  	s22 =	simm.s32 $0x5;
	v26 =	vld.idx.msk [tilespmem:v27+s8+$0x0], $0xffff;
	v27 =	vor.u32 v25, v24  }
0x2be: {  	v28 =	vor.u32 s22, v19;
	_ =	sdelay $0x1  }
0x2bf: {  	v25 =	vmov s22  }
0x2c0: {  	v29 =	vshll.u32 v25, $0x9  }
0x2c1: {  	v25 =	vor.u32 $0x280, v20;
	[tilespmem:v27+s18+$0x0] =	vst.idx.msk $0xffff, v26;
	v26 =	vand.u32 $0x7000, v29  }
0x2c2: {  	s23 =	simm.s32 $0x6;
	v27 =	vld.idx.msk [tilespmem:v28+s8+$0x0], $0xffff;
	v28 =	vor.u32 v26, v25  }
0x2c3: {  	v29 =	vor.u32 s23, v19;
	_ =	sdelay $0x1  }
0x2c4: {  	v26 =	vmov s23  }
0x2c5: {  	v30 =	vshll.u32 v26, $0x9  }
0x2c6: {  	v26 =	vor.u32 $0x300, v20;
	[tilespmem:v28+s18+$0x0] =	vst.idx.msk $0xffff, v27;
	v27 =	vand.u32 $0x7000, v30  }
0x2c7: {  	s24 =	simm.s32 $0x7;
	v28 =	vld.idx.msk [tilespmem:v29+s8+$0x0], $0xffff;
	v29 =	vor.u32 v27, v26  }
0x2c8: {  	v30 =	vor.u32 s24, v19;
	_ =	sdelay $0x1  }
0x2c9: {  	v27 =	vmov s24  }
0x2ca: {  	v31 =	vshll.u32 v27, $0x9  }
0x2cb: {  	v27 =	vor.u32 $0x380, v20;
	[tilespmem:v29+s18+$0x0] =	vst.idx.msk $0xffff, v28;
	v29 =	vand.u32 $0x7000, v31  }
0x2cc: {  	s21 =	simm.s32 $0x8;
	v28 =	vld.idx.msk [tilespmem:v30+s8+$0x0], $0xffff;
	v30 =	vor.u32 v29, v27  }
0x2cd: {  	s22 =	simm.s32 $0x10;
	v29 =	vor.u32 s21, v19  }
.LBB2_11:
0x2ce: {  	p0 =	slt.u32 s22, $0x38;
	_ =	sdelay $0x2  }
0x2cf: {  	v31 =	vmov s21;
	[tilespmem:v30+s18+$0x0] =	vst.idx.msk $0xffff, v28  }
0x2d0: {  	v28 =	vld.idx.msk [tilespmem:v29+s8+$0x0], $0xffff;
	v29 =	vshll.u32 v31, $0x9  }
0x2d1: {  	s23 =	sadd.s32 $0x1, s21;
	v29 =	vor.u32 v20, v29  }
0x2d2: {  	v30 =	vor.u32 s23, v19;
	_ =	sdelay $0x2  }
0x2d3: {  	v31 =	vmov s23  }
0x2d4: {  	[tilespmem:v29+s18+$0x0] =	vst.idx.msk $0xffff, v28;
	v28 =	vshll.u32 v31, $0x9  }
0x2d5: {  	v29 =	vld.idx.msk [tilespmem:v30+s8+$0x0], $0xffff;
	v28 =	vand.u32 $0x7000, v28  }
0x2d6: {  	s23 =	sadd.s32 $0x2, s21;
	v28 =	vor.u32 v28, v21  }
0x2d7: {  	v30 =	vor.u32 s23, v19;
	_ =	sdelay $0x2  }
0x2d8: {  	v31 =	vmov s23  }
0x2d9: {  	[tilespmem:v28+s18+$0x0] =	vst.idx.msk $0xffff, v29;
	v28 =	vshll.u32 v31, $0x9  }
0x2da: {  	v29 =	vld.idx.msk [tilespmem:v30+s8+$0x0], $0xffff;
	v28 =	vand.u32 $0x7000, v28  }
0x2db: {  	s23 =	sadd.s32 $0x3, s21;
	v28 =	vor.u32 v28, v22  }
0x2dc: {  	v30 =	vor.u32 s23, v19;
	_ =	sdelay $0x2  }
0x2dd: {  	v31 =	vmov s23  }
0x2de: {  	[tilespmem:v28+s18+$0x0] =	vst.idx.msk $0xffff, v29;
	v28 =	vshll.u32 v31, $0x9  }
0x2df: {  	v29 =	vld.idx.msk [tilespmem:v30+s8+$0x0], $0xffff;
	v28 =	vand.u32 $0x7000, v28  }
0x2e0: {  	s23 =	sadd.s32 $0x4, s21;
	v28 =	vor.u32 v28, v23  }
0x2e1: {  	v30 =	vor.u32 s23, v19;
	_ =	sdelay $0x2  }
0x2e2: {  	v31 =	vmov s23  }
0x2e3: {  	[tilespmem:v28+s18+$0x0] =	vst.idx.msk $0xffff, v29;
	v28 =	vshll.u32 v31, $0x9  }
0x2e4: {  	v29 =	vld.idx.msk [tilespmem:v30+s8+$0x0], $0xffff;
	v28 =	vand.u32 $0x7000, v28  }
0x2e5: {  	s23 =	sadd.s32 $0x5, s21;
	v28 =	vor.u32 v28, v24  }
0x2e6: {  	v30 =	vor.u32 s23, v19;
	_ =	sdelay $0x2  }
0x2e7: {  	v31 =	vmov s23  }
0x2e8: {  	[tilespmem:v28+s18+$0x0] =	vst.idx.msk $0xffff, v29;
	v28 =	vshll.u32 v31, $0x9  }
0x2e9: {  	v29 =	vld.idx.msk [tilespmem:v30+s8+$0x0], $0xffff;
	v28 =	vand.u32 $0x7000, v28  }
0x2ea: {  	s23 =	sadd.s32 $0x6, s21;
	v28 =	vor.u32 v28, v25  }
0x2eb: {  	v30 =	vor.u32 s23, v19;
	_ =	sdelay $0x2  }
0x2ec: {  	v31 =	vmov s23  }
0x2ed: {  	[tilespmem:v28+s18+$0x0] =	vst.idx.msk $0xffff, v29;
	v28 =	vshll.u32 v31, $0x9  }
0x2ee: {  	v29 =	vld.idx.msk [tilespmem:v30+s8+$0x0], $0xffff;
	v28 =	vand.u32 $0x7000, v28  }
0x2ef: {  	s23 =	sadd.s32 $0x7, s21;
	s21 =	smov.u32 s22;
	v28 =	vor.u32 v28, v26  }
0x2f0: {  	v30 =	vor.u32 s23, v19;
	_ =	sdelay $0x2  }
.Ltmp4:
0x2f1: {  	v31 =	vmov s23;
	(pc) =	sbr.rel @p0 .LBB2_11-.Ltmp4, $4  }
0x2f2: {  	[tilespmem:v28+s18+$0x0] =	vst.idx.msk $0xffff, v29;
	v29 =	vshll.u32 v31, $0x9  }
0x2f3: {  	v28 =	vld.idx.msk [tilespmem:v30+s8+$0x0], $0xffff;
	v29 =	vand.u32 $0x7000, v29  }
0x2f4: {  	v30 =	vor.u32 v29, v27  }
0x2f5: {  	s22 =	sadd.s32 $0x8, s22;
	v29 =	vor.u32 s21, v19  }
0x2f6: {  	_ =	sdelay $0x2  }
0x2f7: {  	v31 =	vmov s21  }
0x2f8: {  	v50 =	vshll.u32 v31, $0x9;
	[tilespmem:v30+s18+$0x0] =	vst.idx.msk $0xffff, v28  }
0x2f9: {  	s22 =	sadd.s32 $0x1, s21;
	v20 =	vor.u32 v20, v50;
	v29 =	vld.idx.msk [tilespmem:v29+s8+$0x0], $0xffff  }
0x2fa: {  	v51 =	vor.u32 s22, v19;
	_ =	sdelay $0x1  }
0x2fb: {  	v52 =	vmov s22  }
0x2fc: {  	v30 =	vshll.u32 v52, $0x9  }
0x2fd: {  	[tilespmem:v20+s18+$0x0] =	vst.idx.msk $0xffff, v29;
	v20 =	vand.u32 $0x7000, v30  }
0x2fe: {  	s23 =	sadd.s32 $0x2, s21;
	v28 =	vld.idx.msk [tilespmem:v51+s8+$0x0], $0xffff;
	v20 =	vor.u32 v20, v21  }
0x2ff: {  	v53 =	vor.u32 s23, v19;
	_ =	sdelay $0x1  }
0x300: {  	v54 =	vmov s23  }
0x301: {  	v29 =	vshll.u32 v54, $0x9  }
0x302: {  	[tilespmem:v20+s18+$0x0] =	vst.idx.msk $0xffff, v28;
	v20 =	vand.u32 $0x7000, v29  }
0x303: {  	s24 =	sadd.s32 $0x3, s21;
	v21 =	vld.idx.msk [tilespmem:v53+s8+$0x0], $0xffff;
	v20 =	vor.u32 v20, v22  }
0x304: {  	v55 =	vor.u32 s24, v19;
	_ =	sdelay $0x1  }
0x305: {  	v56 =	vmov s24  }
0x306: {  	v28 =	vshll.u32 v56, $0x9  }
0x307: {  	[tilespmem:v20+s18+$0x0] =	vst.idx.msk $0xffff, v21;
	v20 =	vand.u32 $0x7000, v28  }
0x308: {  	s23 =	sadd.s32 $0x4, s21;
	v21 =	vld.idx.msk [tilespmem:v55+s8+$0x0], $0xffff;
	v20 =	vor.u32 v20, v23  }
0x309: {  	v57 =	vor.u32 s23, v19;
	_ =	sdelay $0x1  }
0x30a: {  	v58 =	vmov s23  }
0x30b: {  	v23 =	vshll.u32 v58, $0x9  }
0x30c: {  	[tilespmem:v20+s18+$0x0] =	vst.idx.msk $0xffff, v21;
	v20 =	vand.u32 $0x7000, v23  }
0x30d: {  	s24 =	sadd.s32 $0x5, s21;
	v21 =	vld.idx.msk [tilespmem:v57+s8+$0x0], $0xffff;
	v20 =	vor.u32 v20, v24  }
0x30e: {  	v59 =	vor.u32 s24, v19;
	_ =	sdelay $0x1  }
0x30f: {  	v60 =	vmov s24  }
0x310: {  	v23 =	vshll.u32 v60, $0x9  }
0x311: {  	[tilespmem:v20+s18+$0x0] =	vst.idx.msk $0xffff, v21;
	v20 =	vand.u32 $0x7000, v23  }
0x312: {  	s23 =	sadd.s32 $0x6, s21;
	v21 =	vld.idx.msk [tilespmem:v59+s8+$0x0], $0xffff;
	v20 =	vor.u32 v20, v25  }
0x313: {  	v61 =	vor.u32 s23, v19;
	_ =	sdelay $0x1  }
0x314: {  	v62 =	vmov s23  }
0x315: {  	v23 =	vshll.u32 v62, $0x9  }
0x316: {  	[tilespmem:v20+s18+$0x0] =	vst.idx.msk $0xffff, v21;
	v20 =	vand.u32 $0x7000, v23  }
0x317: {  	s24 =	sadd.s32 $0x7, s21;
	v21 =	vld.idx.msk [tilespmem:v61+s8+$0x0], $0xffff;
	v20 =	vor.u32 v20, v26  }
0x318: {  	v19 =	vor.u32 s24, v19;
	_ =	sdelay $0x1  }
0x319: {  	v63 =	vmov s24  }
0x31a: {  	v22 =	vshll.u32 v63, $0x9  }
0x31b: {  	s20 =	sadd.s32 $0x1, s20;
	[tilespmem:v20+s18+$0x0] =	vst.idx.msk $0xffff, v21;
	v20 =	vand.u32 $0x7000, v22  }
0x31c: {  	p0 =	sne.s32 s20, $0x8;
	v19 =	vld.idx.msk [tilespmem:v19+s8+$0x0], $0xffff;
	v20 =	vor.u32 v20, v27  }
.Ltmp5:
0x31d: {  	_ = 	snop;
	(pc) =	sbr.rel @p0 .LBB2_2-.Ltmp5, $2  }
0x31e: {  	_ =	sdelay $0x2  }
0x31f: {  	[tilespmem:v20+s18+$0x0] =	vst.idx.msk $0xffff, v19  }
0x320: {  	_ =	swait.ge [sflag:s19], $0x8000  }
0x321: {  	[sflag:s19] =	ssyncset.done $0x0  }
0x322: {  	[sflag:s19] =	ssyncadd.s32 $0xFFFF8000  }
0x323: {  	v19 =	vld [tilespmem:$0x1E0];
	_ =	sdelay $0x4  }
0x324: {  	v20 =	vshra.s32 v19, $0x1F  }
0x325: {  	v20 =	vshrl.u32 v20, $0x1D  }
0x326: {  	v20 =	vadd.s32 v20, v19  }
0x327: {  	v20 =	vshrl.u32 v20, $0x3  }
0x328: {  	v20 =	vshll.u32 v20, $0x3  }
0x329: {  	v19 =	vsub.s32 v19, v20  }
0x32a: {  	v19 =	vshll.u32 v19, $0x7  }
0x32b: {  	s20 =	simm.s32 $0x0;
	v19 =	vadd.s32 v1, v19  }
0x32c: {  	v20 =	vor.u32 s20, v19;
	_ =	sdelay $0x2  }
0x32d: {  	v21 =	vmov s20  }
0x32e: {  	v21 =	vshll.u32 v21, $0x9  }
0x32f: {  	s22 =	simm.s32 $0x1;
	v21 =	vor.u32 v3, v21;
	v20 =	vld.idx.msk [tilespmem:v20+s12+$0x0], $0xffff  }
0x330: {  	v22 =	vor.u32 s22, v19;
	_ =	sdelay $0x1  }
0x331: {  	v23 =	vmov s22  }
0x332: {  	v23 =	vshll.u32 v23, $0x9  }
0x333: {  	[tilespmem:v21+s18+$0x0] =	vst.idx.msk $0xffff, v20;
	v20 =	vand.u32 $0x7000, v23  }
0x334: {  	s23 =	simm.s32 $0x2;
	v21 =	vld.idx.msk [tilespmem:v22+s12+$0x0], $0xffff;
	v20 =	vor.u32 v4, v20  }
0x335: {  	v22 =	vor.u32 s23, v19;
	_ =	sdelay $0x2  }
0x336: {  	v23 =	vmov s23  }
0x337: {  	[tilespmem:v20+s18+$0x0] =	vst.idx.msk $0xffff, v21;
	v20 =	vshll.u32 v23, $0x9  }
0x338: {  	s24 =	simm.s32 $0x3;
	v21 =	vld.idx.msk [tilespmem:v22+s12+$0x0], $0xffff;
	v20 =	vor.u32 v5, v20  }
0x339: {  	v22 =	vor.u32 s24, v19;
	_ =	sdelay $0x1  }
0x33a: {  	v23 =	vmov s24  }
0x33b: {  	v23 =	vshll.u32 v23, $0x9  }
0x33c: {  	[tilespmem:v20+s18+$0x0] =	vst.idx.msk $0xffff, v21;
	v20 =	vand.u32 $0x7000, v23  }
0x33d: {  	s21 =	simm.s32 $0x4;
	v21 =	vld.idx.msk [tilespmem:v22+s12+$0x0], $0xffff;
	v20 =	vor.u32 v6, v20  }
0x33e: {  	v22 =	vor.u32 s21, v19;
	_ =	sdelay $0x2  }
0x33f: {  	v23 =	vmov s21  }
0x340: {  	[tilespmem:v20+s18+$0x0] =	vst.idx.msk $0xffff, v21;
	v20 =	vshll.u32 v23, $0x9  }
0x341: {  	s22 =	simm.s32 $0x5;
	v21 =	vld.idx.msk [tilespmem:v22+s12+$0x0], $0xffff;
	v20 =	vor.u32 v7, v20  }
0x342: {  	v22 =	vor.u32 s22, v19;
	_ =	sdelay $0x2  }
0x343: {  	v23 =	vmov s22  }
0x344: {  	[tilespmem:v20+s18+$0x0] =	vst.idx.msk $0xffff, v21;
	v20 =	vshll.u32 v23, $0x9  }
0x345: {  	s23 =	simm.s32 $0x6;
	v21 =	vld.idx.msk [tilespmem:v22+s12+$0x0], $0xffff;
	v20 =	vor.u32 v8, v20  }
0x346: {  	v22 =	vor.u32 s23, v19;
	_ =	sdelay $0x2  }
0x347: {  	v23 =	vmov s23  }
0x348: {  	[tilespmem:v20+s18+$0x0] =	vst.idx.msk $0xffff, v21;
	v20 =	vshll.u32 v23, $0x9  }
0x349: {  	s24 =	simm.s32 $0x7;
	v21 =	vld.idx.msk [tilespmem:v22+s12+$0x0], $0xffff;
	v20 =	vor.u32 v9, v20  }
0x34a: {  	v22 =	vor.u32 s24, v19;
	_ =	sdelay $0x2  }
0x34b: {  	v23 =	vmov s24  }
0x34c: {  	[tilespmem:v20+s18+$0x0] =	vst.idx.msk $0xffff, v21;
	v21 =	vshll.u32 v23, $0x9  }
0x34d: {  	s20 =	simm.s32 $0x8;
	v20 =	vld.idx.msk [tilespmem:v22+s12+$0x0], $0xffff;
	v22 =	vor.u32 v10, v21  }
0x34e: {  	s21 =	simm.s32 $0x10;
	v21 =	vor.u32 s20, v19  }
.LBB2_14:
0x34f: {  	p0 =	slt.u32 s21, $0x38;
	_ =	sdelay $0x2  }
0x350: {  	v23 =	vmov s20;
	[tilespmem:v22+s18+$0x0] =	vst.idx.msk $0xffff, v20  }
0x351: {  	v20 =	vld.idx.msk [tilespmem:v21+s12+$0x0], $0xffff;
	v21 =	vshll.u32 v23, $0x9  }
0x352: {  	s22 =	sadd.s32 $0x1, s20;
	v21 =	vor.u32 v3, v21  }
0x353: {  	v22 =	vor.u32 s22, v19;
	_ =	sdelay $0x2  }
0x354: {  	v23 =	vmov s22  }
0x355: {  	[tilespmem:v21+s18+$0x0] =	vst.idx.msk $0xffff, v20;
	v20 =	vshll.u32 v23, $0x9  }
0x356: {  	v21 =	vld.idx.msk [tilespmem:v22+s12+$0x0], $0xffff;
	v20 =	vand.u32 $0x7000, v20  }
0x357: {  	s22 =	sadd.s32 $0x2, s20;
	v20 =	vor.u32 v4, v20  }
0x358: {  	v22 =	vor.u32 s22, v19;
	_ =	sdelay $0x3  }
0x359: {  	[tilespmem:v20+s18+$0x0] =	vst.idx.msk $0xffff, v21;
	v20 =	vmov s22  }
0x35a: {  	v21 =	vld.idx.msk [tilespmem:v22+s12+$0x0], $0xffff;
	v20 =	vshll.u32 v20, $0x9  }
0x35b: {  	s22 =	sadd.s32 $0x3, s20;
	v20 =	vor.u32 v5, v20  }
0x35c: {  	v22 =	vor.u32 s22, v19;
	_ =	sdelay $0x2  }
0x35d: {  	v23 =	vmov s22  }
0x35e: {  	[tilespmem:v20+s18+$0x0] =	vst.idx.msk $0xffff, v21;
	v20 =	vshll.u32 v23, $0x9  }
0x35f: {  	v21 =	vld.idx.msk [tilespmem:v22+s12+$0x0], $0xffff;
	v20 =	vand.u32 $0x7000, v20  }
0x360: {  	s22 =	sadd.s32 $0x4, s20;
	v20 =	vor.u32 v6, v20  }
0x361: {  	v22 =	vor.u32 s22, v19;
	_ =	sdelay $0x3  }
0x362: {  	[tilespmem:v20+s18+$0x0] =	vst.idx.msk $0xffff, v21;
	v20 =	vmov s22  }
0x363: {  	v21 =	vld.idx.msk [tilespmem:v22+s12+$0x0], $0xffff;
	v20 =	vshll.u32 v20, $0x9  }
0x364: {  	s22 =	sadd.s32 $0x5, s20;
	v20 =	vor.u32 v7, v20  }
0x365: {  	v22 =	vor.u32 s22, v19;
	_ =	sdelay $0x3  }
0x366: {  	[tilespmem:v20+s18+$0x0] =	vst.idx.msk $0xffff, v21;
	v20 =	vmov s22  }
0x367: {  	v21 =	vld.idx.msk [tilespmem:v22+s12+$0x0], $0xffff;
	v20 =	vshll.u32 v20, $0x9  }
0x368: {  	s22 =	sadd.s32 $0x6, s20;
	v20 =	vor.u32 v8, v20  }
0x369: {  	v22 =	vor.u32 s22, v19;
	_ =	sdelay $0x3  }
0x36a: {  	[tilespmem:v20+s18+$0x0] =	vst.idx.msk $0xffff, v21;
	v20 =	vmov s22  }
0x36b: {  	v21 =	vld.idx.msk [tilespmem:v22+s12+$0x0], $0xffff;
	v20 =	vshll.u32 v20, $0x9  }
0x36c: {  	s22 =	sadd.s32 $0x7, s20;
	s20 =	smov.u32 s21;
	v20 =	vor.u32 v9, v20  }
0x36d: {  	v22 =	vor.u32 s22, v19;
	_ =	sdelay $0x2  }
.Ltmp6:
0x36e: {  	(pc) =	sbr.rel @p0 .LBB2_14-.Ltmp6, $4  }
0x36f: {  	[tilespmem:v20+s18+$0x0] =	vst.idx.msk $0xffff, v21;
	v21 =	vmov s22  }
0x370: {  	v20 =	vld.idx.msk [tilespmem:v22+s12+$0x0], $0xffff;
	v21 =	vshll.u32 v21, $0x9  }
0x371: {  	v22 =	vor.u32 v10, v21  }
0x372: {  	s21 =	sadd.s32 $0x8, s21;
	v21 =	vor.u32 s20, v19  }
0x373: {  	_ =	sdelay $0x2  }
0x374: {  	v23 =	vmov s20  }
0x375: {  	[tilespmem:v22+s18+$0x0] =	vst.idx.msk $0xffff, v20;
	v20 =	vshll.u32 v23, $0x9  }
0x376: {  	s21 =	sadd.s32 $0x1, s20;
	v21 =	vld.idx.msk [tilespmem:v21+s12+$0x0], $0xffff;
	v20 =	vor.u32 v3, v20  }
0x377: {  	v22 =	vor.u32 s21, v19;
	_ =	sdelay $0x1  }
0x378: {  	v23 =	vmov s21  }
0x379: {  	v23 =	vshll.u32 v23, $0x9  }
0x37a: {  	[tilespmem:v20+s18+$0x0] =	vst.idx.msk $0xffff, v21;
	v20 =	vand.u32 $0x7000, v23  }
0x37b: {  	s22 =	sadd.s32 $0x2, s20;
	v21 =	vld.idx.msk [tilespmem:v22+s12+$0x0], $0xffff;
	v20 =	vor.u32 v4, v20  }
0x37c: {  	v22 =	vor.u32 s22, v19;
	_ =	sdelay $0x2  }
0x37d: {  	v23 =	vmov s22  }
0x37e: {  	[tilespmem:v20+s18+$0x0] =	vst.idx.msk $0xffff, v21;
	v20 =	vshll.u32 v23, $0x9  }
0x37f: {  	s23 =	sadd.s32 $0x3, s20;
	v21 =	vld.idx.msk [tilespmem:v22+s12+$0x0], $0xffff;
	v20 =	vor.u32 v5, v20  }
0x380: {  	v22 =	vor.u32 s23, v19;
	_ =	sdelay $0x1  }
0x381: {  	v23 =	vmov s23  }
0x382: {  	v23 =	vshll.u32 v23, $0x9  }
0x383: {  	[tilespmem:v20+s18+$0x0] =	vst.idx.msk $0xffff, v21;
	v20 =	vand.u32 $0x7000, v23  }
0x384: {  	s24 =	sadd.s32 $0x4, s20;
	v21 =	vld.idx.msk [tilespmem:v22+s12+$0x0], $0xffff;
	v20 =	vor.u32 v6, v20  }
0x385: {  	v22 =	vor.u32 s24, v19;
	_ =	sdelay $0x2  }
0x386: {  	v23 =	vmov s24  }
0x387: {  	[tilespmem:v20+s18+$0x0] =	vst.idx.msk $0xffff, v21;
	v20 =	vshll.u32 v23, $0x9  }
0x388: {  	s22 =	sadd.s32 $0x5, s20;
	v21 =	vld.idx.msk [tilespmem:v22+s12+$0x0], $0xffff;
	v20 =	vor.u32 v7, v20  }
0x389: {  	v22 =	vor.u32 s22, v19;
	_ =	sdelay $0x2  }
0x38a: {  	v23 =	vmov s22  }
0x38b: {  	[tilespmem:v20+s18+$0x0] =	vst.idx.msk $0xffff, v21;
	v20 =	vshll.u32 v23, $0x9  }
0x38c: {  	s23 =	sadd.s32 $0x6, s20;
	v21 =	vld.idx.msk [tilespmem:v22+s12+$0x0], $0xffff;
	v20 =	vor.u32 v8, v20  }
0x38d: {  	v22 =	vor.u32 s23, v19;
	_ =	sdelay $0x2  }
0x38e: {  	v23 =	vmov s23  }
0x38f: {  	[tilespmem:v20+s18+$0x0] =	vst.idx.msk $0xffff, v21;
	v20 =	vshll.u32 v23, $0x9  }
0x390: {  	s24 =	sadd.s32 $0x7, s20;
	v21 =	vld.idx.msk [tilespmem:v22+s12+$0x0], $0xffff;
	v20 =	vor.u32 v9, v20  }
0x391: {  	v19 =	vor.u32 s24, v19;
	_ =	sdelay $0x2  }
0x392: {  	v22 =	vmov s24  }
0x393: {  	[tilespmem:v20+s18+$0x0] =	vst.idx.msk $0xffff, v21;
	v20 =	vshll.u32 v22, $0x9  }
0x394: {  	v19 =	vld.idx.msk [tilespmem:v19+s12+$0x0], $0xffff;
	v20 =	vor.u32 v10, v20;
	_ =	sdelay $0x4  }
0x395: {  	[tilespmem:v20+s18+$0x0] =	vst.idx.msk $0xffff, v19  }
0x396: {  	v19 =	vld [tilespmem:$0x1F0];
	_ =	sdelay $0x4  }
0x397: {  	v20 =	vshra.s32 v19, $0x1F  }
0x398: {  	v20 =	vshrl.u32 v20, $0x1D  }
0x399: {  	v20 =	vadd.s32 v20, v19  }
0x39a: {  	v20 =	vshrl.u32 v20, $0x3  }
0x39b: {  	v20 =	vshll.u32 v20, $0x3  }
0x39c: {  	v19 =	vsub.s32 v19, v20  }
0x39d: {  	v19 =	vshll.u32 v19, $0x7  }
0x39e: {  	s21 =	simm.s32 $0x0;
	v19 =	vadd.s32 v2, v19  }
0x39f: {  	v20 =	vor.u32 s21, v19;
	_ =	sdelay $0x2  }
0x3a0: {  	v21 =	vmov s21  }
0x3a1: {  	v21 =	vshll.u32 v21, $0x9  }
0x3a2: {  	s22 =	simm.s32 $0x1;
	v21 =	vor.u32 v11, v21;
	v20 =	vld.idx.msk [tilespmem:v20+s12+$0x0], $0xffff  }
0x3a3: {  	v22 =	vor.u32 s22, v19;
	_ =	sdelay $0x1  }
0x3a4: {  	v23 =	vmov s22  }
0x3a5: {  	v23 =	vshll.u32 v23, $0x9  }
0x3a6: {  	[tilespmem:v21+s18+$0x0] =	vst.idx.msk $0xffff, v20;
	v20 =	vand.u32 $0x7000, v23  }
0x3a7: {  	s23 =	simm.s32 $0x2;
	v21 =	vld.idx.msk [tilespmem:v22+s12+$0x0], $0xffff;
	v20 =	vor.u32 v12, v20  }
0x3a8: {  	v22 =	vor.u32 s23, v19;
	_ =	sdelay $0x2  }
0x3a9: {  	v23 =	vmov s23  }
0x3aa: {  	[tilespmem:v20+s18+$0x0] =	vst.idx.msk $0xffff, v21;
	v20 =	vshll.u32 v23, $0x9  }
0x3ab: {  	s24 =	simm.s32 $0x3;
	v21 =	vld.idx.msk [tilespmem:v22+s12+$0x0], $0xffff;
	v20 =	vor.u32 v13, v20  }
0x3ac: {  	v22 =	vor.u32 s24, v19;
	_ =	sdelay $0x1  }
0x3ad: {  	v23 =	vmov s24  }
0x3ae: {  	v23 =	vshll.u32 v23, $0x9  }
0x3af: {  	[tilespmem:v20+s18+$0x0] =	vst.idx.msk $0xffff, v21;
	v20 =	vand.u32 $0x7000, v23  }
0x3b0: {  	s21 =	simm.s32 $0x4;
	v21 =	vld.idx.msk [tilespmem:v22+s12+$0x0], $0xffff;
	v20 =	vor.u32 v14, v20  }
0x3b1: {  	v22 =	vor.u32 s21, v19;
	_ =	sdelay $0x2  }
0x3b2: {  	v23 =	vmov s21  }
0x3b3: {  	[tilespmem:v20+s18+$0x0] =	vst.idx.msk $0xffff, v21;
	v20 =	vshll.u32 v23, $0x9  }
0x3b4: {  	s22 =	simm.s32 $0x5;
	v21 =	vld.idx.msk [tilespmem:v22+s12+$0x0], $0xffff;
	v20 =	vor.u32 v15, v20  }
0x3b5: {  	v22 =	vor.u32 s22, v19;
	_ =	sdelay $0x2  }
0x3b6: {  	v23 =	vmov s22  }
0x3b7: {  	[tilespmem:v20+s18+$0x0] =	vst.idx.msk $0xffff, v21;
	v20 =	vshll.u32 v23, $0x9  }
0x3b8: {  	s23 =	simm.s32 $0x6;
	v21 =	vld.idx.msk [tilespmem:v22+s12+$0x0], $0xffff;
	v20 =	vor.u32 v16, v20  }
0x3b9: {  	v22 =	vor.u32 s23, v19;
	_ =	sdelay $0x2  }
0x3ba: {  	v23 =	vmov s23  }
0x3bb: {  	[tilespmem:v20+s18+$0x0] =	vst.idx.msk $0xffff, v21;
	v20 =	vshll.u32 v23, $0x9  }
0x3bc: {  	s24 =	simm.s32 $0x7;
	v21 =	vld.idx.msk [tilespmem:v22+s12+$0x0], $0xffff;
	v20 =	vor.u32 v17, v20  }
0x3bd: {  	v22 =	vor.u32 s24, v19;
	_ =	sdelay $0x2  }
0x3be: {  	v23 =	vmov s24  }
0x3bf: {  	[tilespmem:v20+s18+$0x0] =	vst.idx.msk $0xffff, v21;
	v21 =	vshll.u32 v23, $0x9  }
0x3c0: {  	s20 =	simm.s32 $0x8;
	v20 =	vld.idx.msk [tilespmem:v22+s12+$0x0], $0xffff;
	v22 =	vor.u32 v18, v21  }
0x3c1: {  	s21 =	simm.s32 $0x10;
	v21 =	vor.u32 s20, v19  }
.LBB2_16:
0x3c2: {  	p0 =	slt.u32 s21, $0x38;
	_ =	sdelay $0x2  }
0x3c3: {  	v23 =	vmov s20;
	[tilespmem:v22+s18+$0x0] =	vst.idx.msk $0xffff, v20  }
0x3c4: {  	v20 =	vld.idx.msk [tilespmem:v21+s12+$0x0], $0xffff;
	v21 =	vshll.u32 v23, $0x9  }
0x3c5: {  	s22 =	sadd.s32 $0x1, s20;
	v21 =	vor.u32 v11, v21  }
0x3c6: {  	v22 =	vor.u32 s22, v19;
	_ =	sdelay $0x2  }
0x3c7: {  	v23 =	vmov s22  }
0x3c8: {  	[tilespmem:v21+s18+$0x0] =	vst.idx.msk $0xffff, v20;
	v20 =	vshll.u32 v23, $0x9  }
0x3c9: {  	v21 =	vld.idx.msk [tilespmem:v22+s12+$0x0], $0xffff;
	v20 =	vand.u32 $0x7000, v20  }
0x3ca: {  	s22 =	sadd.s32 $0x2, s20;
	v20 =	vor.u32 v12, v20  }
0x3cb: {  	v22 =	vor.u32 s22, v19;
	_ =	sdelay $0x3  }
0x3cc: {  	[tilespmem:v20+s18+$0x0] =	vst.idx.msk $0xffff, v21;
	v20 =	vmov s22  }
0x3cd: {  	v21 =	vld.idx.msk [tilespmem:v22+s12+$0x0], $0xffff;
	v20 =	vshll.u32 v20, $0x9  }
0x3ce: {  	s22 =	sadd.s32 $0x3, s20;
	v20 =	vor.u32 v13, v20  }
0x3cf: {  	v22 =	vor.u32 s22, v19;
	_ =	sdelay $0x2  }
0x3d0: {  	v23 =	vmov s22  }
0x3d1: {  	[tilespmem:v20+s18+$0x0] =	vst.idx.msk $0xffff, v21;
	v20 =	vshll.u32 v23, $0x9  }
0x3d2: {  	v21 =	vld.idx.msk [tilespmem:v22+s12+$0x0], $0xffff;
	v20 =	vand.u32 $0x7000, v20  }
0x3d3: {  	s22 =	sadd.s32 $0x4, s20;
	v20 =	vor.u32 v14, v20  }
0x3d4: {  	v22 =	vor.u32 s22, v19;
	_ =	sdelay $0x3  }
0x3d5: {  	[tilespmem:v20+s18+$0x0] =	vst.idx.msk $0xffff, v21;
	v20 =	vmov s22  }
0x3d6: {  	v21 =	vld.idx.msk [tilespmem:v22+s12+$0x0], $0xffff;
	v20 =	vshll.u32 v20, $0x9  }
0x3d7: {  	s22 =	sadd.s32 $0x5, s20;
	v20 =	vor.u32 v15, v20  }
0x3d8: {  	v22 =	vor.u32 s22, v19;
	_ =	sdelay $0x3  }
0x3d9: {  	[tilespmem:v20+s18+$0x0] =	vst.idx.msk $0xffff, v21;
	v20 =	vmov s22  }
0x3da: {  	v21 =	vld.idx.msk [tilespmem:v22+s12+$0x0], $0xffff;
	v20 =	vshll.u32 v20, $0x9  }
0x3db: {  	s22 =	sadd.s32 $0x6, s20;
	v20 =	vor.u32 v16, v20  }
0x3dc: {  	v22 =	vor.u32 s22, v19;
	_ =	sdelay $0x3  }
0x3dd: {  	[tilespmem:v20+s18+$0x0] =	vst.idx.msk $0xffff, v21;
	v20 =	vmov s22  }
0x3de: {  	v21 =	vld.idx.msk [tilespmem:v22+s12+$0x0], $0xffff;
	v20 =	vshll.u32 v20, $0x9  }
0x3df: {  	s22 =	sadd.s32 $0x7, s20;
	s20 =	smov.u32 s21;
	v20 =	vor.u32 v17, v20  }
0x3e0: {  	v22 =	vor.u32 s22, v19;
	_ =	sdelay $0x2  }
.Ltmp7:
0x3e1: {  	(pc) =	sbr.rel @p0 .LBB2_16-.Ltmp7, $4  }
0x3e2: {  	[tilespmem:v20+s18+$0x0] =	vst.idx.msk $0xffff, v21;
	v21 =	vmov s22  }
0x3e3: {  	v20 =	vld.idx.msk [tilespmem:v22+s12+$0x0], $0xffff;
	v21 =	vshll.u32 v21, $0x9  }
0x3e4: {  	v22 =	vor.u32 v18, v21  }
0x3e5: {  	s21 =	sadd.s32 $0x8, s21;
	v21 =	vor.u32 s20, v19  }
0x3e6: {  	_ =	sdelay $0x2  }
0x3e7: {  	v23 =	vmov s20  }
0x3e8: {  	[tilespmem:v22+s18+$0x0] =	vst.idx.msk $0xffff, v20;
	v20 =	vshll.u32 v23, $0x9  }
0x3e9: {  	s21 =	sadd.s32 $0x1, s20;
	v21 =	vld.idx.msk [tilespmem:v21+s12+$0x0], $0xffff;
	v20 =	vor.u32 v11, v20  }
0x3ea: {  	v51 =	vor.u32 s21, v19;
	_ =	sdelay $0x1  }
0x3eb: {  	v52 =	vmov s21  }
0x3ec: {  	v23 =	vshll.u32 v52, $0x9  }
0x3ed: {  	[tilespmem:v20+s18+$0x0] =	vst.idx.msk $0xffff, v21;
	v20 =	vand.u32 $0x7000, v23  }
0x3ee: {  	s23 =	sadd.s32 $0x2, s20;
	v21 =	vld.idx.msk [tilespmem:v51+s12+$0x0], $0xffff;
	v20 =	vor.u32 v12, v20  }
0x3ef: {  	v53 =	vor.u32 s23, v19;
	_ =	sdelay $0x2  }
0x3f0: {  	v54 =	vmov s23  }
0x3f1: {  	[tilespmem:v20+s18+$0x0] =	vst.idx.msk $0xffff, v21;
	v20 =	vshll.u32 v54, $0x9  }
0x3f2: {  	s24 =	sadd.s32 $0x3, s20;
	v21 =	vld.idx.msk [tilespmem:v53+s12+$0x0], $0xffff;
	v20 =	vor.u32 v13, v20  }
0x3f3: {  	v55 =	vor.u32 s24, v19;
	_ =	sdelay $0x1  }
0x3f4: {  	v56 =	vmov s24  }
0x3f5: {  	v23 =	vshll.u32 v56, $0x9  }
0x3f6: {  	[tilespmem:v20+s18+$0x0] =	vst.idx.msk $0xffff, v21;
	v20 =	vand.u32 $0x7000, v23  }
0x3f7: {  	s22 =	sadd.s32 $0x4, s20;
	v21 =	vld.idx.msk [tilespmem:v55+s12+$0x0], $0xffff;
	v20 =	vor.u32 v14, v20  }
0x3f8: {  	v57 =	vor.u32 s22, v19;
	_ =	sdelay $0x2  }
0x3f9: {  	v58 =	vmov s22  }
0x3fa: {  	[tilespmem:v20+s18+$0x0] =	vst.idx.msk $0xffff, v21;
	v20 =	vshll.u32 v58, $0x9  }
0x3fb: {  	s23 =	sadd.s32 $0x5, s20;
	v21 =	vld.idx.msk [tilespmem:v57+s12+$0x0], $0xffff;
	v20 =	vor.u32 v15, v20  }
0x3fc: {  	v59 =	vor.u32 s23, v19;
	_ =	sdelay $0x2  }
0x3fd: {  	v60 =	vmov s23  }
0x3fe: {  	[tilespmem:v20+s18+$0x0] =	vst.idx.msk $0xffff, v21;
	v20 =	vshll.u32 v60, $0x9  }
0x3ff: {  	s24 =	sadd.s32 $0x6, s20;
	v21 =	vld.idx.msk [tilespmem:v59+s12+$0x0], $0xffff;
	v20 =	vor.u32 v16, v20  }
0x400: {  	v61 =	vor.u32 s24, v19;
	_ =	sdelay $0x2  }
0x401: {  	v62 =	vmov s24  }
0x402: {  	[tilespmem:v20+s18+$0x0] =	vst.idx.msk $0xffff, v21;
	v20 =	vshll.u32 v62, $0x9  }
0x403: {  	s22 =	sadd.s32 $0x7, s20;
	v21 =	vld.idx.msk [tilespmem:v61+s12+$0x0], $0xffff;
	v20 =	vor.u32 v17, v20  }
0x404: {  	v19 =	vor.u32 s22, v19;
	_ =	sdelay $0x2  }
0x405: {  	v63 =	vmov s22  }
0x406: {  	[tilespmem:v20+s18+$0x0] =	vst.idx.msk $0xffff, v21;
	v20 =	vshll.u32 v63, $0x9  }
0x407: {  	v19 =	vld.idx.msk [tilespmem:v19+s12+$0x0], $0xffff;
	v20 =	vor.u32 v18, v20;
	_ =	sdelay $0x3  }
0x408: {  	s21 =	simm.s32 $0x3  }
0x409: {  	s23 =	rddreg [dreg:$0x4];
	s24 =	simm.s32 $0x1000;
	s22 =	simm.s32 $0x20000;
	[tilespmem:v20+s18+$0x0] =	vst.idx.msk $0xffff, v19  }
0x40a: {  	[hbm4b:s23+s24] =	stream.strided.scatter [tilespmem:s18], [sflag:$0x3], $0x8000, s22, s24, $0x38;
	[tilespmem:$0x18200] =	vst v63  }
0x40b: {  	_ =	swait.ge [sflag:s21], $0x8000  }
0x40c: {  	s23 =	rddreg [dreg:$0x6]  }
0x40d: {  	s24 =	rddreg [dreg:$0x5];
	s22 =	sadd.s32 $0x1, s23  }
0x40e: {  	p0 =	sne.s32 s22, s24  }
.Ltmp8:
0x40f: {  	_ = 	snop;
	(pc) =	sbr.rel @p0 .LBB2_1-.Ltmp8, $3  }
0x410: {  	_ =	sdelay $0x1  }
0x411: {  	[sflag:s21] =	ssyncset.done $0x0  }
0x412: {  	[sflag:s21] =	ssyncadd.s32 $0xFFFF8000  }
0x413: {  	_ =	sfence.sel $0x180000  }
0x414: {  	[bflag:$0x0] =	sbarrier.arrive $0xFFFF  }
0x415: {  	_ =	strace $0x90000047  }
0x416: {  	s0 =	stileid.u32;
	[bflag:$0x2] =	sbarrier.arrive $0xFFFF  }
0x417: {  	p0 =	sne.s32 s0, $0x0;
	s0 =	rddreg [dreg:$0x2]  }
0x418: {  	s0 =	sadd.s32 @!p0 $0x100000, s0  }
0x419: {  	[sflag:s0] =	ssyncadd.tile.s32 @!p0 $0x1;
	_ =	shalt  }
.Lfunc_end2:
_tile_overlayer_lowered:
.L_overlay_start_2:
0x41a: {  	(tag) =	ssettag $0x2  }
0x41b: {  	s0 =	rddreg [dreg:$0x0];
	s2 =	stileid.u32  }
0x41c: {  	s1 =	rddreg [dreg:$0x1];
	p0 =	sne.s32 s2, $0x0  }
0x41d: {  	s3 =	rddreg [dreg:$0x2];
	[bflag:$0x3] =	sbarrier.arrive $0xFFFF;
	s2 =	simm.s32 @!p0 $0x1C03  }
0x41e: {  	[timem:s3], [sflag:s2] =	dma.local @!p0 [hbm:s0], s1  }
0x41f: {  	s0 =	simm.s32 @!p0 $0x3  }
0x420: {  	_ =	swait.ge @!p0 [sflag:s0], s1  }
0x421: {  	s1 =	ssub.s32 @!p0 $0x0, s1;
	[sflag:s0] =	ssyncset.done @!p0 $0x0  }
0x422: {  	[sflag:s0] =	ssyncadd.s32 @!p0 s1  }
0x423: {  	[bflag:$0x3] =	sbarrier.arrive $0xFFFF  }
0x424: {  	_ =	shalt  }

</sc_bundles>
